<compile_context>
chip_gen: v7x
topology: tpu7x:2x2x1
jax: 0.10.2.dev20260603
libtpu: 0.0.44.dev20260713+nightly
codegen_flags: <defaults>
</compile_context>

<pallas_src>
import functools

import jax
import jax.numpy as jnp
from jax import lax
from jax.experimental import pallas as pl
from jax.experimental.pallas import tpu as pltpu
from jax.experimental.pallas import tpu_sc as plsc

N_NODES = 10000
N_EDGES = 320000
D_IN = 128
D_HID = 16

NC = 2
NS = 16
NW = NC * NS

NP = 10240
DUMMY = 10016
CHUNK = 128
QE = 1280
NBUF = 4
Q0 = 12
Q1 = 4
E0_T = Q0 * QE
E1_T = Q1 * QE
E0 = NS * E0_T
E_PAD = E0 + NS * E1_T
ROWS_PER_SUB = NP // NS

BLK = 1024
GRID = 10

_mesh = plsc.VectorSubcoreMesh(core_axis_name="c", subcore_axis_name="s")



@functools.partial(
    pl.kernel,
    mesh=_mesh,
    compiler_params=pltpu.CompilerParams(use_tc_tiling_on_sc=False),
    out_type=jax.ShapeDtypeStruct((NC, NP), jnp.float32),
    scratch_types=[
        pltpu.VMEM((E0_T,), jnp.int32),
        pltpu.VMEM((E1_T,), jnp.int32),
        pltpu.VMEM((E0_T,), jnp.float32),
        pltpu.VMEM((ROWS_PER_SUB,), jnp.float32),
        pltpu.VMEM_SHARED((NP,), jnp.float32),
    ],
)
def _sc_degree(dst_hbm, out_hbm, didx0, didx1, ones, zbuf, acc):
    c = lax.axis_index("c")
    s = lax.axis_index("s")
    zero16 = jnp.zeros((16,), jnp.float32)
    one16 = jnp.ones((16,), jnp.float32)

    def _fill(i, _):
        zbuf[pl.ds(i * 16, 16)] = zero16
        return _
    lax.fori_loop(0, ROWS_PER_SUB // 16, _fill, None)

    def _fill1(i, _):
        ones[pl.ds(i * 16, 16)] = one16
        return _
    lax.fori_loop(0, E0_T // 16, _fill1, None)

    pltpu.sync_copy(zbuf, acc.at[pl.ds(s * ROWS_PER_SUB, ROWS_PER_SUB)])

    @pl.when(c == 0)
    def _():
        pltpu.sync_copy(dst_hbm.at[pl.ds(s * E0_T, E0_T)], didx0)

    @pl.when(c == 1)
    def _():
        pltpu.sync_copy(dst_hbm.at[pl.ds(E0 + s * E1_T, E1_T)], didx1)

    plsc.subcore_barrier()

    @pl.when(c == 0)
    def _():
        pltpu.sync_copy(ones, acc.at[didx0], add=True)

    @pl.when(c == 1)
    def _():
        pltpu.sync_copy(ones.at[pl.ds(0, E1_T)], acc.at[didx1], add=True)

    plsc.subcore_barrier()

    pltpu.sync_copy(acc.at[pl.ds(s * ROWS_PER_SUB, ROWS_PER_SUB)],
                    out_hbm.at[c, pl.ds(s * ROWS_PER_SUB, ROWS_PER_SUB)])


@functools.partial(
    pl.kernel,
    mesh=_mesh,
    compiler_params=pltpu.CompilerParams(use_tc_tiling_on_sc=False),
    out_type=jax.ShapeDtypeStruct((NC, NP, D_HID), jnp.float32),
    scratch_types=[
        pltpu.VMEM((Q0, QE), jnp.int32),
        pltpu.VMEM((Q0, QE), jnp.int32),
        pltpu.VMEM((NBUF, QE, D_HID), jnp.float32),
        pltpu.VMEM((CHUNK, D_HID), jnp.float32),
        pltpu.VMEM_SHARED((NP, D_HID), jnp.float32),
        [pltpu.SemaphoreType.DMA] * NBUF,
        [pltpu.SemaphoreType.DMA] * NBUF,
    ],
)
def _sc_aggregate(src_hbm, dst_hbm, tab_hbm, out_hbm,
                  sidx, didx, rows, zbuf, acc, gsems, ssems):
    c = lax.axis_index("c")
    s = lax.axis_index("s")
    zero16 = jnp.zeros((16,), jnp.float32)

    def _zero(i, _):
        zbuf[i, :] = zero16
        return _
    lax.fori_loop(0, CHUNK, _zero, None)

    def _clear(k, _):
        pltpu.sync_copy(zbuf, acc.at[pl.ds(s * ROWS_PER_SUB + k * CHUNK, CHUNK), :])
        return _
    lax.fori_loop(0, ROWS_PER_SUB // CHUNK, _clear, None)

    def _pipe(nq, row0):
        pltpu.sync_copy(src_hbm.at[pl.ds(row0, nq), :], sidx.at[pl.ds(0, nq), :])
        pltpu.sync_copy(dst_hbm.at[pl.ds(row0, nq), :], didx.at[pl.ds(0, nq), :])
        gathers = [None] * nq
        scats = [None] * nq
        for q in range(min(3, nq)):
            gathers[q] = pltpu.async_copy(
                tab_hbm.at[sidx.at[q]], rows.at[q % NBUF], gsems[q % NBUF])
        for q in range(nq):
            b = q % NBUF
            gathers[q].wait()
            if q + 3 < nq:
                nb = (q + 3) % NBUF
                if q - 1 >= 0:
                    scats[q - 1].wait()
                gathers[q + 3] = pltpu.async_copy(
                    tab_hbm.at[sidx.at[q + 3]], rows.at[nb], gsems[nb])
            scats[q] = pltpu.async_copy(rows.at[b], acc.at[didx.at[q]],
                                        ssems[b], add=True)
        for q in range(max(0, nq - 4), nq):
            scats[q].wait()

    plsc.subcore_barrier()

    @pl.when(c == 0)
    def _():
        _pipe(Q0, s * Q0)

    @pl.when(c == 1)
    def _():
        _pipe(Q1, NS * Q0 + s * Q1)

    plsc.subcore_barrier()

    pltpu.sync_copy(acc.at[pl.ds(s * ROWS_PER_SUB, ROWS_PER_SUB), :],
                    out_hbm.at[c, pl.ds(s * ROWS_PER_SUB, ROWS_PER_SUB), :])



def _tc1_body(x_ref, w1_ref, degp_ref, hp_ref):
    deg = degp_ref[0, :] + degp_ref[1, :] + 1.0
    dinv = lax.rsqrt(deg)
    h = jnp.dot(x_ref[:, :], w1_ref[:, :], preferred_element_type=jnp.float32)
    hp_ref[:, :] = h * dinv[:, None]


def _tc2_body(s_ref, hp_ref, degp_ref, w2_ref, b1_ref, h2p_ref):
    deg = degp_ref[0, :] + degp_ref[1, :] + 1.0
    dinv = lax.rsqrt(deg)
    tot = s_ref[0, :, :] + s_ref[1, :, :] + hp_ref[:, :]
    z = jnp.maximum(tot * dinv[:, None] + b1_ref[0, :], 0.0)
    h2 = jnp.dot(z, w2_ref[:, :], preferred_element_type=jnp.float32)
    h2p_ref[:, :] = h2 * dinv[:, None]


def _tc3_body(s_ref, hp_ref, degp_ref, b2_ref, out_ref):
    deg = degp_ref[0, :] + degp_ref[1, :] + 1.0
    dinv = lax.rsqrt(deg)
    tot = s_ref[0, :, :] + s_ref[1, :, :] + hp_ref[:, :]
    out_ref[:, :] = tot * dinv[:, None] + b2_ref[0, :]


def _tc1(x, W1, degp):
    return pl.pallas_call(
        _tc1_body,
        grid=(GRID,),
        in_specs=[
            pl.BlockSpec((BLK, D_IN), lambda i: (i, 0)),
            pl.BlockSpec((D_IN, D_HID), lambda i: (0, 0)),
            pl.BlockSpec((NC, BLK), lambda i: (0, i)),
        ],
        out_specs=pl.BlockSpec((BLK, D_HID), lambda i: (i, 0)),
        out_shape=jax.ShapeDtypeStruct((N_NODES, D_HID), jnp.float32),
    )(x, W1, degp)


def _tc2(S, hp, degp, W2, b1):
    return pl.pallas_call(
        _tc2_body,
        grid=(GRID,),
        in_specs=[
            pl.BlockSpec((NC, BLK, D_HID), lambda i: (0, i, 0)),
            pl.BlockSpec((BLK, D_HID), lambda i: (i, 0)),
            pl.BlockSpec((NC, BLK), lambda i: (0, i)),
            pl.BlockSpec((D_HID, D_HID), lambda i: (0, 0)),
            pl.BlockSpec((1, D_HID), lambda i: (0, 0)),
        ],
        out_specs=pl.BlockSpec((BLK, D_HID), lambda i: (i, 0)),
        out_shape=jax.ShapeDtypeStruct((N_NODES, D_HID), jnp.float32),
    )(S, hp, degp, W2, b1)


def _tc3(S, hp, degp, b2):
    return pl.pallas_call(
        _tc3_body,
        grid=(GRID,),
        in_specs=[
            pl.BlockSpec((NC, BLK, D_HID), lambda i: (0, i, 0)),
            pl.BlockSpec((BLK, D_HID), lambda i: (i, 0)),
            pl.BlockSpec((NC, BLK), lambda i: (0, i)),
            pl.BlockSpec((1, D_HID), lambda i: (0, 0)),
        ],
        out_specs=pl.BlockSpec((BLK, D_HID), lambda i: (i, 0)),
        out_shape=jax.ShapeDtypeStruct((N_NODES, D_HID), jnp.float32),
    )(S, hp, degp, b2)



def kernel(x, W1, b1, W2, b2, edge_index):
    src = edge_index[0].astype(jnp.int32)
    dst = edge_index[1].astype(jnp.int32)
    pad = E_PAD - N_EDGES
    src_p = jnp.concatenate([src, jnp.zeros((pad,), jnp.int32)])
    dst_p = jnp.concatenate([dst, jnp.full((pad,), DUMMY, jnp.int32)])
    b1r = b1.reshape(1, D_HID)
    b2r = b2.reshape(1, D_HID)

    src_q = src_p.reshape(E_PAD // QE, QE)
    dst_q = dst_p.reshape(E_PAD // QE, QE)

    degp = _sc_degree(dst_p)
    h1p = _tc1(x, W1, degp)
    S1 = _sc_aggregate(src_q, dst_q, h1p)
    h2p = _tc2(S1, h1p, degp, W2, b1r)
    S2 = _sc_aggregate(src_q, dst_q, h2p)
    out = _tc3(S2, h2p, degp, b2r)
    return out

# --- scband reference (transcript-rebuilt; emitter-appended) ---
"""Pipeline reference for scband-vgae-48808008351905 (READ-ONLY COPY).

The authoritative reference and input builder live on the scoring server;
editing this copy changes nothing except your own understanding.
"""

import jax, jax.numpy as jnp
import numpy as np

N_NODES = 10000
N_EDGES = 320000
D_IN = 128
D_HID = 16


def _glorot(key, shape):
    fan_in, fan_out = shape[0], shape[1]
    limit = np.sqrt(6.0 / (fan_in + fan_out))
    return jax.random.uniform(key, shape, jnp.float32, -limit, limit)


def setup_inputs(seed: int = 0) -> dict:
    key = jax.random.key(seed)
    k1, k2, k3, k4 = jax.random.split(key, 4)
    x = jax.random.normal(k1, (N_NODES, D_IN), dtype=jnp.float32)
    edge_index = jax.random.randint(k2, (2, N_EDGES), 0, N_NODES, dtype=jnp.int64)
    W1 = _glorot(k3, (D_IN, D_HID))
    b1 = jnp.zeros((D_HID,), dtype=jnp.float32)
    W2 = _glorot(k4, (D_HID, D_HID))
    b2 = jnp.zeros((D_HID,), dtype=jnp.float32)
    return {"x": x, "W1": W1, "b1": b1, "W2": W2, "b2": b2, "edge_index": edge_index}


def _gcn_conv(x, edge_index, W, b, num_nodes):
    # PyG GCNConv: add self-loops, symmetric normalization, linear, scatter-add, bias
    src = edge_index[0]
    dst = edge_index[1]
    loop = jnp.arange(num_nodes, dtype=src.dtype)
    src = jnp.concatenate([src, loop])
    dst = jnp.concatenate([dst, loop])
    ones = jnp.ones(src.shape[0], dtype=jnp.float32)
    deg = jnp.zeros((num_nodes,), dtype=jnp.float32).at[dst].add(ones)
    deg_inv_sqrt = jnp.where(deg > 0, deg ** -0.5, 0.0)
    norm = deg_inv_sqrt[src] * deg_inv_sqrt[dst]
    h = x @ W
    msg = h[src] * norm[:, None]
    out = jnp.zeros((num_nodes, W.shape[1]), dtype=jnp.float32).at[dst].add(msg)
    return out + b


def reference(x, W1, b1, W2, b2, edge_index):
    # VGAE.encode: relu(conv1(x, ei)) -> conv2(., ei)
    h = _gcn_conv(x, edge_index, W1, b1, N_NODES)
    h = jax.nn.relu(h)
    out = _gcn_conv(h, edge_index, W2, b2, N_NODES)
    return out

if __name__ == "__main__":
    import jax
    _d = setup_inputs()
    print(jax.jit(kernel)(*tuple(_d.values())))

</pallas_src>

<mosaic_0001>
#map = affine_map<(d0, d1) -> (0)>
#map1 = affine_map<(d0, d1) -> (0, 0)>
module attributes {stable_mosaic.version = 14 : i64} {
  func.func @_sc_degree(%arg0: i32, %arg1: i32, %arg2: memref<327680xi32, #tpu.memory_space<hbm>>, %arg3: memref<2x10240xf32, #tpu.memory_space<hbm>>, %arg4: memref<15360xi32, #tpu.memory_space<vmem>>, %arg5: memref<5120xi32, #tpu.memory_space<vmem>>, %arg6: memref<15360xf32, #tpu.memory_space<vmem>>, %arg7: memref<640xf32, #tpu.memory_space<vmem>>, %arg8: memref<10240xf32, #tpu.memory_space<vmem_shared>>) attributes {dimension_semantics = [#tpu.dimension_semantics<core_parallel>, #tpu.dimension_semantics<subcore_parallel>], iteration_bounds = array<i64: 2, 16>, scalar_prefetch = 0 : i64, scratch_operands = 5 : i64, tpu.core_type = #tpu.core_type<sc_vector_subcore>, window_params = [{transform_indices = #map}, {transform_indices = #map1}]} {
    %broadcast_in_dim3A = arith.constant 0.000000e+00 : f32
    %broadcast_in_dim3A_0 = vector.broadcast %broadcast_in_dim3A : f32 to vector<16xf32>
    %broadcast_in_dim3A_1 = arith.constant 1.000000e+00 : f32
    %broadcast_in_dim3A_2 = vector.broadcast %broadcast_in_dim3A_1 : f32 to vector<16xf32>
    %scan3A = arith.constant 0 : i32
    %scan3A_3 = arith.constant 40 : i32
    %scan3A_4 = arith.addi %scan3A, %scan3A_3 : i32
    %scan3A_5 = arith.constant 1 : i32
    scf.for %scan3A_35 = %scan3A to %scan3A_4 step %scan3A_5  : i32 {
      %mul3A_36 = arith.constant 16 : i32
      %mul3A_37 = arith.muli %scan3A_35, %mul3A_36 : i32
      %swap3A = arith.index_cast %mul3A_37 : i32 to index
      %swap3A_38 = tpu.vector_load %arg7[%swap3A] {strides = array<i32>} : memref<640xf32, #tpu.memory_space<vmem>>, vector<16xf32>,
      %swap3A_39 = vector.shape_cast %swap3A_38 : vector<16xf32> to vector<16xf32>
      %swap3A_40 = vector.shape_cast %broadcast_in_dim3A_0 : vector<16xf32> to vector<16xf32>
      tpu.vector_store %arg7[%swap3A], %swap3A_40 {strides = array<i32>} : memref<640xf32, #tpu.memory_space<vmem>>, vector<16xf32>,
    }
    %scan3A_6 = arith.constant 40 : i32
    %scan3A_7 = arith.constant 0 : i32
    %scan3A_8 = arith.constant 960 : i32
    %scan3A_9 = arith.addi %scan3A_7, %scan3A_8 : i32
    %scan3A_10 = arith.constant 1 : i32
    scf.for %scan3A_35 = %scan3A_7 to %scan3A_9 step %scan3A_10  : i32 {
      %mul3A_36 = arith.constant 16 : i32
      %mul3A_37 = arith.muli %scan3A_35, %mul3A_36 : i32
      %swap3A = arith.index_cast %mul3A_37 : i32 to index
      %swap3A_38 = tpu.vector_load %arg6[%swap3A] {strides = array<i32>} : memref<15360xf32, #tpu.memory_space<vmem>>, vector<16xf32>,
      %swap3A_39 = vector.shape_cast %swap3A_38 : vector<16xf32> to vector<16xf32>
      %swap3A_40 = vector.shape_cast %broadcast_in_dim3A_2 : vector<16xf32> to vector<16xf32>
      tpu.vector_store %arg6[%swap3A], %swap3A_40 {strides = array<i32>} : memref<15360xf32, #tpu.memory_space<vmem>>, vector<16xf32>,
    }
    %scan3A_11 = arith.constant 960 : i32
    %mul3A = arith.constant 640 : i32
    %mul3A_12 = arith.muli %arg1, %mul3A : i32
    "tpu.region"() ({
      %run_scoped3A = tpu.sem_alloc : memref<!tpu.dma_semaphore, #tpu.memory_space<semaphore_mem>>
      %dma_start3A = tpu.memref_slice %arg8[%mul3A_12] : memref<10240xf32, #tpu.memory_space<vmem_shared>> -> memref<640xf32, #tpu.memory_space<vmem_shared>>
      %dma_start3A_35 = tpu.memref_slice %arg8[%mul3A_12] : memref<10240xf32, #tpu.memory_space<vmem_shared>> -> memref<640xf32, #tpu.memory_space<vmem_shared>>
      tpu.enqueue_dma source(%arg7 : memref<640xf32, #tpu.memory_space<vmem>>) target(%dma_start3A_35 : memref<640xf32, #tpu.memory_space<vmem_shared>>) target_semaphore(%run_scoped3A : memref<!tpu.dma_semaphore, #tpu.memory_space<semaphore_mem>>)
      %dma_wait3A = tpu.memref_slice %arg8[%mul3A_12] : memref<10240xf32, #tpu.memory_space<vmem_shared>> -> memref<640xf32, #tpu.memory_space<vmem_shared>>
      %dma_wait3A_36 = tpu.memref_slice %arg8[%mul3A_12] : memref<10240xf32, #tpu.memory_space<vmem_shared>> -> memref<640xf32, #tpu.memory_space<vmem_shared>>
      tpu.wait_dma2 semaphore(%run_scoped3A : memref<!tpu.dma_semaphore, #tpu.memory_space<semaphore_mem>>) src(%arg7 : memref<640xf32, #tpu.memory_space<vmem>>) dst(%dma_wait3A_36 : memref<640xf32, #tpu.memory_space<vmem_shared>>)
      tpu.yield
    }) : () -> ()
    %eq3A = arith.constant 0 : i32
    %eq3A_13 = arith.cmpi eq, %arg0, %eq3A : i32
    %convert_element_type3A = arith.extui %eq3A_13 : i1 to i32
    %cond3A = arith.constant 0 : i32
    %cond3A_14 = arith.cmpi ne, %convert_element_type3A, %cond3A : i32
    scf.if %cond3A_14 {
      %mul3A_35 = arith.constant 15360 : i32
      %mul3A_36 = arith.muli %arg1, %mul3A_35 : i32
      "tpu.region"() ({
        %run_scoped3A = tpu.sem_alloc : memref<!tpu.dma_semaphore, #tpu.memory_space<semaphore_mem>>
        %dma_start3A = tpu.memref_slice %arg2[%mul3A_36] : memref<327680xi32, #tpu.memory_space<hbm>> -> memref<15360xi32, #tpu.memory_space<hbm>>
        %dma_start3A_37 = tpu.memref_slice %arg2[%mul3A_36] : memref<327680xi32, #tpu.memory_space<hbm>> -> memref<15360xi32, #tpu.memory_space<hbm>>
        tpu.enqueue_dma source(%dma_start3A_37 : memref<15360xi32, #tpu.memory_space<hbm>>) target(%arg4 : memref<15360xi32, #tpu.memory_space<vmem>>) target_semaphore(%run_scoped3A : memref<!tpu.dma_semaphore, #tpu.memory_space<semaphore_mem>>)
        %dma_wait3A = tpu.memref_slice %arg2[%mul3A_36] : memref<327680xi32, #tpu.memory_space<hbm>> -> memref<15360xi32, #tpu.memory_space<hbm>>
        %dma_wait3A_38 = tpu.memref_slice %arg2[%mul3A_36] : memref<327680xi32, #tpu.memory_space<hbm>> -> memref<15360xi32, #tpu.memory_space<hbm>>
        tpu.wait_dma2 semaphore(%run_scoped3A : memref<!tpu.dma_semaphore, #tpu.memory_space<semaphore_mem>>) src(%dma_wait3A_38 : memref<15360xi32, #tpu.memory_space<hbm>>) dst(%arg4 : memref<15360xi32, #tpu.memory_space<vmem>>)
        tpu.yield
      }) : () -> ()
    } else {
    }
    %eq3A_15 = arith.constant 1 : i32
    %eq3A_16 = arith.cmpi eq, %arg0, %eq3A_15 : i32
    %convert_element_type3A_17 = arith.extui %eq3A_16 : i1 to i32
    %cond3A_18 = arith.constant 0 : i32
    %cond3A_19 = arith.cmpi ne, %convert_element_type3A_17, %cond3A_18 : i32
    scf.if %cond3A_19 {
      %mul3A_35 = arith.constant 5120 : i32
      %mul3A_36 = arith.muli %arg1, %mul3A_35 : i32
      %add3A = arith.constant 245760 : i32
      %add3A_37 = arith.addi %add3A, %mul3A_36 : i32
      "tpu.region"() ({
        %run_scoped3A = tpu.sem_alloc : memref<!tpu.dma_semaphore, #tpu.memory_space<semaphore_mem>>
        %dma_start3A = tpu.memref_slice %arg2[%add3A_37] : memref<327680xi32, #tpu.memory_space<hbm>> -> memref<5120xi32, #tpu.memory_space<hbm>>
        %dma_start3A_38 = tpu.memref_slice %arg2[%add3A_37] : memref<327680xi32, #tpu.memory_space<hbm>> -> memref<5120xi32, #tpu.memory_space<hbm>>
        tpu.enqueue_dma source(%dma_start3A_38 : memref<5120xi32, #tpu.memory_space<hbm>>) target(%arg5 : memref<5120xi32, #tpu.memory_space<vmem>>) target_semaphore(%run_scoped3A : memref<!tpu.dma_semaphore, #tpu.memory_space<semaphore_mem>>)
        %dma_wait3A = tpu.memref_slice %arg2[%add3A_37] : memref<327680xi32, #tpu.memory_space<hbm>> -> memref<5120xi32, #tpu.memory_space<hbm>>
        %dma_wait3A_39 = tpu.memref_slice %arg2[%add3A_37] : memref<327680xi32, #tpu.memory_space<hbm>> -> memref<5120xi32, #tpu.memory_space<hbm>>
        tpu.wait_dma2 semaphore(%run_scoped3A : memref<!tpu.dma_semaphore, #tpu.memory_space<semaphore_mem>>) src(%dma_wait3A_39 : memref<5120xi32, #tpu.memory_space<hbm>>) dst(%arg5 : memref<5120xi32, #tpu.memory_space<vmem>>)
        tpu.yield
      }) : () -> ()
    } else {
    }
    %barrier3A = arith.constant 0 : index
    tpu.barrier barrier_id(%barrier3A)
    %eq3A_20 = arith.constant 0 : i32
    %eq3A_21 = arith.cmpi eq, %arg0, %eq3A_20 : i32
    %convert_element_type3A_22 = arith.extui %eq3A_21 : i1 to i32
    %cond3A_23 = arith.constant 0 : i32
    %cond3A_24 = arith.cmpi ne, %convert_element_type3A_22, %cond3A_23 : i32
    scf.if %cond3A_24 {
      "tpu.region"() ({
        %run_scoped3A = tpu.sem_alloc : memref<!tpu.dma_semaphore, #tpu.memory_space<semaphore_mem>>
        %dma_start3A = arith.constant 0 : i32
        %dma_start3A_35 = tpu.memref_slice %arg8[%dma_start3A] : memref<10240xf32, #tpu.memory_space<vmem_shared>> -> memref<10240xf32, #tpu.memory_space<vmem_shared>>
        tpu.enqueue_indirect_dma source(%arg6 : memref<15360xf32, #tpu.memory_space<vmem>>) target(%dma_start3A_35 : memref<10240xf32, #tpu.memory_space<vmem_shared>>) offsets(%arg4 : memref<15360xi32, #tpu.memory_space<vmem>>) semaphore(%run_scoped3A : memref<!tpu.dma_semaphore, #tpu.memory_space<semaphore_mem>>) {add = true}
        %dma_wait3A = arith.constant 0 : i32
        %dma_wait3A_36 = tpu.memref_slice %arg8[%dma_wait3A] : memref<10240xf32, #tpu.memory_space<vmem_shared>> -> memref<10240xf32, #tpu.memory_space<vmem_shared>>
        tpu.wait_indirect_dma semaphore(%run_scoped3A : memref<!tpu.dma_semaphore, #tpu.memory_space<semaphore_mem>>) src(%arg6 : memref<15360xf32, #tpu.memory_space<vmem>>) dst(%dma_wait3A_36 : memref<10240xf32, #tpu.memory_space<vmem_shared>>)
        tpu.yield
      }) : () -> ()
    } else {
    }
    %eq3A_25 = arith.constant 1 : i32
    %eq3A_26 = arith.cmpi eq, %arg0, %eq3A_25 : i32
    %convert_element_type3A_27 = arith.extui %eq3A_26 : i1 to i32
    %cond3A_28 = arith.constant 0 : i32
    %cond3A_29 = arith.cmpi ne, %convert_element_type3A_27, %cond3A_28 : i32
    scf.if %cond3A_29 {
      "tpu.region"() ({
        %run_scoped3A = tpu.sem_alloc : memref<!tpu.dma_semaphore, #tpu.memory_space<semaphore_mem>>
        %dma_start3A = arith.constant 0 : i32
        %dma_start3A_35 = tpu.memref_slice %arg6[%dma_start3A] : memref<15360xf32, #tpu.memory_space<vmem>> -> memref<5120xf32, #tpu.memory_space<vmem>>
        %dma_start3A_36 = arith.constant 0 : i32
        %dma_start3A_37 = tpu.memref_slice %arg8[%dma_start3A_36] : memref<10240xf32, #tpu.memory_space<vmem_shared>> -> memref<10240xf32, #tpu.memory_space<vmem_shared>>
        tpu.enqueue_indirect_dma source(%dma_start3A_35 : memref<5120xf32, #tpu.memory_space<vmem>>) target(%dma_start3A_37 : memref<10240xf32, #tpu.memory_space<vmem_shared>>) offsets(%arg5 : memref<5120xi32, #tpu.memory_space<vmem>>) semaphore(%run_scoped3A : memref<!tpu.dma_semaphore, #tpu.memory_space<semaphore_mem>>) {add = true}
        %dma_wait3A = arith.constant 0 : i32
        %dma_wait3A_38 = tpu.memref_slice %arg6[%dma_wait3A] : memref<15360xf32, #tpu.memory_space<vmem>> -> memref<5120xf32, #tpu.memory_space<vmem>>
        %dma_wait3A_39 = arith.constant 0 : i32
        %dma_wait3A_40 = tpu.memref_slice %arg8[%dma_wait3A_39] : memref<10240xf32, #tpu.memory_space<vmem_shared>> -> memref<10240xf32, #tpu.memory_space<vmem_shared>>
        tpu.wait_indirect_dma semaphore(%run_scoped3A : memref<!tpu.dma_semaphore, #tpu.memory_space<semaphore_mem>>) src(%dma_wait3A_38 : memref<5120xf32, #tpu.memory_space<vmem>>) dst(%dma_wait3A_40 : memref<10240xf32, #tpu.memory_space<vmem_shared>>)
        tpu.yield
      }) : () -> ()
    } else {
    }
    %barrier3A_30 = arith.constant 0 : index
    tpu.barrier barrier_id(%barrier3A_30)
    %mul3A_31 = arith.constant 640 : i32
    %mul3A_32 = arith.muli %arg1, %mul3A_31 : i32
    %mul3A_33 = arith.constant 640 : i32
    %mul3A_34 = arith.muli %arg1, %mul3A_33 : i32
    "tpu.region"() ({
      %run_scoped3A = tpu.sem_alloc : memref<!tpu.dma_semaphore, #tpu.memory_space<semaphore_mem>>
      %dma_start3A = tpu.memref_slice %arg3[%arg0, %mul3A_34] : memref<2x10240xf32, #tpu.memory_space<hbm>> -> memref<1x640xf32, #tpu.memory_space<hbm>>
      %dma_start3A_35 = tpu.memref_squeeze %dma_start3A : memref<1x640xf32, #tpu.memory_space<hbm>> -> memref<640xf32, #tpu.memory_space<hbm>>
      %dma_start3A_36 = tpu.memref_slice %arg8[%mul3A_32] : memref<10240xf32, #tpu.memory_space<vmem_shared>> -> memref<640xf32, #tpu.memory_space<vmem_shared>>
      tpu.enqueue_dma source(%dma_start3A_36 : memref<640xf32, #tpu.memory_space<vmem_shared>>) target(%dma_start3A_35 : memref<640xf32, #tpu.memory_space<hbm>>) target_semaphore(%run_scoped3A : memref<!tpu.dma_semaphore, #tpu.memory_space<semaphore_mem>>)
      %dma_wait3A = tpu.memref_slice %arg3[%arg0, %mul3A_34] : memref<2x10240xf32, #tpu.memory_space<hbm>> -> memref<1x640xf32, #tpu.memory_space<hbm>>
      %dma_wait3A_37 = tpu.memref_squeeze %dma_wait3A : memref<1x640xf32, #tpu.memory_space<hbm>> -> memref<640xf32, #tpu.memory_space<hbm>>
      %dma_wait3A_38 = tpu.memref_slice %arg8[%mul3A_32] : memref<10240xf32, #tpu.memory_space<vmem_shared>> -> memref<640xf32, #tpu.memory_space<vmem_shared>>
      tpu.wait_dma2 semaphore(%run_scoped3A : memref<!tpu.dma_semaphore, #tpu.memory_space<semaphore_mem>>) src(%dma_wait3A_38 : memref<640xf32, #tpu.memory_space<vmem_shared>>) dst(%dma_wait3A_37 : memref<640xf32, #tpu.memory_space<hbm>>)
      tpu.yield
    }) : () -> ()
    return
  }
}

#map = affine_map<(d0, d1) -> (0, 0)>
#map1 = affine_map<(d0, d1) -> (0, 0, 0)>
module attributes {stable_mosaic.version = 14 : i64} {
  func.func @_sc_aggregate(%arg0: i32, %arg1: i32, %arg2: memref<256x1280xi32, #tpu.memory_space<hbm>>, %arg3: memref<256x1280xi32, #tpu.memory_space<hbm>>, %arg4: memref<10000x16xf32, #tpu.memory_space<hbm>>, %arg5: memref<2x10240x16xf32, #tpu.memory_space<hbm>>, %arg6: memref<12x1280xi32, #tpu.memory_space<vmem>>, %arg7: memref<12x1280xi32, #tpu.memory_space<vmem>>, %arg8: memref<4x1280x16xf32, #tpu.memory_space<vmem>>, %arg9: memref<128x16xf32, #tpu.memory_space<vmem>>, %arg10: memref<10240x16xf32, #tpu.memory_space<vmem_shared>>, %arg11: memref<!tpu.dma_semaphore, #tpu.memory_space<semaphore_mem>>, %arg12: memref<!tpu.dma_semaphore, #tpu.memory_space<semaphore_mem>>, %arg13: memref<!tpu.dma_semaphore, #tpu.memory_space<semaphore_mem>>, %arg14: memref<!tpu.dma_semaphore, #tpu.memory_space<semaphore_mem>>, %arg15: memref<!tpu.dma_semaphore, #tpu.memory_space<semaphore_mem>>, %arg16: memref<!tpu.dma_semaphore, #tpu.memory_space<semaphore_mem>>, %arg17: memref<!tpu.dma_semaphore, #tpu.memory_space<semaphore_mem>>, %arg18: memref<!tpu.dma_semaphore, #tpu.memory_space<semaphore_mem>>) attributes {dimension_semantics = [#tpu.dimension_semantics<core_parallel>, #tpu.dimension_semantics<subcore_parallel>], iteration_bounds = array<i64: 2, 16>, scalar_prefetch = 0 : i64, scratch_operands = 13 : i64, tpu.core_type = #tpu.core_type<sc_vector_subcore>, window_params = [{transform_indices = #map}, {transform_indices = #map}, {transform_indices = #map}, {transform_indices = #map1}]} {
    %broadcast_in_dim3A = arith.constant 0.000000e+00 : f32
    %broadcast_in_dim3A_0 = vector.broadcast %broadcast_in_dim3A : f32 to vector<16xf32>
    %scan3A = arith.constant 0 : i32
    %scan3A_1 = arith.constant 128 : i32
    %scan3A_2 = arith.addi %scan3A, %scan3A_1 : i32
    %scan3A_3 = arith.constant 1 : i32
    scf.for %scan3A_21 = %scan3A to %scan3A_2 step %scan3A_3  : i32 {
      %swap3A = arith.index_cast %scan3A_21 : i32 to index
      %swap3A_22 = arith.constant 0 : index
      %swap3A_23 = tpu.vector_load %arg9[%swap3A, %swap3A_22] {strides = array<i32>} : memref<128x16xf32, #tpu.memory_space<vmem>>, vector<1x16xf32>,
      %swap3A_24 = vector.shape_cast %swap3A_23 : vector<1x16xf32> to vector<16xf32>
      %swap3A_25 = vector.shape_cast %broadcast_in_dim3A_0 : vector<16xf32> to vector<1x16xf32>
      tpu.vector_store %arg9[%swap3A, %swap3A_22], %swap3A_25 {strides = array<i32>} : memref<128x16xf32, #tpu.memory_space<vmem>>, vector<1x16xf32>,
    }
    %scan3A_4 = arith.constant 128 : i32
    %scan3A_5 = arith.constant 0 : i32
    %scan3A_6 = arith.constant 5 : i32
    %scan3A_7 = arith.addi %scan3A_5, %scan3A_6 : i32
    %scan3A_8 = arith.constant 1 : i32
    scf.for %scan3A_21 = %scan3A_5 to %scan3A_7 step %scan3A_8  : i32 {
      %mul3A_22 = arith.constant 640 : i32
      %mul3A_23 = arith.muli %arg1, %mul3A_22 : i32
      %mul3A_24 = arith.constant 128 : i32
      %mul3A_25 = arith.muli %scan3A_21, %mul3A_24 : i32
      %add3A = arith.addi %mul3A_23, %mul3A_25 : i32
      "tpu.region"() ({
        %run_scoped3A = tpu.sem_alloc : memref<!tpu.dma_semaphore, #tpu.memory_space<semaphore_mem>>
        %dma_start3A = arith.constant 0 : i32
        %dma_start3A_26 = tpu.memref_slice %arg10[%add3A, %dma_start3A] : memref<10240x16xf32, #tpu.memory_space<vmem_shared>> -> memref<128x16xf32, #tpu.memory_space<vmem_shared>>
        %dma_start3A_27 = arith.constant 0 : i32
        %dma_start3A_28 = tpu.memref_slice %arg10[%add3A, %dma_start3A_27] : memref<10240x16xf32, #tpu.memory_space<vmem_shared>> -> memref<128x16xf32, #tpu.memory_space<vmem_shared>>
        tpu.enqueue_dma source(%arg9 : memref<128x16xf32, #tpu.memory_space<vmem>>) target(%dma_start3A_28 : memref<128x16xf32, #tpu.memory_space<vmem_shared>>) target_semaphore(%run_scoped3A : memref<!tpu.dma_semaphore, #tpu.memory_space<semaphore_mem>>)
        %dma_wait3A = arith.constant 0 : i32
        %dma_wait3A_29 = tpu.memref_slice %arg10[%add3A, %dma_wait3A] : memref<10240x16xf32, #tpu.memory_space<vmem_shared>> -> memref<128x16xf32, #tpu.memory_space<vmem_shared>>
        %dma_wait3A_30 = arith.constant 0 : i32
        %dma_wait3A_31 = tpu.memref_slice %arg10[%add3A, %dma_wait3A_30] : memref<10240x16xf32, #tpu.memory_space<vmem_shared>> -> memref<128x16xf32, #tpu.memory_space<vmem_shared>>
        tpu.wait_dma2 semaphore(%run_scoped3A : memref<!tpu.dma_semaphore, #tpu.memory_space<semaphore_mem>>) src(%arg9 : memref<128x16xf32, #tpu.memory_space<vmem>>) dst(%dma_wait3A_31 : memref<128x16xf32, #tpu.memory_space<vmem_shared>>)
        tpu.yield
      }) : () -> ()
    }
    %scan3A_9 = arith.constant 5 : i32
    %barrier3A = arith.constant 0 : index
    tpu.barrier barrier_id(%barrier3A)
    %eq3A = arith.constant 0 : i32
    %eq3A_10 = arith.cmpi eq, %arg0, %eq3A : i32
    %convert_element_type3A = arith.extui %eq3A_10 : i1 to i32
    %cond3A = arith.constant 0 : i32
    %cond3A_11 = arith.cmpi ne, %convert_element_type3A, %cond3A : i32
    scf.if %cond3A_11 {
      %mul3A_21 = arith.constant 12 : i32
      %mul3A_22 = arith.muli %arg1, %mul3A_21 : i32
      "tpu.region"() ({
        %run_scoped3A = tpu.sem_alloc : memref<!tpu.dma_semaphore, #tpu.memory_space<semaphore_mem>>
        %dma_start3A_597 = arith.constant 0 : i32
        %dma_start3A_598 = arith.constant 0 : i32
        %dma_start3A_599 = tpu.memref_slice %arg6[%dma_start3A_597, %dma_start3A_598] : memref<12x1280xi32, #tpu.memory_space<vmem>> -> memref<12x1280xi32, #tpu.memory_space<vmem>>
        %dma_start3A_600 = arith.constant 0 : i32
        %dma_start3A_601 = tpu.memref_slice %arg2[%mul3A_22, %dma_start3A_600] : memref<256x1280xi32, #tpu.memory_space<hbm>> -> memref<12x1280xi32, #tpu.memory_space<hbm>>
        %dma_start3A_602 = arith.constant 0 : i32
        %dma_start3A_603 = arith.constant 0 : i32
        %dma_start3A_604 = tpu.memref_slice %arg6[%dma_start3A_602, %dma_start3A_603] : memref<12x1280xi32, #tpu.memory_space<vmem>> -> memref<12x1280xi32, #tpu.memory_space<vmem>>
        %dma_start3A_605 = arith.constant 0 : i32
        %dma_start3A_606 = tpu.memref_slice %arg2[%mul3A_22, %dma_start3A_605] : memref<256x1280xi32, #tpu.memory_space<hbm>> -> memref<12x1280xi32, #tpu.memory_space<hbm>>
        tpu.enqueue_dma source(%dma_start3A_606 : memref<12x1280xi32, #tpu.memory_space<hbm>>) target(%dma_start3A_604 : memref<12x1280xi32, #tpu.memory_space<vmem>>) target_semaphore(%run_scoped3A : memref<!tpu.dma_semaphore, #tpu.memory_space<semaphore_mem>>)
        %dma_wait3A_607 = arith.constant 0 : i32
        %dma_wait3A_608 = arith.constant 0 : i32
        %dma_wait3A_609 = tpu.memref_slice %arg6[%dma_wait3A_607, %dma_wait3A_608] : memref<12x1280xi32, #tpu.memory_space<vmem>> -> memref<12x1280xi32, #tpu.memory_space<vmem>>
        %dma_wait3A_610 = arith.constant 0 : i32
        %dma_wait3A_611 = tpu.memref_slice %arg2[%mul3A_22, %dma_wait3A_610] : memref<256x1280xi32, #tpu.memory_space<hbm>> -> memref<12x1280xi32, #tpu.memory_space<hbm>>
        %dma_wait3A_612 = arith.constant 0 : i32
        %dma_wait3A_613 = arith.constant 0 : i32
        %dma_wait3A_614 = tpu.memref_slice %arg6[%dma_wait3A_612, %dma_wait3A_613] : memref<12x1280xi32, #tpu.memory_space<vmem>> -> memref<12x1280xi32, #tpu.memory_space<vmem>>
        %dma_wait3A_615 = arith.constant 0 : i32
        %dma_wait3A_616 = tpu.memref_slice %arg2[%mul3A_22, %dma_wait3A_615] : memref<256x1280xi32, #tpu.memory_space<hbm>> -> memref<12x1280xi32, #tpu.memory_space<hbm>>
        tpu.wait_dma2 semaphore(%run_scoped3A : memref<!tpu.dma_semaphore, #tpu.memory_space<semaphore_mem>>) src(%dma_wait3A_616 : memref<12x1280xi32, #tpu.memory_space<hbm>>) dst(%dma_wait3A_614 : memref<12x1280xi32, #tpu.memory_space<vmem>>)
        tpu.yield
      }) : () -> ()
      "tpu.region"() ({
        %run_scoped3A = tpu.sem_alloc : memref<!tpu.dma_semaphore, #tpu.memory_space<semaphore_mem>>
        %dma_start3A_597 = arith.constant 0 : i32
        %dma_start3A_598 = arith.constant 0 : i32
        %dma_start3A_599 = tpu.memref_slice %arg7[%dma_start3A_597, %dma_start3A_598] : memref<12x1280xi32, #tpu.memory_space<vmem>> -> memref<12x1280xi32, #tpu.memory_space<vmem>>
        %dma_start3A_600 = arith.constant 0 : i32
        %dma_start3A_601 = tpu.memref_slice %arg3[%mul3A_22, %dma_start3A_600] : memref<256x1280xi32, #tpu.memory_space<hbm>> -> memref<12x1280xi32, #tpu.memory_space<hbm>>
        %dma_start3A_602 = arith.constant 0 : i32
        %dma_start3A_603 = arith.constant 0 : i32
        %dma_start3A_604 = tpu.memref_slice %arg7[%dma_start3A_602, %dma_start3A_603] : memref<12x1280xi32, #tpu.memory_space<vmem>> -> memref<12x1280xi32, #tpu.memory_space<vmem>>
        %dma_start3A_605 = arith.constant 0 : i32
        %dma_start3A_606 = tpu.memref_slice %arg3[%mul3A_22, %dma_start3A_605] : memref<256x1280xi32, #tpu.memory_space<hbm>> -> memref<12x1280xi32, #tpu.memory_space<hbm>>
        tpu.enqueue_dma source(%dma_start3A_606 : memref<12x1280xi32, #tpu.memory_space<hbm>>) target(%dma_start3A_604 : memref<12x1280xi32, #tpu.memory_space<vmem>>) target_semaphore(%run_scoped3A : memref<!tpu.dma_semaphore, #tpu.memory_space<semaphore_mem>>)
        %dma_wait3A_607 = arith.constant 0 : i32
        %dma_wait3A_608 = arith.constant 0 : i32
        %dma_wait3A_609 = tpu.memref_slice %arg7[%dma_wait3A_607, %dma_wait3A_608] : memref<12x1280xi32, #tpu.memory_space<vmem>> -> memref<12x1280xi32, #tpu.memory_space<vmem>>
        %dma_wait3A_610 = arith.constant 0 : i32
        %dma_wait3A_611 = tpu.memref_slice %arg3[%mul3A_22, %dma_wait3A_610] : memref<256x1280xi32, #tpu.memory_space<hbm>> -> memref<12x1280xi32, #tpu.memory_space<hbm>>
        %dma_wait3A_612 = arith.constant 0 : i32
        %dma_wait3A_613 = arith.constant 0 : i32
        %dma_wait3A_614 = tpu.memref_slice %arg7[%dma_wait3A_612, %dma_wait3A_613] : memref<12x1280xi32, #tpu.memory_space<vmem>> -> memref<12x1280xi32, #tpu.memory_space<vmem>>
        %dma_wait3A_615 = arith.constant 0 : i32
        %dma_wait3A_616 = tpu.memref_slice %arg3[%mul3A_22, %dma_wait3A_615] : memref<256x1280xi32, #tpu.memory_space<hbm>> -> memref<12x1280xi32, #tpu.memory_space<hbm>>
        tpu.wait_dma2 semaphore(%run_scoped3A : memref<!tpu.dma_semaphore, #tpu.memory_space<semaphore_mem>>) src(%dma_wait3A_616 : memref<12x1280xi32, #tpu.memory_space<hbm>>) dst(%dma_wait3A_614 : memref<12x1280xi32, #tpu.memory_space<vmem>>)
        tpu.yield
      }) : () -> ()
      %dma_start3A = arith.constant 0 : i32
      %dma_start3A_23 = arith.constant 0 : i32
      %dma_start3A_24 = arith.constant 0 : i32
      %dma_start3A_25 = arith.constant 0 : i32
      %dma_start3A_26 = tpu.memref_slice %arg8[%dma_start3A_23, %dma_start3A_24, %dma_start3A_25] : memref<4x1280x16xf32, #tpu.memory_space<vmem>> -> memref<1x1280x16xf32, #tpu.memory_space<vmem>>
      %dma_start3A_27 = tpu.memref_squeeze %dma_start3A_26 : memref<1x1280x16xf32, #tpu.memory_space<vmem>> -> memref<1280x16xf32, #tpu.memory_space<vmem>>
      %dma_start3A_28 = arith.constant 0 : i32
      %dma_start3A_29 = tpu.memref_slice %arg6[%dma_start3A, %dma_start3A_28] : memref<12x1280xi32, #tpu.memory_space<vmem>> -> memref<1x1280xi32, #tpu.memory_space<vmem>>
      %dma_start3A_30 = tpu.memref_squeeze %dma_start3A_29 : memref<1x1280xi32, #tpu.memory_space<vmem>> -> memref<1280xi32, #tpu.memory_space<vmem>>
      %dma_start3A_31 = arith.constant 0 : i32
      %dma_start3A_32 = arith.constant 0 : i32
      %dma_start3A_33 = tpu.memref_slice %arg4[%dma_start3A_31, %dma_start3A_32] : memref<10000x16xf32, #tpu.memory_space<hbm>> -> memref<10000x16xf32, #tpu.memory_space<hbm>>
      tpu.enqueue_indirect_dma source(%dma_start3A_33 : memref<10000x16xf32, #tpu.memory_space<hbm>>) target(%dma_start3A_27 : memref<1280x16xf32, #tpu.memory_space<vmem>>) offsets(%dma_start3A_30 : memref<1280xi32, #tpu.memory_space<vmem>>) semaphore(%arg11 : memref<!tpu.dma_semaphore, #tpu.memory_space<semaphore_mem>>)
      %dma_start3A_34 = arith.constant 1 : i32
      %dma_start3A_35 = arith.constant 1 : i32
      %dma_start3A_36 = arith.constant 0 : i32
      %dma_start3A_37 = arith.constant 0 : i32
      %dma_start3A_38 = tpu.memref_slice %arg8[%dma_start3A_35, %dma_start3A_36, %dma_start3A_37] : memref<4x1280x16xf32, #tpu.memory_space<vmem>> -> memref<1x1280x16xf32, #tpu.memory_space<vmem>>
      %dma_start3A_39 = tpu.memref_squeeze %dma_start3A_38 : memref<1x1280x16xf32, #tpu.memory_space<vmem>> -> memref<1280x16xf32, #tpu.memory_space<vmem>>
      %dma_start3A_40 = arith.constant 0 : i32
      %dma_start3A_41 = tpu.memref_slice %arg6[%dma_start3A_34, %dma_start3A_40] : memref<12x1280xi32, #tpu.memory_space<vmem>> -> memref<1x1280xi32, #tpu.memory_space<vmem>>
      %dma_start3A_42 = tpu.memref_squeeze %dma_start3A_41 : memref<1x1280xi32, #tpu.memory_space<vmem>> -> memref<1280xi32, #tpu.memory_space<vmem>>
      %dma_start3A_43 = arith.constant 0 : i32
      %dma_start3A_44 = arith.constant 0 : i32
      %dma_start3A_45 = tpu.memref_slice %arg4[%dma_start3A_43, %dma_start3A_44] : memref<10000x16xf32, #tpu.memory_space<hbm>> -> memref<10000x16xf32, #tpu.memory_space<hbm>>
      tpu.enqueue_indirect_dma source(%dma_start3A_45 : memref<10000x16xf32, #tpu.memory_space<hbm>>) target(%dma_start3A_39 : memref<1280x16xf32, #tpu.memory_space<vmem>>) offsets(%dma_start3A_42 : memref<1280xi32, #tpu.memory_space<vmem>>) semaphore(%arg12 : memref<!tpu.dma_semaphore, #tpu.memory_space<semaphore_mem>>)
      %dma_start3A_46 = arith.constant 2 : i32
      %dma_start3A_47 = arith.constant 2 : i32
      %dma_start3A_48 = arith.constant 0 : i32
      %dma_start3A_49 = arith.constant 0 : i32
      %dma_start3A_50 = tpu.memref_slice %arg8[%dma_start3A_47, %dma_start3A_48, %dma_start3A_49] : memref<4x1280x16xf32, #tpu.memory_space<vmem>> -> memref<1x1280x16xf32, #tpu.memory_space<vmem>>
      %dma_start3A_51 = tpu.memref_squeeze %dma_start3A_50 : memref<1x1280x16xf32, #tpu.memory_space<vmem>> -> memref<1280x16xf32, #tpu.memory_space<vmem>>
      %dma_start3A_52 = arith.constant 0 : i32
      %dma_start3A_53 = tpu.memref_slice %arg6[%dma_start3A_46, %dma_start3A_52] : memref<12x1280xi32, #tpu.memory_space<vmem>> -> memref<1x1280xi32, #tpu.memory_space<vmem>>
      %dma_start3A_54 = tpu.memref_squeeze %dma_start3A_53 : memref<1x1280xi32, #tpu.memory_space<vmem>> -> memref<1280xi32, #tpu.memory_space<vmem>>
      %dma_start3A_55 = arith.constant 0 : i32
      %dma_start3A_56 = arith.constant 0 : i32
      %dma_start3A_57 = tpu.memref_slice %arg4[%dma_start3A_55, %dma_start3A_56] : memref<10000x16xf32, #tpu.memory_space<hbm>> -> memref<10000x16xf32, #tpu.memory_space<hbm>>
      tpu.enqueue_indirect_dma source(%dma_start3A_57 : memref<10000x16xf32, #tpu.memory_space<hbm>>) target(%dma_start3A_51 : memref<1280x16xf32, #tpu.memory_space<vmem>>) offsets(%dma_start3A_54 : memref<1280xi32, #tpu.memory_space<vmem>>) semaphore(%arg13 : memref<!tpu.dma_semaphore, #tpu.memory_space<semaphore_mem>>)
      %dma_wait3A = arith.constant 0 : i32
      %dma_wait3A_58 = arith.constant 0 : i32
      %dma_wait3A_59 = arith.constant 0 : i32
      %dma_wait3A_60 = arith.constant 0 : i32
      %dma_wait3A_61 = tpu.memref_slice %arg8[%dma_wait3A_58, %dma_wait3A_59, %dma_wait3A_60] : memref<4x1280x16xf32, #tpu.memory_space<vmem>> -> memref<1x1280x16xf32, #tpu.memory_space<vmem>>
      %dma_wait3A_62 = tpu.memref_squeeze %dma_wait3A_61 : memref<1x1280x16xf32, #tpu.memory_space<vmem>> -> memref<1280x16xf32, #tpu.memory_space<vmem>>
      %dma_wait3A_63 = arith.constant 0 : i32
      %dma_wait3A_64 = tpu.memref_slice %arg6[%dma_wait3A, %dma_wait3A_63] : memref<12x1280xi32, #tpu.memory_space<vmem>> -> memref<1x1280xi32, #tpu.memory_space<vmem>>
      %dma_wait3A_65 = tpu.memref_squeeze %dma_wait3A_64 : memref<1x1280xi32, #tpu.memory_space<vmem>> -> memref<1280xi32, #tpu.memory_space<vmem>>
      %dma_wait3A_66 = arith.constant 0 : i32
      %dma_wait3A_67 = arith.constant 0 : i32
      %dma_wait3A_68 = tpu.memref_slice %arg4[%dma_wait3A_66, %dma_wait3A_67] : memref<10000x16xf32, #tpu.memory_space<hbm>> -> memref<10000x16xf32, #tpu.memory_space<hbm>>
      tpu.wait_indirect_dma semaphore(%arg11 : memref<!tpu.dma_semaphore, #tpu.memory_space<semaphore_mem>>) src(%dma_wait3A_68 : memref<10000x16xf32, #tpu.memory_space<hbm>>) dst(%dma_wait3A_62 : memref<1280x16xf32, #tpu.memory_space<vmem>>)
      %dma_start3A_69 = arith.constant 3 : i32
      %dma_start3A_70 = arith.constant 3 : i32
      %dma_start3A_71 = arith.constant 0 : i32
      %dma_start3A_72 = arith.constant 0 : i32
      %dma_start3A_73 = tpu.memref_slice %arg8[%dma_start3A_70, %dma_start3A_71, %dma_start3A_72] : memref<4x1280x16xf32, #tpu.memory_space<vmem>> -> memref<1x1280x16xf32, #tpu.memory_space<vmem>>
      %dma_start3A_74 = tpu.memref_squeeze %dma_start3A_73 : memref<1x1280x16xf32, #tpu.memory_space<vmem>> -> memref<1280x16xf32, #tpu.memory_space<vmem>>
      %dma_start3A_75 = arith.constant 0 : i32
      %dma_start3A_76 = tpu.memref_slice %arg6[%dma_start3A_69, %dma_start3A_75] : memref<12x1280xi32, #tpu.memory_space<vmem>> -> memref<1x1280xi32, #tpu.memory_space<vmem>>
      %dma_start3A_77 = tpu.memref_squeeze %dma_start3A_76 : memref<1x1280xi32, #tpu.memory_space<vmem>> -> memref<1280xi32, #tpu.memory_space<vmem>>
      %dma_start3A_78 = arith.constant 0 : i32
      %dma_start3A_79 = arith.constant 0 : i32
      %dma_start3A_80 = tpu.memref_slice %arg4[%dma_start3A_78, %dma_start3A_79] : memref<10000x16xf32, #tpu.memory_space<hbm>> -> memref<10000x16xf32, #tpu.memory_space<hbm>>
      tpu.enqueue_indirect_dma source(%dma_start3A_80 : memref<10000x16xf32, #tpu.memory_space<hbm>>) target(%dma_start3A_74 : memref<1280x16xf32, #tpu.memory_space<vmem>>) offsets(%dma_start3A_77 : memref<1280xi32, #tpu.memory_space<vmem>>) semaphore(%arg14 : memref<!tpu.dma_semaphore, #tpu.memory_space<semaphore_mem>>)
      %dma_start3A_81 = arith.constant 0 : i32
      %dma_start3A_82 = arith.constant 0 : i32
      %dma_start3A_83 = arith.constant 0 : i32
      %dma_start3A_84 = arith.constant 0 : i32
      %dma_start3A_85 = tpu.memref_slice %arg8[%dma_start3A_81, %dma_start3A_83, %dma_start3A_84] : memref<4x1280x16xf32, #tpu.memory_space<vmem>> -> memref<1x1280x16xf32, #tpu.memory_space<vmem>>
      %dma_start3A_86 = tpu.memref_squeeze %dma_start3A_85 : memref<1x1280x16xf32, #tpu.memory_space<vmem>> -> memref<1280x16xf32, #tpu.memory_space<vmem>>
      %dma_start3A_87 = arith.constant 0 : i32
      %dma_start3A_88 = tpu.memref_slice %arg7[%dma_start3A_82, %dma_start3A_87] : memref<12x1280xi32, #tpu.memory_space<vmem>> -> memref<1x1280xi32, #tpu.memory_space<vmem>>
      %dma_start3A_89 = tpu.memref_squeeze %dma_start3A_88 : memref<1x1280xi32, #tpu.memory_space<vmem>> -> memref<1280xi32, #tpu.memory_space<vmem>>
      %dma_start3A_90 = arith.constant 0 : i32
      %dma_start3A_91 = arith.constant 0 : i32
      %dma_start3A_92 = tpu.memref_slice %arg10[%dma_start3A_90, %dma_start3A_91] : memref<10240x16xf32, #tpu.memory_space<vmem_shared>> -> memref<10240x16xf32, #tpu.memory_space<vmem_shared>>
      tpu.enqueue_indirect_dma source(%dma_start3A_86 : memref<1280x16xf32, #tpu.memory_space<vmem>>) target(%dma_start3A_92 : memref<10240x16xf32, #tpu.memory_space<vmem_shared>>) offsets(%dma_start3A_89 : memref<1280xi32, #tpu.memory_space<vmem>>) semaphore(%arg15 : memref<!tpu.dma_semaphore, #tpu.memory_space<semaphore_mem>>) {add = true}
      %dma_wait3A_93 = arith.constant 1 : i32
      %dma_wait3A_94 = arith.constant 1 : i32
      %dma_wait3A_95 = arith.constant 0 : i32
      %dma_wait3A_96 = arith.constant 0 : i32
      %dma_wait3A_97 = tpu.memref_slice %arg8[%dma_wait3A_94, %dma_wait3A_95, %dma_wait3A_96] : memref<4x1280x16xf32, #tpu.memory_space<vmem>> -> memref<1x1280x16xf32, #tpu.memory_space<vmem>>
      %dma_wait3A_98 = tpu.memref_squeeze %dma_wait3A_97 : memref<1x1280x16xf32, #tpu.memory_space<vmem>> -> memref<1280x16xf32, #tpu.memory_space<vmem>>
      %dma_wait3A_99 = arith.constant 0 : i32
      %dma_wait3A_100 = tpu.memref_slice %arg6[%dma_wait3A_93, %dma_wait3A_99] : memref<12x1280xi32, #tpu.memory_space<vmem>> -> memref<1x1280xi32, #tpu.memory_space<vmem>>
      %dma_wait3A_101 = tpu.memref_squeeze %dma_wait3A_100 : memref<1x1280xi32, #tpu.memory_space<vmem>> -> memref<1280xi32, #tpu.memory_space<vmem>>
      %dma_wait3A_102 = arith.constant 0 : i32
      %dma_wait3A_103 = arith.constant 0 : i32
      %dma_wait3A_104 = tpu.memref_slice %arg4[%dma_wait3A_102, %dma_wait3A_103] : memref<10000x16xf32, #tpu.memory_space<hbm>> -> memref<10000x16xf32, #tpu.memory_space<hbm>>
      tpu.wait_indirect_dma semaphore(%arg12 : memref<!tpu.dma_semaphore, #tpu.memory_space<semaphore_mem>>) src(%dma_wait3A_104 : memref<10000x16xf32, #tpu.memory_space<hbm>>) dst(%dma_wait3A_98 : memref<1280x16xf32, #tpu.memory_space<vmem>>)
      %dma_wait3A_105 = arith.constant 0 : i32
      %dma_wait3A_106 = arith.constant 0 : i32
      %dma_wait3A_107 = arith.constant 0 : i32
      %dma_wait3A_108 = arith.constant 0 : i32
      %dma_wait3A_109 = tpu.memref_slice %arg8[%dma_wait3A_105, %dma_wait3A_107, %dma_wait3A_108] : memref<4x1280x16xf32, #tpu.memory_space<vmem>> -> memref<1x1280x16xf32, #tpu.memory_space<vmem>>
      %dma_wait3A_110 = tpu.memref_squeeze %dma_wait3A_109 : memref<1x1280x16xf32, #tpu.memory_space<vmem>> -> memref<1280x16xf32, #tpu.memory_space<vmem>>
      %dma_wait3A_111 = arith.constant 0 : i32
      %dma_wait3A_112 = tpu.memref_slice %arg7[%dma_wait3A_106, %dma_wait3A_111] : memref<12x1280xi32, #tpu.memory_space<vmem>> -> memref<1x1280xi32, #tpu.memory_space<vmem>>
      %dma_wait3A_113 = tpu.memref_squeeze %dma_wait3A_112 : memref<1x1280xi32, #tpu.memory_space<vmem>> -> memref<1280xi32, #tpu.memory_space<vmem>>
      %dma_wait3A_114 = arith.constant 0 : i32
      %dma_wait3A_115 = arith.constant 0 : i32
      %dma_wait3A_116 = tpu.memref_slice %arg10[%dma_wait3A_114, %dma_wait3A_115] : memref<10240x16xf32, #tpu.memory_space<vmem_shared>> -> memref<10240x16xf32, #tpu.memory_space<vmem_shared>>
      tpu.wait_indirect_dma semaphore(%arg15 : memref<!tpu.dma_semaphore, #tpu.memory_space<semaphore_mem>>) src(%dma_wait3A_110 : memref<1280x16xf32, #tpu.memory_space<vmem>>) dst(%dma_wait3A_116 : memref<10240x16xf32, #tpu.memory_space<vmem_shared>>)
      %dma_start3A_117 = arith.constant 4 : i32
      %dma_start3A_118 = arith.constant 0 : i32
      %dma_start3A_119 = arith.constant 0 : i32
      %dma_start3A_120 = arith.constant 0 : i32
      %dma_start3A_121 = tpu.memref_slice %arg8[%dma_start3A_118, %dma_start3A_119, %dma_start3A_120] : memref<4x1280x16xf32, #tpu.memory_space<vmem>> -> memref<1x1280x16xf32, #tpu.memory_space<vmem>>
      %dma_start3A_122 = tpu.memref_squeeze %dma_start3A_121 : memref<1x1280x16xf32, #tpu.memory_space<vmem>> -> memref<1280x16xf32, #tpu.memory_space<vmem>>
      %dma_start3A_123 = arith.constant 0 : i32
      %dma_start3A_124 = tpu.memref_slice %arg6[%dma_start3A_117, %dma_start3A_123] : memref<12x1280xi32, #tpu.memory_space<vmem>> -> memref<1x1280xi32, #tpu.memory_space<vmem>>
      %dma_start3A_125 = tpu.memref_squeeze %dma_start3A_124 : memref<1x1280xi32, #tpu.memory_space<vmem>> -> memref<1280xi32, #tpu.memory_space<vmem>>
      %dma_start3A_126 = arith.constant 0 : i32
      %dma_start3A_127 = arith.constant 0 : i32
      %dma_start3A_128 = tpu.memref_slice %arg4[%dma_start3A_126, %dma_start3A_127] : memref<10000x16xf32, #tpu.memory_space<hbm>> -> memref<10000x16xf32, #tpu.memory_space<hbm>>
      tpu.enqueue_indirect_dma source(%dma_start3A_128 : memref<10000x16xf32, #tpu.memory_space<hbm>>) target(%dma_start3A_122 : memref<1280x16xf32, #tpu.memory_space<vmem>>) offsets(%dma_start3A_125 : memref<1280xi32, #tpu.memory_space<vmem>>) semaphore(%arg11 : memref<!tpu.dma_semaphore, #tpu.memory_space<semaphore_mem>>)
      %dma_start3A_129 = arith.constant 1 : i32
      %dma_start3A_130 = arith.constant 1 : i32
      %dma_start3A_131 = arith.constant 0 : i32
      %dma_start3A_132 = arith.constant 0 : i32
      %dma_start3A_133 = tpu.memref_slice %arg8[%dma_start3A_129, %dma_start3A_131, %dma_start3A_132] : memref<4x1280x16xf32, #tpu.memory_space<vmem>> -> memref<1x1280x16xf32, #tpu.memory_space<vmem>>
      %dma_start3A_134 = tpu.memref_squeeze %dma_start3A_133 : memref<1x1280x16xf32, #tpu.memory_space<vmem>> -> memref<1280x16xf32, #tpu.memory_space<vmem>>
      %dma_start3A_135 = arith.constant 0 : i32
      %dma_start3A_136 = tpu.memref_slice %arg7[%dma_start3A_130, %dma_start3A_135] : memref<12x1280xi32, #tpu.memory_space<vmem>> -> memref<1x1280xi32, #tpu.memory_space<vmem>>
      %dma_start3A_137 = tpu.memref_squeeze %dma_start3A_136 : memref<1x1280xi32, #tpu.memory_space<vmem>> -> memref<1280xi32, #tpu.memory_space<vmem>>
      %dma_start3A_138 = arith.constant 0 : i32
      %dma_start3A_139 = arith.constant 0 : i32
      %dma_start3A_140 = tpu.memref_slice %arg10[%dma_start3A_138, %dma_start3A_139] : memref<10240x16xf32, #tpu.memory_space<vmem_shared>> -> memref<10240x16xf32, #tpu.memory_space<vmem_shared>>
      tpu.enqueue_indirect_dma source(%dma_start3A_134 : memref<1280x16xf32, #tpu.memory_space<vmem>>) target(%dma_start3A_140 : memref<10240x16xf32, #tpu.memory_space<vmem_shared>>) offsets(%dma_start3A_137 : memref<1280xi32, #tpu.memory_space<vmem>>) semaphore(%arg16 : memref<!tpu.dma_semaphore, #tpu.memory_space<semaphore_mem>>) {add = true}
      %dma_wait3A_141 = arith.constant 2 : i32
      %dma_wait3A_142 = arith.constant 2 : i32
      %dma_wait3A_143 = arith.constant 0 : i32
      %dma_wait3A_144 = arith.constant 0 : i32
      %dma_wait3A_145 = tpu.memref_slice %arg8[%dma_wait3A_142, %dma_wait3A_143, %dma_wait3A_144] : memref<4x1280x16xf32, #tpu.memory_space<vmem>> -> memref<1x1280x16xf32, #tpu.memory_space<vmem>>
      %dma_wait3A_146 = tpu.memref_squeeze %dma_wait3A_145 : memref<1x1280x16xf32, #tpu.memory_space<vmem>> -> memref<1280x16xf32, #tpu.memory_space<vmem>>
      %dma_wait3A_147 = arith.constant 0 : i32
      %dma_wait3A_148 = tpu.memref_slice %arg6[%dma_wait3A_141, %dma_wait3A_147] : memref<12x1280xi32, #tpu.memory_space<vmem>> -> memref<1x1280xi32, #tpu.memory_space<vmem>>
      %dma_wait3A_149 = tpu.memref_squeeze %dma_wait3A_148 : memref<1x1280xi32, #tpu.memory_space<vmem>> -> memref<1280xi32, #tpu.memory_space<vmem>>
      %dma_wait3A_150 = arith.constant 0 : i32
      %dma_wait3A_151 = arith.constant 0 : i32
      %dma_wait3A_152 = tpu.memref_slice %arg4[%dma_wait3A_150, %dma_wait3A_151] : memref<10000x16xf32, #tpu.memory_space<hbm>> -> memref<10000x16xf32, #tpu.memory_space<hbm>>
      tpu.wait_indirect_dma semaphore(%arg13 : memref<!tpu.dma_semaphore, #tpu.memory_space<semaphore_mem>>) src(%dma_wait3A_152 : memref<10000x16xf32, #tpu.memory_space<hbm>>) dst(%dma_wait3A_146 : memref<1280x16xf32, #tpu.memory_space<vmem>>)
      %dma_wait3A_153 = arith.constant 1 : i32
      %dma_wait3A_154 = arith.constant 1 : i32
      %dma_wait3A_155 = arith.constant 0 : i32
      %dma_wait3A_156 = arith.constant 0 : i32
      %dma_wait3A_157 = tpu.memref_slice %arg8[%dma_wait3A_153, %dma_wait3A_155, %dma_wait3A_156] : memref<4x1280x16xf32, #tpu.memory_space<vmem>> -> memref<1x1280x16xf32, #tpu.memory_space<vmem>>
      %dma_wait3A_158 = tpu.memref_squeeze %dma_wait3A_157 : memref<1x1280x16xf32, #tpu.memory_space<vmem>> -> memref<1280x16xf32, #tpu.memory_space<vmem>>
      %dma_wait3A_159 = arith.constant 0 : i32
      %dma_wait3A_160 = tpu.memref_slice %arg7[%dma_wait3A_154, %dma_wait3A_159] : memref<12x1280xi32, #tpu.memory_space<vmem>> -> memref<1x1280xi32, #tpu.memory_space<vmem>>
      %dma_wait3A_161 = tpu.memref_squeeze %dma_wait3A_160 : memref<1x1280xi32, #tpu.memory_space<vmem>> -> memref<1280xi32, #tpu.memory_space<vmem>>
      %dma_wait3A_162 = arith.constant 0 : i32
      %dma_wait3A_163 = arith.constant 0 : i32
      %dma_wait3A_164 = tpu.memref_slice %arg10[%dma_wait3A_162, %dma_wait3A_163] : memref<10240x16xf32, #tpu.memory_space<vmem_shared>> -> memref<10240x16xf32, #tpu.memory_space<vmem_shared>>
      tpu.wait_indirect_dma semaphore(%arg16 : memref<!tpu.dma_semaphore, #tpu.memory_space<semaphore_mem>>) src(%dma_wait3A_158 : memref<1280x16xf32, #tpu.memory_space<vmem>>) dst(%dma_wait3A_164 : memref<10240x16xf32, #tpu.memory_space<vmem_shared>>)
      %dma_start3A_165 = arith.constant 5 : i32
      %dma_start3A_166 = arith.constant 1 : i32
      %dma_start3A_167 = arith.constant 0 : i32
      %dma_start3A_168 = arith.constant 0 : i32
      %dma_start3A_169 = tpu.memref_slice %arg8[%dma_start3A_166, %dma_start3A_167, %dma_start3A_168] : memref<4x1280x16xf32, #tpu.memory_space<vmem>> -> memref<1x1280x16xf32, #tpu.memory_space<vmem>>
      %dma_start3A_170 = tpu.memref_squeeze %dma_start3A_169 : memref<1x1280x16xf32, #tpu.memory_space<vmem>> -> memref<1280x16xf32, #tpu.memory_space<vmem>>
      %dma_start3A_171 = arith.constant 0 : i32
      %dma_start3A_172 = tpu.memref_slice %arg6[%dma_start3A_165, %dma_start3A_171] : memref<12x1280xi32, #tpu.memory_space<vmem>> -> memref<1x1280xi32, #tpu.memory_space<vmem>>
      %dma_start3A_173 = tpu.memref_squeeze %dma_start3A_172 : memref<1x1280xi32, #tpu.memory_space<vmem>> -> memref<1280xi32, #tpu.memory_space<vmem>>
      %dma_start3A_174 = arith.constant 0 : i32
      %dma_start3A_175 = arith.constant 0 : i32
      %dma_start3A_176 = tpu.memref_slice %arg4[%dma_start3A_174, %dma_start3A_175] : memref<10000x16xf32, #tpu.memory_space<hbm>> -> memref<10000x16xf32, #tpu.memory_space<hbm>>
      tpu.enqueue_indirect_dma source(%dma_start3A_176 : memref<10000x16xf32, #tpu.memory_space<hbm>>) target(%dma_start3A_170 : memref<1280x16xf32, #tpu.memory_space<vmem>>) offsets(%dma_start3A_173 : memref<1280xi32, #tpu.memory_space<vmem>>) semaphore(%arg12 : memref<!tpu.dma_semaphore, #tpu.memory_space<semaphore_mem>>)
      %dma_start3A_177 = arith.constant 2 : i32
      %dma_start3A_178 = arith.constant 2 : i32
      %dma_start3A_179 = arith.constant 0 : i32
      %dma_start3A_180 = arith.constant 0 : i32
      %dma_start3A_181 = tpu.memref_slice %arg8[%dma_start3A_177, %dma_start3A_179, %dma_start3A_180] : memref<4x1280x16xf32, #tpu.memory_space<vmem>> -> memref<1x1280x16xf32, #tpu.memory_space<vmem>>
      %dma_start3A_182 = tpu.memref_squeeze %dma_start3A_181 : memref<1x1280x16xf32, #tpu.memory_space<vmem>> -> memref<1280x16xf32, #tpu.memory_space<vmem>>
      %dma_start3A_183 = arith.constant 0 : i32
      %dma_start3A_184 = tpu.memref_slice %arg7[%dma_start3A_178, %dma_start3A_183] : memref<12x1280xi32, #tpu.memory_space<vmem>> -> memref<1x1280xi32, #tpu.memory_space<vmem>>
      %dma_start3A_185 = tpu.memref_squeeze %dma_start3A_184 : memref<1x1280xi32, #tpu.memory_space<vmem>> -> memref<1280xi32, #tpu.memory_space<vmem>>
      %dma_start3A_186 = arith.constant 0 : i32
      %dma_start3A_187 = arith.constant 0 : i32
      %dma_start3A_188 = tpu.memref_slice %arg10[%dma_start3A_186, %dma_start3A_187] : memref<10240x16xf32, #tpu.memory_space<vmem_shared>> -> memref<10240x16xf32, #tpu.memory_space<vmem_shared>>
      tpu.enqueue_indirect_dma source(%dma_start3A_182 : memref<1280x16xf32, #tpu.memory_space<vmem>>) target(%dma_start3A_188 : memref<10240x16xf32, #tpu.memory_space<vmem_shared>>) offsets(%dma_start3A_185 : memref<1280xi32, #tpu.memory_space<vmem>>) semaphore(%arg17 : memref<!tpu.dma_semaphore, #tpu.memory_space<semaphore_mem>>) {add = true}
      %dma_wait3A_189 = arith.constant 3 : i32
      %dma_wait3A_190 = arith.constant 3 : i32
      %dma_wait3A_191 = arith.constant 0 : i32
      %dma_wait3A_192 = arith.constant 0 : i32
      %dma_wait3A_193 = tpu.memref_slice %arg8[%dma_wait3A_190, %dma_wait3A_191, %dma_wait3A_192] : memref<4x1280x16xf32, #tpu.memory_space<vmem>> -> memref<1x1280x16xf32, #tpu.memory_space<vmem>>
      %dma_wait3A_194 = tpu.memref_squeeze %dma_wait3A_193 : memref<1x1280x16xf32, #tpu.memory_space<vmem>> -> memref<1280x16xf32, #tpu.memory_space<vmem>>
      %dma_wait3A_195 = arith.constant 0 : i32
      %dma_wait3A_196 = tpu.memref_slice %arg6[%dma_wait3A_189, %dma_wait3A_195] : memref<12x1280xi32, #tpu.memory_space<vmem>> -> memref<1x1280xi32, #tpu.memory_space<vmem>>
      %dma_wait3A_197 = tpu.memref_squeeze %dma_wait3A_196 : memref<1x1280xi32, #tpu.memory_space<vmem>> -> memref<1280xi32, #tpu.memory_space<vmem>>
      %dma_wait3A_198 = arith.constant 0 : i32
      %dma_wait3A_199 = arith.constant 0 : i32
      %dma_wait3A_200 = tpu.memref_slice %arg4[%dma_wait3A_198, %dma_wait3A_199] : memref<10000x16xf32, #tpu.memory_space<hbm>> -> memref<10000x16xf32, #tpu.memory_space<hbm>>
      tpu.wait_indirect_dma semaphore(%arg14 : memref<!tpu.dma_semaphore, #tpu.memory_space<semaphore_mem>>) src(%dma_wait3A_200 : memref<10000x16xf32, #tpu.memory_space<hbm>>) dst(%dma_wait3A_194 : memref<1280x16xf32, #tpu.memory_space<vmem>>)
      %dma_wait3A_201 = arith.constant 2 : i32
      %dma_wait3A_202 = arith.constant 2 : i32
      %dma_wait3A_203 = arith.constant 0 : i32
      %dma_wait3A_204 = arith.constant 0 : i32
      %dma_wait3A_205 = tpu.memref_slice %arg8[%dma_wait3A_201, %dma_wait3A_203, %dma_wait3A_204] : memref<4x1280x16xf32, #tpu.memory_space<vmem>> -> memref<1x1280x16xf32, #tpu.memory_space<vmem>>
      %dma_wait3A_206 = tpu.memref_squeeze %dma_wait3A_205 : memref<1x1280x16xf32, #tpu.memory_space<vmem>> -> memref<1280x16xf32, #tpu.memory_space<vmem>>
      %dma_wait3A_207 = arith.constant 0 : i32
      %dma_wait3A_208 = tpu.memref_slice %arg7[%dma_wait3A_202, %dma_wait3A_207] : memref<12x1280xi32, #tpu.memory_space<vmem>> -> memref<1x1280xi32, #tpu.memory_space<vmem>>
      %dma_wait3A_209 = tpu.memref_squeeze %dma_wait3A_208 : memref<1x1280xi32, #tpu.memory_space<vmem>> -> memref<1280xi32, #tpu.memory_space<vmem>>
      %dma_wait3A_210 = arith.constant 0 : i32
      %dma_wait3A_211 = arith.constant 0 : i32
      %dma_wait3A_212 = tpu.memref_slice %arg10[%dma_wait3A_210, %dma_wait3A_211] : memref<10240x16xf32, #tpu.memory_space<vmem_shared>> -> memref<10240x16xf32, #tpu.memory_space<vmem_shared>>
      tpu.wait_indirect_dma semaphore(%arg17 : memref<!tpu.dma_semaphore, #tpu.memory_space<semaphore_mem>>) src(%dma_wait3A_206 : memref<1280x16xf32, #tpu.memory_space<vmem>>) dst(%dma_wait3A_212 : memref<10240x16xf32, #tpu.memory_space<vmem_shared>>)
      %dma_start3A_213 = arith.constant 6 : i32
      %dma_start3A_214 = arith.constant 2 : i32
      %dma_start3A_215 = arith.constant 0 : i32
      %dma_start3A_216 = arith.constant 0 : i32
      %dma_start3A_217 = tpu.memref_slice %arg8[%dma_start3A_214, %dma_start3A_215, %dma_start3A_216] : memref<4x1280x16xf32, #tpu.memory_space<vmem>> -> memref<1x1280x16xf32, #tpu.memory_space<vmem>>
      %dma_start3A_218 = tpu.memref_squeeze %dma_start3A_217 : memref<1x1280x16xf32, #tpu.memory_space<vmem>> -> memref<1280x16xf32, #tpu.memory_space<vmem>>
      %dma_start3A_219 = arith.constant 0 : i32
      %dma_start3A_220 = tpu.memref_slice %arg6[%dma_start3A_213, %dma_start3A_219] : memref<12x1280xi32, #tpu.memory_space<vmem>> -> memref<1x1280xi32, #tpu.memory_space<vmem>>
      %dma_start3A_221 = tpu.memref_squeeze %dma_start3A_220 : memref<1x1280xi32, #tpu.memory_space<vmem>> -> memref<1280xi32, #tpu.memory_space<vmem>>
      %dma_start3A_222 = arith.constant 0 : i32
      %dma_start3A_223 = arith.constant 0 : i32
      %dma_start3A_224 = tpu.memref_slice %arg4[%dma_start3A_222, %dma_start3A_223] : memref<10000x16xf32, #tpu.memory_space<hbm>> -> memref<10000x16xf32, #tpu.memory_space<hbm>>
      tpu.enqueue_indirect_dma source(%dma_start3A_224 : memref<10000x16xf32, #tpu.memory_space<hbm>>) target(%dma_start3A_218 : memref<1280x16xf32, #tpu.memory_space<vmem>>) offsets(%dma_start3A_221 : memref<1280xi32, #tpu.memory_space<vmem>>) semaphore(%arg13 : memref<!tpu.dma_semaphore, #tpu.memory_space<semaphore_mem>>)
      %dma_start3A_225 = arith.constant 3 : i32
      %dma_start3A_226 = arith.constant 3 : i32
      %dma_start3A_227 = arith.constant 0 : i32
      %dma_start3A_228 = arith.constant 0 : i32
      %dma_start3A_229 = tpu.memref_slice %arg8[%dma_start3A_225, %dma_start3A_227, %dma_start3A_228] : memref<4x1280x16xf32, #tpu.memory_space<vmem>> -> memref<1x1280x16xf32, #tpu.memory_space<vmem>>
      %dma_start3A_230 = tpu.memref_squeeze %dma_start3A_229 : memref<1x1280x16xf32, #tpu.memory_space<vmem>> -> memref<1280x16xf32, #tpu.memory_space<vmem>>
      %dma_start3A_231 = arith.constant 0 : i32
      %dma_start3A_232 = tpu.memref_slice %arg7[%dma_start3A_226, %dma_start3A_231] : memref<12x1280xi32, #tpu.memory_space<vmem>> -> memref<1x1280xi32, #tpu.memory_space<vmem>>
      %dma_start3A_233 = tpu.memref_squeeze %dma_start3A_232 : memref<1x1280xi32, #tpu.memory_space<vmem>> -> memref<1280xi32, #tpu.memory_space<vmem>>
      %dma_start3A_234 = arith.constant 0 : i32
      %dma_start3A_235 = arith.constant 0 : i32
      %dma_start3A_236 = tpu.memref_slice %arg10[%dma_start3A_234, %dma_start3A_235] : memref<10240x16xf32, #tpu.memory_space<vmem_shared>> -> memref<10240x16xf32, #tpu.memory_space<vmem_shared>>
      tpu.enqueue_indirect_dma source(%dma_start3A_230 : memref<1280x16xf32, #tpu.memory_space<vmem>>) target(%dma_start3A_236 : memref<10240x16xf32, #tpu.memory_space<vmem_shared>>) offsets(%dma_start3A_233 : memref<1280xi32, #tpu.memory_space<vmem>>) semaphore(%arg18 : memref<!tpu.dma_semaphore, #tpu.memory_space<semaphore_mem>>) {add = true}
      %dma_wait3A_237 = arith.constant 4 : i32
      %dma_wait3A_238 = arith.constant 0 : i32
      %dma_wait3A_239 = arith.constant 0 : i32
      %dma_wait3A_240 = arith.constant 0 : i32
      %dma_wait3A_241 = tpu.memref_slice %arg8[%dma_wait3A_238, %dma_wait3A_239, %dma_wait3A_240] : memref<4x1280x16xf32, #tpu.memory_space<vmem>> -> memref<1x1280x16xf32, #tpu.memory_space<vmem>>
      %dma_wait3A_242 = tpu.memref_squeeze %dma_wait3A_241 : memref<1x1280x16xf32, #tpu.memory_space<vmem>> -> memref<1280x16xf32, #tpu.memory_space<vmem>>
      %dma_wait3A_243 = arith.constant 0 : i32
      %dma_wait3A_244 = tpu.memref_slice %arg6[%dma_wait3A_237, %dma_wait3A_243] : memref<12x1280xi32, #tpu.memory_space<vmem>> -> memref<1x1280xi32, #tpu.memory_space<vmem>>
      %dma_wait3A_245 = tpu.memref_squeeze %dma_wait3A_244 : memref<1x1280xi32, #tpu.memory_space<vmem>> -> memref<1280xi32, #tpu.memory_space<vmem>>
      %dma_wait3A_246 = arith.constant 0 : i32
      %dma_wait3A_247 = arith.constant 0 : i32
      %dma_wait3A_248 = tpu.memref_slice %arg4[%dma_wait3A_246, %dma_wait3A_247] : memref<10000x16xf32, #tpu.memory_space<hbm>> -> memref<10000x16xf32, #tpu.memory_space<hbm>>
      tpu.wait_indirect_dma semaphore(%arg11 : memref<!tpu.dma_semaphore, #tpu.memory_space<semaphore_mem>>) src(%dma_wait3A_248 : memref<10000x16xf32, #tpu.memory_space<hbm>>) dst(%dma_wait3A_242 : memref<1280x16xf32, #tpu.memory_space<vmem>>)
      %dma_wait3A_249 = arith.constant 3 : i32
      %dma_wait3A_250 = arith.constant 3 : i32
      %dma_wait3A_251 = arith.constant 0 : i32
      %dma_wait3A_252 = arith.constant 0 : i32
      %dma_wait3A_253 = tpu.memref_slice %arg8[%dma_wait3A_249, %dma_wait3A_251, %dma_wait3A_252] : memref<4x1280x16xf32, #tpu.memory_space<vmem>> -> memref<1x1280x16xf32, #tpu.memory_space<vmem>>
      %dma_wait3A_254 = tpu.memref_squeeze %dma_wait3A_253 : memref<1x1280x16xf32, #tpu.memory_space<vmem>> -> memref<1280x16xf32, #tpu.memory_space<vmem>>
      %dma_wait3A_255 = arith.constant 0 : i32
      %dma_wait3A_256 = tpu.memref_slice %arg7[%dma_wait3A_250, %dma_wait3A_255] : memref<12x1280xi32, #tpu.memory_space<vmem>> -> memref<1x1280xi32, #tpu.memory_space<vmem>>
      %dma_wait3A_257 = tpu.memref_squeeze %dma_wait3A_256 : memref<1x1280xi32, #tpu.memory_space<vmem>> -> memref<1280xi32, #tpu.memory_space<vmem>>
      %dma_wait3A_258 = arith.constant 0 : i32
      %dma_wait3A_259 = arith.constant 0 : i32
      %dma_wait3A_260 = tpu.memref_slice %arg10[%dma_wait3A_258, %dma_wait3A_259] : memref<10240x16xf32, #tpu.memory_space<vmem_shared>> -> memref<10240x16xf32, #tpu.memory_space<vmem_shared>>
      tpu.wait_indirect_dma semaphore(%arg18 : memref<!tpu.dma_semaphore, #tpu.memory_space<semaphore_mem>>) src(%dma_wait3A_254 : memref<1280x16xf32, #tpu.memory_space<vmem>>) dst(%dma_wait3A_260 : memref<10240x16xf32, #tpu.memory_space<vmem_shared>>)
      %dma_start3A_261 = arith.constant 7 : i32
      %dma_start3A_262 = arith.constant 3 : i32
      %dma_start3A_263 = arith.constant 0 : i32
      %dma_start3A_264 = arith.constant 0 : i32
      %dma_start3A_265 = tpu.memref_slice %arg8[%dma_start3A_262, %dma_start3A_263, %dma_start3A_264] : memref<4x1280x16xf32, #tpu.memory_space<vmem>> -> memref<1x1280x16xf32, #tpu.memory_space<vmem>>
      %dma_start3A_266 = tpu.memref_squeeze %dma_start3A_265 : memref<1x1280x16xf32, #tpu.memory_space<vmem>> -> memref<1280x16xf32, #tpu.memory_space<vmem>>
      %dma_start3A_267 = arith.constant 0 : i32
      %dma_start3A_268 = tpu.memref_slice %arg6[%dma_start3A_261, %dma_start3A_267] : memref<12x1280xi32, #tpu.memory_space<vmem>> -> memref<1x1280xi32, #tpu.memory_space<vmem>>
      %dma_start3A_269 = tpu.memref_squeeze %dma_start3A_268 : memref<1x1280xi32, #tpu.memory_space<vmem>> -> memref<1280xi32, #tpu.memory_space<vmem>>
      %dma_start3A_270 = arith.constant 0 : i32
      %dma_start3A_271 = arith.constant 0 : i32
      %dma_start3A_272 = tpu.memref_slice %arg4[%dma_start3A_270, %dma_start3A_271] : memref<10000x16xf32, #tpu.memory_space<hbm>> -> memref<10000x16xf32, #tpu.memory_space<hbm>>
      tpu.enqueue_indirect_dma source(%dma_start3A_272 : memref<10000x16xf32, #tpu.memory_space<hbm>>) target(%dma_start3A_266 : memref<1280x16xf32, #tpu.memory_space<vmem>>) offsets(%dma_start3A_269 : memref<1280xi32, #tpu.memory_space<vmem>>) semaphore(%arg14 : memref<!tpu.dma_semaphore, #tpu.memory_space<semaphore_mem>>)
      %dma_start3A_273 = arith.constant 0 : i32
      %dma_start3A_274 = arith.constant 4 : i32
      %dma_start3A_275 = arith.constant 0 : i32
      %dma_start3A_276 = arith.constant 0 : i32
      %dma_start3A_277 = tpu.memref_slice %arg8[%dma_start3A_273, %dma_start3A_275, %dma_start3A_276] : memref<4x1280x16xf32, #tpu.memory_space<vmem>> -> memref<1x1280x16xf32, #tpu.memory_space<vmem>>
      %dma_start3A_278 = tpu.memref_squeeze %dma_start3A_277 : memref<1x1280x16xf32, #tpu.memory_space<vmem>> -> memref<1280x16xf32, #tpu.memory_space<vmem>>
      %dma_start3A_279 = arith.constant 0 : i32
      %dma_start3A_280 = tpu.memref_slice %arg7[%dma_start3A_274, %dma_start3A_279] : memref<12x1280xi32, #tpu.memory_space<vmem>> -> memref<1x1280xi32, #tpu.memory_space<vmem>>
      %dma_start3A_281 = tpu.memref_squeeze %dma_start3A_280 : memref<1x1280xi32, #tpu.memory_space<vmem>> -> memref<1280xi32, #tpu.memory_space<vmem>>
      %dma_start3A_282 = arith.constant 0 : i32
      %dma_start3A_283 = arith.constant 0 : i32
      %dma_start3A_284 = tpu.memref_slice %arg10[%dma_start3A_282, %dma_start3A_283] : memref<10240x16xf32, #tpu.memory_space<vmem_shared>> -> memref<10240x16xf32, #tpu.memory_space<vmem_shared>>
      tpu.enqueue_indirect_dma source(%dma_start3A_278 : memref<1280x16xf32, #tpu.memory_space<vmem>>) target(%dma_start3A_284 : memref<10240x16xf32, #tpu.memory_space<vmem_shared>>) offsets(%dma_start3A_281 : memref<1280xi32, #tpu.memory_space<vmem>>) semaphore(%arg15 : memref<!tpu.dma_semaphore, #tpu.memory_space<semaphore_mem>>) {add = true}
      %dma_wait3A_285 = arith.constant 5 : i32
      %dma_wait3A_286 = arith.constant 1 : i32
      %dma_wait3A_287 = arith.constant 0 : i32
      %dma_wait3A_288 = arith.constant 0 : i32
      %dma_wait3A_289 = tpu.memref_slice %arg8[%dma_wait3A_286, %dma_wait3A_287, %dma_wait3A_288] : memref<4x1280x16xf32, #tpu.memory_space<vmem>> -> memref<1x1280x16xf32, #tpu.memory_space<vmem>>
      %dma_wait3A_290 = tpu.memref_squeeze %dma_wait3A_289 : memref<1x1280x16xf32, #tpu.memory_space<vmem>> -> memref<1280x16xf32, #tpu.memory_space<vmem>>
      %dma_wait3A_291 = arith.constant 0 : i32
      %dma_wait3A_292 = tpu.memref_slice %arg6[%dma_wait3A_285, %dma_wait3A_291] : memref<12x1280xi32, #tpu.memory_space<vmem>> -> memref<1x1280xi32, #tpu.memory_space<vmem>>
      %dma_wait3A_293 = tpu.memref_squeeze %dma_wait3A_292 : memref<1x1280xi32, #tpu.memory_space<vmem>> -> memref<1280xi32, #tpu.memory_space<vmem>>
      %dma_wait3A_294 = arith.constant 0 : i32
      %dma_wait3A_295 = arith.constant 0 : i32
      %dma_wait3A_296 = tpu.memref_slice %arg4[%dma_wait3A_294, %dma_wait3A_295] : memref<10000x16xf32, #tpu.memory_space<hbm>> -> memref<10000x16xf32, #tpu.memory_space<hbm>>
      tpu.wait_indirect_dma semaphore(%arg12 : memref<!tpu.dma_semaphore, #tpu.memory_space<semaphore_mem>>) src(%dma_wait3A_296 : memref<10000x16xf32, #tpu.memory_space<hbm>>) dst(%dma_wait3A_290 : memref<1280x16xf32, #tpu.memory_space<vmem>>)
      %dma_wait3A_297 = arith.constant 0 : i32
      %dma_wait3A_298 = arith.constant 4 : i32
      %dma_wait3A_299 = arith.constant 0 : i32
      %dma_wait3A_300 = arith.constant 0 : i32
      %dma_wait3A_301 = tpu.memref_slice %arg8[%dma_wait3A_297, %dma_wait3A_299, %dma_wait3A_300] : memref<4x1280x16xf32, #tpu.memory_space<vmem>> -> memref<1x1280x16xf32, #tpu.memory_space<vmem>>
      %dma_wait3A_302 = tpu.memref_squeeze %dma_wait3A_301 : memref<1x1280x16xf32, #tpu.memory_space<vmem>> -> memref<1280x16xf32, #tpu.memory_space<vmem>>
      %dma_wait3A_303 = arith.constant 0 : i32
      %dma_wait3A_304 = tpu.memref_slice %arg7[%dma_wait3A_298, %dma_wait3A_303] : memref<12x1280xi32, #tpu.memory_space<vmem>> -> memref<1x1280xi32, #tpu.memory_space<vmem>>
      %dma_wait3A_305 = tpu.memref_squeeze %dma_wait3A_304 : memref<1x1280xi32, #tpu.memory_space<vmem>> -> memref<1280xi32, #tpu.memory_space<vmem>>
      %dma_wait3A_306 = arith.constant 0 : i32
      %dma_wait3A_307 = arith.constant 0 : i32
      %dma_wait3A_308 = tpu.memref_slice %arg10[%dma_wait3A_306, %dma_wait3A_307] : memref<10240x16xf32, #tpu.memory_space<vmem_shared>> -> memref<10240x16xf32, #tpu.memory_space<vmem_shared>>
      tpu.wait_indirect_dma semaphore(%arg15 : memref<!tpu.dma_semaphore, #tpu.memory_space<semaphore_mem>>) src(%dma_wait3A_302 : memref<1280x16xf32, #tpu.memory_space<vmem>>) dst(%dma_wait3A_308 : memref<10240x16xf32, #tpu.memory_space<vmem_shared>>)
      %dma_start3A_309 = arith.constant 8 : i32
      %dma_start3A_310 = arith.constant 0 : i32
      %dma_start3A_311 = arith.constant 0 : i32
      %dma_start3A_312 = arith.constant 0 : i32
      %dma_start3A_313 = tpu.memref_slice %arg8[%dma_start3A_310, %dma_start3A_311, %dma_start3A_312] : memref<4x1280x16xf32, #tpu.memory_space<vmem>> -> memref<1x1280x16xf32, #tpu.memory_space<vmem>>
      %dma_start3A_314 = tpu.memref_squeeze %dma_start3A_313 : memref<1x1280x16xf32, #tpu.memory_space<vmem>> -> memref<1280x16xf32, #tpu.memory_space<vmem>>
      %dma_start3A_315 = arith.constant 0 : i32
      %dma_start3A_316 = tpu.memref_slice %arg6[%dma_start3A_309, %dma_start3A_315] : memref<12x1280xi32, #tpu.memory_space<vmem>> -> memref<1x1280xi32, #tpu.memory_space<vmem>>
      %dma_start3A_317 = tpu.memref_squeeze %dma_start3A_316 : memref<1x1280xi32, #tpu.memory_space<vmem>> -> memref<1280xi32, #tpu.memory_space<vmem>>
      %dma_start3A_318 = arith.constant 0 : i32
      %dma_start3A_319 = arith.constant 0 : i32
      %dma_start3A_320 = tpu.memref_slice %arg4[%dma_start3A_318, %dma_start3A_319] : memref<10000x16xf32, #tpu.memory_space<hbm>> -> memref<10000x16xf32, #tpu.memory_space<hbm>>
      tpu.enqueue_indirect_dma source(%dma_start3A_320 : memref<10000x16xf32, #tpu.memory_space<hbm>>) target(%dma_start3A_314 : memref<1280x16xf32, #tpu.memory_space<vmem>>) offsets(%dma_start3A_317 : memref<1280xi32, #tpu.memory_space<vmem>>) semaphore(%arg11 : memref<!tpu.dma_semaphore, #tpu.memory_space<semaphore_mem>>)
      %dma_start3A_321 = arith.constant 1 : i32
      %dma_start3A_322 = arith.constant 5 : i32
      %dma_start3A_323 = arith.constant 0 : i32
      %dma_start3A_324 = arith.constant 0 : i32
      %dma_start3A_325 = tpu.memref_slice %arg8[%dma_start3A_321, %dma_start3A_323, %dma_start3A_324] : memref<4x1280x16xf32, #tpu.memory_space<vmem>> -> memref<1x1280x16xf32, #tpu.memory_space<vmem>>
      %dma_start3A_326 = tpu.memref_squeeze %dma_start3A_325 : memref<1x1280x16xf32, #tpu.memory_space<vmem>> -> memref<1280x16xf32, #tpu.memory_space<vmem>>
      %dma_start3A_327 = arith.constant 0 : i32
      %dma_start3A_328 = tpu.memref_slice %arg7[%dma_start3A_322, %dma_start3A_327] : memref<12x1280xi32, #tpu.memory_space<vmem>> -> memref<1x1280xi32, #tpu.memory_space<vmem>>
      %dma_start3A_329 = tpu.memref_squeeze %dma_start3A_328 : memref<1x1280xi32, #tpu.memory_space<vmem>> -> memref<1280xi32, #tpu.memory_space<vmem>>
      %dma_start3A_330 = arith.constant 0 : i32
      %dma_start3A_331 = arith.constant 0 : i32
      %dma_start3A_332 = tpu.memref_slice %arg10[%dma_start3A_330, %dma_start3A_331] : memref<10240x16xf32, #tpu.memory_space<vmem_shared>> -> memref<10240x16xf32, #tpu.memory_space<vmem_shared>>
      tpu.enqueue_indirect_dma source(%dma_start3A_326 : memref<1280x16xf32, #tpu.memory_space<vmem>>) target(%dma_start3A_332 : memref<10240x16xf32, #tpu.memory_space<vmem_shared>>) offsets(%dma_start3A_329 : memref<1280xi32, #tpu.memory_space<vmem>>) semaphore(%arg16 : memref<!tpu.dma_semaphore, #tpu.memory_space<semaphore_mem>>) {add = true}
      %dma_wait3A_333 = arith.constant 6 : i32
      %dma_wait3A_334 = arith.constant 2 : i32
      %dma_wait3A_335 = arith.constant 0 : i32
      %dma_wait3A_336 = arith.constant 0 : i32
      %dma_wait3A_337 = tpu.memref_slice %arg8[%dma_wait3A_334, %dma_wait3A_335, %dma_wait3A_336] : memref<4x1280x16xf32, #tpu.memory_space<vmem>> -> memref<1x1280x16xf32, #tpu.memory_space<vmem>>
      %dma_wait3A_338 = tpu.memref_squeeze %dma_wait3A_337 : memref<1x1280x16xf32, #tpu.memory_space<vmem>> -> memref<1280x16xf32, #tpu.memory_space<vmem>>
      %dma_wait3A_339 = arith.constant 0 : i32
      %dma_wait3A_340 = tpu.memref_slice %arg6[%dma_wait3A_333, %dma_wait3A_339] : memref<12x1280xi32, #tpu.memory_space<vmem>> -> memref<1x1280xi32, #tpu.memory_space<vmem>>
      %dma_wait3A_341 = tpu.memref_squeeze %dma_wait3A_340 : memref<1x1280xi32, #tpu.memory_space<vmem>> -> memref<1280xi32, #tpu.memory_space<vmem>>
      %dma_wait3A_342 = arith.constant 0 : i32
      %dma_wait3A_343 = arith.constant 0 : i32
      %dma_wait3A_344 = tpu.memref_slice %arg4[%dma_wait3A_342, %dma_wait3A_343] : memref<10000x16xf32, #tpu.memory_space<hbm>> -> memref<10000x16xf32, #tpu.memory_space<hbm>>
      tpu.wait_indirect_dma semaphore(%arg13 : memref<!tpu.dma_semaphore, #tpu.memory_space<semaphore_mem>>) src(%dma_wait3A_344 : memref<10000x16xf32, #tpu.memory_space<hbm>>) dst(%dma_wait3A_338 : memref<1280x16xf32, #tpu.memory_space<vmem>>)
      %dma_wait3A_345 = arith.constant 1 : i32
      %dma_wait3A_346 = arith.constant 5 : i32
      %dma_wait3A_347 = arith.constant 0 : i32
      %dma_wait3A_348 = arith.constant 0 : i32
      %dma_wait3A_349 = tpu.memref_slice %arg8[%dma_wait3A_345, %dma_wait3A_347, %dma_wait3A_348] : memref<4x1280x16xf32, #tpu.memory_space<vmem>> -> memref<1x1280x16xf32, #tpu.memory_space<vmem>>
      %dma_wait3A_350 = tpu.memref_squeeze %dma_wait3A_349 : memref<1x1280x16xf32, #tpu.memory_space<vmem>> -> memref<1280x16xf32, #tpu.memory_space<vmem>>
      %dma_wait3A_351 = arith.constant 0 : i32
      %dma_wait3A_352 = tpu.memref_slice %arg7[%dma_wait3A_346, %dma_wait3A_351] : memref<12x1280xi32, #tpu.memory_space<vmem>> -> memref<1x1280xi32, #tpu.memory_space<vmem>>
      %dma_wait3A_353 = tpu.memref_squeeze %dma_wait3A_352 : memref<1x1280xi32, #tpu.memory_space<vmem>> -> memref<1280xi32, #tpu.memory_space<vmem>>
      %dma_wait3A_354 = arith.constant 0 : i32
      %dma_wait3A_355 = arith.constant 0 : i32
      %dma_wait3A_356 = tpu.memref_slice %arg10[%dma_wait3A_354, %dma_wait3A_355] : memref<10240x16xf32, #tpu.memory_space<vmem_shared>> -> memref<10240x16xf32, #tpu.memory_space<vmem_shared>>
      tpu.wait_indirect_dma semaphore(%arg16 : memref<!tpu.dma_semaphore, #tpu.memory_space<semaphore_mem>>) src(%dma_wait3A_350 : memref<1280x16xf32, #tpu.memory_space<vmem>>) dst(%dma_wait3A_356 : memref<10240x16xf32, #tpu.memory_space<vmem_shared>>)
      %dma_start3A_357 = arith.constant 9 : i32
      %dma_start3A_358 = arith.constant 1 : i32
      %dma_start3A_359 = arith.constant 0 : i32
      %dma_start3A_360 = arith.constant 0 : i32
      %dma_start3A_361 = tpu.memref_slice %arg8[%dma_start3A_358, %dma_start3A_359, %dma_start3A_360] : memref<4x1280x16xf32, #tpu.memory_space<vmem>> -> memref<1x1280x16xf32, #tpu.memory_space<vmem>>
      %dma_start3A_362 = tpu.memref_squeeze %dma_start3A_361 : memref<1x1280x16xf32, #tpu.memory_space<vmem>> -> memref<1280x16xf32, #tpu.memory_space<vmem>>
      %dma_start3A_363 = arith.constant 0 : i32
      %dma_start3A_364 = tpu.memref_slice %arg6[%dma_start3A_357, %dma_start3A_363] : memref<12x1280xi32, #tpu.memory_space<vmem>> -> memref<1x1280xi32, #tpu.memory_space<vmem>>
      %dma_start3A_365 = tpu.memref_squeeze %dma_start3A_364 : memref<1x1280xi32, #tpu.memory_space<vmem>> -> memref<1280xi32, #tpu.memory_space<vmem>>
      %dma_start3A_366 = arith.constant 0 : i32
      %dma_start3A_367 = arith.constant 0 : i32
      %dma_start3A_368 = tpu.memref_slice %arg4[%dma_start3A_366, %dma_start3A_367] : memref<10000x16xf32, #tpu.memory_space<hbm>> -> memref<10000x16xf32, #tpu.memory_space<hbm>>
      tpu.enqueue_indirect_dma source(%dma_start3A_368 : memref<10000x16xf32, #tpu.memory_space<hbm>>) target(%dma_start3A_362 : memref<1280x16xf32, #tpu.memory_space<vmem>>) offsets(%dma_start3A_365 : memref<1280xi32, #tpu.memory_space<vmem>>) semaphore(%arg12 : memref<!tpu.dma_semaphore, #tpu.memory_space<semaphore_mem>>)
      %dma_start3A_369 = arith.constant 2 : i32
      %dma_start3A_370 = arith.constant 6 : i32
      %dma_start3A_371 = arith.constant 0 : i32
      %dma_start3A_372 = arith.constant 0 : i32
      %dma_start3A_373 = tpu.memref_slice %arg8[%dma_start3A_369, %dma_start3A_371, %dma_start3A_372] : memref<4x1280x16xf32, #tpu.memory_space<vmem>> -> memref<1x1280x16xf32, #tpu.memory_space<vmem>>
      %dma_start3A_374 = tpu.memref_squeeze %dma_start3A_373 : memref<1x1280x16xf32, #tpu.memory_space<vmem>> -> memref<1280x16xf32, #tpu.memory_space<vmem>>
      %dma_start3A_375 = arith.constant 0 : i32
      %dma_start3A_376 = tpu.memref_slice %arg7[%dma_start3A_370, %dma_start3A_375] : memref<12x1280xi32, #tpu.memory_space<vmem>> -> memref<1x1280xi32, #tpu.memory_space<vmem>>
      %dma_start3A_377 = tpu.memref_squeeze %dma_start3A_376 : memref<1x1280xi32, #tpu.memory_space<vmem>> -> memref<1280xi32, #tpu.memory_space<vmem>>
      %dma_start3A_378 = arith.constant 0 : i32
      %dma_start3A_379 = arith.constant 0 : i32
      %dma_start3A_380 = tpu.memref_slice %arg10[%dma_start3A_378, %dma_start3A_379] : memref<10240x16xf32, #tpu.memory_space<vmem_shared>> -> memref<10240x16xf32, #tpu.memory_space<vmem_shared>>
      tpu.enqueue_indirect_dma source(%dma_start3A_374 : memref<1280x16xf32, #tpu.memory_space<vmem>>) target(%dma_start3A_380 : memref<10240x16xf32, #tpu.memory_space<vmem_shared>>) offsets(%dma_start3A_377 : memref<1280xi32, #tpu.memory_space<vmem>>) semaphore(%arg17 : memref<!tpu.dma_semaphore, #tpu.memory_space<semaphore_mem>>) {add = true}
      %dma_wait3A_381 = arith.constant 7 : i32
      %dma_wait3A_382 = arith.constant 3 : i32
      %dma_wait3A_383 = arith.constant 0 : i32
      %dma_wait3A_384 = arith.constant 0 : i32
      %dma_wait3A_385 = tpu.memref_slice %arg8[%dma_wait3A_382, %dma_wait3A_383, %dma_wait3A_384] : memref<4x1280x16xf32, #tpu.memory_space<vmem>> -> memref<1x1280x16xf32, #tpu.memory_space<vmem>>
      %dma_wait3A_386 = tpu.memref_squeeze %dma_wait3A_385 : memref<1x1280x16xf32, #tpu.memory_space<vmem>> -> memref<1280x16xf32, #tpu.memory_space<vmem>>
      %dma_wait3A_387 = arith.constant 0 : i32
      %dma_wait3A_388 = tpu.memref_slice %arg6[%dma_wait3A_381, %dma_wait3A_387] : memref<12x1280xi32, #tpu.memory_space<vmem>> -> memref<1x1280xi32, #tpu.memory_space<vmem>>
      %dma_wait3A_389 = tpu.memref_squeeze %dma_wait3A_388 : memref<1x1280xi32, #tpu.memory_space<vmem>> -> memref<1280xi32, #tpu.memory_space<vmem>>
      %dma_wait3A_390 = arith.constant 0 : i32
      %dma_wait3A_391 = arith.constant 0 : i32
      %dma_wait3A_392 = tpu.memref_slice %arg4[%dma_wait3A_390, %dma_wait3A_391] : memref<10000x16xf32, #tpu.memory_space<hbm>> -> memref<10000x16xf32, #tpu.memory_space<hbm>>
      tpu.wait_indirect_dma semaphore(%arg14 : memref<!tpu.dma_semaphore, #tpu.memory_space<semaphore_mem>>) src(%dma_wait3A_392 : memref<10000x16xf32, #tpu.memory_space<hbm>>) dst(%dma_wait3A_386 : memref<1280x16xf32, #tpu.memory_space<vmem>>)
      %dma_wait3A_393 = arith.constant 2 : i32
      %dma_wait3A_394 = arith.constant 6 : i32
      %dma_wait3A_395 = arith.constant 0 : i32
      %dma_wait3A_396 = arith.constant 0 : i32
      %dma_wait3A_397 = tpu.memref_slice %arg8[%dma_wait3A_393, %dma_wait3A_395, %dma_wait3A_396] : memref<4x1280x16xf32, #tpu.memory_space<vmem>> -> memref<1x1280x16xf32, #tpu.memory_space<vmem>>
      %dma_wait3A_398 = tpu.memref_squeeze %dma_wait3A_397 : memref<1x1280x16xf32, #tpu.memory_space<vmem>> -> memref<1280x16xf32, #tpu.memory_space<vmem>>
      %dma_wait3A_399 = arith.constant 0 : i32
      %dma_wait3A_400 = tpu.memref_slice %arg7[%dma_wait3A_394, %dma_wait3A_399] : memref<12x1280xi32, #tpu.memory_space<vmem>> -> memref<1x1280xi32, #tpu.memory_space<vmem>>
      %dma_wait3A_401 = tpu.memref_squeeze %dma_wait3A_400 : memref<1x1280xi32, #tpu.memory_space<vmem>> -> memref<1280xi32, #tpu.memory_space<vmem>>
      %dma_wait3A_402 = arith.constant 0 : i32
      %dma_wait3A_403 = arith.constant 0 : i32
      %dma_wait3A_404 = tpu.memref_slice %arg10[%dma_wait3A_402, %dma_wait3A_403] : memref<10240x16xf32, #tpu.memory_space<vmem_shared>> -> memref<10240x16xf32, #tpu.memory_space<vmem_shared>>
      tpu.wait_indirect_dma semaphore(%arg17 : memref<!tpu.dma_semaphore, #tpu.memory_space<semaphore_mem>>) src(%dma_wait3A_398 : memref<1280x16xf32, #tpu.memory_space<vmem>>) dst(%dma_wait3A_404 : memref<10240x16xf32, #tpu.memory_space<vmem_shared>>)
      %dma_start3A_405 = arith.constant 10 : i32
      %dma_start3A_406 = arith.constant 2 : i32
      %dma_start3A_407 = arith.constant 0 : i32
      %dma_start3A_408 = arith.constant 0 : i32
      %dma_start3A_409 = tpu.memref_slice %arg8[%dma_start3A_406, %dma_start3A_407, %dma_start3A_408] : memref<4x1280x16xf32, #tpu.memory_space<vmem>> -> memref<1x1280x16xf32, #tpu.memory_space<vmem>>
      %dma_start3A_410 = tpu.memref_squeeze %dma_start3A_409 : memref<1x1280x16xf32, #tpu.memory_space<vmem>> -> memref<1280x16xf32, #tpu.memory_space<vmem>>
      %dma_start3A_411 = arith.constant 0 : i32
      %dma_start3A_412 = tpu.memref_slice %arg6[%dma_start3A_405, %dma_start3A_411] : memref<12x1280xi32, #tpu.memory_space<vmem>> -> memref<1x1280xi32, #tpu.memory_space<vmem>>
      %dma_start3A_413 = tpu.memref_squeeze %dma_start3A_412 : memref<1x1280xi32, #tpu.memory_space<vmem>> -> memref<1280xi32, #tpu.memory_space<vmem>>
      %dma_start3A_414 = arith.constant 0 : i32
      %dma_start3A_415 = arith.constant 0 : i32
      %dma_start3A_416 = tpu.memref_slice %arg4[%dma_start3A_414, %dma_start3A_415] : memref<10000x16xf32, #tpu.memory_space<hbm>> -> memref<10000x16xf32, #tpu.memory_space<hbm>>
      tpu.enqueue_indirect_dma source(%dma_start3A_416 : memref<10000x16xf32, #tpu.memory_space<hbm>>) target(%dma_start3A_410 : memref<1280x16xf32, #tpu.memory_space<vmem>>) offsets(%dma_start3A_413 : memref<1280xi32, #tpu.memory_space<vmem>>) semaphore(%arg13 : memref<!tpu.dma_semaphore, #tpu.memory_space<semaphore_mem>>)
      %dma_start3A_417 = arith.constant 3 : i32
      %dma_start3A_418 = arith.constant 7 : i32
      %dma_start3A_419 = arith.constant 0 : i32
      %dma_start3A_420 = arith.constant 0 : i32
      %dma_start3A_421 = tpu.memref_slice %arg8[%dma_start3A_417, %dma_start3A_419, %dma_start3A_420] : memref<4x1280x16xf32, #tpu.memory_space<vmem>> -> memref<1x1280x16xf32, #tpu.memory_space<vmem>>
      %dma_start3A_422 = tpu.memref_squeeze %dma_start3A_421 : memref<1x1280x16xf32, #tpu.memory_space<vmem>> -> memref<1280x16xf32, #tpu.memory_space<vmem>>
      %dma_start3A_423 = arith.constant 0 : i32
      %dma_start3A_424 = tpu.memref_slice %arg7[%dma_start3A_418, %dma_start3A_423] : memref<12x1280xi32, #tpu.memory_space<vmem>> -> memref<1x1280xi32, #tpu.memory_space<vmem>>
      %dma_start3A_425 = tpu.memref_squeeze %dma_start3A_424 : memref<1x1280xi32, #tpu.memory_space<vmem>> -> memref<1280xi32, #tpu.memory_space<vmem>>
      %dma_start3A_426 = arith.constant 0 : i32
      %dma_start3A_427 = arith.constant 0 : i32
      %dma_start3A_428 = tpu.memref_slice %arg10[%dma_start3A_426, %dma_start3A_427] : memref<10240x16xf32, #tpu.memory_space<vmem_shared>> -> memref<10240x16xf32, #tpu.memory_space<vmem_shared>>
      tpu.enqueue_indirect_dma source(%dma_start3A_422 : memref<1280x16xf32, #tpu.memory_space<vmem>>) target(%dma_start3A_428 : memref<10240x16xf32, #tpu.memory_space<vmem_shared>>) offsets(%dma_start3A_425 : memref<1280xi32, #tpu.memory_space<vmem>>) semaphore(%arg18 : memref<!tpu.dma_semaphore, #tpu.memory_space<semaphore_mem>>) {add = true}
      %dma_wait3A_429 = arith.constant 8 : i32
      %dma_wait3A_430 = arith.constant 0 : i32
      %dma_wait3A_431 = arith.constant 0 : i32
      %dma_wait3A_432 = arith.constant 0 : i32
      %dma_wait3A_433 = tpu.memref_slice %arg8[%dma_wait3A_430, %dma_wait3A_431, %dma_wait3A_432] : memref<4x1280x16xf32, #tpu.memory_space<vmem>> -> memref<1x1280x16xf32, #tpu.memory_space<vmem>>
      %dma_wait3A_434 = tpu.memref_squeeze %dma_wait3A_433 : memref<1x1280x16xf32, #tpu.memory_space<vmem>> -> memref<1280x16xf32, #tpu.memory_space<vmem>>
      %dma_wait3A_435 = arith.constant 0 : i32
      %dma_wait3A_436 = tpu.memref_slice %arg6[%dma_wait3A_429, %dma_wait3A_435] : memref<12x1280xi32, #tpu.memory_space<vmem>> -> memref<1x1280xi32, #tpu.memory_space<vmem>>
      %dma_wait3A_437 = tpu.memref_squeeze %dma_wait3A_436 : memref<1x1280xi32, #tpu.memory_space<vmem>> -> memref<1280xi32, #tpu.memory_space<vmem>>
      %dma_wait3A_438 = arith.constant 0 : i32
      %dma_wait3A_439 = arith.constant 0 : i32
      %dma_wait3A_440 = tpu.memref_slice %arg4[%dma_wait3A_438, %dma_wait3A_439] : memref<10000x16xf32, #tpu.memory_space<hbm>> -> memref<10000x16xf32, #tpu.memory_space<hbm>>
      tpu.wait_indirect_dma semaphore(%arg11 : memref<!tpu.dma_semaphore, #tpu.memory_space<semaphore_mem>>) src(%dma_wait3A_440 : memref<10000x16xf32, #tpu.memory_space<hbm>>) dst(%dma_wait3A_434 : memref<1280x16xf32, #tpu.memory_space<vmem>>)
      %dma_wait3A_441 = arith.constant 3 : i32
      %dma_wait3A_442 = arith.constant 7 : i32
      %dma_wait3A_443 = arith.constant 0 : i32
      %dma_wait3A_444 = arith.constant 0 : i32
      %dma_wait3A_445 = tpu.memref_slice %arg8[%dma_wait3A_441, %dma_wait3A_443, %dma_wait3A_444] : memref<4x1280x16xf32, #tpu.memory_space<vmem>> -> memref<1x1280x16xf32, #tpu.memory_space<vmem>>
      %dma_wait3A_446 = tpu.memref_squeeze %dma_wait3A_445 : memref<1x1280x16xf32, #tpu.memory_space<vmem>> -> memref<1280x16xf32, #tpu.memory_space<vmem>>
      %dma_wait3A_447 = arith.constant 0 : i32
      %dma_wait3A_448 = tpu.memref_slice %arg7[%dma_wait3A_442, %dma_wait3A_447] : memref<12x1280xi32, #tpu.memory_space<vmem>> -> memref<1x1280xi32, #tpu.memory_space<vmem>>
      %dma_wait3A_449 = tpu.memref_squeeze %dma_wait3A_448 : memref<1x1280xi32, #tpu.memory_space<vmem>> -> memref<1280xi32, #tpu.memory_space<vmem>>
      %dma_wait3A_450 = arith.constant 0 : i32
      %dma_wait3A_451 = arith.constant 0 : i32
      %dma_wait3A_452 = tpu.memref_slice %arg10[%dma_wait3A_450, %dma_wait3A_451] : memref<10240x16xf32, #tpu.memory_space<vmem_shared>> -> memref<10240x16xf32, #tpu.memory_space<vmem_shared>>
      tpu.wait_indirect_dma semaphore(%arg18 : memref<!tpu.dma_semaphore, #tpu.memory_space<semaphore_mem>>) src(%dma_wait3A_446 : memref<1280x16xf32, #tpu.memory_space<vmem>>) dst(%dma_wait3A_452 : memref<10240x16xf32, #tpu.memory_space<vmem_shared>>)
      %dma_start3A_453 = arith.constant 11 : i32
      %dma_start3A_454 = arith.constant 3 : i32
      %dma_start3A_455 = arith.constant 0 : i32
      %dma_start3A_456 = arith.constant 0 : i32
      %dma_start3A_457 = tpu.memref_slice %arg8[%dma_start3A_454, %dma_start3A_455, %dma_start3A_456] : memref<4x1280x16xf32, #tpu.memory_space<vmem>> -> memref<1x1280x16xf32, #tpu.memory_space<vmem>>
      %dma_start3A_458 = tpu.memref_squeeze %dma_start3A_457 : memref<1x1280x16xf32, #tpu.memory_space<vmem>> -> memref<1280x16xf32, #tpu.memory_space<vmem>>
      %dma_start3A_459 = arith.constant 0 : i32
      %dma_start3A_460 = tpu.memref_slice %arg6[%dma_start3A_453, %dma_start3A_459] : memref<12x1280xi32, #tpu.memory_space<vmem>> -> memref<1x1280xi32, #tpu.memory_space<vmem>>
      %dma_start3A_461 = tpu.memref_squeeze %dma_start3A_460 : memref<1x1280xi32, #tpu.memory_space<vmem>> -> memref<1280xi32, #tpu.memory_space<vmem>>
      %dma_start3A_462 = arith.constant 0 : i32
      %dma_start3A_463 = arith.constant 0 : i32
      %dma_start3A_464 = tpu.memref_slice %arg4[%dma_start3A_462, %dma_start3A_463] : memref<10000x16xf32, #tpu.memory_space<hbm>> -> memref<10000x16xf32, #tpu.memory_space<hbm>>
      tpu.enqueue_indirect_dma source(%dma_start3A_464 : memref<10000x16xf32, #tpu.memory_space<hbm>>) target(%dma_start3A_458 : memref<1280x16xf32, #tpu.memory_space<vmem>>) offsets(%dma_start3A_461 : memref<1280xi32, #tpu.memory_space<vmem>>) semaphore(%arg14 : memref<!tpu.dma_semaphore, #tpu.memory_space<semaphore_mem>>)
      %dma_start3A_465 = arith.constant 0 : i32
      %dma_start3A_466 = arith.constant 8 : i32
      %dma_start3A_467 = arith.constant 0 : i32
      %dma_start3A_468 = arith.constant 0 : i32
      %dma_start3A_469 = tpu.memref_slice %arg8[%dma_start3A_465, %dma_start3A_467, %dma_start3A_468] : memref<4x1280x16xf32, #tpu.memory_space<vmem>> -> memref<1x1280x16xf32, #tpu.memory_space<vmem>>
      %dma_start3A_470 = tpu.memref_squeeze %dma_start3A_469 : memref<1x1280x16xf32, #tpu.memory_space<vmem>> -> memref<1280x16xf32, #tpu.memory_space<vmem>>
      %dma_start3A_471 = arith.constant 0 : i32
      %dma_start3A_472 = tpu.memref_slice %arg7[%dma_start3A_466, %dma_start3A_471] : memref<12x1280xi32, #tpu.memory_space<vmem>> -> memref<1x1280xi32, #tpu.memory_space<vmem>>
      %dma_start3A_473 = tpu.memref_squeeze %dma_start3A_472 : memref<1x1280xi32, #tpu.memory_space<vmem>> -> memref<1280xi32, #tpu.memory_space<vmem>>
      %dma_start3A_474 = arith.constant 0 : i32
      %dma_start3A_475 = arith.constant 0 : i32
      %dma_start3A_476 = tpu.memref_slice %arg10[%dma_start3A_474, %dma_start3A_475] : memref<10240x16xf32, #tpu.memory_space<vmem_shared>> -> memref<10240x16xf32, #tpu.memory_space<vmem_shared>>
      tpu.enqueue_indirect_dma source(%dma_start3A_470 : memref<1280x16xf32, #tpu.memory_space<vmem>>) target(%dma_start3A_476 : memref<10240x16xf32, #tpu.memory_space<vmem_shared>>) offsets(%dma_start3A_473 : memref<1280xi32, #tpu.memory_space<vmem>>) semaphore(%arg15 : memref<!tpu.dma_semaphore, #tpu.memory_space<semaphore_mem>>) {add = true}
      %dma_wait3A_477 = arith.constant 9 : i32
      %dma_wait3A_478 = arith.constant 1 : i32
      %dma_wait3A_479 = arith.constant 0 : i32
      %dma_wait3A_480 = arith.constant 0 : i32
      %dma_wait3A_481 = tpu.memref_slice %arg8[%dma_wait3A_478, %dma_wait3A_479, %dma_wait3A_480] : memref<4x1280x16xf32, #tpu.memory_space<vmem>> -> memref<1x1280x16xf32, #tpu.memory_space<vmem>>
      %dma_wait3A_482 = tpu.memref_squeeze %dma_wait3A_481 : memref<1x1280x16xf32, #tpu.memory_space<vmem>> -> memref<1280x16xf32, #tpu.memory_space<vmem>>
      %dma_wait3A_483 = arith.constant 0 : i32
      %dma_wait3A_484 = tpu.memref_slice %arg6[%dma_wait3A_477, %dma_wait3A_483] : memref<12x1280xi32, #tpu.memory_space<vmem>> -> memref<1x1280xi32, #tpu.memory_space<vmem>>
      %dma_wait3A_485 = tpu.memref_squeeze %dma_wait3A_484 : memref<1x1280xi32, #tpu.memory_space<vmem>> -> memref<1280xi32, #tpu.memory_space<vmem>>
      %dma_wait3A_486 = arith.constant 0 : i32
      %dma_wait3A_487 = arith.constant 0 : i32
      %dma_wait3A_488 = tpu.memref_slice %arg4[%dma_wait3A_486, %dma_wait3A_487] : memref<10000x16xf32, #tpu.memory_space<hbm>> -> memref<10000x16xf32, #tpu.memory_space<hbm>>
      tpu.wait_indirect_dma semaphore(%arg12 : memref<!tpu.dma_semaphore, #tpu.memory_space<semaphore_mem>>) src(%dma_wait3A_488 : memref<10000x16xf32, #tpu.memory_space<hbm>>) dst(%dma_wait3A_482 : memref<1280x16xf32, #tpu.memory_space<vmem>>)
      %dma_start3A_489 = arith.constant 1 : i32
      %dma_start3A_490 = arith.constant 9 : i32
      %dma_start3A_491 = arith.constant 0 : i32
      %dma_start3A_492 = arith.constant 0 : i32
      %dma_start3A_493 = tpu.memref_slice %arg8[%dma_start3A_489, %dma_start3A_491, %dma_start3A_492] : memref<4x1280x16xf32, #tpu.memory_space<vmem>> -> memref<1x1280x16xf32, #tpu.memory_space<vmem>>
      %dma_start3A_494 = tpu.memref_squeeze %dma_start3A_493 : memref<1x1280x16xf32, #tpu.memory_space<vmem>> -> memref<1280x16xf32, #tpu.memory_space<vmem>>
      %dma_start3A_495 = arith.constant 0 : i32
      %dma_start3A_496 = tpu.memref_slice %arg7[%dma_start3A_490, %dma_start3A_495] : memref<12x1280xi32, #tpu.memory_space<vmem>> -> memref<1x1280xi32, #tpu.memory_space<vmem>>
      %dma_start3A_497 = tpu.memref_squeeze %dma_start3A_496 : memref<1x1280xi32, #tpu.memory_space<vmem>> -> memref<1280xi32, #tpu.memory_space<vmem>>
      %dma_start3A_498 = arith.constant 0 : i32
      %dma_start3A_499 = arith.constant 0 : i32
      %dma_start3A_500 = tpu.memref_slice %arg10[%dma_start3A_498, %dma_start3A_499] : memref<10240x16xf32, #tpu.memory_space<vmem_shared>> -> memref<10240x16xf32, #tpu.memory_space<vmem_shared>>
      tpu.enqueue_indirect_dma source(%dma_start3A_494 : memref<1280x16xf32, #tpu.memory_space<vmem>>) target(%dma_start3A_500 : memref<10240x16xf32, #tpu.memory_space<vmem_shared>>) offsets(%dma_start3A_497 : memref<1280xi32, #tpu.memory_space<vmem>>) semaphore(%arg16 : memref<!tpu.dma_semaphore, #tpu.memory_space<semaphore_mem>>) {add = true}
      %dma_wait3A_501 = arith.constant 10 : i32
      %dma_wait3A_502 = arith.constant 2 : i32
      %dma_wait3A_503 = arith.constant 0 : i32
      %dma_wait3A_504 = arith.constant 0 : i32
      %dma_wait3A_505 = tpu.memref_slice %arg8[%dma_wait3A_502, %dma_wait3A_503, %dma_wait3A_504] : memref<4x1280x16xf32, #tpu.memory_space<vmem>> -> memref<1x1280x16xf32, #tpu.memory_space<vmem>>
      %dma_wait3A_506 = tpu.memref_squeeze %dma_wait3A_505 : memref<1x1280x16xf32, #tpu.memory_space<vmem>> -> memref<1280x16xf32, #tpu.memory_space<vmem>>
      %dma_wait3A_507 = arith.constant 0 : i32
      %dma_wait3A_508 = tpu.memref_slice %arg6[%dma_wait3A_501, %dma_wait3A_507] : memref<12x1280xi32, #tpu.memory_space<vmem>> -> memref<1x1280xi32, #tpu.memory_space<vmem>>
      %dma_wait3A_509 = tpu.memref_squeeze %dma_wait3A_508 : memref<1x1280xi32, #tpu.memory_space<vmem>> -> memref<1280xi32, #tpu.memory_space<vmem>>
      %dma_wait3A_510 = arith.constant 0 : i32
      %dma_wait3A_511 = arith.constant 0 : i32
      %dma_wait3A_512 = tpu.memref_slice %arg4[%dma_wait3A_510, %dma_wait3A_511] : memref<10000x16xf32, #tpu.memory_space<hbm>> -> memref<10000x16xf32, #tpu.memory_space<hbm>>
      tpu.wait_indirect_dma semaphore(%arg13 : memref<!tpu.dma_semaphore, #tpu.memory_space<semaphore_mem>>) src(%dma_wait3A_512 : memref<10000x16xf32, #tpu.memory_space<hbm>>) dst(%dma_wait3A_506 : memref<1280x16xf32, #tpu.memory_space<vmem>>)
      %dma_start3A_513 = arith.constant 2 : i32
      %dma_start3A_514 = arith.constant 10 : i32
      %dma_start3A_515 = arith.constant 0 : i32
      %dma_start3A_516 = arith.constant 0 : i32
      %dma_start3A_517 = tpu.memref_slice %arg8[%dma_start3A_513, %dma_start3A_515, %dma_start3A_516] : memref<4x1280x16xf32, #tpu.memory_space<vmem>> -> memref<1x1280x16xf32, #tpu.memory_space<vmem>>
      %dma_start3A_518 = tpu.memref_squeeze %dma_start3A_517 : memref<1x1280x16xf32, #tpu.memory_space<vmem>> -> memref<1280x16xf32, #tpu.memory_space<vmem>>
      %dma_start3A_519 = arith.constant 0 : i32
      %dma_start3A_520 = tpu.memref_slice %arg7[%dma_start3A_514, %dma_start3A_519] : memref<12x1280xi32, #tpu.memory_space<vmem>> -> memref<1x1280xi32, #tpu.memory_space<vmem>>
      %dma_start3A_521 = tpu.memref_squeeze %dma_start3A_520 : memref<1x1280xi32, #tpu.memory_space<vmem>> -> memref<1280xi32, #tpu.memory_space<vmem>>
      %dma_start3A_522 = arith.constant 0 : i32
      %dma_start3A_523 = arith.constant 0 : i32
      %dma_start3A_524 = tpu.memref_slice %arg10[%dma_start3A_522, %dma_start3A_523] : memref<10240x16xf32, #tpu.memory_space<vmem_shared>> -> memref<10240x16xf32, #tpu.memory_space<vmem_shared>>
      tpu.enqueue_indirect_dma source(%dma_start3A_518 : memref<1280x16xf32, #tpu.memory_space<vmem>>) target(%dma_start3A_524 : memref<10240x16xf32, #tpu.memory_space<vmem_shared>>) offsets(%dma_start3A_521 : memref<1280xi32, #tpu.memory_space<vmem>>) semaphore(%arg17 : memref<!tpu.dma_semaphore, #tpu.memory_space<semaphore_mem>>) {add = true}
      %dma_wait3A_525 = arith.constant 11 : i32
      %dma_wait3A_526 = arith.constant 3 : i32
      %dma_wait3A_527 = arith.constant 0 : i32
      %dma_wait3A_528 = arith.constant 0 : i32
      %dma_wait3A_529 = tpu.memref_slice %arg8[%dma_wait3A_526, %dma_wait3A_527, %dma_wait3A_528] : memref<4x1280x16xf32, #tpu.memory_space<vmem>> -> memref<1x1280x16xf32, #tpu.memory_space<vmem>>
      %dma_wait3A_530 = tpu.memref_squeeze %dma_wait3A_529 : memref<1x1280x16xf32, #tpu.memory_space<vmem>> -> memref<1280x16xf32, #tpu.memory_space<vmem>>
      %dma_wait3A_531 = arith.constant 0 : i32
      %dma_wait3A_532 = tpu.memref_slice %arg6[%dma_wait3A_525, %dma_wait3A_531] : memref<12x1280xi32, #tpu.memory_space<vmem>> -> memref<1x1280xi32, #tpu.memory_space<vmem>>
      %dma_wait3A_533 = tpu.memref_squeeze %dma_wait3A_532 : memref<1x1280xi32, #tpu.memory_space<vmem>> -> memref<1280xi32, #tpu.memory_space<vmem>>
      %dma_wait3A_534 = arith.constant 0 : i32
      %dma_wait3A_535 = arith.constant 0 : i32
      %dma_wait3A_536 = tpu.memref_slice %arg4[%dma_wait3A_534, %dma_wait3A_535] : memref<10000x16xf32, #tpu.memory_space<hbm>> -> memref<10000x16xf32, #tpu.memory_space<hbm>>
      tpu.wait_indirect_dma semaphore(%arg14 : memref<!tpu.dma_semaphore, #tpu.memory_space<semaphore_mem>>) src(%dma_wait3A_536 : memref<10000x16xf32, #tpu.memory_space<hbm>>) dst(%dma_wait3A_530 : memref<1280x16xf32, #tpu.memory_space<vmem>>)
      %dma_start3A_537 = arith.constant 3 : i32
      %dma_start3A_538 = arith.constant 11 : i32
      %dma_start3A_539 = arith.constant 0 : i32
      %dma_start3A_540 = arith.constant 0 : i32
      %dma_start3A_541 = tpu.memref_slice %arg8[%dma_start3A_537, %dma_start3A_539, %dma_start3A_540] : memref<4x1280x16xf32, #tpu.memory_space<vmem>> -> memref<1x1280x16xf32, #tpu.memory_space<vmem>>
      %dma_start3A_542 = tpu.memref_squeeze %dma_start3A_541 : memref<1x1280x16xf32, #tpu.memory_space<vmem>> -> memref<1280x16xf32, #tpu.memory_space<vmem>>
      %dma_start3A_543 = arith.constant 0 : i32
      %dma_start3A_544 = tpu.memref_slice %arg7[%dma_start3A_538, %dma_start3A_543] : memref<12x1280xi32, #tpu.memory_space<vmem>> -> memref<1x1280xi32, #tpu.memory_space<vmem>>
      %dma_start3A_545 = tpu.memref_squeeze %dma_start3A_544 : memref<1x1280xi32, #tpu.memory_space<vmem>> -> memref<1280xi32, #tpu.memory_space<vmem>>
      %dma_start3A_546 = arith.constant 0 : i32
      %dma_start3A_547 = arith.constant 0 : i32
      %dma_start3A_548 = tpu.memref_slice %arg10[%dma_start3A_546, %dma_start3A_547] : memref<10240x16xf32, #tpu.memory_space<vmem_shared>> -> memref<10240x16xf32, #tpu.memory_space<vmem_shared>>
      tpu.enqueue_indirect_dma source(%dma_start3A_542 : memref<1280x16xf32, #tpu.memory_space<vmem>>) target(%dma_start3A_548 : memref<10240x16xf32, #tpu.memory_space<vmem_shared>>) offsets(%dma_start3A_545 : memref<1280xi32, #tpu.memory_space<vmem>>) semaphore(%arg18 : memref<!tpu.dma_semaphore, #tpu.memory_space<semaphore_mem>>) {add = true}
      %dma_wait3A_549 = arith.constant 0 : i32
      %dma_wait3A_550 = arith.constant 8 : i32
      %dma_wait3A_551 = arith.constant 0 : i32
      %dma_wait3A_552 = arith.constant 0 : i32
      %dma_wait3A_553 = tpu.memref_slice %arg8[%dma_wait3A_549, %dma_wait3A_551, %dma_wait3A_552] : memref<4x1280x16xf32, #tpu.memory_space<vmem>> -> memref<1x1280x16xf32, #tpu.memory_space<vmem>>
      %dma_wait3A_554 = tpu.memref_squeeze %dma_wait3A_553 : memref<1x1280x16xf32, #tpu.memory_space<vmem>> -> memref<1280x16xf32, #tpu.memory_space<vmem>>
      %dma_wait3A_555 = arith.constant 0 : i32
      %dma_wait3A_556 = tpu.memref_slice %arg7[%dma_wait3A_550, %dma_wait3A_555] : memref<12x1280xi32, #tpu.memory_space<vmem>> -> memref<1x1280xi32, #tpu.memory_space<vmem>>
      %dma_wait3A_557 = tpu.memref_squeeze %dma_wait3A_556 : memref<1x1280xi32, #tpu.memory_space<vmem>> -> memref<1280xi32, #tpu.memory_space<vmem>>
      %dma_wait3A_558 = arith.constant 0 : i32
      %dma_wait3A_559 = arith.constant 0 : i32
      %dma_wait3A_560 = tpu.memref_slice %arg10[%dma_wait3A_558, %dma_wait3A_559] : memref<10240x16xf32, #tpu.memory_space<vmem_shared>> -> memref<10240x16xf32, #tpu.memory_space<vmem_shared>>
      tpu.wait_indirect_dma semaphore(%arg15 : memref<!tpu.dma_semaphore, #tpu.memory_space<semaphore_mem>>) src(%dma_wait3A_554 : memref<1280x16xf32, #tpu.memory_space<vmem>>) dst(%dma_wait3A_560 : memref<10240x16xf32, #tpu.memory_space<vmem_shared>>)
      %dma_wait3A_561 = arith.constant 1 : i32
      %dma_wait3A_562 = arith.constant 9 : i32
      %dma_wait3A_563 = arith.constant 0 : i32
      %dma_wait3A_564 = arith.constant 0 : i32
      %dma_wait3A_565 = tpu.memref_slice %arg8[%dma_wait3A_561, %dma_wait3A_563, %dma_wait3A_564] : memref<4x1280x16xf32, #tpu.memory_space<vmem>> -> memref<1x1280x16xf32, #tpu.memory_space<vmem>>
      %dma_wait3A_566 = tpu.memref_squeeze %dma_wait3A_565 : memref<1x1280x16xf32, #tpu.memory_space<vmem>> -> memref<1280x16xf32, #tpu.memory_space<vmem>>
      %dma_wait3A_567 = arith.constant 0 : i32
      %dma_wait3A_568 = tpu.memref_slice %arg7[%dma_wait3A_562, %dma_wait3A_567] : memref<12x1280xi32, #tpu.memory_space<vmem>> -> memref<1x1280xi32, #tpu.memory_space<vmem>>
      %dma_wait3A_569 = tpu.memref_squeeze %dma_wait3A_568 : memref<1x1280xi32, #tpu.memory_space<vmem>> -> memref<1280xi32, #tpu.memory_space<vmem>>
      %dma_wait3A_570 = arith.constant 0 : i32
      %dma_wait3A_571 = arith.constant 0 : i32
      %dma_wait3A_572 = tpu.memref_slice %arg10[%dma_wait3A_570, %dma_wait3A_571] : memref<10240x16xf32, #tpu.memory_space<vmem_shared>> -> memref<10240x16xf32, #tpu.memory_space<vmem_shared>>
      tpu.wait_indirect_dma semaphore(%arg16 : memref<!tpu.dma_semaphore, #tpu.memory_space<semaphore_mem>>) src(%dma_wait3A_566 : memref<1280x16xf32, #tpu.memory_space<vmem>>) dst(%dma_wait3A_572 : memref<10240x16xf32, #tpu.memory_space<vmem_shared>>)
      %dma_wait3A_573 = arith.constant 2 : i32
      %dma_wait3A_574 = arith.constant 10 : i32
      %dma_wait3A_575 = arith.constant 0 : i32
      %dma_wait3A_576 = arith.constant 0 : i32
      %dma_wait3A_577 = tpu.memref_slice %arg8[%dma_wait3A_573, %dma_wait3A_575, %dma_wait3A_576] : memref<4x1280x16xf32, #tpu.memory_space<vmem>> -> memref<1x1280x16xf32, #tpu.memory_space<vmem>>
      %dma_wait3A_578 = tpu.memref_squeeze %dma_wait3A_577 : memref<1x1280x16xf32, #tpu.memory_space<vmem>> -> memref<1280x16xf32, #tpu.memory_space<vmem>>
      %dma_wait3A_579 = arith.constant 0 : i32
      %dma_wait3A_580 = tpu.memref_slice %arg7[%dma_wait3A_574, %dma_wait3A_579] : memref<12x1280xi32, #tpu.memory_space<vmem>> -> memref<1x1280xi32, #tpu.memory_space<vmem>>
      %dma_wait3A_581 = tpu.memref_squeeze %dma_wait3A_580 : memref<1x1280xi32, #tpu.memory_space<vmem>> -> memref<1280xi32, #tpu.memory_space<vmem>>
      %dma_wait3A_582 = arith.constant 0 : i32
      %dma_wait3A_583 = arith.constant 0 : i32
      %dma_wait3A_584 = tpu.memref_slice %arg10[%dma_wait3A_582, %dma_wait3A_583] : memref<10240x16xf32, #tpu.memory_space<vmem_shared>> -> memref<10240x16xf32, #tpu.memory_space<vmem_shared>>
      tpu.wait_indirect_dma semaphore(%arg17 : memref<!tpu.dma_semaphore, #tpu.memory_space<semaphore_mem>>) src(%dma_wait3A_578 : memref<1280x16xf32, #tpu.memory_space<vmem>>) dst(%dma_wait3A_584 : memref<10240x16xf32, #tpu.memory_space<vmem_shared>>)
      %dma_wait3A_585 = arith.constant 3 : i32
      %dma_wait3A_586 = arith.constant 11 : i32
      %dma_wait3A_587 = arith.constant 0 : i32
      %dma_wait3A_588 = arith.constant 0 : i32
      %dma_wait3A_589 = tpu.memref_slice %arg8[%dma_wait3A_585, %dma_wait3A_587, %dma_wait3A_588] : memref<4x1280x16xf32, #tpu.memory_space<vmem>> -> memref<1x1280x16xf32, #tpu.memory_space<vmem>>
      %dma_wait3A_590 = tpu.memref_squeeze %dma_wait3A_589 : memref<1x1280x16xf32, #tpu.memory_space<vmem>> -> memref<1280x16xf32, #tpu.memory_space<vmem>>
      %dma_wait3A_591 = arith.constant 0 : i32
      %dma_wait3A_592 = tpu.memref_slice %arg7[%dma_wait3A_586, %dma_wait3A_591] : memref<12x1280xi32, #tpu.memory_space<vmem>> -> memref<1x1280xi32, #tpu.memory_space<vmem>>
      %dma_wait3A_593 = tpu.memref_squeeze %dma_wait3A_592 : memref<1x1280xi32, #tpu.memory_space<vmem>> -> memref<1280xi32, #tpu.memory_space<vmem>>
      %dma_wait3A_594 = arith.constant 0 : i32
      %dma_wait3A_595 = arith.constant 0 : i32
      %dma_wait3A_596 = tpu.memref_slice %arg10[%dma_wait3A_594, %dma_wait3A_595] : memref<10240x16xf32, #tpu.memory_space<vmem_shared>> -> memref<10240x16xf32, #tpu.memory_space<vmem_shared>>
      tpu.wait_indirect_dma semaphore(%arg18 : memref<!tpu.dma_semaphore, #tpu.memory_space<semaphore_mem>>) src(%dma_wait3A_590 : memref<1280x16xf32, #tpu.memory_space<vmem>>) dst(%dma_wait3A_596 : memref<10240x16xf32, #tpu.memory_space<vmem_shared>>)
    } else {
    }
    %eq3A_12 = arith.constant 1 : i32
    %eq3A_13 = arith.cmpi eq, %arg0, %eq3A_12 : i32
    %convert_element_type3A_14 = arith.extui %eq3A_13 : i1 to i32
    %cond3A_15 = arith.constant 0 : i32
    %cond3A_16 = arith.cmpi ne, %convert_element_type3A_14, %cond3A_15 : i32
    scf.if %cond3A_16 {
      %mul3A_21 = arith.constant 4 : i32
      %mul3A_22 = arith.muli %arg1, %mul3A_21 : i32
      %add3A = arith.constant 192 : i32
      %add3A_23 = arith.addi %add3A, %mul3A_22 : i32
      "tpu.region"() ({
        %run_scoped3A = tpu.sem_alloc : memref<!tpu.dma_semaphore, #tpu.memory_space<semaphore_mem>>
        %dma_start3A_214 = arith.constant 0 : i32
        %dma_start3A_215 = arith.constant 0 : i32
        %dma_start3A_216 = tpu.memref_slice %arg6[%dma_start3A_214, %dma_start3A_215] : memref<12x1280xi32, #tpu.memory_space<vmem>> -> memref<4x1280xi32, #tpu.memory_space<vmem>>
        %dma_start3A_217 = arith.constant 0 : i32
        %dma_start3A_218 = tpu.memref_slice %arg2[%add3A_23, %dma_start3A_217] : memref<256x1280xi32, #tpu.memory_space<hbm>> -> memref<4x1280xi32, #tpu.memory_space<hbm>>
        %dma_start3A_219 = arith.constant 0 : i32
        %dma_start3A_220 = arith.constant 0 : i32
        %dma_start3A_221 = tpu.memref_slice %arg6[%dma_start3A_219, %dma_start3A_220] : memref<12x1280xi32, #tpu.memory_space<vmem>> -> memref<4x1280xi32, #tpu.memory_space<vmem>>
        %dma_start3A_222 = arith.constant 0 : i32
        %dma_start3A_223 = tpu.memref_slice %arg2[%add3A_23, %dma_start3A_222] : memref<256x1280xi32, #tpu.memory_space<hbm>> -> memref<4x1280xi32, #tpu.memory_space<hbm>>
        tpu.enqueue_dma source(%dma_start3A_223 : memref<4x1280xi32, #tpu.memory_space<hbm>>) target(%dma_start3A_221 : memref<4x1280xi32, #tpu.memory_space<vmem>>) target_semaphore(%run_scoped3A : memref<!tpu.dma_semaphore, #tpu.memory_space<semaphore_mem>>)
        %dma_wait3A_224 = arith.constant 0 : i32
        %dma_wait3A_225 = arith.constant 0 : i32
        %dma_wait3A_226 = tpu.memref_slice %arg6[%dma_wait3A_224, %dma_wait3A_225] : memref<12x1280xi32, #tpu.memory_space<vmem>> -> memref<4x1280xi32, #tpu.memory_space<vmem>>
        %dma_wait3A_227 = arith.constant 0 : i32
        %dma_wait3A_228 = tpu.memref_slice %arg2[%add3A_23, %dma_wait3A_227] : memref<256x1280xi32, #tpu.memory_space<hbm>> -> memref<4x1280xi32, #tpu.memory_space<hbm>>
        %dma_wait3A_229 = arith.constant 0 : i32
        %dma_wait3A_230 = arith.constant 0 : i32
        %dma_wait3A_231 = tpu.memref_slice %arg6[%dma_wait3A_229, %dma_wait3A_230] : memref<12x1280xi32, #tpu.memory_space<vmem>> -> memref<4x1280xi32, #tpu.memory_space<vmem>>
        %dma_wait3A_232 = arith.constant 0 : i32
        %dma_wait3A_233 = tpu.memref_slice %arg2[%add3A_23, %dma_wait3A_232] : memref<256x1280xi32, #tpu.memory_space<hbm>> -> memref<4x1280xi32, #tpu.memory_space<hbm>>
        tpu.wait_dma2 semaphore(%run_scoped3A : memref<!tpu.dma_semaphore, #tpu.memory_space<semaphore_mem>>) src(%dma_wait3A_233 : memref<4x1280xi32, #tpu.memory_space<hbm>>) dst(%dma_wait3A_231 : memref<4x1280xi32, #tpu.memory_space<vmem>>)
        tpu.yield
      }) : () -> ()
      "tpu.region"() ({
        %run_scoped3A = tpu.sem_alloc : memref<!tpu.dma_semaphore, #tpu.memory_space<semaphore_mem>>
        %dma_start3A_214 = arith.constant 0 : i32
        %dma_start3A_215 = arith.constant 0 : i32
        %dma_start3A_216 = tpu.memref_slice %arg7[%dma_start3A_214, %dma_start3A_215] : memref<12x1280xi32, #tpu.memory_space<vmem>> -> memref<4x1280xi32, #tpu.memory_space<vmem>>
        %dma_start3A_217 = arith.constant 0 : i32
        %dma_start3A_218 = tpu.memref_slice %arg3[%add3A_23, %dma_start3A_217] : memref<256x1280xi32, #tpu.memory_space<hbm>> -> memref<4x1280xi32, #tpu.memory_space<hbm>>
        %dma_start3A_219 = arith.constant 0 : i32
        %dma_start3A_220 = arith.constant 0 : i32
        %dma_start3A_221 = tpu.memref_slice %arg7[%dma_start3A_219, %dma_start3A_220] : memref<12x1280xi32, #tpu.memory_space<vmem>> -> memref<4x1280xi32, #tpu.memory_space<vmem>>
        %dma_start3A_222 = arith.constant 0 : i32
        %dma_start3A_223 = tpu.memref_slice %arg3[%add3A_23, %dma_start3A_222] : memref<256x1280xi32, #tpu.memory_space<hbm>> -> memref<4x1280xi32, #tpu.memory_space<hbm>>
        tpu.enqueue_dma source(%dma_start3A_223 : memref<4x1280xi32, #tpu.memory_space<hbm>>) target(%dma_start3A_221 : memref<4x1280xi32, #tpu.memory_space<vmem>>) target_semaphore(%run_scoped3A : memref<!tpu.dma_semaphore, #tpu.memory_space<semaphore_mem>>)
        %dma_wait3A_224 = arith.constant 0 : i32
        %dma_wait3A_225 = arith.constant 0 : i32
        %dma_wait3A_226 = tpu.memref_slice %arg7[%dma_wait3A_224, %dma_wait3A_225] : memref<12x1280xi32, #tpu.memory_space<vmem>> -> memref<4x1280xi32, #tpu.memory_space<vmem>>
        %dma_wait3A_227 = arith.constant 0 : i32
        %dma_wait3A_228 = tpu.memref_slice %arg3[%add3A_23, %dma_wait3A_227] : memref<256x1280xi32, #tpu.memory_space<hbm>> -> memref<4x1280xi32, #tpu.memory_space<hbm>>
        %dma_wait3A_229 = arith.constant 0 : i32
        %dma_wait3A_230 = arith.constant 0 : i32
        %dma_wait3A_231 = tpu.memref_slice %arg7[%dma_wait3A_229, %dma_wait3A_230] : memref<12x1280xi32, #tpu.memory_space<vmem>> -> memref<4x1280xi32, #tpu.memory_space<vmem>>
        %dma_wait3A_232 = arith.constant 0 : i32
        %dma_wait3A_233 = tpu.memref_slice %arg3[%add3A_23, %dma_wait3A_232] : memref<256x1280xi32, #tpu.memory_space<hbm>> -> memref<4x1280xi32, #tpu.memory_space<hbm>>
        tpu.wait_dma2 semaphore(%run_scoped3A : memref<!tpu.dma_semaphore, #tpu.memory_space<semaphore_mem>>) src(%dma_wait3A_233 : memref<4x1280xi32, #tpu.memory_space<hbm>>) dst(%dma_wait3A_231 : memref<4x1280xi32, #tpu.memory_space<vmem>>)
        tpu.yield
      }) : () -> ()
      %dma_start3A = arith.constant 0 : i32
      %dma_start3A_24 = arith.constant 0 : i32
      %dma_start3A_25 = arith.constant 0 : i32
      %dma_start3A_26 = arith.constant 0 : i32
      %dma_start3A_27 = tpu.memref_slice %arg8[%dma_start3A_24, %dma_start3A_25, %dma_start3A_26] : memref<4x1280x16xf32, #tpu.memory_space<vmem>> -> memref<1x1280x16xf32, #tpu.memory_space<vmem>>
      %dma_start3A_28 = tpu.memref_squeeze %dma_start3A_27 : memref<1x1280x16xf32, #tpu.memory_space<vmem>> -> memref<1280x16xf32, #tpu.memory_space<vmem>>
      %dma_start3A_29 = arith.constant 0 : i32
      %dma_start3A_30 = tpu.memref_slice %arg6[%dma_start3A, %dma_start3A_29] : memref<12x1280xi32, #tpu.memory_space<vmem>> -> memref<1x1280xi32, #tpu.memory_space<vmem>>
      %dma_start3A_31 = tpu.memref_squeeze %dma_start3A_30 : memref<1x1280xi32, #tpu.memory_space<vmem>> -> memref<1280xi32, #tpu.memory_space<vmem>>
      %dma_start3A_32 = arith.constant 0 : i32
      %dma_start3A_33 = arith.constant 0 : i32
      %dma_start3A_34 = tpu.memref_slice %arg4[%dma_start3A_32, %dma_start3A_33] : memref<10000x16xf32, #tpu.memory_space<hbm>> -> memref<10000x16xf32, #tpu.memory_space<hbm>>
      tpu.enqueue_indirect_dma source(%dma_start3A_34 : memref<10000x16xf32, #tpu.memory_space<hbm>>) target(%dma_start3A_28 : memref<1280x16xf32, #tpu.memory_space<vmem>>) offsets(%dma_start3A_31 : memref<1280xi32, #tpu.memory_space<vmem>>) semaphore(%arg11 : memref<!tpu.dma_semaphore, #tpu.memory_space<semaphore_mem>>)
      %dma_start3A_35 = arith.constant 1 : i32
      %dma_start3A_36 = arith.constant 1 : i32
      %dma_start3A_37 = arith.constant 0 : i32
      %dma_start3A_38 = arith.constant 0 : i32
      %dma_start3A_39 = tpu.memref_slice %arg8[%dma_start3A_36, %dma_start3A_37, %dma_start3A_38] : memref<4x1280x16xf32, #tpu.memory_space<vmem>> -> memref<1x1280x16xf32, #tpu.memory_space<vmem>>
      %dma_start3A_40 = tpu.memref_squeeze %dma_start3A_39 : memref<1x1280x16xf32, #tpu.memory_space<vmem>> -> memref<1280x16xf32, #tpu.memory_space<vmem>>
      %dma_start3A_41 = arith.constant 0 : i32
      %dma_start3A_42 = tpu.memref_slice %arg6[%dma_start3A_35, %dma_start3A_41] : memref<12x1280xi32, #tpu.memory_space<vmem>> -> memref<1x1280xi32, #tpu.memory_space<vmem>>
      %dma_start3A_43 = tpu.memref_squeeze %dma_start3A_42 : memref<1x1280xi32, #tpu.memory_space<vmem>> -> memref<1280xi32, #tpu.memory_space<vmem>>
      %dma_start3A_44 = arith.constant 0 : i32
      %dma_start3A_45 = arith.constant 0 : i32
      %dma_start3A_46 = tpu.memref_slice %arg4[%dma_start3A_44, %dma_start3A_45] : memref<10000x16xf32, #tpu.memory_space<hbm>> -> memref<10000x16xf32, #tpu.memory_space<hbm>>
      tpu.enqueue_indirect_dma source(%dma_start3A_46 : memref<10000x16xf32, #tpu.memory_space<hbm>>) target(%dma_start3A_40 : memref<1280x16xf32, #tpu.memory_space<vmem>>) offsets(%dma_start3A_43 : memref<1280xi32, #tpu.memory_space<vmem>>) semaphore(%arg12 : memref<!tpu.dma_semaphore, #tpu.memory_space<semaphore_mem>>)
      %dma_start3A_47 = arith.constant 2 : i32
      %dma_start3A_48 = arith.constant 2 : i32
      %dma_start3A_49 = arith.constant 0 : i32
      %dma_start3A_50 = arith.constant 0 : i32
      %dma_start3A_51 = tpu.memref_slice %arg8[%dma_start3A_48, %dma_start3A_49, %dma_start3A_50] : memref<4x1280x16xf32, #tpu.memory_space<vmem>> -> memref<1x1280x16xf32, #tpu.memory_space<vmem>>
      %dma_start3A_52 = tpu.memref_squeeze %dma_start3A_51 : memref<1x1280x16xf32, #tpu.memory_space<vmem>> -> memref<1280x16xf32, #tpu.memory_space<vmem>>
      %dma_start3A_53 = arith.constant 0 : i32
      %dma_start3A_54 = tpu.memref_slice %arg6[%dma_start3A_47, %dma_start3A_53] : memref<12x1280xi32, #tpu.memory_space<vmem>> -> memref<1x1280xi32, #tpu.memory_space<vmem>>
      %dma_start3A_55 = tpu.memref_squeeze %dma_start3A_54 : memref<1x1280xi32, #tpu.memory_space<vmem>> -> memref<1280xi32, #tpu.memory_space<vmem>>
      %dma_start3A_56 = arith.constant 0 : i32
      %dma_start3A_57 = arith.constant 0 : i32
      %dma_start3A_58 = tpu.memref_slice %arg4[%dma_start3A_56, %dma_start3A_57] : memref<10000x16xf32, #tpu.memory_space<hbm>> -> memref<10000x16xf32, #tpu.memory_space<hbm>>
      tpu.enqueue_indirect_dma source(%dma_start3A_58 : memref<10000x16xf32, #tpu.memory_space<hbm>>) target(%dma_start3A_52 : memref<1280x16xf32, #tpu.memory_space<vmem>>) offsets(%dma_start3A_55 : memref<1280xi32, #tpu.memory_space<vmem>>) semaphore(%arg13 : memref<!tpu.dma_semaphore, #tpu.memory_space<semaphore_mem>>)
      %dma_wait3A = arith.constant 0 : i32
      %dma_wait3A_59 = arith.constant 0 : i32
      %dma_wait3A_60 = arith.constant 0 : i32
      %dma_wait3A_61 = arith.constant 0 : i32
      %dma_wait3A_62 = tpu.memref_slice %arg8[%dma_wait3A_59, %dma_wait3A_60, %dma_wait3A_61] : memref<4x1280x16xf32, #tpu.memory_space<vmem>> -> memref<1x1280x16xf32, #tpu.memory_space<vmem>>
      %dma_wait3A_63 = tpu.memref_squeeze %dma_wait3A_62 : memref<1x1280x16xf32, #tpu.memory_space<vmem>> -> memref<1280x16xf32, #tpu.memory_space<vmem>>
      %dma_wait3A_64 = arith.constant 0 : i32
      %dma_wait3A_65 = tpu.memref_slice %arg6[%dma_wait3A, %dma_wait3A_64] : memref<12x1280xi32, #tpu.memory_space<vmem>> -> memref<1x1280xi32, #tpu.memory_space<vmem>>
      %dma_wait3A_66 = tpu.memref_squeeze %dma_wait3A_65 : memref<1x1280xi32, #tpu.memory_space<vmem>> -> memref<1280xi32, #tpu.memory_space<vmem>>
      %dma_wait3A_67 = arith.constant 0 : i32
      %dma_wait3A_68 = arith.constant 0 : i32
      %dma_wait3A_69 = tpu.memref_slice %arg4[%dma_wait3A_67, %dma_wait3A_68] : memref<10000x16xf32, #tpu.memory_space<hbm>> -> memref<10000x16xf32, #tpu.memory_space<hbm>>
      tpu.wait_indirect_dma semaphore(%arg11 : memref<!tpu.dma_semaphore, #tpu.memory_space<semaphore_mem>>) src(%dma_wait3A_69 : memref<10000x16xf32, #tpu.memory_space<hbm>>) dst(%dma_wait3A_63 : memref<1280x16xf32, #tpu.memory_space<vmem>>)
      %dma_start3A_70 = arith.constant 3 : i32
      %dma_start3A_71 = arith.constant 3 : i32
      %dma_start3A_72 = arith.constant 0 : i32
      %dma_start3A_73 = arith.constant 0 : i32
      %dma_start3A_74 = tpu.memref_slice %arg8[%dma_start3A_71, %dma_start3A_72, %dma_start3A_73] : memref<4x1280x16xf32, #tpu.memory_space<vmem>> -> memref<1x1280x16xf32, #tpu.memory_space<vmem>>
      %dma_start3A_75 = tpu.memref_squeeze %dma_start3A_74 : memref<1x1280x16xf32, #tpu.memory_space<vmem>> -> memref<1280x16xf32, #tpu.memory_space<vmem>>
      %dma_start3A_76 = arith.constant 0 : i32
      %dma_start3A_77 = tpu.memref_slice %arg6[%dma_start3A_70, %dma_start3A_76] : memref<12x1280xi32, #tpu.memory_space<vmem>> -> memref<1x1280xi32, #tpu.memory_space<vmem>>
      %dma_start3A_78 = tpu.memref_squeeze %dma_start3A_77 : memref<1x1280xi32, #tpu.memory_space<vmem>> -> memref<1280xi32, #tpu.memory_space<vmem>>
      %dma_start3A_79 = arith.constant 0 : i32
      %dma_start3A_80 = arith.constant 0 : i32
      %dma_start3A_81 = tpu.memref_slice %arg4[%dma_start3A_79, %dma_start3A_80] : memref<10000x16xf32, #tpu.memory_space<hbm>> -> memref<10000x16xf32, #tpu.memory_space<hbm>>
      tpu.enqueue_indirect_dma source(%dma_start3A_81 : memref<10000x16xf32, #tpu.memory_space<hbm>>) target(%dma_start3A_75 : memref<1280x16xf32, #tpu.memory_space<vmem>>) offsets(%dma_start3A_78 : memref<1280xi32, #tpu.memory_space<vmem>>) semaphore(%arg14 : memref<!tpu.dma_semaphore, #tpu.memory_space<semaphore_mem>>)
      %dma_start3A_82 = arith.constant 0 : i32
      %dma_start3A_83 = arith.constant 0 : i32
      %dma_start3A_84 = arith.constant 0 : i32
      %dma_start3A_85 = arith.constant 0 : i32
      %dma_start3A_86 = tpu.memref_slice %arg8[%dma_start3A_82, %dma_start3A_84, %dma_start3A_85] : memref<4x1280x16xf32, #tpu.memory_space<vmem>> -> memref<1x1280x16xf32, #tpu.memory_space<vmem>>
      %dma_start3A_87 = tpu.memref_squeeze %dma_start3A_86 : memref<1x1280x16xf32, #tpu.memory_space<vmem>> -> memref<1280x16xf32, #tpu.memory_space<vmem>>
      %dma_start3A_88 = arith.constant 0 : i32
      %dma_start3A_89 = tpu.memref_slice %arg7[%dma_start3A_83, %dma_start3A_88] : memref<12x1280xi32, #tpu.memory_space<vmem>> -> memref<1x1280xi32, #tpu.memory_space<vmem>>
      %dma_start3A_90 = tpu.memref_squeeze %dma_start3A_89 : memref<1x1280xi32, #tpu.memory_space<vmem>> -> memref<1280xi32, #tpu.memory_space<vmem>>
      %dma_start3A_91 = arith.constant 0 : i32
      %dma_start3A_92 = arith.constant 0 : i32
      %dma_start3A_93 = tpu.memref_slice %arg10[%dma_start3A_91, %dma_start3A_92] : memref<10240x16xf32, #tpu.memory_space<vmem_shared>> -> memref<10240x16xf32, #tpu.memory_space<vmem_shared>>
      tpu.enqueue_indirect_dma source(%dma_start3A_87 : memref<1280x16xf32, #tpu.memory_space<vmem>>) target(%dma_start3A_93 : memref<10240x16xf32, #tpu.memory_space<vmem_shared>>) offsets(%dma_start3A_90 : memref<1280xi32, #tpu.memory_space<vmem>>) semaphore(%arg15 : memref<!tpu.dma_semaphore, #tpu.memory_space<semaphore_mem>>) {add = true}
      %dma_wait3A_94 = arith.constant 1 : i32
      %dma_wait3A_95 = arith.constant 1 : i32
      %dma_wait3A_96 = arith.constant 0 : i32
      %dma_wait3A_97 = arith.constant 0 : i32
      %dma_wait3A_98 = tpu.memref_slice %arg8[%dma_wait3A_95, %dma_wait3A_96, %dma_wait3A_97] : memref<4x1280x16xf32, #tpu.memory_space<vmem>> -> memref<1x1280x16xf32, #tpu.memory_space<vmem>>
      %dma_wait3A_99 = tpu.memref_squeeze %dma_wait3A_98 : memref<1x1280x16xf32, #tpu.memory_space<vmem>> -> memref<1280x16xf32, #tpu.memory_space<vmem>>
      %dma_wait3A_100 = arith.constant 0 : i32
      %dma_wait3A_101 = tpu.memref_slice %arg6[%dma_wait3A_94, %dma_wait3A_100] : memref<12x1280xi32, #tpu.memory_space<vmem>> -> memref<1x1280xi32, #tpu.memory_space<vmem>>
      %dma_wait3A_102 = tpu.memref_squeeze %dma_wait3A_101 : memref<1x1280xi32, #tpu.memory_space<vmem>> -> memref<1280xi32, #tpu.memory_space<vmem>>
      %dma_wait3A_103 = arith.constant 0 : i32
      %dma_wait3A_104 = arith.constant 0 : i32
      %dma_wait3A_105 = tpu.memref_slice %arg4[%dma_wait3A_103, %dma_wait3A_104] : memref<10000x16xf32, #tpu.memory_space<hbm>> -> memref<10000x16xf32, #tpu.memory_space<hbm>>
      tpu.wait_indirect_dma semaphore(%arg12 : memref<!tpu.dma_semaphore, #tpu.memory_space<semaphore_mem>>) src(%dma_wait3A_105 : memref<10000x16xf32, #tpu.memory_space<hbm>>) dst(%dma_wait3A_99 : memref<1280x16xf32, #tpu.memory_space<vmem>>)
      %dma_start3A_106 = arith.constant 1 : i32
      %dma_start3A_107 = arith.constant 1 : i32
      %dma_start3A_108 = arith.constant 0 : i32
      %dma_start3A_109 = arith.constant 0 : i32
      %dma_start3A_110 = tpu.memref_slice %arg8[%dma_start3A_106, %dma_start3A_108, %dma_start3A_109] : memref<4x1280x16xf32, #tpu.memory_space<vmem>> -> memref<1x1280x16xf32, #tpu.memory_space<vmem>>
      %dma_start3A_111 = tpu.memref_squeeze %dma_start3A_110 : memref<1x1280x16xf32, #tpu.memory_space<vmem>> -> memref<1280x16xf32, #tpu.memory_space<vmem>>
      %dma_start3A_112 = arith.constant 0 : i32
      %dma_start3A_113 = tpu.memref_slice %arg7[%dma_start3A_107, %dma_start3A_112] : memref<12x1280xi32, #tpu.memory_space<vmem>> -> memref<1x1280xi32, #tpu.memory_space<vmem>>
      %dma_start3A_114 = tpu.memref_squeeze %dma_start3A_113 : memref<1x1280xi32, #tpu.memory_space<vmem>> -> memref<1280xi32, #tpu.memory_space<vmem>>
      %dma_start3A_115 = arith.constant 0 : i32
      %dma_start3A_116 = arith.constant 0 : i32
      %dma_start3A_117 = tpu.memref_slice %arg10[%dma_start3A_115, %dma_start3A_116] : memref<10240x16xf32, #tpu.memory_space<vmem_shared>> -> memref<10240x16xf32, #tpu.memory_space<vmem_shared>>
      tpu.enqueue_indirect_dma source(%dma_start3A_111 : memref<1280x16xf32, #tpu.memory_space<vmem>>) target(%dma_start3A_117 : memref<10240x16xf32, #tpu.memory_space<vmem_shared>>) offsets(%dma_start3A_114 : memref<1280xi32, #tpu.memory_space<vmem>>) semaphore(%arg16 : memref<!tpu.dma_semaphore, #tpu.memory_space<semaphore_mem>>) {add = true}
      %dma_wait3A_118 = arith.constant 2 : i32
      %dma_wait3A_119 = arith.constant 2 : i32
      %dma_wait3A_120 = arith.constant 0 : i32
      %dma_wait3A_121 = arith.constant 0 : i32
      %dma_wait3A_122 = tpu.memref_slice %arg8[%dma_wait3A_119, %dma_wait3A_120, %dma_wait3A_121] : memref<4x1280x16xf32, #tpu.memory_space<vmem>> -> memref<1x1280x16xf32, #tpu.memory_space<vmem>>
      %dma_wait3A_123 = tpu.memref_squeeze %dma_wait3A_122 : memref<1x1280x16xf32, #tpu.memory_space<vmem>> -> memref<1280x16xf32, #tpu.memory_space<vmem>>
      %dma_wait3A_124 = arith.constant 0 : i32
      %dma_wait3A_125 = tpu.memref_slice %arg6[%dma_wait3A_118, %dma_wait3A_124] : memref<12x1280xi32, #tpu.memory_space<vmem>> -> memref<1x1280xi32, #tpu.memory_space<vmem>>
      %dma_wait3A_126 = tpu.memref_squeeze %dma_wait3A_125 : memref<1x1280xi32, #tpu.memory_space<vmem>> -> memref<1280xi32, #tpu.memory_space<vmem>>
      %dma_wait3A_127 = arith.constant 0 : i32
      %dma_wait3A_128 = arith.constant 0 : i32
      %dma_wait3A_129 = tpu.memref_slice %arg4[%dma_wait3A_127, %dma_wait3A_128] : memref<10000x16xf32, #tpu.memory_space<hbm>> -> memref<10000x16xf32, #tpu.memory_space<hbm>>
      tpu.wait_indirect_dma semaphore(%arg13 : memref<!tpu.dma_semaphore, #tpu.memory_space<semaphore_mem>>) src(%dma_wait3A_129 : memref<10000x16xf32, #tpu.memory_space<hbm>>) dst(%dma_wait3A_123 : memref<1280x16xf32, #tpu.memory_space<vmem>>)
      %dma_start3A_130 = arith.constant 2 : i32
      %dma_start3A_131 = arith.constant 2 : i32
      %dma_start3A_132 = arith.constant 0 : i32
      %dma_start3A_133 = arith.constant 0 : i32
      %dma_start3A_134 = tpu.memref_slice %arg8[%dma_start3A_130, %dma_start3A_132, %dma_start3A_133] : memref<4x1280x16xf32, #tpu.memory_space<vmem>> -> memref<1x1280x16xf32, #tpu.memory_space<vmem>>
      %dma_start3A_135 = tpu.memref_squeeze %dma_start3A_134 : memref<1x1280x16xf32, #tpu.memory_space<vmem>> -> memref<1280x16xf32, #tpu.memory_space<vmem>>
      %dma_start3A_136 = arith.constant 0 : i32
      %dma_start3A_137 = tpu.memref_slice %arg7[%dma_start3A_131, %dma_start3A_136] : memref<12x1280xi32, #tpu.memory_space<vmem>> -> memref<1x1280xi32, #tpu.memory_space<vmem>>
      %dma_start3A_138 = tpu.memref_squeeze %dma_start3A_137 : memref<1x1280xi32, #tpu.memory_space<vmem>> -> memref<1280xi32, #tpu.memory_space<vmem>>
      %dma_start3A_139 = arith.constant 0 : i32
      %dma_start3A_140 = arith.constant 0 : i32
      %dma_start3A_141 = tpu.memref_slice %arg10[%dma_start3A_139, %dma_start3A_140] : memref<10240x16xf32, #tpu.memory_space<vmem_shared>> -> memref<10240x16xf32, #tpu.memory_space<vmem_shared>>
      tpu.enqueue_indirect_dma source(%dma_start3A_135 : memref<1280x16xf32, #tpu.memory_space<vmem>>) target(%dma_start3A_141 : memref<10240x16xf32, #tpu.memory_space<vmem_shared>>) offsets(%dma_start3A_138 : memref<1280xi32, #tpu.memory_space<vmem>>) semaphore(%arg17 : memref<!tpu.dma_semaphore, #tpu.memory_space<semaphore_mem>>) {add = true}
      %dma_wait3A_142 = arith.constant 3 : i32
      %dma_wait3A_143 = arith.constant 3 : i32
      %dma_wait3A_144 = arith.constant 0 : i32
      %dma_wait3A_145 = arith.constant 0 : i32
      %dma_wait3A_146 = tpu.memref_slice %arg8[%dma_wait3A_143, %dma_wait3A_144, %dma_wait3A_145] : memref<4x1280x16xf32, #tpu.memory_space<vmem>> -> memref<1x1280x16xf32, #tpu.memory_space<vmem>>
      %dma_wait3A_147 = tpu.memref_squeeze %dma_wait3A_146 : memref<1x1280x16xf32, #tpu.memory_space<vmem>> -> memref<1280x16xf32, #tpu.memory_space<vmem>>
      %dma_wait3A_148 = arith.constant 0 : i32
      %dma_wait3A_149 = tpu.memref_slice %arg6[%dma_wait3A_142, %dma_wait3A_148] : memref<12x1280xi32, #tpu.memory_space<vmem>> -> memref<1x1280xi32, #tpu.memory_space<vmem>>
      %dma_wait3A_150 = tpu.memref_squeeze %dma_wait3A_149 : memref<1x1280xi32, #tpu.memory_space<vmem>> -> memref<1280xi32, #tpu.memory_space<vmem>>
      %dma_wait3A_151 = arith.constant 0 : i32
      %dma_wait3A_152 = arith.constant 0 : i32
      %dma_wait3A_153 = tpu.memref_slice %arg4[%dma_wait3A_151, %dma_wait3A_152] : memref<10000x16xf32, #tpu.memory_space<hbm>> -> memref<10000x16xf32, #tpu.memory_space<hbm>>
      tpu.wait_indirect_dma semaphore(%arg14 : memref<!tpu.dma_semaphore, #tpu.memory_space<semaphore_mem>>) src(%dma_wait3A_153 : memref<10000x16xf32, #tpu.memory_space<hbm>>) dst(%dma_wait3A_147 : memref<1280x16xf32, #tpu.memory_space<vmem>>)
      %dma_start3A_154 = arith.constant 3 : i32
      %dma_start3A_155 = arith.constant 3 : i32
      %dma_start3A_156 = arith.constant 0 : i32
      %dma_start3A_157 = arith.constant 0 : i32
      %dma_start3A_158 = tpu.memref_slice %arg8[%dma_start3A_154, %dma_start3A_156, %dma_start3A_157] : memref<4x1280x16xf32, #tpu.memory_space<vmem>> -> memref<1x1280x16xf32, #tpu.memory_space<vmem>>
      %dma_start3A_159 = tpu.memref_squeeze %dma_start3A_158 : memref<1x1280x16xf32, #tpu.memory_space<vmem>> -> memref<1280x16xf32, #tpu.memory_space<vmem>>
      %dma_start3A_160 = arith.constant 0 : i32
      %dma_start3A_161 = tpu.memref_slice %arg7[%dma_start3A_155, %dma_start3A_160] : memref<12x1280xi32, #tpu.memory_space<vmem>> -> memref<1x1280xi32, #tpu.memory_space<vmem>>
      %dma_start3A_162 = tpu.memref_squeeze %dma_start3A_161 : memref<1x1280xi32, #tpu.memory_space<vmem>> -> memref<1280xi32, #tpu.memory_space<vmem>>
      %dma_start3A_163 = arith.constant 0 : i32
      %dma_start3A_164 = arith.constant 0 : i32
      %dma_start3A_165 = tpu.memref_slice %arg10[%dma_start3A_163, %dma_start3A_164] : memref<10240x16xf32, #tpu.memory_space<vmem_shared>> -> memref<10240x16xf32, #tpu.memory_space<vmem_shared>>
      tpu.enqueue_indirect_dma source(%dma_start3A_159 : memref<1280x16xf32, #tpu.memory_space<vmem>>) target(%dma_start3A_165 : memref<10240x16xf32, #tpu.memory_space<vmem_shared>>) offsets(%dma_start3A_162 : memref<1280xi32, #tpu.memory_space<vmem>>) semaphore(%arg18 : memref<!tpu.dma_semaphore, #tpu.memory_space<semaphore_mem>>) {add = true}
      %dma_wait3A_166 = arith.constant 0 : i32
      %dma_wait3A_167 = arith.constant 0 : i32
      %dma_wait3A_168 = arith.constant 0 : i32
      %dma_wait3A_169 = arith.constant 0 : i32
      %dma_wait3A_170 = tpu.memref_slice %arg8[%dma_wait3A_166, %dma_wait3A_168, %dma_wait3A_169] : memref<4x1280x16xf32, #tpu.memory_space<vmem>> -> memref<1x1280x16xf32, #tpu.memory_space<vmem>>
      %dma_wait3A_171 = tpu.memref_squeeze %dma_wait3A_170 : memref<1x1280x16xf32, #tpu.memory_space<vmem>> -> memref<1280x16xf32, #tpu.memory_space<vmem>>
      %dma_wait3A_172 = arith.constant 0 : i32
      %dma_wait3A_173 = tpu.memref_slice %arg7[%dma_wait3A_167, %dma_wait3A_172] : memref<12x1280xi32, #tpu.memory_space<vmem>> -> memref<1x1280xi32, #tpu.memory_space<vmem>>
      %dma_wait3A_174 = tpu.memref_squeeze %dma_wait3A_173 : memref<1x1280xi32, #tpu.memory_space<vmem>> -> memref<1280xi32, #tpu.memory_space<vmem>>
      %dma_wait3A_175 = arith.constant 0 : i32
      %dma_wait3A_176 = arith.constant 0 : i32
      %dma_wait3A_177 = tpu.memref_slice %arg10[%dma_wait3A_175, %dma_wait3A_176] : memref<10240x16xf32, #tpu.memory_space<vmem_shared>> -> memref<10240x16xf32, #tpu.memory_space<vmem_shared>>
      tpu.wait_indirect_dma semaphore(%arg15 : memref<!tpu.dma_semaphore, #tpu.memory_space<semaphore_mem>>) src(%dma_wait3A_171 : memref<1280x16xf32, #tpu.memory_space<vmem>>) dst(%dma_wait3A_177 : memref<10240x16xf32, #tpu.memory_space<vmem_shared>>)
      %dma_wait3A_178 = arith.constant 1 : i32
      %dma_wait3A_179 = arith.constant 1 : i32
      %dma_wait3A_180 = arith.constant 0 : i32
      %dma_wait3A_181 = arith.constant 0 : i32
      %dma_wait3A_182 = tpu.memref_slice %arg8[%dma_wait3A_178, %dma_wait3A_180, %dma_wait3A_181] : memref<4x1280x16xf32, #tpu.memory_space<vmem>> -> memref<1x1280x16xf32, #tpu.memory_space<vmem>>
      %dma_wait3A_183 = tpu.memref_squeeze %dma_wait3A_182 : memref<1x1280x16xf32, #tpu.memory_space<vmem>> -> memref<1280x16xf32, #tpu.memory_space<vmem>>
      %dma_wait3A_184 = arith.constant 0 : i32
      %dma_wait3A_185 = tpu.memref_slice %arg7[%dma_wait3A_179, %dma_wait3A_184] : memref<12x1280xi32, #tpu.memory_space<vmem>> -> memref<1x1280xi32, #tpu.memory_space<vmem>>
      %dma_wait3A_186 = tpu.memref_squeeze %dma_wait3A_185 : memref<1x1280xi32, #tpu.memory_space<vmem>> -> memref<1280xi32, #tpu.memory_space<vmem>>
      %dma_wait3A_187 = arith.constant 0 : i32
      %dma_wait3A_188 = arith.constant 0 : i32
      %dma_wait3A_189 = tpu.memref_slice %arg10[%dma_wait3A_187, %dma_wait3A_188] : memref<10240x16xf32, #tpu.memory_space<vmem_shared>> -> memref<10240x16xf32, #tpu.memory_space<vmem_shared>>
      tpu.wait_indirect_dma semaphore(%arg16 : memref<!tpu.dma_semaphore, #tpu.memory_space<semaphore_mem>>) src(%dma_wait3A_183 : memref<1280x16xf32, #tpu.memory_space<vmem>>) dst(%dma_wait3A_189 : memref<10240x16xf32, #tpu.memory_space<vmem_shared>>)
      %dma_wait3A_190 = arith.constant 2 : i32
      %dma_wait3A_191 = arith.constant 2 : i32
      %dma_wait3A_192 = arith.constant 0 : i32
      %dma_wait3A_193 = arith.constant 0 : i32
      %dma_wait3A_194 = tpu.memref_slice %arg8[%dma_wait3A_190, %dma_wait3A_192, %dma_wait3A_193] : memref<4x1280x16xf32, #tpu.memory_space<vmem>> -> memref<1x1280x16xf32, #tpu.memory_space<vmem>>
      %dma_wait3A_195 = tpu.memref_squeeze %dma_wait3A_194 : memref<1x1280x16xf32, #tpu.memory_space<vmem>> -> memref<1280x16xf32, #tpu.memory_space<vmem>>
      %dma_wait3A_196 = arith.constant 0 : i32
      %dma_wait3A_197 = tpu.memref_slice %arg7[%dma_wait3A_191, %dma_wait3A_196] : memref<12x1280xi32, #tpu.memory_space<vmem>> -> memref<1x1280xi32, #tpu.memory_space<vmem>>
      %dma_wait3A_198 = tpu.memref_squeeze %dma_wait3A_197 : memref<1x1280xi32, #tpu.memory_space<vmem>> -> memref<1280xi32, #tpu.memory_space<vmem>>
      %dma_wait3A_199 = arith.constant 0 : i32
      %dma_wait3A_200 = arith.constant 0 : i32
      %dma_wait3A_201 = tpu.memref_slice %arg10[%dma_wait3A_199, %dma_wait3A_200] : memref<10240x16xf32, #tpu.memory_space<vmem_shared>> -> memref<10240x16xf32, #tpu.memory_space<vmem_shared>>
      tpu.wait_indirect_dma semaphore(%arg17 : memref<!tpu.dma_semaphore, #tpu.memory_space<semaphore_mem>>) src(%dma_wait3A_195 : memref<1280x16xf32, #tpu.memory_space<vmem>>) dst(%dma_wait3A_201 : memref<10240x16xf32, #tpu.memory_space<vmem_shared>>)
      %dma_wait3A_202 = arith.constant 3 : i32
      %dma_wait3A_203 = arith.constant 3 : i32
      %dma_wait3A_204 = arith.constant 0 : i32
      %dma_wait3A_205 = arith.constant 0 : i32
      %dma_wait3A_206 = tpu.memref_slice %arg8[%dma_wait3A_202, %dma_wait3A_204, %dma_wait3A_205] : memref<4x1280x16xf32, #tpu.memory_space<vmem>> -> memref<1x1280x16xf32, #tpu.memory_space<vmem>>
      %dma_wait3A_207 = tpu.memref_squeeze %dma_wait3A_206 : memref<1x1280x16xf32, #tpu.memory_space<vmem>> -> memref<1280x16xf32, #tpu.memory_space<vmem>>
      %dma_wait3A_208 = arith.constant 0 : i32
      %dma_wait3A_209 = tpu.memref_slice %arg7[%dma_wait3A_203, %dma_wait3A_208] : memref<12x1280xi32, #tpu.memory_space<vmem>> -> memref<1x1280xi32, #tpu.memory_space<vmem>>
      %dma_wait3A_210 = tpu.memref_squeeze %dma_wait3A_209 : memref<1x1280xi32, #tpu.memory_space<vmem>> -> memref<1280xi32, #tpu.memory_space<vmem>>
      %dma_wait3A_211 = arith.constant 0 : i32
      %dma_wait3A_212 = arith.constant 0 : i32
      %dma_wait3A_213 = tpu.memref_slice %arg10[%dma_wait3A_211, %dma_wait3A_212] : memref<10240x16xf32, #tpu.memory_space<vmem_shared>> -> memref<10240x16xf32, #tpu.memory_space<vmem_shared>>
      tpu.wait_indirect_dma semaphore(%arg18 : memref<!tpu.dma_semaphore, #tpu.memory_space<semaphore_mem>>) src(%dma_wait3A_207 : memref<1280x16xf32, #tpu.memory_space<vmem>>) dst(%dma_wait3A_213 : memref<10240x16xf32, #tpu.memory_space<vmem_shared>>)
    } else {
    }
    %barrier3A_17 = arith.constant 0 : index
    tpu.barrier barrier_id(%barrier3A_17)
    %mul3A = arith.constant 640 : i32
    %mul3A_18 = arith.muli %arg1, %mul3A : i32
    %mul3A_19 = arith.constant 640 : i32
    %mul3A_20 = arith.muli %arg1, %mul3A_19 : i32
    "tpu.region"() ({
      %run_scoped3A = tpu.sem_alloc : memref<!tpu.dma_semaphore, #tpu.memory_space<semaphore_mem>>
      %dma_start3A = arith.constant 0 : i32
      %dma_start3A_21 = tpu.memref_slice %arg5[%arg0, %mul3A_20, %dma_start3A] : memref<2x10240x16xf32, #tpu.memory_space<hbm>> -> memref<1x640x16xf32, #tpu.memory_space<hbm>>
      %dma_start3A_22 = tpu.memref_squeeze %dma_start3A_21 : memref<1x640x16xf32, #tpu.memory_space<hbm>> -> memref<640x16xf32, #tpu.memory_space<hbm>>
      %dma_start3A_23 = arith.constant 0 : i32
      %dma_start3A_24 = tpu.memref_slice %arg10[%mul3A_18, %dma_start3A_23] : memref<10240x16xf32, #tpu.memory_space<vmem_shared>> -> memref<640x16xf32, #tpu.memory_space<vmem_shared>>
      tpu.enqueue_dma source(%dma_start3A_24 : memref<640x16xf32, #tpu.memory_space<vmem_shared>>) target(%dma_start3A_22 : memref<640x16xf32, #tpu.memory_space<hbm>>) target_semaphore(%run_scoped3A : memref<!tpu.dma_semaphore, #tpu.memory_space<semaphore_mem>>)
      %dma_wait3A = arith.constant 0 : i32
      %dma_wait3A_25 = tpu.memref_slice %arg5[%arg0, %mul3A_20, %dma_wait3A] : memref<2x10240x16xf32, #tpu.memory_space<hbm>> -> memref<1x640x16xf32, #tpu.memory_space<hbm>>
      %dma_wait3A_26 = tpu.memref_squeeze %dma_wait3A_25 : memref<1x640x16xf32, #tpu.memory_space<hbm>> -> memref<640x16xf32, #tpu.memory_space<hbm>>
      %dma_wait3A_27 = arith.constant 0 : i32
      %dma_wait3A_28 = tpu.memref_slice %arg10[%mul3A_18, %dma_wait3A_27] : memref<10240x16xf32, #tpu.memory_space<vmem_shared>> -> memref<640x16xf32, #tpu.memory_space<vmem_shared>>
      tpu.wait_dma2 semaphore(%run_scoped3A : memref<!tpu.dma_semaphore, #tpu.memory_space<semaphore_mem>>) src(%dma_wait3A_28 : memref<640x16xf32, #tpu.memory_space<vmem_shared>>) dst(%dma_wait3A_26 : memref<640x16xf32, #tpu.memory_space<hbm>>)
      tpu.yield
    }) : () -> ()
    return
  }
}

#map = affine_map<(d0, d1) -> (0, 0)>
#map1 = affine_map<(d0, d1) -> (0, 0, 0)>
module attributes {stable_mosaic.version = 14 : i64} {
  func.func @_sc_aggregate(%arg0: i32, %arg1: i32, %arg2: memref<256x1280xi32, #tpu.memory_space<hbm>>, %arg3: memref<256x1280xi32, #tpu.memory_space<hbm>>, %arg4: memref<10000x16xf32, #tpu.memory_space<hbm>>, %arg5: memref<2x10240x16xf32, #tpu.memory_space<hbm>>, %arg6: memref<12x1280xi32, #tpu.memory_space<vmem>>, %arg7: memref<12x1280xi32, #tpu.memory_space<vmem>>, %arg8: memref<4x1280x16xf32, #tpu.memory_space<vmem>>, %arg9: memref<128x16xf32, #tpu.memory_space<vmem>>, %arg10: memref<10240x16xf32, #tpu.memory_space<vmem_shared>>, %arg11: memref<!tpu.dma_semaphore, #tpu.memory_space<semaphore_mem>>, %arg12: memref<!tpu.dma_semaphore, #tpu.memory_space<semaphore_mem>>, %arg13: memref<!tpu.dma_semaphore, #tpu.memory_space<semaphore_mem>>, %arg14: memref<!tpu.dma_semaphore, #tpu.memory_space<semaphore_mem>>, %arg15: memref<!tpu.dma_semaphore, #tpu.memory_space<semaphore_mem>>, %arg16: memref<!tpu.dma_semaphore, #tpu.memory_space<semaphore_mem>>, %arg17: memref<!tpu.dma_semaphore, #tpu.memory_space<semaphore_mem>>, %arg18: memref<!tpu.dma_semaphore, #tpu.memory_space<semaphore_mem>>) attributes {dimension_semantics = [#tpu.dimension_semantics<core_parallel>, #tpu.dimension_semantics<subcore_parallel>], iteration_bounds = array<i64: 2, 16>, scalar_prefetch = 0 : i64, scratch_operands = 13 : i64, tpu.core_type = #tpu.core_type<sc_vector_subcore>, window_params = [{transform_indices = #map}, {transform_indices = #map}, {transform_indices = #map}, {transform_indices = #map1}]} {
    %broadcast_in_dim3A = arith.constant 0.000000e+00 : f32
    %broadcast_in_dim3A_0 = vector.broadcast %broadcast_in_dim3A : f32 to vector<16xf32>
    %scan3A = arith.constant 0 : i32
    %scan3A_1 = arith.constant 128 : i32
    %scan3A_2 = arith.addi %scan3A, %scan3A_1 : i32
    %scan3A_3 = arith.constant 1 : i32
    scf.for %scan3A_21 = %scan3A to %scan3A_2 step %scan3A_3  : i32 {
      %swap3A = arith.index_cast %scan3A_21 : i32 to index
      %swap3A_22 = arith.constant 0 : index
      %swap3A_23 = tpu.vector_load %arg9[%swap3A, %swap3A_22] {strides = array<i32>} : memref<128x16xf32, #tpu.memory_space<vmem>>, vector<1x16xf32>,
      %swap3A_24 = vector.shape_cast %swap3A_23 : vector<1x16xf32> to vector<16xf32>
      %swap3A_25 = vector.shape_cast %broadcast_in_dim3A_0 : vector<16xf32> to vector<1x16xf32>
      tpu.vector_store %arg9[%swap3A, %swap3A_22], %swap3A_25 {strides = array<i32>} : memref<128x16xf32, #tpu.memory_space<vmem>>, vector<1x16xf32>,
    }
    %scan3A_4 = arith.constant 128 : i32
    %scan3A_5 = arith.constant 0 : i32
    %scan3A_6 = arith.constant 5 : i32
    %scan3A_7 = arith.addi %scan3A_5, %scan3A_6 : i32
    %scan3A_8 = arith.constant 1 : i32
    scf.for %scan3A_21 = %scan3A_5 to %scan3A_7 step %scan3A_8  : i32 {
      %mul3A_22 = arith.constant 640 : i32
      %mul3A_23 = arith.muli %arg1, %mul3A_22 : i32
      %mul3A_24 = arith.constant 128 : i32
      %mul3A_25 = arith.muli %scan3A_21, %mul3A_24 : i32
      %add3A = arith.addi %mul3A_23, %mul3A_25 : i32
      "tpu.region"() ({
        %run_scoped3A = tpu.sem_alloc : memref<!tpu.dma_semaphore, #tpu.memory_space<semaphore_mem>>
        %dma_start3A = arith.constant 0 : i32
        %dma_start3A_26 = tpu.memref_slice %arg10[%add3A, %dma_start3A] : memref<10240x16xf32, #tpu.memory_space<vmem_shared>> -> memref<128x16xf32, #tpu.memory_space<vmem_shared>>
        %dma_start3A_27 = arith.constant 0 : i32
        %dma_start3A_28 = tpu.memref_slice %arg10[%add3A, %dma_start3A_27] : memref<10240x16xf32, #tpu.memory_space<vmem_shared>> -> memref<128x16xf32, #tpu.memory_space<vmem_shared>>
        tpu.enqueue_dma source(%arg9 : memref<128x16xf32, #tpu.memory_space<vmem>>) target(%dma_start3A_28 : memref<128x16xf32, #tpu.memory_space<vmem_shared>>) target_semaphore(%run_scoped3A : memref<!tpu.dma_semaphore, #tpu.memory_space<semaphore_mem>>)
        %dma_wait3A = arith.constant 0 : i32
        %dma_wait3A_29 = tpu.memref_slice %arg10[%add3A, %dma_wait3A] : memref<10240x16xf32, #tpu.memory_space<vmem_shared>> -> memref<128x16xf32, #tpu.memory_space<vmem_shared>>
        %dma_wait3A_30 = arith.constant 0 : i32
        %dma_wait3A_31 = tpu.memref_slice %arg10[%add3A, %dma_wait3A_30] : memref<10240x16xf32, #tpu.memory_space<vmem_shared>> -> memref<128x16xf32, #tpu.memory_space<vmem_shared>>
        tpu.wait_dma2 semaphore(%run_scoped3A : memref<!tpu.dma_semaphore, #tpu.memory_space<semaphore_mem>>) src(%arg9 : memref<128x16xf32, #tpu.memory_space<vmem>>) dst(%dma_wait3A_31 : memref<128x16xf32, #tpu.memory_space<vmem_shared>>)
        tpu.yield
      }) : () -> ()
    }
    %scan3A_9 = arith.constant 5 : i32
    %barrier3A = arith.constant 0 : index
    tpu.barrier barrier_id(%barrier3A)
    %eq3A = arith.constant 0 : i32
    %eq3A_10 = arith.cmpi eq, %arg0, %eq3A : i32
    %convert_element_type3A = arith.extui %eq3A_10 : i1 to i32
    %cond3A = arith.constant 0 : i32
    %cond3A_11 = arith.cmpi ne, %convert_element_type3A, %cond3A : i32
    scf.if %cond3A_11 {
      %mul3A_21 = arith.constant 12 : i32
      %mul3A_22 = arith.muli %arg1, %mul3A_21 : i32
      "tpu.region"() ({
        %run_scoped3A = tpu.sem_alloc : memref<!tpu.dma_semaphore, #tpu.memory_space<semaphore_mem>>
        %dma_start3A_597 = arith.constant 0 : i32
        %dma_start3A_598 = arith.constant 0 : i32
        %dma_start3A_599 = tpu.memref_slice %arg6[%dma_start3A_597, %dma_start3A_598] : memref<12x1280xi32, #tpu.memory_space<vmem>> -> memref<12x1280xi32, #tpu.memory_space<vmem>>
        %dma_start3A_600 = arith.constant 0 : i32
        %dma_start3A_601 = tpu.memref_slice %arg2[%mul3A_22, %dma_start3A_600] : memref<256x1280xi32, #tpu.memory_space<hbm>> -> memref<12x1280xi32, #tpu.memory_space<hbm>>
        %dma_start3A_602 = arith.constant 0 : i32
        %dma_start3A_603 = arith.constant 0 : i32
        %dma_start3A_604 = tpu.memref_slice %arg6[%dma_start3A_602, %dma_start3A_603] : memref<12x1280xi32, #tpu.memory_space<vmem>> -> memref<12x1280xi32, #tpu.memory_space<vmem>>
        %dma_start3A_605 = arith.constant 0 : i32
        %dma_start3A_606 = tpu.memref_slice %arg2[%mul3A_22, %dma_start3A_605] : memref<256x1280xi32, #tpu.memory_space<hbm>> -> memref<12x1280xi32, #tpu.memory_space<hbm>>
        tpu.enqueue_dma source(%dma_start3A_606 : memref<12x1280xi32, #tpu.memory_space<hbm>>) target(%dma_start3A_604 : memref<12x1280xi32, #tpu.memory_space<vmem>>) target_semaphore(%run_scoped3A : memref<!tpu.dma_semaphore, #tpu.memory_space<semaphore_mem>>)
        %dma_wait3A_607 = arith.constant 0 : i32
        %dma_wait3A_608 = arith.constant 0 : i32
        %dma_wait3A_609 = tpu.memref_slice %arg6[%dma_wait3A_607, %dma_wait3A_608] : memref<12x1280xi32, #tpu.memory_space<vmem>> -> memref<12x1280xi32, #tpu.memory_space<vmem>>
        %dma_wait3A_610 = arith.constant 0 : i32
        %dma_wait3A_611 = tpu.memref_slice %arg2[%mul3A_22, %dma_wait3A_610] : memref<256x1280xi32, #tpu.memory_space<hbm>> -> memref<12x1280xi32, #tpu.memory_space<hbm>>
        %dma_wait3A_612 = arith.constant 0 : i32
        %dma_wait3A_613 = arith.constant 0 : i32
        %dma_wait3A_614 = tpu.memref_slice %arg6[%dma_wait3A_612, %dma_wait3A_613] : memref<12x1280xi32, #tpu.memory_space<vmem>> -> memref<12x1280xi32, #tpu.memory_space<vmem>>
        %dma_wait3A_615 = arith.constant 0 : i32
        %dma_wait3A_616 = tpu.memref_slice %arg2[%mul3A_22, %dma_wait3A_615] : memref<256x1280xi32, #tpu.memory_space<hbm>> -> memref<12x1280xi32, #tpu.memory_space<hbm>>
        tpu.wait_dma2 semaphore(%run_scoped3A : memref<!tpu.dma_semaphore, #tpu.memory_space<semaphore_mem>>) src(%dma_wait3A_616 : memref<12x1280xi32, #tpu.memory_space<hbm>>) dst(%dma_wait3A_614 : memref<12x1280xi32, #tpu.memory_space<vmem>>)
        tpu.yield
      }) : () -> ()
      "tpu.region"() ({
        %run_scoped3A = tpu.sem_alloc : memref<!tpu.dma_semaphore, #tpu.memory_space<semaphore_mem>>
        %dma_start3A_597 = arith.constant 0 : i32
        %dma_start3A_598 = arith.constant 0 : i32
        %dma_start3A_599 = tpu.memref_slice %arg7[%dma_start3A_597, %dma_start3A_598] : memref<12x1280xi32, #tpu.memory_space<vmem>> -> memref<12x1280xi32, #tpu.memory_space<vmem>>
        %dma_start3A_600 = arith.constant 0 : i32
        %dma_start3A_601 = tpu.memref_slice %arg3[%mul3A_22, %dma_start3A_600] : memref<256x1280xi32, #tpu.memory_space<hbm>> -> memref<12x1280xi32, #tpu.memory_space<hbm>>
        %dma_start3A_602 = arith.constant 0 : i32
        %dma_start3A_603 = arith.constant 0 : i32
        %dma_start3A_604 = tpu.memref_slice %arg7[%dma_start3A_602, %dma_start3A_603] : memref<12x1280xi32, #tpu.memory_space<vmem>> -> memref<12x1280xi32, #tpu.memory_space<vmem>>
        %dma_start3A_605 = arith.constant 0 : i32
        %dma_start3A_606 = tpu.memref_slice %arg3[%mul3A_22, %dma_start3A_605] : memref<256x1280xi32, #tpu.memory_space<hbm>> -> memref<12x1280xi32, #tpu.memory_space<hbm>>
        tpu.enqueue_dma source(%dma_start3A_606 : memref<12x1280xi32, #tpu.memory_space<hbm>>) target(%dma_start3A_604 : memref<12x1280xi32, #tpu.memory_space<vmem>>) target_semaphore(%run_scoped3A : memref<!tpu.dma_semaphore, #tpu.memory_space<semaphore_mem>>)
        %dma_wait3A_607 = arith.constant 0 : i32
        %dma_wait3A_608 = arith.constant 0 : i32
        %dma_wait3A_609 = tpu.memref_slice %arg7[%dma_wait3A_607, %dma_wait3A_608] : memref<12x1280xi32, #tpu.memory_space<vmem>> -> memref<12x1280xi32, #tpu.memory_space<vmem>>
        %dma_wait3A_610 = arith.constant 0 : i32
        %dma_wait3A_611 = tpu.memref_slice %arg3[%mul3A_22, %dma_wait3A_610] : memref<256x1280xi32, #tpu.memory_space<hbm>> -> memref<12x1280xi32, #tpu.memory_space<hbm>>
        %dma_wait3A_612 = arith.constant 0 : i32
        %dma_wait3A_613 = arith.constant 0 : i32
        %dma_wait3A_614 = tpu.memref_slice %arg7[%dma_wait3A_612, %dma_wait3A_613] : memref<12x1280xi32, #tpu.memory_space<vmem>> -> memref<12x1280xi32, #tpu.memory_space<vmem>>
        %dma_wait3A_615 = arith.constant 0 : i32
        %dma_wait3A_616 = tpu.memref_slice %arg3[%mul3A_22, %dma_wait3A_615] : memref<256x1280xi32, #tpu.memory_space<hbm>> -> memref<12x1280xi32, #tpu.memory_space<hbm>>
        tpu.wait_dma2 semaphore(%run_scoped3A : memref<!tpu.dma_semaphore, #tpu.memory_space<semaphore_mem>>) src(%dma_wait3A_616 : memref<12x1280xi32, #tpu.memory_space<hbm>>) dst(%dma_wait3A_614 : memref<12x1280xi32, #tpu.memory_space<vmem>>)
        tpu.yield
      }) : () -> ()
      %dma_start3A = arith.constant 0 : i32
      %dma_start3A_23 = arith.constant 0 : i32
      %dma_start3A_24 = arith.constant 0 : i32
      %dma_start3A_25 = arith.constant 0 : i32
      %dma_start3A_26 = tpu.memref_slice %arg8[%dma_start3A_23, %dma_start3A_24, %dma_start3A_25] : memref<4x1280x16xf32, #tpu.memory_space<vmem>> -> memref<1x1280x16xf32, #tpu.memory_space<vmem>>
      %dma_start3A_27 = tpu.memref_squeeze %dma_start3A_26 : memref<1x1280x16xf32, #tpu.memory_space<vmem>> -> memref<1280x16xf32, #tpu.memory_space<vmem>>
      %dma_start3A_28 = arith.constant 0 : i32
      %dma_start3A_29 = tpu.memref_slice %arg6[%dma_start3A, %dma_start3A_28] : memref<12x1280xi32, #tpu.memory_space<vmem>> -> memref<1x1280xi32, #tpu.memory_space<vmem>>
      %dma_start3A_30 = tpu.memref_squeeze %dma_start3A_29 : memref<1x1280xi32, #tpu.memory_space<vmem>> -> memref<1280xi32, #tpu.memory_space<vmem>>
      %dma_start3A_31 = arith.constant 0 : i32
      %dma_start3A_32 = arith.constant 0 : i32
      %dma_start3A_33 = tpu.memref_slice %arg4[%dma_start3A_31, %dma_start3A_32] : memref<10000x16xf32, #tpu.memory_space<hbm>> -> memref<10000x16xf32, #tpu.memory_space<hbm>>
      tpu.enqueue_indirect_dma source(%dma_start3A_33 : memref<10000x16xf32, #tpu.memory_space<hbm>>) target(%dma_start3A_27 : memref<1280x16xf32, #tpu.memory_space<vmem>>) offsets(%dma_start3A_30 : memref<1280xi32, #tpu.memory_space<vmem>>) semaphore(%arg11 : memref<!tpu.dma_semaphore, #tpu.memory_space<semaphore_mem>>)
      %dma_start3A_34 = arith.constant 1 : i32
      %dma_start3A_35 = arith.constant 1 : i32
      %dma_start3A_36 = arith.constant 0 : i32
      %dma_start3A_37 = arith.constant 0 : i32
      %dma_start3A_38 = tpu.memref_slice %arg8[%dma_start3A_35, %dma_start3A_36, %dma_start3A_37] : memref<4x1280x16xf32, #tpu.memory_space<vmem>> -> memref<1x1280x16xf32, #tpu.memory_space<vmem>>
      %dma_start3A_39 = tpu.memref_squeeze %dma_start3A_38 : memref<1x1280x16xf32, #tpu.memory_space<vmem>> -> memref<1280x16xf32, #tpu.memory_space<vmem>>
      %dma_start3A_40 = arith.constant 0 : i32
      %dma_start3A_41 = tpu.memref_slice %arg6[%dma_start3A_34, %dma_start3A_40] : memref<12x1280xi32, #tpu.memory_space<vmem>> -> memref<1x1280xi32, #tpu.memory_space<vmem>>
      %dma_start3A_42 = tpu.memref_squeeze %dma_start3A_41 : memref<1x1280xi32, #tpu.memory_space<vmem>> -> memref<1280xi32, #tpu.memory_space<vmem>>
      %dma_start3A_43 = arith.constant 0 : i32
      %dma_start3A_44 = arith.constant 0 : i32
      %dma_start3A_45 = tpu.memref_slice %arg4[%dma_start3A_43, %dma_start3A_44] : memref<10000x16xf32, #tpu.memory_space<hbm>> -> memref<10000x16xf32, #tpu.memory_space<hbm>>
      tpu.enqueue_indirect_dma source(%dma_start3A_45 : memref<10000x16xf32, #tpu.memory_space<hbm>>) target(%dma_start3A_39 : memref<1280x16xf32, #tpu.memory_space<vmem>>) offsets(%dma_start3A_42 : memref<1280xi32, #tpu.memory_space<vmem>>) semaphore(%arg12 : memref<!tpu.dma_semaphore, #tpu.memory_space<semaphore_mem>>)
      %dma_start3A_46 = arith.constant 2 : i32
      %dma_start3A_47 = arith.constant 2 : i32
      %dma_start3A_48 = arith.constant 0 : i32
      %dma_start3A_49 = arith.constant 0 : i32
      %dma_start3A_50 = tpu.memref_slice %arg8[%dma_start3A_47, %dma_start3A_48, %dma_start3A_49] : memref<4x1280x16xf32, #tpu.memory_space<vmem>> -> memref<1x1280x16xf32, #tpu.memory_space<vmem>>
      %dma_start3A_51 = tpu.memref_squeeze %dma_start3A_50 : memref<1x1280x16xf32, #tpu.memory_space<vmem>> -> memref<1280x16xf32, #tpu.memory_space<vmem>>
      %dma_start3A_52 = arith.constant 0 : i32
      %dma_start3A_53 = tpu.memref_slice %arg6[%dma_start3A_46, %dma_start3A_52] : memref<12x1280xi32, #tpu.memory_space<vmem>> -> memref<1x1280xi32, #tpu.memory_space<vmem>>
      %dma_start3A_54 = tpu.memref_squeeze %dma_start3A_53 : memref<1x1280xi32, #tpu.memory_space<vmem>> -> memref<1280xi32, #tpu.memory_space<vmem>>
      %dma_start3A_55 = arith.constant 0 : i32
      %dma_start3A_56 = arith.constant 0 : i32
      %dma_start3A_57 = tpu.memref_slice %arg4[%dma_start3A_55, %dma_start3A_56] : memref<10000x16xf32, #tpu.memory_space<hbm>> -> memref<10000x16xf32, #tpu.memory_space<hbm>>
      tpu.enqueue_indirect_dma source(%dma_start3A_57 : memref<10000x16xf32, #tpu.memory_space<hbm>>) target(%dma_start3A_51 : memref<1280x16xf32, #tpu.memory_space<vmem>>) offsets(%dma_start3A_54 : memref<1280xi32, #tpu.memory_space<vmem>>) semaphore(%arg13 : memref<!tpu.dma_semaphore, #tpu.memory_space<semaphore_mem>>)
      %dma_wait3A = arith.constant 0 : i32
      %dma_wait3A_58 = arith.constant 0 : i32
      %dma_wait3A_59 = arith.constant 0 : i32
      %dma_wait3A_60 = arith.constant 0 : i32
      %dma_wait3A_61 = tpu.memref_slice %arg8[%dma_wait3A_58, %dma_wait3A_59, %dma_wait3A_60] : memref<4x1280x16xf32, #tpu.memory_space<vmem>> -> memref<1x1280x16xf32, #tpu.memory_space<vmem>>
      %dma_wait3A_62 = tpu.memref_squeeze %dma_wait3A_61 : memref<1x1280x16xf32, #tpu.memory_space<vmem>> -> memref<1280x16xf32, #tpu.memory_space<vmem>>
      %dma_wait3A_63 = arith.constant 0 : i32
      %dma_wait3A_64 = tpu.memref_slice %arg6[%dma_wait3A, %dma_wait3A_63] : memref<12x1280xi32, #tpu.memory_space<vmem>> -> memref<1x1280xi32, #tpu.memory_space<vmem>>
      %dma_wait3A_65 = tpu.memref_squeeze %dma_wait3A_64 : memref<1x1280xi32, #tpu.memory_space<vmem>> -> memref<1280xi32, #tpu.memory_space<vmem>>
      %dma_wait3A_66 = arith.constant 0 : i32
      %dma_wait3A_67 = arith.constant 0 : i32
      %dma_wait3A_68 = tpu.memref_slice %arg4[%dma_wait3A_66, %dma_wait3A_67] : memref<10000x16xf32, #tpu.memory_space<hbm>> -> memref<10000x16xf32, #tpu.memory_space<hbm>>
      tpu.wait_indirect_dma semaphore(%arg11 : memref<!tpu.dma_semaphore, #tpu.memory_space<semaphore_mem>>) src(%dma_wait3A_68 : memref<10000x16xf32, #tpu.memory_space<hbm>>) dst(%dma_wait3A_62 : memref<1280x16xf32, #tpu.memory_space<vmem>>)
      %dma_start3A_69 = arith.constant 3 : i32
      %dma_start3A_70 = arith.constant 3 : i32
      %dma_start3A_71 = arith.constant 0 : i32
      %dma_start3A_72 = arith.constant 0 : i32
      %dma_start3A_73 = tpu.memref_slice %arg8[%dma_start3A_70, %dma_start3A_71, %dma_start3A_72] : memref<4x1280x16xf32, #tpu.memory_space<vmem>> -> memref<1x1280x16xf32, #tpu.memory_space<vmem>>
      %dma_start3A_74 = tpu.memref_squeeze %dma_start3A_73 : memref<1x1280x16xf32, #tpu.memory_space<vmem>> -> memref<1280x16xf32, #tpu.memory_space<vmem>>
      %dma_start3A_75 = arith.constant 0 : i32
      %dma_start3A_76 = tpu.memref_slice %arg6[%dma_start3A_69, %dma_start3A_75] : memref<12x1280xi32, #tpu.memory_space<vmem>> -> memref<1x1280xi32, #tpu.memory_space<vmem>>
      %dma_start3A_77 = tpu.memref_squeeze %dma_start3A_76 : memref<1x1280xi32, #tpu.memory_space<vmem>> -> memref<1280xi32, #tpu.memory_space<vmem>>
      %dma_start3A_78 = arith.constant 0 : i32
      %dma_start3A_79 = arith.constant 0 : i32
      %dma_start3A_80 = tpu.memref_slice %arg4[%dma_start3A_78, %dma_start3A_79] : memref<10000x16xf32, #tpu.memory_space<hbm>> -> memref<10000x16xf32, #tpu.memory_space<hbm>>
      tpu.enqueue_indirect_dma source(%dma_start3A_80 : memref<10000x16xf32, #tpu.memory_space<hbm>>) target(%dma_start3A_74 : memref<1280x16xf32, #tpu.memory_space<vmem>>) offsets(%dma_start3A_77 : memref<1280xi32, #tpu.memory_space<vmem>>) semaphore(%arg14 : memref<!tpu.dma_semaphore, #tpu.memory_space<semaphore_mem>>)
      %dma_start3A_81 = arith.constant 0 : i32
      %dma_start3A_82 = arith.constant 0 : i32
      %dma_start3A_83 = arith.constant 0 : i32
      %dma_start3A_84 = arith.constant 0 : i32
      %dma_start3A_85 = tpu.memref_slice %arg8[%dma_start3A_81, %dma_start3A_83, %dma_start3A_84] : memref<4x1280x16xf32, #tpu.memory_space<vmem>> -> memref<1x1280x16xf32, #tpu.memory_space<vmem>>
      %dma_start3A_86 = tpu.memref_squeeze %dma_start3A_85 : memref<1x1280x16xf32, #tpu.memory_space<vmem>> -> memref<1280x16xf32, #tpu.memory_space<vmem>>
      %dma_start3A_87 = arith.constant 0 : i32
      %dma_start3A_88 = tpu.memref_slice %arg7[%dma_start3A_82, %dma_start3A_87] : memref<12x1280xi32, #tpu.memory_space<vmem>> -> memref<1x1280xi32, #tpu.memory_space<vmem>>
      %dma_start3A_89 = tpu.memref_squeeze %dma_start3A_88 : memref<1x1280xi32, #tpu.memory_space<vmem>> -> memref<1280xi32, #tpu.memory_space<vmem>>
      %dma_start3A_90 = arith.constant 0 : i32
      %dma_start3A_91 = arith.constant 0 : i32
      %dma_start3A_92 = tpu.memref_slice %arg10[%dma_start3A_90, %dma_start3A_91] : memref<10240x16xf32, #tpu.memory_space<vmem_shared>> -> memref<10240x16xf32, #tpu.memory_space<vmem_shared>>
      tpu.enqueue_indirect_dma source(%dma_start3A_86 : memref<1280x16xf32, #tpu.memory_space<vmem>>) target(%dma_start3A_92 : memref<10240x16xf32, #tpu.memory_space<vmem_shared>>) offsets(%dma_start3A_89 : memref<1280xi32, #tpu.memory_space<vmem>>) semaphore(%arg15 : memref<!tpu.dma_semaphore, #tpu.memory_space<semaphore_mem>>) {add = true}
      %dma_wait3A_93 = arith.constant 1 : i32
      %dma_wait3A_94 = arith.constant 1 : i32
      %dma_wait3A_95 = arith.constant 0 : i32
      %dma_wait3A_96 = arith.constant 0 : i32
      %dma_wait3A_97 = tpu.memref_slice %arg8[%dma_wait3A_94, %dma_wait3A_95, %dma_wait3A_96] : memref<4x1280x16xf32, #tpu.memory_space<vmem>> -> memref<1x1280x16xf32, #tpu.memory_space<vmem>>
      %dma_wait3A_98 = tpu.memref_squeeze %dma_wait3A_97 : memref<1x1280x16xf32, #tpu.memory_space<vmem>> -> memref<1280x16xf32, #tpu.memory_space<vmem>>
      %dma_wait3A_99 = arith.constant 0 : i32
      %dma_wait3A_100 = tpu.memref_slice %arg6[%dma_wait3A_93, %dma_wait3A_99] : memref<12x1280xi32, #tpu.memory_space<vmem>> -> memref<1x1280xi32, #tpu.memory_space<vmem>>
      %dma_wait3A_101 = tpu.memref_squeeze %dma_wait3A_100 : memref<1x1280xi32, #tpu.memory_space<vmem>> -> memref<1280xi32, #tpu.memory_space<vmem>>
      %dma_wait3A_102 = arith.constant 0 : i32
      %dma_wait3A_103 = arith.constant 0 : i32
      %dma_wait3A_104 = tpu.memref_slice %arg4[%dma_wait3A_102, %dma_wait3A_103] : memref<10000x16xf32, #tpu.memory_space<hbm>> -> memref<10000x16xf32, #tpu.memory_space<hbm>>
      tpu.wait_indirect_dma semaphore(%arg12 : memref<!tpu.dma_semaphore, #tpu.memory_space<semaphore_mem>>) src(%dma_wait3A_104 : memref<10000x16xf32, #tpu.memory_space<hbm>>) dst(%dma_wait3A_98 : memref<1280x16xf32, #tpu.memory_space<vmem>>)
      %dma_wait3A_105 = arith.constant 0 : i32
      %dma_wait3A_106 = arith.constant 0 : i32
      %dma_wait3A_107 = arith.constant 0 : i32
      %dma_wait3A_108 = arith.constant 0 : i32
      %dma_wait3A_109 = tpu.memref_slice %arg8[%dma_wait3A_105, %dma_wait3A_107, %dma_wait3A_108] : memref<4x1280x16xf32, #tpu.memory_space<vmem>> -> memref<1x1280x16xf32, #tpu.memory_space<vmem>>
      %dma_wait3A_110 = tpu.memref_squeeze %dma_wait3A_109 : memref<1x1280x16xf32, #tpu.memory_space<vmem>> -> memref<1280x16xf32, #tpu.memory_space<vmem>>
      %dma_wait3A_111 = arith.constant 0 : i32
      %dma_wait3A_112 = tpu.memref_slice %arg7[%dma_wait3A_106, %dma_wait3A_111] : memref<12x1280xi32, #tpu.memory_space<vmem>> -> memref<1x1280xi32, #tpu.memory_space<vmem>>
      %dma_wait3A_113 = tpu.memref_squeeze %dma_wait3A_112 : memref<1x1280xi32, #tpu.memory_space<vmem>> -> memref<1280xi32, #tpu.memory_space<vmem>>
      %dma_wait3A_114 = arith.constant 0 : i32
      %dma_wait3A_115 = arith.constant 0 : i32
      %dma_wait3A_116 = tpu.memref_slice %arg10[%dma_wait3A_114, %dma_wait3A_115] : memref<10240x16xf32, #tpu.memory_space<vmem_shared>> -> memref<10240x16xf32, #tpu.memory_space<vmem_shared>>
      tpu.wait_indirect_dma semaphore(%arg15 : memref<!tpu.dma_semaphore, #tpu.memory_space<semaphore_mem>>) src(%dma_wait3A_110 : memref<1280x16xf32, #tpu.memory_space<vmem>>) dst(%dma_wait3A_116 : memref<10240x16xf32, #tpu.memory_space<vmem_shared>>)
      %dma_start3A_117 = arith.constant 4 : i32
      %dma_start3A_118 = arith.constant 0 : i32
      %dma_start3A_119 = arith.constant 0 : i32
      %dma_start3A_120 = arith.constant 0 : i32
      %dma_start3A_121 = tpu.memref_slice %arg8[%dma_start3A_118, %dma_start3A_119, %dma_start3A_120] : memref<4x1280x16xf32, #tpu.memory_space<vmem>> -> memref<1x1280x16xf32, #tpu.memory_space<vmem>>
      %dma_start3A_122 = tpu.memref_squeeze %dma_start3A_121 : memref<1x1280x16xf32, #tpu.memory_space<vmem>> -> memref<1280x16xf32, #tpu.memory_space<vmem>>
      %dma_start3A_123 = arith.constant 0 : i32
      %dma_start3A_124 = tpu.memref_slice %arg6[%dma_start3A_117, %dma_start3A_123] : memref<12x1280xi32, #tpu.memory_space<vmem>> -> memref<1x1280xi32, #tpu.memory_space<vmem>>
      %dma_start3A_125 = tpu.memref_squeeze %dma_start3A_124 : memref<1x1280xi32, #tpu.memory_space<vmem>> -> memref<1280xi32, #tpu.memory_space<vmem>>
      %dma_start3A_126 = arith.constant 0 : i32
      %dma_start3A_127 = arith.constant 0 : i32
      %dma_start3A_128 = tpu.memref_slice %arg4[%dma_start3A_126, %dma_start3A_127] : memref<10000x16xf32, #tpu.memory_space<hbm>> -> memref<10000x16xf32, #tpu.memory_space<hbm>>
      tpu.enqueue_indirect_dma source(%dma_start3A_128 : memref<10000x16xf32, #tpu.memory_space<hbm>>) target(%dma_start3A_122 : memref<1280x16xf32, #tpu.memory_space<vmem>>) offsets(%dma_start3A_125 : memref<1280xi32, #tpu.memory_space<vmem>>) semaphore(%arg11 : memref<!tpu.dma_semaphore, #tpu.memory_space<semaphore_mem>>)
      %dma_start3A_129 = arith.constant 1 : i32
      %dma_start3A_130 = arith.constant 1 : i32
      %dma_start3A_131 = arith.constant 0 : i32
      %dma_start3A_132 = arith.constant 0 : i32
      %dma_start3A_133 = tpu.memref_slice %arg8[%dma_start3A_129, %dma_start3A_131, %dma_start3A_132] : memref<4x1280x16xf32, #tpu.memory_space<vmem>> -> memref<1x1280x16xf32, #tpu.memory_space<vmem>>
      %dma_start3A_134 = tpu.memref_squeeze %dma_start3A_133 : memref<1x1280x16xf32, #tpu.memory_space<vmem>> -> memref<1280x16xf32, #tpu.memory_space<vmem>>
      %dma_start3A_135 = arith.constant 0 : i32
      %dma_start3A_136 = tpu.memref_slice %arg7[%dma_start3A_130, %dma_start3A_135] : memref<12x1280xi32, #tpu.memory_space<vmem>> -> memref<1x1280xi32, #tpu.memory_space<vmem>>
      %dma_start3A_137 = tpu.memref_squeeze %dma_start3A_136 : memref<1x1280xi32, #tpu.memory_space<vmem>> -> memref<1280xi32, #tpu.memory_space<vmem>>
      %dma_start3A_138 = arith.constant 0 : i32
      %dma_start3A_139 = arith.constant 0 : i32
      %dma_start3A_140 = tpu.memref_slice %arg10[%dma_start3A_138, %dma_start3A_139] : memref<10240x16xf32, #tpu.memory_space<vmem_shared>> -> memref<10240x16xf32, #tpu.memory_space<vmem_shared>>
      tpu.enqueue_indirect_dma source(%dma_start3A_134 : memref<1280x16xf32, #tpu.memory_space<vmem>>) target(%dma_start3A_140 : memref<10240x16xf32, #tpu.memory_space<vmem_shared>>) offsets(%dma_start3A_137 : memref<1280xi32, #tpu.memory_space<vmem>>) semaphore(%arg16 : memref<!tpu.dma_semaphore, #tpu.memory_space<semaphore_mem>>) {add = true}
      %dma_wait3A_141 = arith.constant 2 : i32
      %dma_wait3A_142 = arith.constant 2 : i32
      %dma_wait3A_143 = arith.constant 0 : i32
      %dma_wait3A_144 = arith.constant 0 : i32
      %dma_wait3A_145 = tpu.memref_slice %arg8[%dma_wait3A_142, %dma_wait3A_143, %dma_wait3A_144] : memref<4x1280x16xf32, #tpu.memory_space<vmem>> -> memref<1x1280x16xf32, #tpu.memory_space<vmem>>
      %dma_wait3A_146 = tpu.memref_squeeze %dma_wait3A_145 : memref<1x1280x16xf32, #tpu.memory_space<vmem>> -> memref<1280x16xf32, #tpu.memory_space<vmem>>
      %dma_wait3A_147 = arith.constant 0 : i32
      %dma_wait3A_148 = tpu.memref_slice %arg6[%dma_wait3A_141, %dma_wait3A_147] : memref<12x1280xi32, #tpu.memory_space<vmem>> -> memref<1x1280xi32, #tpu.memory_space<vmem>>
      %dma_wait3A_149 = tpu.memref_squeeze %dma_wait3A_148 : memref<1x1280xi32, #tpu.memory_space<vmem>> -> memref<1280xi32, #tpu.memory_space<vmem>>
      %dma_wait3A_150 = arith.constant 0 : i32
      %dma_wait3A_151 = arith.constant 0 : i32
      %dma_wait3A_152 = tpu.memref_slice %arg4[%dma_wait3A_150, %dma_wait3A_151] : memref<10000x16xf32, #tpu.memory_space<hbm>> -> memref<10000x16xf32, #tpu.memory_space<hbm>>
      tpu.wait_indirect_dma semaphore(%arg13 : memref<!tpu.dma_semaphore, #tpu.memory_space<semaphore_mem>>) src(%dma_wait3A_152 : memref<10000x16xf32, #tpu.memory_space<hbm>>) dst(%dma_wait3A_146 : memref<1280x16xf32, #tpu.memory_space<vmem>>)
      %dma_wait3A_153 = arith.constant 1 : i32
      %dma_wait3A_154 = arith.constant 1 : i32
      %dma_wait3A_155 = arith.constant 0 : i32
      %dma_wait3A_156 = arith.constant 0 : i32
      %dma_wait3A_157 = tpu.memref_slice %arg8[%dma_wait3A_153, %dma_wait3A_155, %dma_wait3A_156] : memref<4x1280x16xf32, #tpu.memory_space<vmem>> -> memref<1x1280x16xf32, #tpu.memory_space<vmem>>
      %dma_wait3A_158 = tpu.memref_squeeze %dma_wait3A_157 : memref<1x1280x16xf32, #tpu.memory_space<vmem>> -> memref<1280x16xf32, #tpu.memory_space<vmem>>
      %dma_wait3A_159 = arith.constant 0 : i32
      %dma_wait3A_160 = tpu.memref_slice %arg7[%dma_wait3A_154, %dma_wait3A_159] : memref<12x1280xi32, #tpu.memory_space<vmem>> -> memref<1x1280xi32, #tpu.memory_space<vmem>>
      %dma_wait3A_161 = tpu.memref_squeeze %dma_wait3A_160 : memref<1x1280xi32, #tpu.memory_space<vmem>> -> memref<1280xi32, #tpu.memory_space<vmem>>
      %dma_wait3A_162 = arith.constant 0 : i32
      %dma_wait3A_163 = arith.constant 0 : i32
      %dma_wait3A_164 = tpu.memref_slice %arg10[%dma_wait3A_162, %dma_wait3A_163] : memref<10240x16xf32, #tpu.memory_space<vmem_shared>> -> memref<10240x16xf32, #tpu.memory_space<vmem_shared>>
      tpu.wait_indirect_dma semaphore(%arg16 : memref<!tpu.dma_semaphore, #tpu.memory_space<semaphore_mem>>) src(%dma_wait3A_158 : memref<1280x16xf32, #tpu.memory_space<vmem>>) dst(%dma_wait3A_164 : memref<10240x16xf32, #tpu.memory_space<vmem_shared>>)
      %dma_start3A_165 = arith.constant 5 : i32
      %dma_start3A_166 = arith.constant 1 : i32
      %dma_start3A_167 = arith.constant 0 : i32
      %dma_start3A_168 = arith.constant 0 : i32
      %dma_start3A_169 = tpu.memref_slice %arg8[%dma_start3A_166, %dma_start3A_167, %dma_start3A_168] : memref<4x1280x16xf32, #tpu.memory_space<vmem>> -> memref<1x1280x16xf32, #tpu.memory_space<vmem>>
      %dma_start3A_170 = tpu.memref_squeeze %dma_start3A_169 : memref<1x1280x16xf32, #tpu.memory_space<vmem>> -> memref<1280x16xf32, #tpu.memory_space<vmem>>
      %dma_start3A_171 = arith.constant 0 : i32
      %dma_start3A_172 = tpu.memref_slice %arg6[%dma_start3A_165, %dma_start3A_171] : memref<12x1280xi32, #tpu.memory_space<vmem>> -> memref<1x1280xi32, #tpu.memory_space<vmem>>
      %dma_start3A_173 = tpu.memref_squeeze %dma_start3A_172 : memref<1x1280xi32, #tpu.memory_space<vmem>> -> memref<1280xi32, #tpu.memory_space<vmem>>
      %dma_start3A_174 = arith.constant 0 : i32
      %dma_start3A_175 = arith.constant 0 : i32
      %dma_start3A_176 = tpu.memref_slice %arg4[%dma_start3A_174, %dma_start3A_175] : memref<10000x16xf32, #tpu.memory_space<hbm>> -> memref<10000x16xf32, #tpu.memory_space<hbm>>
      tpu.enqueue_indirect_dma source(%dma_start3A_176 : memref<10000x16xf32, #tpu.memory_space<hbm>>) target(%dma_start3A_170 : memref<1280x16xf32, #tpu.memory_space<vmem>>) offsets(%dma_start3A_173 : memref<1280xi32, #tpu.memory_space<vmem>>) semaphore(%arg12 : memref<!tpu.dma_semaphore, #tpu.memory_space<semaphore_mem>>)
      %dma_start3A_177 = arith.constant 2 : i32
      %dma_start3A_178 = arith.constant 2 : i32
      %dma_start3A_179 = arith.constant 0 : i32
      %dma_start3A_180 = arith.constant 0 : i32
      %dma_start3A_181 = tpu.memref_slice %arg8[%dma_start3A_177, %dma_start3A_179, %dma_start3A_180] : memref<4x1280x16xf32, #tpu.memory_space<vmem>> -> memref<1x1280x16xf32, #tpu.memory_space<vmem>>
      %dma_start3A_182 = tpu.memref_squeeze %dma_start3A_181 : memref<1x1280x16xf32, #tpu.memory_space<vmem>> -> memref<1280x16xf32, #tpu.memory_space<vmem>>
      %dma_start3A_183 = arith.constant 0 : i32
      %dma_start3A_184 = tpu.memref_slice %arg7[%dma_start3A_178, %dma_start3A_183] : memref<12x1280xi32, #tpu.memory_space<vmem>> -> memref<1x1280xi32, #tpu.memory_space<vmem>>
      %dma_start3A_185 = tpu.memref_squeeze %dma_start3A_184 : memref<1x1280xi32, #tpu.memory_space<vmem>> -> memref<1280xi32, #tpu.memory_space<vmem>>
      %dma_start3A_186 = arith.constant 0 : i32
      %dma_start3A_187 = arith.constant 0 : i32
      %dma_start3A_188 = tpu.memref_slice %arg10[%dma_start3A_186, %dma_start3A_187] : memref<10240x16xf32, #tpu.memory_space<vmem_shared>> -> memref<10240x16xf32, #tpu.memory_space<vmem_shared>>
      tpu.enqueue_indirect_dma source(%dma_start3A_182 : memref<1280x16xf32, #tpu.memory_space<vmem>>) target(%dma_start3A_188 : memref<10240x16xf32, #tpu.memory_space<vmem_shared>>) offsets(%dma_start3A_185 : memref<1280xi32, #tpu.memory_space<vmem>>) semaphore(%arg17 : memref<!tpu.dma_semaphore, #tpu.memory_space<semaphore_mem>>) {add = true}
      %dma_wait3A_189 = arith.constant 3 : i32
      %dma_wait3A_190 = arith.constant 3 : i32
      %dma_wait3A_191 = arith.constant 0 : i32
      %dma_wait3A_192 = arith.constant 0 : i32
      %dma_wait3A_193 = tpu.memref_slice %arg8[%dma_wait3A_190, %dma_wait3A_191, %dma_wait3A_192] : memref<4x1280x16xf32, #tpu.memory_space<vmem>> -> memref<1x1280x16xf32, #tpu.memory_space<vmem>>
      %dma_wait3A_194 = tpu.memref_squeeze %dma_wait3A_193 : memref<1x1280x16xf32, #tpu.memory_space<vmem>> -> memref<1280x16xf32, #tpu.memory_space<vmem>>
      %dma_wait3A_195 = arith.constant 0 : i32
      %dma_wait3A_196 = tpu.memref_slice %arg6[%dma_wait3A_189, %dma_wait3A_195] : memref<12x1280xi32, #tpu.memory_space<vmem>> -> memref<1x1280xi32, #tpu.memory_space<vmem>>
      %dma_wait3A_197 = tpu.memref_squeeze %dma_wait3A_196 : memref<1x1280xi32, #tpu.memory_space<vmem>> -> memref<1280xi32, #tpu.memory_space<vmem>>
      %dma_wait3A_198 = arith.constant 0 : i32
      %dma_wait3A_199 = arith.constant 0 : i32
      %dma_wait3A_200 = tpu.memref_slice %arg4[%dma_wait3A_198, %dma_wait3A_199] : memref<10000x16xf32, #tpu.memory_space<hbm>> -> memref<10000x16xf32, #tpu.memory_space<hbm>>
      tpu.wait_indirect_dma semaphore(%arg14 : memref<!tpu.dma_semaphore, #tpu.memory_space<semaphore_mem>>) src(%dma_wait3A_200 : memref<10000x16xf32, #tpu.memory_space<hbm>>) dst(%dma_wait3A_194 : memref<1280x16xf32, #tpu.memory_space<vmem>>)
      %dma_wait3A_201 = arith.constant 2 : i32
      %dma_wait3A_202 = arith.constant 2 : i32
      %dma_wait3A_203 = arith.constant 0 : i32
      %dma_wait3A_204 = arith.constant 0 : i32
      %dma_wait3A_205 = tpu.memref_slice %arg8[%dma_wait3A_201, %dma_wait3A_203, %dma_wait3A_204] : memref<4x1280x16xf32, #tpu.memory_space<vmem>> -> memref<1x1280x16xf32, #tpu.memory_space<vmem>>
      %dma_wait3A_206 = tpu.memref_squeeze %dma_wait3A_205 : memref<1x1280x16xf32, #tpu.memory_space<vmem>> -> memref<1280x16xf32, #tpu.memory_space<vmem>>
      %dma_wait3A_207 = arith.constant 0 : i32
      %dma_wait3A_208 = tpu.memref_slice %arg7[%dma_wait3A_202, %dma_wait3A_207] : memref<12x1280xi32, #tpu.memory_space<vmem>> -> memref<1x1280xi32, #tpu.memory_space<vmem>>
      %dma_wait3A_209 = tpu.memref_squeeze %dma_wait3A_208 : memref<1x1280xi32, #tpu.memory_space<vmem>> -> memref<1280xi32, #tpu.memory_space<vmem>>
      %dma_wait3A_210 = arith.constant 0 : i32
      %dma_wait3A_211 = arith.constant 0 : i32
      %dma_wait3A_212 = tpu.memref_slice %arg10[%dma_wait3A_210, %dma_wait3A_211] : memref<10240x16xf32, #tpu.memory_space<vmem_shared>> -> memref<10240x16xf32, #tpu.memory_space<vmem_shared>>
      tpu.wait_indirect_dma semaphore(%arg17 : memref<!tpu.dma_semaphore, #tpu.memory_space<semaphore_mem>>) src(%dma_wait3A_206 : memref<1280x16xf32, #tpu.memory_space<vmem>>) dst(%dma_wait3A_212 : memref<10240x16xf32, #tpu.memory_space<vmem_shared>>)
      %dma_start3A_213 = arith.constant 6 : i32
      %dma_start3A_214 = arith.constant 2 : i32
      %dma_start3A_215 = arith.constant 0 : i32
      %dma_start3A_216 = arith.constant 0 : i32
      %dma_start3A_217 = tpu.memref_slice %arg8[%dma_start3A_214, %dma_start3A_215, %dma_start3A_216] : memref<4x1280x16xf32, #tpu.memory_space<vmem>> -> memref<1x1280x16xf32, #tpu.memory_space<vmem>>
      %dma_start3A_218 = tpu.memref_squeeze %dma_start3A_217 : memref<1x1280x16xf32, #tpu.memory_space<vmem>> -> memref<1280x16xf32, #tpu.memory_space<vmem>>
      %dma_start3A_219 = arith.constant 0 : i32
      %dma_start3A_220 = tpu.memref_slice %arg6[%dma_start3A_213, %dma_start3A_219] : memref<12x1280xi32, #tpu.memory_space<vmem>> -> memref<1x1280xi32, #tpu.memory_space<vmem>>
      %dma_start3A_221 = tpu.memref_squeeze %dma_start3A_220 : memref<1x1280xi32, #tpu.memory_space<vmem>> -> memref<1280xi32, #tpu.memory_space<vmem>>
      %dma_start3A_222 = arith.constant 0 : i32
      %dma_start3A_223 = arith.constant 0 : i32
      %dma_start3A_224 = tpu.memref_slice %arg4[%dma_start3A_222, %dma_start3A_223] : memref<10000x16xf32, #tpu.memory_space<hbm>> -> memref<10000x16xf32, #tpu.memory_space<hbm>>
      tpu.enqueue_indirect_dma source(%dma_start3A_224 : memref<10000x16xf32, #tpu.memory_space<hbm>>) target(%dma_start3A_218 : memref<1280x16xf32, #tpu.memory_space<vmem>>) offsets(%dma_start3A_221 : memref<1280xi32, #tpu.memory_space<vmem>>) semaphore(%arg13 : memref<!tpu.dma_semaphore, #tpu.memory_space<semaphore_mem>>)
      %dma_start3A_225 = arith.constant 3 : i32
      %dma_start3A_226 = arith.constant 3 : i32
      %dma_start3A_227 = arith.constant 0 : i32
      %dma_start3A_228 = arith.constant 0 : i32
      %dma_start3A_229 = tpu.memref_slice %arg8[%dma_start3A_225, %dma_start3A_227, %dma_start3A_228] : memref<4x1280x16xf32, #tpu.memory_space<vmem>> -> memref<1x1280x16xf32, #tpu.memory_space<vmem>>
      %dma_start3A_230 = tpu.memref_squeeze %dma_start3A_229 : memref<1x1280x16xf32, #tpu.memory_space<vmem>> -> memref<1280x16xf32, #tpu.memory_space<vmem>>
      %dma_start3A_231 = arith.constant 0 : i32
      %dma_start3A_232 = tpu.memref_slice %arg7[%dma_start3A_226, %dma_start3A_231] : memref<12x1280xi32, #tpu.memory_space<vmem>> -> memref<1x1280xi32, #tpu.memory_space<vmem>>
      %dma_start3A_233 = tpu.memref_squeeze %dma_start3A_232 : memref<1x1280xi32, #tpu.memory_space<vmem>> -> memref<1280xi32, #tpu.memory_space<vmem>>
      %dma_start3A_234 = arith.constant 0 : i32
      %dma_start3A_235 = arith.constant 0 : i32
      %dma_start3A_236 = tpu.memref_slice %arg10[%dma_start3A_234, %dma_start3A_235] : memref<10240x16xf32, #tpu.memory_space<vmem_shared>> -> memref<10240x16xf32, #tpu.memory_space<vmem_shared>>
      tpu.enqueue_indirect_dma source(%dma_start3A_230 : memref<1280x16xf32, #tpu.memory_space<vmem>>) target(%dma_start3A_236 : memref<10240x16xf32, #tpu.memory_space<vmem_shared>>) offsets(%dma_start3A_233 : memref<1280xi32, #tpu.memory_space<vmem>>) semaphore(%arg18 : memref<!tpu.dma_semaphore, #tpu.memory_space<semaphore_mem>>) {add = true}
      %dma_wait3A_237 = arith.constant 4 : i32
      %dma_wait3A_238 = arith.constant 0 : i32
      %dma_wait3A_239 = arith.constant 0 : i32
      %dma_wait3A_240 = arith.constant 0 : i32
      %dma_wait3A_241 = tpu.memref_slice %arg8[%dma_wait3A_238, %dma_wait3A_239, %dma_wait3A_240] : memref<4x1280x16xf32, #tpu.memory_space<vmem>> -> memref<1x1280x16xf32, #tpu.memory_space<vmem>>
      %dma_wait3A_242 = tpu.memref_squeeze %dma_wait3A_241 : memref<1x1280x16xf32, #tpu.memory_space<vmem>> -> memref<1280x16xf32, #tpu.memory_space<vmem>>
      %dma_wait3A_243 = arith.constant 0 : i32
      %dma_wait3A_244 = tpu.memref_slice %arg6[%dma_wait3A_237, %dma_wait3A_243] : memref<12x1280xi32, #tpu.memory_space<vmem>> -> memref<1x1280xi32, #tpu.memory_space<vmem>>
      %dma_wait3A_245 = tpu.memref_squeeze %dma_wait3A_244 : memref<1x1280xi32, #tpu.memory_space<vmem>> -> memref<1280xi32, #tpu.memory_space<vmem>>
      %dma_wait3A_246 = arith.constant 0 : i32
      %dma_wait3A_247 = arith.constant 0 : i32
      %dma_wait3A_248 = tpu.memref_slice %arg4[%dma_wait3A_246, %dma_wait3A_247] : memref<10000x16xf32, #tpu.memory_space<hbm>> -> memref<10000x16xf32, #tpu.memory_space<hbm>>
      tpu.wait_indirect_dma semaphore(%arg11 : memref<!tpu.dma_semaphore, #tpu.memory_space<semaphore_mem>>) src(%dma_wait3A_248 : memref<10000x16xf32, #tpu.memory_space<hbm>>) dst(%dma_wait3A_242 : memref<1280x16xf32, #tpu.memory_space<vmem>>)
      %dma_wait3A_249 = arith.constant 3 : i32
      %dma_wait3A_250 = arith.constant 3 : i32
      %dma_wait3A_251 = arith.constant 0 : i32
      %dma_wait3A_252 = arith.constant 0 : i32
      %dma_wait3A_253 = tpu.memref_slice %arg8[%dma_wait3A_249, %dma_wait3A_251, %dma_wait3A_252] : memref<4x1280x16xf32, #tpu.memory_space<vmem>> -> memref<1x1280x16xf32, #tpu.memory_space<vmem>>
      %dma_wait3A_254 = tpu.memref_squeeze %dma_wait3A_253 : memref<1x1280x16xf32, #tpu.memory_space<vmem>> -> memref<1280x16xf32, #tpu.memory_space<vmem>>
      %dma_wait3A_255 = arith.constant 0 : i32
      %dma_wait3A_256 = tpu.memref_slice %arg7[%dma_wait3A_250, %dma_wait3A_255] : memref<12x1280xi32, #tpu.memory_space<vmem>> -> memref<1x1280xi32, #tpu.memory_space<vmem>>
      %dma_wait3A_257 = tpu.memref_squeeze %dma_wait3A_256 : memref<1x1280xi32, #tpu.memory_space<vmem>> -> memref<1280xi32, #tpu.memory_space<vmem>>
      %dma_wait3A_258 = arith.constant 0 : i32
      %dma_wait3A_259 = arith.constant 0 : i32
      %dma_wait3A_260 = tpu.memref_slice %arg10[%dma_wait3A_258, %dma_wait3A_259] : memref<10240x16xf32, #tpu.memory_space<vmem_shared>> -> memref<10240x16xf32, #tpu.memory_space<vmem_shared>>
      tpu.wait_indirect_dma semaphore(%arg18 : memref<!tpu.dma_semaphore, #tpu.memory_space<semaphore_mem>>) src(%dma_wait3A_254 : memref<1280x16xf32, #tpu.memory_space<vmem>>) dst(%dma_wait3A_260 : memref<10240x16xf32, #tpu.memory_space<vmem_shared>>)
      %dma_start3A_261 = arith.constant 7 : i32
      %dma_start3A_262 = arith.constant 3 : i32
      %dma_start3A_263 = arith.constant 0 : i32
      %dma_start3A_264 = arith.constant 0 : i32
      %dma_start3A_265 = tpu.memref_slice %arg8[%dma_start3A_262, %dma_start3A_263, %dma_start3A_264] : memref<4x1280x16xf32, #tpu.memory_space<vmem>> -> memref<1x1280x16xf32, #tpu.memory_space<vmem>>
      %dma_start3A_266 = tpu.memref_squeeze %dma_start3A_265 : memref<1x1280x16xf32, #tpu.memory_space<vmem>> -> memref<1280x16xf32, #tpu.memory_space<vmem>>
      %dma_start3A_267 = arith.constant 0 : i32
      %dma_start3A_268 = tpu.memref_slice %arg6[%dma_start3A_261, %dma_start3A_267] : memref<12x1280xi32, #tpu.memory_space<vmem>> -> memref<1x1280xi32, #tpu.memory_space<vmem>>
      %dma_start3A_269 = tpu.memref_squeeze %dma_start3A_268 : memref<1x1280xi32, #tpu.memory_space<vmem>> -> memref<1280xi32, #tpu.memory_space<vmem>>
      %dma_start3A_270 = arith.constant 0 : i32
      %dma_start3A_271 = arith.constant 0 : i32
      %dma_start3A_272 = tpu.memref_slice %arg4[%dma_start3A_270, %dma_start3A_271] : memref<10000x16xf32, #tpu.memory_space<hbm>> -> memref<10000x16xf32, #tpu.memory_space<hbm>>
      tpu.enqueue_indirect_dma source(%dma_start3A_272 : memref<10000x16xf32, #tpu.memory_space<hbm>>) target(%dma_start3A_266 : memref<1280x16xf32, #tpu.memory_space<vmem>>) offsets(%dma_start3A_269 : memref<1280xi32, #tpu.memory_space<vmem>>) semaphore(%arg14 : memref<!tpu.dma_semaphore, #tpu.memory_space<semaphore_mem>>)
      %dma_start3A_273 = arith.constant 0 : i32
      %dma_start3A_274 = arith.constant 4 : i32
      %dma_start3A_275 = arith.constant 0 : i32
      %dma_start3A_276 = arith.constant 0 : i32
      %dma_start3A_277 = tpu.memref_slice %arg8[%dma_start3A_273, %dma_start3A_275, %dma_start3A_276] : memref<4x1280x16xf32, #tpu.memory_space<vmem>> -> memref<1x1280x16xf32, #tpu.memory_space<vmem>>
      %dma_start3A_278 = tpu.memref_squeeze %dma_start3A_277 : memref<1x1280x16xf32, #tpu.memory_space<vmem>> -> memref<1280x16xf32, #tpu.memory_space<vmem>>
      %dma_start3A_279 = arith.constant 0 : i32
      %dma_start3A_280 = tpu.memref_slice %arg7[%dma_start3A_274, %dma_start3A_279] : memref<12x1280xi32, #tpu.memory_space<vmem>> -> memref<1x1280xi32, #tpu.memory_space<vmem>>
      %dma_start3A_281 = tpu.memref_squeeze %dma_start3A_280 : memref<1x1280xi32, #tpu.memory_space<vmem>> -> memref<1280xi32, #tpu.memory_space<vmem>>
      %dma_start3A_282 = arith.constant 0 : i32
      %dma_start3A_283 = arith.constant 0 : i32
      %dma_start3A_284 = tpu.memref_slice %arg10[%dma_start3A_282, %dma_start3A_283] : memref<10240x16xf32, #tpu.memory_space<vmem_shared>> -> memref<10240x16xf32, #tpu.memory_space<vmem_shared>>
      tpu.enqueue_indirect_dma source(%dma_start3A_278 : memref<1280x16xf32, #tpu.memory_space<vmem>>) target(%dma_start3A_284 : memref<10240x16xf32, #tpu.memory_space<vmem_shared>>) offsets(%dma_start3A_281 : memref<1280xi32, #tpu.memory_space<vmem>>) semaphore(%arg15 : memref<!tpu.dma_semaphore, #tpu.memory_space<semaphore_mem>>) {add = true}
      %dma_wait3A_285 = arith.constant 5 : i32
      %dma_wait3A_286 = arith.constant 1 : i32
      %dma_wait3A_287 = arith.constant 0 : i32
      %dma_wait3A_288 = arith.constant 0 : i32
      %dma_wait3A_289 = tpu.memref_slice %arg8[%dma_wait3A_286, %dma_wait3A_287, %dma_wait3A_288] : memref<4x1280x16xf32, #tpu.memory_space<vmem>> -> memref<1x1280x16xf32, #tpu.memory_space<vmem>>
      %dma_wait3A_290 = tpu.memref_squeeze %dma_wait3A_289 : memref<1x1280x16xf32, #tpu.memory_space<vmem>> -> memref<1280x16xf32, #tpu.memory_space<vmem>>
      %dma_wait3A_291 = arith.constant 0 : i32
      %dma_wait3A_292 = tpu.memref_slice %arg6[%dma_wait3A_285, %dma_wait3A_291] : memref<12x1280xi32, #tpu.memory_space<vmem>> -> memref<1x1280xi32, #tpu.memory_space<vmem>>
      %dma_wait3A_293 = tpu.memref_squeeze %dma_wait3A_292 : memref<1x1280xi32, #tpu.memory_space<vmem>> -> memref<1280xi32, #tpu.memory_space<vmem>>
      %dma_wait3A_294 = arith.constant 0 : i32
      %dma_wait3A_295 = arith.constant 0 : i32
      %dma_wait3A_296 = tpu.memref_slice %arg4[%dma_wait3A_294, %dma_wait3A_295] : memref<10000x16xf32, #tpu.memory_space<hbm>> -> memref<10000x16xf32, #tpu.memory_space<hbm>>
      tpu.wait_indirect_dma semaphore(%arg12 : memref<!tpu.dma_semaphore, #tpu.memory_space<semaphore_mem>>) src(%dma_wait3A_296 : memref<10000x16xf32, #tpu.memory_space<hbm>>) dst(%dma_wait3A_290 : memref<1280x16xf32, #tpu.memory_space<vmem>>)
      %dma_wait3A_297 = arith.constant 0 : i32
      %dma_wait3A_298 = arith.constant 4 : i32
      %dma_wait3A_299 = arith.constant 0 : i32
      %dma_wait3A_300 = arith.constant 0 : i32
      %dma_wait3A_301 = tpu.memref_slice %arg8[%dma_wait3A_297, %dma_wait3A_299, %dma_wait3A_300] : memref<4x1280x16xf32, #tpu.memory_space<vmem>> -> memref<1x1280x16xf32, #tpu.memory_space<vmem>>
      %dma_wait3A_302 = tpu.memref_squeeze %dma_wait3A_301 : memref<1x1280x16xf32, #tpu.memory_space<vmem>> -> memref<1280x16xf32, #tpu.memory_space<vmem>>
      %dma_wait3A_303 = arith.constant 0 : i32
      %dma_wait3A_304 = tpu.memref_slice %arg7[%dma_wait3A_298, %dma_wait3A_303] : memref<12x1280xi32, #tpu.memory_space<vmem>> -> memref<1x1280xi32, #tpu.memory_space<vmem>>
      %dma_wait3A_305 = tpu.memref_squeeze %dma_wait3A_304 : memref<1x1280xi32, #tpu.memory_space<vmem>> -> memref<1280xi32, #tpu.memory_space<vmem>>
      %dma_wait3A_306 = arith.constant 0 : i32
      %dma_wait3A_307 = arith.constant 0 : i32
      %dma_wait3A_308 = tpu.memref_slice %arg10[%dma_wait3A_306, %dma_wait3A_307] : memref<10240x16xf32, #tpu.memory_space<vmem_shared>> -> memref<10240x16xf32, #tpu.memory_space<vmem_shared>>
      tpu.wait_indirect_dma semaphore(%arg15 : memref<!tpu.dma_semaphore, #tpu.memory_space<semaphore_mem>>) src(%dma_wait3A_302 : memref<1280x16xf32, #tpu.memory_space<vmem>>) dst(%dma_wait3A_308 : memref<10240x16xf32, #tpu.memory_space<vmem_shared>>)
      %dma_start3A_309 = arith.constant 8 : i32
      %dma_start3A_310 = arith.constant 0 : i32
      %dma_start3A_311 = arith.constant 0 : i32
      %dma_start3A_312 = arith.constant 0 : i32
      %dma_start3A_313 = tpu.memref_slice %arg8[%dma_start3A_310, %dma_start3A_311, %dma_start3A_312] : memref<4x1280x16xf32, #tpu.memory_space<vmem>> -> memref<1x1280x16xf32, #tpu.memory_space<vmem>>
      %dma_start3A_314 = tpu.memref_squeeze %dma_start3A_313 : memref<1x1280x16xf32, #tpu.memory_space<vmem>> -> memref<1280x16xf32, #tpu.memory_space<vmem>>
      %dma_start3A_315 = arith.constant 0 : i32
      %dma_start3A_316 = tpu.memref_slice %arg6[%dma_start3A_309, %dma_start3A_315] : memref<12x1280xi32, #tpu.memory_space<vmem>> -> memref<1x1280xi32, #tpu.memory_space<vmem>>
      %dma_start3A_317 = tpu.memref_squeeze %dma_start3A_316 : memref<1x1280xi32, #tpu.memory_space<vmem>> -> memref<1280xi32, #tpu.memory_space<vmem>>
      %dma_start3A_318 = arith.constant 0 : i32
      %dma_start3A_319 = arith.constant 0 : i32
      %dma_start3A_320 = tpu.memref_slice %arg4[%dma_start3A_318, %dma_start3A_319] : memref<10000x16xf32, #tpu.memory_space<hbm>> -> memref<10000x16xf32, #tpu.memory_space<hbm>>
      tpu.enqueue_indirect_dma source(%dma_start3A_320 : memref<10000x16xf32, #tpu.memory_space<hbm>>) target(%dma_start3A_314 : memref<1280x16xf32, #tpu.memory_space<vmem>>) offsets(%dma_start3A_317 : memref<1280xi32, #tpu.memory_space<vmem>>) semaphore(%arg11 : memref<!tpu.dma_semaphore, #tpu.memory_space<semaphore_mem>>)
      %dma_start3A_321 = arith.constant 1 : i32
      %dma_start3A_322 = arith.constant 5 : i32
      %dma_start3A_323 = arith.constant 0 : i32
      %dma_start3A_324 = arith.constant 0 : i32
      %dma_start3A_325 = tpu.memref_slice %arg8[%dma_start3A_321, %dma_start3A_323, %dma_start3A_324] : memref<4x1280x16xf32, #tpu.memory_space<vmem>> -> memref<1x1280x16xf32, #tpu.memory_space<vmem>>
      %dma_start3A_326 = tpu.memref_squeeze %dma_start3A_325 : memref<1x1280x16xf32, #tpu.memory_space<vmem>> -> memref<1280x16xf32, #tpu.memory_space<vmem>>
      %dma_start3A_327 = arith.constant 0 : i32
      %dma_start3A_328 = tpu.memref_slice %arg7[%dma_start3A_322, %dma_start3A_327] : memref<12x1280xi32, #tpu.memory_space<vmem>> -> memref<1x1280xi32, #tpu.memory_space<vmem>>
      %dma_start3A_329 = tpu.memref_squeeze %dma_start3A_328 : memref<1x1280xi32, #tpu.memory_space<vmem>> -> memref<1280xi32, #tpu.memory_space<vmem>>
      %dma_start3A_330 = arith.constant 0 : i32
      %dma_start3A_331 = arith.constant 0 : i32
      %dma_start3A_332 = tpu.memref_slice %arg10[%dma_start3A_330, %dma_start3A_331] : memref<10240x16xf32, #tpu.memory_space<vmem_shared>> -> memref<10240x16xf32, #tpu.memory_space<vmem_shared>>
      tpu.enqueue_indirect_dma source(%dma_start3A_326 : memref<1280x16xf32, #tpu.memory_space<vmem>>) target(%dma_start3A_332 : memref<10240x16xf32, #tpu.memory_space<vmem_shared>>) offsets(%dma_start3A_329 : memref<1280xi32, #tpu.memory_space<vmem>>) semaphore(%arg16 : memref<!tpu.dma_semaphore, #tpu.memory_space<semaphore_mem>>) {add = true}
      %dma_wait3A_333 = arith.constant 6 : i32
      %dma_wait3A_334 = arith.constant 2 : i32
      %dma_wait3A_335 = arith.constant 0 : i32
      %dma_wait3A_336 = arith.constant 0 : i32
      %dma_wait3A_337 = tpu.memref_slice %arg8[%dma_wait3A_334, %dma_wait3A_335, %dma_wait3A_336] : memref<4x1280x16xf32, #tpu.memory_space<vmem>> -> memref<1x1280x16xf32, #tpu.memory_space<vmem>>
      %dma_wait3A_338 = tpu.memref_squeeze %dma_wait3A_337 : memref<1x1280x16xf32, #tpu.memory_space<vmem>> -> memref<1280x16xf32, #tpu.memory_space<vmem>>
      %dma_wait3A_339 = arith.constant 0 : i32
      %dma_wait3A_340 = tpu.memref_slice %arg6[%dma_wait3A_333, %dma_wait3A_339] : memref<12x1280xi32, #tpu.memory_space<vmem>> -> memref<1x1280xi32, #tpu.memory_space<vmem>>
      %dma_wait3A_341 = tpu.memref_squeeze %dma_wait3A_340 : memref<1x1280xi32, #tpu.memory_space<vmem>> -> memref<1280xi32, #tpu.memory_space<vmem>>
      %dma_wait3A_342 = arith.constant 0 : i32
      %dma_wait3A_343 = arith.constant 0 : i32
      %dma_wait3A_344 = tpu.memref_slice %arg4[%dma_wait3A_342, %dma_wait3A_343] : memref<10000x16xf32, #tpu.memory_space<hbm>> -> memref<10000x16xf32, #tpu.memory_space<hbm>>
      tpu.wait_indirect_dma semaphore(%arg13 : memref<!tpu.dma_semaphore, #tpu.memory_space<semaphore_mem>>) src(%dma_wait3A_344 : memref<10000x16xf32, #tpu.memory_space<hbm>>) dst(%dma_wait3A_338 : memref<1280x16xf32, #tpu.memory_space<vmem>>)
      %dma_wait3A_345 = arith.constant 1 : i32
      %dma_wait3A_346 = arith.constant 5 : i32
      %dma_wait3A_347 = arith.constant 0 : i32
      %dma_wait3A_348 = arith.constant 0 : i32
      %dma_wait3A_349 = tpu.memref_slice %arg8[%dma_wait3A_345, %dma_wait3A_347, %dma_wait3A_348] : memref<4x1280x16xf32, #tpu.memory_space<vmem>> -> memref<1x1280x16xf32, #tpu.memory_space<vmem>>
      %dma_wait3A_350 = tpu.memref_squeeze %dma_wait3A_349 : memref<1x1280x16xf32, #tpu.memory_space<vmem>> -> memref<1280x16xf32, #tpu.memory_space<vmem>>
      %dma_wait3A_351 = arith.constant 0 : i32
      %dma_wait3A_352 = tpu.memref_slice %arg7[%dma_wait3A_346, %dma_wait3A_351] : memref<12x1280xi32, #tpu.memory_space<vmem>> -> memref<1x1280xi32, #tpu.memory_space<vmem>>
      %dma_wait3A_353 = tpu.memref_squeeze %dma_wait3A_352 : memref<1x1280xi32, #tpu.memory_space<vmem>> -> memref<1280xi32, #tpu.memory_space<vmem>>
      %dma_wait3A_354 = arith.constant 0 : i32
      %dma_wait3A_355 = arith.constant 0 : i32
      %dma_wait3A_356 = tpu.memref_slice %arg10[%dma_wait3A_354, %dma_wait3A_355] : memref<10240x16xf32, #tpu.memory_space<vmem_shared>> -> memref<10240x16xf32, #tpu.memory_space<vmem_shared>>
      tpu.wait_indirect_dma semaphore(%arg16 : memref<!tpu.dma_semaphore, #tpu.memory_space<semaphore_mem>>) src(%dma_wait3A_350 : memref<1280x16xf32, #tpu.memory_space<vmem>>) dst(%dma_wait3A_356 : memref<10240x16xf32, #tpu.memory_space<vmem_shared>>)
      %dma_start3A_357 = arith.constant 9 : i32
      %dma_start3A_358 = arith.constant 1 : i32
      %dma_start3A_359 = arith.constant 0 : i32
      %dma_start3A_360 = arith.constant 0 : i32
      %dma_start3A_361 = tpu.memref_slice %arg8[%dma_start3A_358, %dma_start3A_359, %dma_start3A_360] : memref<4x1280x16xf32, #tpu.memory_space<vmem>> -> memref<1x1280x16xf32, #tpu.memory_space<vmem>>
      %dma_start3A_362 = tpu.memref_squeeze %dma_start3A_361 : memref<1x1280x16xf32, #tpu.memory_space<vmem>> -> memref<1280x16xf32, #tpu.memory_space<vmem>>
      %dma_start3A_363 = arith.constant 0 : i32
      %dma_start3A_364 = tpu.memref_slice %arg6[%dma_start3A_357, %dma_start3A_363] : memref<12x1280xi32, #tpu.memory_space<vmem>> -> memref<1x1280xi32, #tpu.memory_space<vmem>>
      %dma_start3A_365 = tpu.memref_squeeze %dma_start3A_364 : memref<1x1280xi32, #tpu.memory_space<vmem>> -> memref<1280xi32, #tpu.memory_space<vmem>>
      %dma_start3A_366 = arith.constant 0 : i32
      %dma_start3A_367 = arith.constant 0 : i32
      %dma_start3A_368 = tpu.memref_slice %arg4[%dma_start3A_366, %dma_start3A_367] : memref<10000x16xf32, #tpu.memory_space<hbm>> -> memref<10000x16xf32, #tpu.memory_space<hbm>>
      tpu.enqueue_indirect_dma source(%dma_start3A_368 : memref<10000x16xf32, #tpu.memory_space<hbm>>) target(%dma_start3A_362 : memref<1280x16xf32, #tpu.memory_space<vmem>>) offsets(%dma_start3A_365 : memref<1280xi32, #tpu.memory_space<vmem>>) semaphore(%arg12 : memref<!tpu.dma_semaphore, #tpu.memory_space<semaphore_mem>>)
      %dma_start3A_369 = arith.constant 2 : i32
      %dma_start3A_370 = arith.constant 6 : i32
      %dma_start3A_371 = arith.constant 0 : i32
      %dma_start3A_372 = arith.constant 0 : i32
      %dma_start3A_373 = tpu.memref_slice %arg8[%dma_start3A_369, %dma_start3A_371, %dma_start3A_372] : memref<4x1280x16xf32, #tpu.memory_space<vmem>> -> memref<1x1280x16xf32, #tpu.memory_space<vmem>>
      %dma_start3A_374 = tpu.memref_squeeze %dma_start3A_373 : memref<1x1280x16xf32, #tpu.memory_space<vmem>> -> memref<1280x16xf32, #tpu.memory_space<vmem>>
      %dma_start3A_375 = arith.constant 0 : i32
      %dma_start3A_376 = tpu.memref_slice %arg7[%dma_start3A_370, %dma_start3A_375] : memref<12x1280xi32, #tpu.memory_space<vmem>> -> memref<1x1280xi32, #tpu.memory_space<vmem>>
      %dma_start3A_377 = tpu.memref_squeeze %dma_start3A_376 : memref<1x1280xi32, #tpu.memory_space<vmem>> -> memref<1280xi32, #tpu.memory_space<vmem>>
      %dma_start3A_378 = arith.constant 0 : i32
      %dma_start3A_379 = arith.constant 0 : i32
      %dma_start3A_380 = tpu.memref_slice %arg10[%dma_start3A_378, %dma_start3A_379] : memref<10240x16xf32, #tpu.memory_space<vmem_shared>> -> memref<10240x16xf32, #tpu.memory_space<vmem_shared>>
      tpu.enqueue_indirect_dma source(%dma_start3A_374 : memref<1280x16xf32, #tpu.memory_space<vmem>>) target(%dma_start3A_380 : memref<10240x16xf32, #tpu.memory_space<vmem_shared>>) offsets(%dma_start3A_377 : memref<1280xi32, #tpu.memory_space<vmem>>) semaphore(%arg17 : memref<!tpu.dma_semaphore, #tpu.memory_space<semaphore_mem>>) {add = true}
      %dma_wait3A_381 = arith.constant 7 : i32
      %dma_wait3A_382 = arith.constant 3 : i32
      %dma_wait3A_383 = arith.constant 0 : i32
      %dma_wait3A_384 = arith.constant 0 : i32
      %dma_wait3A_385 = tpu.memref_slice %arg8[%dma_wait3A_382, %dma_wait3A_383, %dma_wait3A_384] : memref<4x1280x16xf32, #tpu.memory_space<vmem>> -> memref<1x1280x16xf32, #tpu.memory_space<vmem>>
      %dma_wait3A_386 = tpu.memref_squeeze %dma_wait3A_385 : memref<1x1280x16xf32, #tpu.memory_space<vmem>> -> memref<1280x16xf32, #tpu.memory_space<vmem>>
      %dma_wait3A_387 = arith.constant 0 : i32
      %dma_wait3A_388 = tpu.memref_slice %arg6[%dma_wait3A_381, %dma_wait3A_387] : memref<12x1280xi32, #tpu.memory_space<vmem>> -> memref<1x1280xi32, #tpu.memory_space<vmem>>
      %dma_wait3A_389 = tpu.memref_squeeze %dma_wait3A_388 : memref<1x1280xi32, #tpu.memory_space<vmem>> -> memref<1280xi32, #tpu.memory_space<vmem>>
      %dma_wait3A_390 = arith.constant 0 : i32
      %dma_wait3A_391 = arith.constant 0 : i32
      %dma_wait3A_392 = tpu.memref_slice %arg4[%dma_wait3A_390, %dma_wait3A_391] : memref<10000x16xf32, #tpu.memory_space<hbm>> -> memref<10000x16xf32, #tpu.memory_space<hbm>>
      tpu.wait_indirect_dma semaphore(%arg14 : memref<!tpu.dma_semaphore, #tpu.memory_space<semaphore_mem>>) src(%dma_wait3A_392 : memref<10000x16xf32, #tpu.memory_space<hbm>>) dst(%dma_wait3A_386 : memref<1280x16xf32, #tpu.memory_space<vmem>>)
      %dma_wait3A_393 = arith.constant 2 : i32
      %dma_wait3A_394 = arith.constant 6 : i32
      %dma_wait3A_395 = arith.constant 0 : i32
      %dma_wait3A_396 = arith.constant 0 : i32
      %dma_wait3A_397 = tpu.memref_slice %arg8[%dma_wait3A_393, %dma_wait3A_395, %dma_wait3A_396] : memref<4x1280x16xf32, #tpu.memory_space<vmem>> -> memref<1x1280x16xf32, #tpu.memory_space<vmem>>
      %dma_wait3A_398 = tpu.memref_squeeze %dma_wait3A_397 : memref<1x1280x16xf32, #tpu.memory_space<vmem>> -> memref<1280x16xf32, #tpu.memory_space<vmem>>
      %dma_wait3A_399 = arith.constant 0 : i32
      %dma_wait3A_400 = tpu.memref_slice %arg7[%dma_wait3A_394, %dma_wait3A_399] : memref<12x1280xi32, #tpu.memory_space<vmem>> -> memref<1x1280xi32, #tpu.memory_space<vmem>>
      %dma_wait3A_401 = tpu.memref_squeeze %dma_wait3A_400 : memref<1x1280xi32, #tpu.memory_space<vmem>> -> memref<1280xi32, #tpu.memory_space<vmem>>
      %dma_wait3A_402 = arith.constant 0 : i32
      %dma_wait3A_403 = arith.constant 0 : i32
      %dma_wait3A_404 = tpu.memref_slice %arg10[%dma_wait3A_402, %dma_wait3A_403] : memref<10240x16xf32, #tpu.memory_space<vmem_shared>> -> memref<10240x16xf32, #tpu.memory_space<vmem_shared>>
      tpu.wait_indirect_dma semaphore(%arg17 : memref<!tpu.dma_semaphore, #tpu.memory_space<semaphore_mem>>) src(%dma_wait3A_398 : memref<1280x16xf32, #tpu.memory_space<vmem>>) dst(%dma_wait3A_404 : memref<10240x16xf32, #tpu.memory_space<vmem_shared>>)
      %dma_start3A_405 = arith.constant 10 : i32
      %dma_start3A_406 = arith.constant 2 : i32
      %dma_start3A_407 = arith.constant 0 : i32
      %dma_start3A_408 = arith.constant 0 : i32
      %dma_start3A_409 = tpu.memref_slice %arg8[%dma_start3A_406, %dma_start3A_407, %dma_start3A_408] : memref<4x1280x16xf32, #tpu.memory_space<vmem>> -> memref<1x1280x16xf32, #tpu.memory_space<vmem>>
      %dma_start3A_410 = tpu.memref_squeeze %dma_start3A_409 : memref<1x1280x16xf32, #tpu.memory_space<vmem>> -> memref<1280x16xf32, #tpu.memory_space<vmem>>
      %dma_start3A_411 = arith.constant 0 : i32
      %dma_start3A_412 = tpu.memref_slice %arg6[%dma_start3A_405, %dma_start3A_411] : memref<12x1280xi32, #tpu.memory_space<vmem>> -> memref<1x1280xi32, #tpu.memory_space<vmem>>
      %dma_start3A_413 = tpu.memref_squeeze %dma_start3A_412 : memref<1x1280xi32, #tpu.memory_space<vmem>> -> memref<1280xi32, #tpu.memory_space<vmem>>
      %dma_start3A_414 = arith.constant 0 : i32
      %dma_start3A_415 = arith.constant 0 : i32
      %dma_start3A_416 = tpu.memref_slice %arg4[%dma_start3A_414, %dma_start3A_415] : memref<10000x16xf32, #tpu.memory_space<hbm>> -> memref<10000x16xf32, #tpu.memory_space<hbm>>
      tpu.enqueue_indirect_dma source(%dma_start3A_416 : memref<10000x16xf32, #tpu.memory_space<hbm>>) target(%dma_start3A_410 : memref<1280x16xf32, #tpu.memory_space<vmem>>) offsets(%dma_start3A_413 : memref<1280xi32, #tpu.memory_space<vmem>>) semaphore(%arg13 : memref<!tpu.dma_semaphore, #tpu.memory_space<semaphore_mem>>)
      %dma_start3A_417 = arith.constant 3 : i32
      %dma_start3A_418 = arith.constant 7 : i32
      %dma_start3A_419 = arith.constant 0 : i32
      %dma_start3A_420 = arith.constant 0 : i32
      %dma_start3A_421 = tpu.memref_slice %arg8[%dma_start3A_417, %dma_start3A_419, %dma_start3A_420] : memref<4x1280x16xf32, #tpu.memory_space<vmem>> -> memref<1x1280x16xf32, #tpu.memory_space<vmem>>
      %dma_start3A_422 = tpu.memref_squeeze %dma_start3A_421 : memref<1x1280x16xf32, #tpu.memory_space<vmem>> -> memref<1280x16xf32, #tpu.memory_space<vmem>>
      %dma_start3A_423 = arith.constant 0 : i32
      %dma_start3A_424 = tpu.memref_slice %arg7[%dma_start3A_418, %dma_start3A_423] : memref<12x1280xi32, #tpu.memory_space<vmem>> -> memref<1x1280xi32, #tpu.memory_space<vmem>>
      %dma_start3A_425 = tpu.memref_squeeze %dma_start3A_424 : memref<1x1280xi32, #tpu.memory_space<vmem>> -> memref<1280xi32, #tpu.memory_space<vmem>>
      %dma_start3A_426 = arith.constant 0 : i32
      %dma_start3A_427 = arith.constant 0 : i32
      %dma_start3A_428 = tpu.memref_slice %arg10[%dma_start3A_426, %dma_start3A_427] : memref<10240x16xf32, #tpu.memory_space<vmem_shared>> -> memref<10240x16xf32, #tpu.memory_space<vmem_shared>>
      tpu.enqueue_indirect_dma source(%dma_start3A_422 : memref<1280x16xf32, #tpu.memory_space<vmem>>) target(%dma_start3A_428 : memref<10240x16xf32, #tpu.memory_space<vmem_shared>>) offsets(%dma_start3A_425 : memref<1280xi32, #tpu.memory_space<vmem>>) semaphore(%arg18 : memref<!tpu.dma_semaphore, #tpu.memory_space<semaphore_mem>>) {add = true}
      %dma_wait3A_429 = arith.constant 8 : i32
      %dma_wait3A_430 = arith.constant 0 : i32
      %dma_wait3A_431 = arith.constant 0 : i32
      %dma_wait3A_432 = arith.constant 0 : i32
      %dma_wait3A_433 = tpu.memref_slice %arg8[%dma_wait3A_430, %dma_wait3A_431, %dma_wait3A_432] : memref<4x1280x16xf32, #tpu.memory_space<vmem>> -> memref<1x1280x16xf32, #tpu.memory_space<vmem>>
      %dma_wait3A_434 = tpu.memref_squeeze %dma_wait3A_433 : memref<1x1280x16xf32, #tpu.memory_space<vmem>> -> memref<1280x16xf32, #tpu.memory_space<vmem>>
      %dma_wait3A_435 = arith.constant 0 : i32
      %dma_wait3A_436 = tpu.memref_slice %arg6[%dma_wait3A_429, %dma_wait3A_435] : memref<12x1280xi32, #tpu.memory_space<vmem>> -> memref<1x1280xi32, #tpu.memory_space<vmem>>
      %dma_wait3A_437 = tpu.memref_squeeze %dma_wait3A_436 : memref<1x1280xi32, #tpu.memory_space<vmem>> -> memref<1280xi32, #tpu.memory_space<vmem>>
      %dma_wait3A_438 = arith.constant 0 : i32
      %dma_wait3A_439 = arith.constant 0 : i32
      %dma_wait3A_440 = tpu.memref_slice %arg4[%dma_wait3A_438, %dma_wait3A_439] : memref<10000x16xf32, #tpu.memory_space<hbm>> -> memref<10000x16xf32, #tpu.memory_space<hbm>>
      tpu.wait_indirect_dma semaphore(%arg11 : memref<!tpu.dma_semaphore, #tpu.memory_space<semaphore_mem>>) src(%dma_wait3A_440 : memref<10000x16xf32, #tpu.memory_space<hbm>>) dst(%dma_wait3A_434 : memref<1280x16xf32, #tpu.memory_space<vmem>>)
      %dma_wait3A_441 = arith.constant 3 : i32
      %dma_wait3A_442 = arith.constant 7 : i32
      %dma_wait3A_443 = arith.constant 0 : i32
      %dma_wait3A_444 = arith.constant 0 : i32
      %dma_wait3A_445 = tpu.memref_slice %arg8[%dma_wait3A_441, %dma_wait3A_443, %dma_wait3A_444] : memref<4x1280x16xf32, #tpu.memory_space<vmem>> -> memref<1x1280x16xf32, #tpu.memory_space<vmem>>
      %dma_wait3A_446 = tpu.memref_squeeze %dma_wait3A_445 : memref<1x1280x16xf32, #tpu.memory_space<vmem>> -> memref<1280x16xf32, #tpu.memory_space<vmem>>
      %dma_wait3A_447 = arith.constant 0 : i32
      %dma_wait3A_448 = tpu.memref_slice %arg7[%dma_wait3A_442, %dma_wait3A_447] : memref<12x1280xi32, #tpu.memory_space<vmem>> -> memref<1x1280xi32, #tpu.memory_space<vmem>>
      %dma_wait3A_449 = tpu.memref_squeeze %dma_wait3A_448 : memref<1x1280xi32, #tpu.memory_space<vmem>> -> memref<1280xi32, #tpu.memory_space<vmem>>
      %dma_wait3A_450 = arith.constant 0 : i32
      %dma_wait3A_451 = arith.constant 0 : i32
      %dma_wait3A_452 = tpu.memref_slice %arg10[%dma_wait3A_450, %dma_wait3A_451] : memref<10240x16xf32, #tpu.memory_space<vmem_shared>> -> memref<10240x16xf32, #tpu.memory_space<vmem_shared>>
      tpu.wait_indirect_dma semaphore(%arg18 : memref<!tpu.dma_semaphore, #tpu.memory_space<semaphore_mem>>) src(%dma_wait3A_446 : memref<1280x16xf32, #tpu.memory_space<vmem>>) dst(%dma_wait3A_452 : memref<10240x16xf32, #tpu.memory_space<vmem_shared>>)
      %dma_start3A_453 = arith.constant 11 : i32
      %dma_start3A_454 = arith.constant 3 : i32
      %dma_start3A_455 = arith.constant 0 : i32
      %dma_start3A_456 = arith.constant 0 : i32
      %dma_start3A_457 = tpu.memref_slice %arg8[%dma_start3A_454, %dma_start3A_455, %dma_start3A_456] : memref<4x1280x16xf32, #tpu.memory_space<vmem>> -> memref<1x1280x16xf32, #tpu.memory_space<vmem>>
      %dma_start3A_458 = tpu.memref_squeeze %dma_start3A_457 : memref<1x1280x16xf32, #tpu.memory_space<vmem>> -> memref<1280x16xf32, #tpu.memory_space<vmem>>
      %dma_start3A_459 = arith.constant 0 : i32
      %dma_start3A_460 = tpu.memref_slice %arg6[%dma_start3A_453, %dma_start3A_459] : memref<12x1280xi32, #tpu.memory_space<vmem>> -> memref<1x1280xi32, #tpu.memory_space<vmem>>
      %dma_start3A_461 = tpu.memref_squeeze %dma_start3A_460 : memref<1x1280xi32, #tpu.memory_space<vmem>> -> memref<1280xi32, #tpu.memory_space<vmem>>
      %dma_start3A_462 = arith.constant 0 : i32
      %dma_start3A_463 = arith.constant 0 : i32
      %dma_start3A_464 = tpu.memref_slice %arg4[%dma_start3A_462, %dma_start3A_463] : memref<10000x16xf32, #tpu.memory_space<hbm>> -> memref<10000x16xf32, #tpu.memory_space<hbm>>
      tpu.enqueue_indirect_dma source(%dma_start3A_464 : memref<10000x16xf32, #tpu.memory_space<hbm>>) target(%dma_start3A_458 : memref<1280x16xf32, #tpu.memory_space<vmem>>) offsets(%dma_start3A_461 : memref<1280xi32, #tpu.memory_space<vmem>>) semaphore(%arg14 : memref<!tpu.dma_semaphore, #tpu.memory_space<semaphore_mem>>)
      %dma_start3A_465 = arith.constant 0 : i32
      %dma_start3A_466 = arith.constant 8 : i32
      %dma_start3A_467 = arith.constant 0 : i32
      %dma_start3A_468 = arith.constant 0 : i32
      %dma_start3A_469 = tpu.memref_slice %arg8[%dma_start3A_465, %dma_start3A_467, %dma_start3A_468] : memref<4x1280x16xf32, #tpu.memory_space<vmem>> -> memref<1x1280x16xf32, #tpu.memory_space<vmem>>
      %dma_start3A_470 = tpu.memref_squeeze %dma_start3A_469 : memref<1x1280x16xf32, #tpu.memory_space<vmem>> -> memref<1280x16xf32, #tpu.memory_space<vmem>>
      %dma_start3A_471 = arith.constant 0 : i32
      %dma_start3A_472 = tpu.memref_slice %arg7[%dma_start3A_466, %dma_start3A_471] : memref<12x1280xi32, #tpu.memory_space<vmem>> -> memref<1x1280xi32, #tpu.memory_space<vmem>>
      %dma_start3A_473 = tpu.memref_squeeze %dma_start3A_472 : memref<1x1280xi32, #tpu.memory_space<vmem>> -> memref<1280xi32, #tpu.memory_space<vmem>>
      %dma_start3A_474 = arith.constant 0 : i32
      %dma_start3A_475 = arith.constant 0 : i32
      %dma_start3A_476 = tpu.memref_slice %arg10[%dma_start3A_474, %dma_start3A_475] : memref<10240x16xf32, #tpu.memory_space<vmem_shared>> -> memref<10240x16xf32, #tpu.memory_space<vmem_shared>>
      tpu.enqueue_indirect_dma source(%dma_start3A_470 : memref<1280x16xf32, #tpu.memory_space<vmem>>) target(%dma_start3A_476 : memref<10240x16xf32, #tpu.memory_space<vmem_shared>>) offsets(%dma_start3A_473 : memref<1280xi32, #tpu.memory_space<vmem>>) semaphore(%arg15 : memref<!tpu.dma_semaphore, #tpu.memory_space<semaphore_mem>>) {add = true}
      %dma_wait3A_477 = arith.constant 9 : i32
      %dma_wait3A_478 = arith.constant 1 : i32
      %dma_wait3A_479 = arith.constant 0 : i32
      %dma_wait3A_480 = arith.constant 0 : i32
      %dma_wait3A_481 = tpu.memref_slice %arg8[%dma_wait3A_478, %dma_wait3A_479, %dma_wait3A_480] : memref<4x1280x16xf32, #tpu.memory_space<vmem>> -> memref<1x1280x16xf32, #tpu.memory_space<vmem>>
      %dma_wait3A_482 = tpu.memref_squeeze %dma_wait3A_481 : memref<1x1280x16xf32, #tpu.memory_space<vmem>> -> memref<1280x16xf32, #tpu.memory_space<vmem>>
      %dma_wait3A_483 = arith.constant 0 : i32
      %dma_wait3A_484 = tpu.memref_slice %arg6[%dma_wait3A_477, %dma_wait3A_483] : memref<12x1280xi32, #tpu.memory_space<vmem>> -> memref<1x1280xi32, #tpu.memory_space<vmem>>
      %dma_wait3A_485 = tpu.memref_squeeze %dma_wait3A_484 : memref<1x1280xi32, #tpu.memory_space<vmem>> -> memref<1280xi32, #tpu.memory_space<vmem>>
      %dma_wait3A_486 = arith.constant 0 : i32
      %dma_wait3A_487 = arith.constant 0 : i32
      %dma_wait3A_488 = tpu.memref_slice %arg4[%dma_wait3A_486, %dma_wait3A_487] : memref<10000x16xf32, #tpu.memory_space<hbm>> -> memref<10000x16xf32, #tpu.memory_space<hbm>>
      tpu.wait_indirect_dma semaphore(%arg12 : memref<!tpu.dma_semaphore, #tpu.memory_space<semaphore_mem>>) src(%dma_wait3A_488 : memref<10000x16xf32, #tpu.memory_space<hbm>>) dst(%dma_wait3A_482 : memref<1280x16xf32, #tpu.memory_space<vmem>>)
      %dma_start3A_489 = arith.constant 1 : i32
      %dma_start3A_490 = arith.constant 9 : i32
      %dma_start3A_491 = arith.constant 0 : i32
      %dma_start3A_492 = arith.constant 0 : i32
      %dma_start3A_493 = tpu.memref_slice %arg8[%dma_start3A_489, %dma_start3A_491, %dma_start3A_492] : memref<4x1280x16xf32, #tpu.memory_space<vmem>> -> memref<1x1280x16xf32, #tpu.memory_space<vmem>>
      %dma_start3A_494 = tpu.memref_squeeze %dma_start3A_493 : memref<1x1280x16xf32, #tpu.memory_space<vmem>> -> memref<1280x16xf32, #tpu.memory_space<vmem>>
      %dma_start3A_495 = arith.constant 0 : i32
      %dma_start3A_496 = tpu.memref_slice %arg7[%dma_start3A_490, %dma_start3A_495] : memref<12x1280xi32, #tpu.memory_space<vmem>> -> memref<1x1280xi32, #tpu.memory_space<vmem>>
      %dma_start3A_497 = tpu.memref_squeeze %dma_start3A_496 : memref<1x1280xi32, #tpu.memory_space<vmem>> -> memref<1280xi32, #tpu.memory_space<vmem>>
      %dma_start3A_498 = arith.constant 0 : i32
      %dma_start3A_499 = arith.constant 0 : i32
      %dma_start3A_500 = tpu.memref_slice %arg10[%dma_start3A_498, %dma_start3A_499] : memref<10240x16xf32, #tpu.memory_space<vmem_shared>> -> memref<10240x16xf32, #tpu.memory_space<vmem_shared>>
      tpu.enqueue_indirect_dma source(%dma_start3A_494 : memref<1280x16xf32, #tpu.memory_space<vmem>>) target(%dma_start3A_500 : memref<10240x16xf32, #tpu.memory_space<vmem_shared>>) offsets(%dma_start3A_497 : memref<1280xi32, #tpu.memory_space<vmem>>) semaphore(%arg16 : memref<!tpu.dma_semaphore, #tpu.memory_space<semaphore_mem>>) {add = true}
      %dma_wait3A_501 = arith.constant 10 : i32
      %dma_wait3A_502 = arith.constant 2 : i32
      %dma_wait3A_503 = arith.constant 0 : i32
      %dma_wait3A_504 = arith.constant 0 : i32
      %dma_wait3A_505 = tpu.memref_slice %arg8[%dma_wait3A_502, %dma_wait3A_503, %dma_wait3A_504] : memref<4x1280x16xf32, #tpu.memory_space<vmem>> -> memref<1x1280x16xf32, #tpu.memory_space<vmem>>
      %dma_wait3A_506 = tpu.memref_squeeze %dma_wait3A_505 : memref<1x1280x16xf32, #tpu.memory_space<vmem>> -> memref<1280x16xf32, #tpu.memory_space<vmem>>
      %dma_wait3A_507 = arith.constant 0 : i32
      %dma_wait3A_508 = tpu.memref_slice %arg6[%dma_wait3A_501, %dma_wait3A_507] : memref<12x1280xi32, #tpu.memory_space<vmem>> -> memref<1x1280xi32, #tpu.memory_space<vmem>>
      %dma_wait3A_509 = tpu.memref_squeeze %dma_wait3A_508 : memref<1x1280xi32, #tpu.memory_space<vmem>> -> memref<1280xi32, #tpu.memory_space<vmem>>
      %dma_wait3A_510 = arith.constant 0 : i32
      %dma_wait3A_511 = arith.constant 0 : i32
      %dma_wait3A_512 = tpu.memref_slice %arg4[%dma_wait3A_510, %dma_wait3A_511] : memref<10000x16xf32, #tpu.memory_space<hbm>> -> memref<10000x16xf32, #tpu.memory_space<hbm>>
      tpu.wait_indirect_dma semaphore(%arg13 : memref<!tpu.dma_semaphore, #tpu.memory_space<semaphore_mem>>) src(%dma_wait3A_512 : memref<10000x16xf32, #tpu.memory_space<hbm>>) dst(%dma_wait3A_506 : memref<1280x16xf32, #tpu.memory_space<vmem>>)
      %dma_start3A_513 = arith.constant 2 : i32
      %dma_start3A_514 = arith.constant 10 : i32
      %dma_start3A_515 = arith.constant 0 : i32
      %dma_start3A_516 = arith.constant 0 : i32
      %dma_start3A_517 = tpu.memref_slice %arg8[%dma_start3A_513, %dma_start3A_515, %dma_start3A_516] : memref<4x1280x16xf32, #tpu.memory_space<vmem>> -> memref<1x1280x16xf32, #tpu.memory_space<vmem>>
      %dma_start3A_518 = tpu.memref_squeeze %dma_start3A_517 : memref<1x1280x16xf32, #tpu.memory_space<vmem>> -> memref<1280x16xf32, #tpu.memory_space<vmem>>
      %dma_start3A_519 = arith.constant 0 : i32
      %dma_start3A_520 = tpu.memref_slice %arg7[%dma_start3A_514, %dma_start3A_519] : memref<12x1280xi32, #tpu.memory_space<vmem>> -> memref<1x1280xi32, #tpu.memory_space<vmem>>
      %dma_start3A_521 = tpu.memref_squeeze %dma_start3A_520 : memref<1x1280xi32, #tpu.memory_space<vmem>> -> memref<1280xi32, #tpu.memory_space<vmem>>
      %dma_start3A_522 = arith.constant 0 : i32
      %dma_start3A_523 = arith.constant 0 : i32
      %dma_start3A_524 = tpu.memref_slice %arg10[%dma_start3A_522, %dma_start3A_523] : memref<10240x16xf32, #tpu.memory_space<vmem_shared>> -> memref<10240x16xf32, #tpu.memory_space<vmem_shared>>
      tpu.enqueue_indirect_dma source(%dma_start3A_518 : memref<1280x16xf32, #tpu.memory_space<vmem>>) target(%dma_start3A_524 : memref<10240x16xf32, #tpu.memory_space<vmem_shared>>) offsets(%dma_start3A_521 : memref<1280xi32, #tpu.memory_space<vmem>>) semaphore(%arg17 : memref<!tpu.dma_semaphore, #tpu.memory_space<semaphore_mem>>) {add = true}
      %dma_wait3A_525 = arith.constant 11 : i32
      %dma_wait3A_526 = arith.constant 3 : i32
      %dma_wait3A_527 = arith.constant 0 : i32
      %dma_wait3A_528 = arith.constant 0 : i32
      %dma_wait3A_529 = tpu.memref_slice %arg8[%dma_wait3A_526, %dma_wait3A_527, %dma_wait3A_528] : memref<4x1280x16xf32, #tpu.memory_space<vmem>> -> memref<1x1280x16xf32, #tpu.memory_space<vmem>>
      %dma_wait3A_530 = tpu.memref_squeeze %dma_wait3A_529 : memref<1x1280x16xf32, #tpu.memory_space<vmem>> -> memref<1280x16xf32, #tpu.memory_space<vmem>>
      %dma_wait3A_531 = arith.constant 0 : i32
      %dma_wait3A_532 = tpu.memref_slice %arg6[%dma_wait3A_525, %dma_wait3A_531] : memref<12x1280xi32, #tpu.memory_space<vmem>> -> memref<1x1280xi32, #tpu.memory_space<vmem>>
      %dma_wait3A_533 = tpu.memref_squeeze %dma_wait3A_532 : memref<1x1280xi32, #tpu.memory_space<vmem>> -> memref<1280xi32, #tpu.memory_space<vmem>>
      %dma_wait3A_534 = arith.constant 0 : i32
      %dma_wait3A_535 = arith.constant 0 : i32
      %dma_wait3A_536 = tpu.memref_slice %arg4[%dma_wait3A_534, %dma_wait3A_535] : memref<10000x16xf32, #tpu.memory_space<hbm>> -> memref<10000x16xf32, #tpu.memory_space<hbm>>
      tpu.wait_indirect_dma semaphore(%arg14 : memref<!tpu.dma_semaphore, #tpu.memory_space<semaphore_mem>>) src(%dma_wait3A_536 : memref<10000x16xf32, #tpu.memory_space<hbm>>) dst(%dma_wait3A_530 : memref<1280x16xf32, #tpu.memory_space<vmem>>)
      %dma_start3A_537 = arith.constant 3 : i32
      %dma_start3A_538 = arith.constant 11 : i32
      %dma_start3A_539 = arith.constant 0 : i32
      %dma_start3A_540 = arith.constant 0 : i32
      %dma_start3A_541 = tpu.memref_slice %arg8[%dma_start3A_537, %dma_start3A_539, %dma_start3A_540] : memref<4x1280x16xf32, #tpu.memory_space<vmem>> -> memref<1x1280x16xf32, #tpu.memory_space<vmem>>
      %dma_start3A_542 = tpu.memref_squeeze %dma_start3A_541 : memref<1x1280x16xf32, #tpu.memory_space<vmem>> -> memref<1280x16xf32, #tpu.memory_space<vmem>>
      %dma_start3A_543 = arith.constant 0 : i32
      %dma_start3A_544 = tpu.memref_slice %arg7[%dma_start3A_538, %dma_start3A_543] : memref<12x1280xi32, #tpu.memory_space<vmem>> -> memref<1x1280xi32, #tpu.memory_space<vmem>>
      %dma_start3A_545 = tpu.memref_squeeze %dma_start3A_544 : memref<1x1280xi32, #tpu.memory_space<vmem>> -> memref<1280xi32, #tpu.memory_space<vmem>>
      %dma_start3A_546 = arith.constant 0 : i32
      %dma_start3A_547 = arith.constant 0 : i32
      %dma_start3A_548 = tpu.memref_slice %arg10[%dma_start3A_546, %dma_start3A_547] : memref<10240x16xf32, #tpu.memory_space<vmem_shared>> -> memref<10240x16xf32, #tpu.memory_space<vmem_shared>>
      tpu.enqueue_indirect_dma source(%dma_start3A_542 : memref<1280x16xf32, #tpu.memory_space<vmem>>) target(%dma_start3A_548 : memref<10240x16xf32, #tpu.memory_space<vmem_shared>>) offsets(%dma_start3A_545 : memref<1280xi32, #tpu.memory_space<vmem>>) semaphore(%arg18 : memref<!tpu.dma_semaphore, #tpu.memory_space<semaphore_mem>>) {add = true}
      %dma_wait3A_549 = arith.constant 0 : i32
      %dma_wait3A_550 = arith.constant 8 : i32
      %dma_wait3A_551 = arith.constant 0 : i32
      %dma_wait3A_552 = arith.constant 0 : i32
      %dma_wait3A_553 = tpu.memref_slice %arg8[%dma_wait3A_549, %dma_wait3A_551, %dma_wait3A_552] : memref<4x1280x16xf32, #tpu.memory_space<vmem>> -> memref<1x1280x16xf32, #tpu.memory_space<vmem>>
      %dma_wait3A_554 = tpu.memref_squeeze %dma_wait3A_553 : memref<1x1280x16xf32, #tpu.memory_space<vmem>> -> memref<1280x16xf32, #tpu.memory_space<vmem>>
      %dma_wait3A_555 = arith.constant 0 : i32
      %dma_wait3A_556 = tpu.memref_slice %arg7[%dma_wait3A_550, %dma_wait3A_555] : memref<12x1280xi32, #tpu.memory_space<vmem>> -> memref<1x1280xi32, #tpu.memory_space<vmem>>
      %dma_wait3A_557 = tpu.memref_squeeze %dma_wait3A_556 : memref<1x1280xi32, #tpu.memory_space<vmem>> -> memref<1280xi32, #tpu.memory_space<vmem>>
      %dma_wait3A_558 = arith.constant 0 : i32
      %dma_wait3A_559 = arith.constant 0 : i32
      %dma_wait3A_560 = tpu.memref_slice %arg10[%dma_wait3A_558, %dma_wait3A_559] : memref<10240x16xf32, #tpu.memory_space<vmem_shared>> -> memref<10240x16xf32, #tpu.memory_space<vmem_shared>>
      tpu.wait_indirect_dma semaphore(%arg15 : memref<!tpu.dma_semaphore, #tpu.memory_space<semaphore_mem>>) src(%dma_wait3A_554 : memref<1280x16xf32, #tpu.memory_space<vmem>>) dst(%dma_wait3A_560 : memref<10240x16xf32, #tpu.memory_space<vmem_shared>>)
      %dma_wait3A_561 = arith.constant 1 : i32
      %dma_wait3A_562 = arith.constant 9 : i32
      %dma_wait3A_563 = arith.constant 0 : i32
      %dma_wait3A_564 = arith.constant 0 : i32
      %dma_wait3A_565 = tpu.memref_slice %arg8[%dma_wait3A_561, %dma_wait3A_563, %dma_wait3A_564] : memref<4x1280x16xf32, #tpu.memory_space<vmem>> -> memref<1x1280x16xf32, #tpu.memory_space<vmem>>
      %dma_wait3A_566 = tpu.memref_squeeze %dma_wait3A_565 : memref<1x1280x16xf32, #tpu.memory_space<vmem>> -> memref<1280x16xf32, #tpu.memory_space<vmem>>
      %dma_wait3A_567 = arith.constant 0 : i32
      %dma_wait3A_568 = tpu.memref_slice %arg7[%dma_wait3A_562, %dma_wait3A_567] : memref<12x1280xi32, #tpu.memory_space<vmem>> -> memref<1x1280xi32, #tpu.memory_space<vmem>>
      %dma_wait3A_569 = tpu.memref_squeeze %dma_wait3A_568 : memref<1x1280xi32, #tpu.memory_space<vmem>> -> memref<1280xi32, #tpu.memory_space<vmem>>
      %dma_wait3A_570 = arith.constant 0 : i32
      %dma_wait3A_571 = arith.constant 0 : i32
      %dma_wait3A_572 = tpu.memref_slice %arg10[%dma_wait3A_570, %dma_wait3A_571] : memref<10240x16xf32, #tpu.memory_space<vmem_shared>> -> memref<10240x16xf32, #tpu.memory_space<vmem_shared>>
      tpu.wait_indirect_dma semaphore(%arg16 : memref<!tpu.dma_semaphore, #tpu.memory_space<semaphore_mem>>) src(%dma_wait3A_566 : memref<1280x16xf32, #tpu.memory_space<vmem>>) dst(%dma_wait3A_572 : memref<10240x16xf32, #tpu.memory_space<vmem_shared>>)
      %dma_wait3A_573 = arith.constant 2 : i32
      %dma_wait3A_574 = arith.constant 10 : i32
      %dma_wait3A_575 = arith.constant 0 : i32
      %dma_wait3A_576 = arith.constant 0 : i32
      %dma_wait3A_577 = tpu.memref_slice %arg8[%dma_wait3A_573, %dma_wait3A_575, %dma_wait3A_576] : memref<4x1280x16xf32, #tpu.memory_space<vmem>> -> memref<1x1280x16xf32, #tpu.memory_space<vmem>>
      %dma_wait3A_578 = tpu.memref_squeeze %dma_wait3A_577 : memref<1x1280x16xf32, #tpu.memory_space<vmem>> -> memref<1280x16xf32, #tpu.memory_space<vmem>>
      %dma_wait3A_579 = arith.constant 0 : i32
      %dma_wait3A_580 = tpu.memref_slice %arg7[%dma_wait3A_574, %dma_wait3A_579] : memref<12x1280xi32, #tpu.memory_space<vmem>> -> memref<1x1280xi32, #tpu.memory_space<vmem>>
      %dma_wait3A_581 = tpu.memref_squeeze %dma_wait3A_580 : memref<1x1280xi32, #tpu.memory_space<vmem>> -> memref<1280xi32, #tpu.memory_space<vmem>>
      %dma_wait3A_582 = arith.constant 0 : i32
      %dma_wait3A_583 = arith.constant 0 : i32
      %dma_wait3A_584 = tpu.memref_slice %arg10[%dma_wait3A_582, %dma_wait3A_583] : memref<10240x16xf32, #tpu.memory_space<vmem_shared>> -> memref<10240x16xf32, #tpu.memory_space<vmem_shared>>
      tpu.wait_indirect_dma semaphore(%arg17 : memref<!tpu.dma_semaphore, #tpu.memory_space<semaphore_mem>>) src(%dma_wait3A_578 : memref<1280x16xf32, #tpu.memory_space<vmem>>) dst(%dma_wait3A_584 : memref<10240x16xf32, #tpu.memory_space<vmem_shared>>)
      %dma_wait3A_585 = arith.constant 3 : i32
      %dma_wait3A_586 = arith.constant 11 : i32
      %dma_wait3A_587 = arith.constant 0 : i32
      %dma_wait3A_588 = arith.constant 0 : i32
      %dma_wait3A_589 = tpu.memref_slice %arg8[%dma_wait3A_585, %dma_wait3A_587, %dma_wait3A_588] : memref<4x1280x16xf32, #tpu.memory_space<vmem>> -> memref<1x1280x16xf32, #tpu.memory_space<vmem>>
      %dma_wait3A_590 = tpu.memref_squeeze %dma_wait3A_589 : memref<1x1280x16xf32, #tpu.memory_space<vmem>> -> memref<1280x16xf32, #tpu.memory_space<vmem>>
      %dma_wait3A_591 = arith.constant 0 : i32
      %dma_wait3A_592 = tpu.memref_slice %arg7[%dma_wait3A_586, %dma_wait3A_591] : memref<12x1280xi32, #tpu.memory_space<vmem>> -> memref<1x1280xi32, #tpu.memory_space<vmem>>
      %dma_wait3A_593 = tpu.memref_squeeze %dma_wait3A_592 : memref<1x1280xi32, #tpu.memory_space<vmem>> -> memref<1280xi32, #tpu.memory_space<vmem>>
      %dma_wait3A_594 = arith.constant 0 : i32
      %dma_wait3A_595 = arith.constant 0 : i32
      %dma_wait3A_596 = tpu.memref_slice %arg10[%dma_wait3A_594, %dma_wait3A_595] : memref<10240x16xf32, #tpu.memory_space<vmem_shared>> -> memref<10240x16xf32, #tpu.memory_space<vmem_shared>>
      tpu.wait_indirect_dma semaphore(%arg18 : memref<!tpu.dma_semaphore, #tpu.memory_space<semaphore_mem>>) src(%dma_wait3A_590 : memref<1280x16xf32, #tpu.memory_space<vmem>>) dst(%dma_wait3A_596 : memref<10240x16xf32, #tpu.memory_space<vmem_shared>>)
    } else {
    }
    %eq3A_12 = arith.constant 1 : i32
    %eq3A_13 = arith.cmpi eq, %arg0, %eq3A_12 : i32
    %convert_element_type3A_14 = arith.extui %eq3A_13 : i1 to i32
    %cond3A_15 = arith.constant 0 : i32
    %cond3A_16 = arith.cmpi ne, %convert_element_type3A_14, %cond3A_15 : i32
    scf.if %cond3A_16 {
      %mul3A_21 = arith.constant 4 : i32
      %mul3A_22 = arith.muli %arg1, %mul3A_21 : i32
      %add3A = arith.constant 192 : i32
      %add3A_23 = arith.addi %add3A, %mul3A_22 : i32
      "tpu.region"() ({
        %run_scoped3A = tpu.sem_alloc : memref<!tpu.dma_semaphore, #tpu.memory_space<semaphore_mem>>
        %dma_start3A_214 = arith.constant 0 : i32
        %dma_start3A_215 = arith.constant 0 : i32
        %dma_start3A_216 = tpu.memref_slice %arg6[%dma_start3A_214, %dma_start3A_215] : memref<12x1280xi32, #tpu.memory_space<vmem>> -> memref<4x1280xi32, #tpu.memory_space<vmem>>
        %dma_start3A_217 = arith.constant 0 : i32
        %dma_start3A_218 = tpu.memref_slice %arg2[%add3A_23, %dma_start3A_217] : memref<256x1280xi32, #tpu.memory_space<hbm>> -> memref<4x1280xi32, #tpu.memory_space<hbm>>
        %dma_start3A_219 = arith.constant 0 : i32
        %dma_start3A_220 = arith.constant 0 : i32
        %dma_start3A_221 = tpu.memref_slice %arg6[%dma_start3A_219, %dma_start3A_220] : memref<12x1280xi32, #tpu.memory_space<vmem>> -> memref<4x1280xi32, #tpu.memory_space<vmem>>
        %dma_start3A_222 = arith.constant 0 : i32
        %dma_start3A_223 = tpu.memref_slice %arg2[%add3A_23, %dma_start3A_222] : memref<256x1280xi32, #tpu.memory_space<hbm>> -> memref<4x1280xi32, #tpu.memory_space<hbm>>
        tpu.enqueue_dma source(%dma_start3A_223 : memref<4x1280xi32, #tpu.memory_space<hbm>>) target(%dma_start3A_221 : memref<4x1280xi32, #tpu.memory_space<vmem>>) target_semaphore(%run_scoped3A : memref<!tpu.dma_semaphore, #tpu.memory_space<semaphore_mem>>)
        %dma_wait3A_224 = arith.constant 0 : i32
        %dma_wait3A_225 = arith.constant 0 : i32
        %dma_wait3A_226 = tpu.memref_slice %arg6[%dma_wait3A_224, %dma_wait3A_225] : memref<12x1280xi32, #tpu.memory_space<vmem>> -> memref<4x1280xi32, #tpu.memory_space<vmem>>
        %dma_wait3A_227 = arith.constant 0 : i32
        %dma_wait3A_228 = tpu.memref_slice %arg2[%add3A_23, %dma_wait3A_227] : memref<256x1280xi32, #tpu.memory_space<hbm>> -> memref<4x1280xi32, #tpu.memory_space<hbm>>
        %dma_wait3A_229 = arith.constant 0 : i32
        %dma_wait3A_230 = arith.constant 0 : i32
        %dma_wait3A_231 = tpu.memref_slice %arg6[%dma_wait3A_229, %dma_wait3A_230] : memref<12x1280xi32, #tpu.memory_space<vmem>> -> memref<4x1280xi32, #tpu.memory_space<vmem>>
        %dma_wait3A_232 = arith.constant 0 : i32
        %dma_wait3A_233 = tpu.memref_slice %arg2[%add3A_23, %dma_wait3A_232] : memref<256x1280xi32, #tpu.memory_space<hbm>> -> memref<4x1280xi32, #tpu.memory_space<hbm>>
        tpu.wait_dma2 semaphore(%run_scoped3A : memref<!tpu.dma_semaphore, #tpu.memory_space<semaphore_mem>>) src(%dma_wait3A_233 : memref<4x1280xi32, #tpu.memory_space<hbm>>) dst(%dma_wait3A_231 : memref<4x1280xi32, #tpu.memory_space<vmem>>)
        tpu.yield
      }) : () -> ()
      "tpu.region"() ({
        %run_scoped3A = tpu.sem_alloc : memref<!tpu.dma_semaphore, #tpu.memory_space<semaphore_mem>>
        %dma_start3A_214 = arith.constant 0 : i32
        %dma_start3A_215 = arith.constant 0 : i32
        %dma_start3A_216 = tpu.memref_slice %arg7[%dma_start3A_214, %dma_start3A_215] : memref<12x1280xi32, #tpu.memory_space<vmem>> -> memref<4x1280xi32, #tpu.memory_space<vmem>>
        %dma_start3A_217 = arith.constant 0 : i32
        %dma_start3A_218 = tpu.memref_slice %arg3[%add3A_23, %dma_start3A_217] : memref<256x1280xi32, #tpu.memory_space<hbm>> -> memref<4x1280xi32, #tpu.memory_space<hbm>>
        %dma_start3A_219 = arith.constant 0 : i32
        %dma_start3A_220 = arith.constant 0 : i32
        %dma_start3A_221 = tpu.memref_slice %arg7[%dma_start3A_219, %dma_start3A_220] : memref<12x1280xi32, #tpu.memory_space<vmem>> -> memref<4x1280xi32, #tpu.memory_space<vmem>>
        %dma_start3A_222 = arith.constant 0 : i32
        %dma_start3A_223 = tpu.memref_slice %arg3[%add3A_23, %dma_start3A_222] : memref<256x1280xi32, #tpu.memory_space<hbm>> -> memref<4x1280xi32, #tpu.memory_space<hbm>>
        tpu.enqueue_dma source(%dma_start3A_223 : memref<4x1280xi32, #tpu.memory_space<hbm>>) target(%dma_start3A_221 : memref<4x1280xi32, #tpu.memory_space<vmem>>) target_semaphore(%run_scoped3A : memref<!tpu.dma_semaphore, #tpu.memory_space<semaphore_mem>>)
        %dma_wait3A_224 = arith.constant 0 : i32
        %dma_wait3A_225 = arith.constant 0 : i32
        %dma_wait3A_226 = tpu.memref_slice %arg7[%dma_wait3A_224, %dma_wait3A_225] : memref<12x1280xi32, #tpu.memory_space<vmem>> -> memref<4x1280xi32, #tpu.memory_space<vmem>>
        %dma_wait3A_227 = arith.constant 0 : i32
        %dma_wait3A_228 = tpu.memref_slice %arg3[%add3A_23, %dma_wait3A_227] : memref<256x1280xi32, #tpu.memory_space<hbm>> -> memref<4x1280xi32, #tpu.memory_space<hbm>>
        %dma_wait3A_229 = arith.constant 0 : i32
        %dma_wait3A_230 = arith.constant 0 : i32
        %dma_wait3A_231 = tpu.memref_slice %arg7[%dma_wait3A_229, %dma_wait3A_230] : memref<12x1280xi32, #tpu.memory_space<vmem>> -> memref<4x1280xi32, #tpu.memory_space<vmem>>
        %dma_wait3A_232 = arith.constant 0 : i32
        %dma_wait3A_233 = tpu.memref_slice %arg3[%add3A_23, %dma_wait3A_232] : memref<256x1280xi32, #tpu.memory_space<hbm>> -> memref<4x1280xi32, #tpu.memory_space<hbm>>
        tpu.wait_dma2 semaphore(%run_scoped3A : memref<!tpu.dma_semaphore, #tpu.memory_space<semaphore_mem>>) src(%dma_wait3A_233 : memref<4x1280xi32, #tpu.memory_space<hbm>>) dst(%dma_wait3A_231 : memref<4x1280xi32, #tpu.memory_space<vmem>>)
        tpu.yield
      }) : () -> ()
      %dma_start3A = arith.constant 0 : i32
      %dma_start3A_24 = arith.constant 0 : i32
      %dma_start3A_25 = arith.constant 0 : i32
      %dma_start3A_26 = arith.constant 0 : i32
      %dma_start3A_27 = tpu.memref_slice %arg8[%dma_start3A_24, %dma_start3A_25, %dma_start3A_26] : memref<4x1280x16xf32, #tpu.memory_space<vmem>> -> memref<1x1280x16xf32, #tpu.memory_space<vmem>>
      %dma_start3A_28 = tpu.memref_squeeze %dma_start3A_27 : memref<1x1280x16xf32, #tpu.memory_space<vmem>> -> memref<1280x16xf32, #tpu.memory_space<vmem>>
      %dma_start3A_29 = arith.constant 0 : i32
      %dma_start3A_30 = tpu.memref_slice %arg6[%dma_start3A, %dma_start3A_29] : memref<12x1280xi32, #tpu.memory_space<vmem>> -> memref<1x1280xi32, #tpu.memory_space<vmem>>
      %dma_start3A_31 = tpu.memref_squeeze %dma_start3A_30 : memref<1x1280xi32, #tpu.memory_space<vmem>> -> memref<1280xi32, #tpu.memory_space<vmem>>
      %dma_start3A_32 = arith.constant 0 : i32
      %dma_start3A_33 = arith.constant 0 : i32
      %dma_start3A_34 = tpu.memref_slice %arg4[%dma_start3A_32, %dma_start3A_33] : memref<10000x16xf32, #tpu.memory_space<hbm>> -> memref<10000x16xf32, #tpu.memory_space<hbm>>
      tpu.enqueue_indirect_dma source(%dma_start3A_34 : memref<10000x16xf32, #tpu.memory_space<hbm>>) target(%dma_start3A_28 : memref<1280x16xf32, #tpu.memory_space<vmem>>) offsets(%dma_start3A_31 : memref<1280xi32, #tpu.memory_space<vmem>>) semaphore(%arg11 : memref<!tpu.dma_semaphore, #tpu.memory_space<semaphore_mem>>)
      %dma_start3A_35 = arith.constant 1 : i32
      %dma_start3A_36 = arith.constant 1 : i32
      %dma_start3A_37 = arith.constant 0 : i32
      %dma_start3A_38 = arith.constant 0 : i32
      %dma_start3A_39 = tpu.memref_slice %arg8[%dma_start3A_36, %dma_start3A_37, %dma_start3A_38] : memref<4x1280x16xf32, #tpu.memory_space<vmem>> -> memref<1x1280x16xf32, #tpu.memory_space<vmem>>
      %dma_start3A_40 = tpu.memref_squeeze %dma_start3A_39 : memref<1x1280x16xf32, #tpu.memory_space<vmem>> -> memref<1280x16xf32, #tpu.memory_space<vmem>>
      %dma_start3A_41 = arith.constant 0 : i32
      %dma_start3A_42 = tpu.memref_slice %arg6[%dma_start3A_35, %dma_start3A_41] : memref<12x1280xi32, #tpu.memory_space<vmem>> -> memref<1x1280xi32, #tpu.memory_space<vmem>>
      %dma_start3A_43 = tpu.memref_squeeze %dma_start3A_42 : memref<1x1280xi32, #tpu.memory_space<vmem>> -> memref<1280xi32, #tpu.memory_space<vmem>>
      %dma_start3A_44 = arith.constant 0 : i32
      %dma_start3A_45 = arith.constant 0 : i32
      %dma_start3A_46 = tpu.memref_slice %arg4[%dma_start3A_44, %dma_start3A_45] : memref<10000x16xf32, #tpu.memory_space<hbm>> -> memref<10000x16xf32, #tpu.memory_space<hbm>>
      tpu.enqueue_indirect_dma source(%dma_start3A_46 : memref<10000x16xf32, #tpu.memory_space<hbm>>) target(%dma_start3A_40 : memref<1280x16xf32, #tpu.memory_space<vmem>>) offsets(%dma_start3A_43 : memref<1280xi32, #tpu.memory_space<vmem>>) semaphore(%arg12 : memref<!tpu.dma_semaphore, #tpu.memory_space<semaphore_mem>>)
      %dma_start3A_47 = arith.constant 2 : i32
      %dma_start3A_48 = arith.constant 2 : i32
      %dma_start3A_49 = arith.constant 0 : i32
      %dma_start3A_50 = arith.constant 0 : i32
      %dma_start3A_51 = tpu.memref_slice %arg8[%dma_start3A_48, %dma_start3A_49, %dma_start3A_50] : memref<4x1280x16xf32, #tpu.memory_space<vmem>> -> memref<1x1280x16xf32, #tpu.memory_space<vmem>>
      %dma_start3A_52 = tpu.memref_squeeze %dma_start3A_51 : memref<1x1280x16xf32, #tpu.memory_space<vmem>> -> memref<1280x16xf32, #tpu.memory_space<vmem>>
      %dma_start3A_53 = arith.constant 0 : i32
      %dma_start3A_54 = tpu.memref_slice %arg6[%dma_start3A_47, %dma_start3A_53] : memref<12x1280xi32, #tpu.memory_space<vmem>> -> memref<1x1280xi32, #tpu.memory_space<vmem>>
      %dma_start3A_55 = tpu.memref_squeeze %dma_start3A_54 : memref<1x1280xi32, #tpu.memory_space<vmem>> -> memref<1280xi32, #tpu.memory_space<vmem>>
      %dma_start3A_56 = arith.constant 0 : i32
      %dma_start3A_57 = arith.constant 0 : i32
      %dma_start3A_58 = tpu.memref_slice %arg4[%dma_start3A_56, %dma_start3A_57] : memref<10000x16xf32, #tpu.memory_space<hbm>> -> memref<10000x16xf32, #tpu.memory_space<hbm>>
      tpu.enqueue_indirect_dma source(%dma_start3A_58 : memref<10000x16xf32, #tpu.memory_space<hbm>>) target(%dma_start3A_52 : memref<1280x16xf32, #tpu.memory_space<vmem>>) offsets(%dma_start3A_55 : memref<1280xi32, #tpu.memory_space<vmem>>) semaphore(%arg13 : memref<!tpu.dma_semaphore, #tpu.memory_space<semaphore_mem>>)
      %dma_wait3A = arith.constant 0 : i32
      %dma_wait3A_59 = arith.constant 0 : i32
      %dma_wait3A_60 = arith.constant 0 : i32
      %dma_wait3A_61 = arith.constant 0 : i32
      %dma_wait3A_62 = tpu.memref_slice %arg8[%dma_wait3A_59, %dma_wait3A_60, %dma_wait3A_61] : memref<4x1280x16xf32, #tpu.memory_space<vmem>> -> memref<1x1280x16xf32, #tpu.memory_space<vmem>>
      %dma_wait3A_63 = tpu.memref_squeeze %dma_wait3A_62 : memref<1x1280x16xf32, #tpu.memory_space<vmem>> -> memref<1280x16xf32, #tpu.memory_space<vmem>>
      %dma_wait3A_64 = arith.constant 0 : i32
      %dma_wait3A_65 = tpu.memref_slice %arg6[%dma_wait3A, %dma_wait3A_64] : memref<12x1280xi32, #tpu.memory_space<vmem>> -> memref<1x1280xi32, #tpu.memory_space<vmem>>
      %dma_wait3A_66 = tpu.memref_squeeze %dma_wait3A_65 : memref<1x1280xi32, #tpu.memory_space<vmem>> -> memref<1280xi32, #tpu.memory_space<vmem>>
      %dma_wait3A_67 = arith.constant 0 : i32
      %dma_wait3A_68 = arith.constant 0 : i32
      %dma_wait3A_69 = tpu.memref_slice %arg4[%dma_wait3A_67, %dma_wait3A_68] : memref<10000x16xf32, #tpu.memory_space<hbm>> -> memref<10000x16xf32, #tpu.memory_space<hbm>>
      tpu.wait_indirect_dma semaphore(%arg11 : memref<!tpu.dma_semaphore, #tpu.memory_space<semaphore_mem>>) src(%dma_wait3A_69 : memref<10000x16xf32, #tpu.memory_space<hbm>>) dst(%dma_wait3A_63 : memref<1280x16xf32, #tpu.memory_space<vmem>>)
      %dma_start3A_70 = arith.constant 3 : i32
      %dma_start3A_71 = arith.constant 3 : i32
      %dma_start3A_72 = arith.constant 0 : i32
      %dma_start3A_73 = arith.constant 0 : i32
      %dma_start3A_74 = tpu.memref_slice %arg8[%dma_start3A_71, %dma_start3A_72, %dma_start3A_73] : memref<4x1280x16xf32, #tpu.memory_space<vmem>> -> memref<1x1280x16xf32, #tpu.memory_space<vmem>>
      %dma_start3A_75 = tpu.memref_squeeze %dma_start3A_74 : memref<1x1280x16xf32, #tpu.memory_space<vmem>> -> memref<1280x16xf32, #tpu.memory_space<vmem>>
      %dma_start3A_76 = arith.constant 0 : i32
      %dma_start3A_77 = tpu.memref_slice %arg6[%dma_start3A_70, %dma_start3A_76] : memref<12x1280xi32, #tpu.memory_space<vmem>> -> memref<1x1280xi32, #tpu.memory_space<vmem>>
      %dma_start3A_78 = tpu.memref_squeeze %dma_start3A_77 : memref<1x1280xi32, #tpu.memory_space<vmem>> -> memref<1280xi32, #tpu.memory_space<vmem>>
      %dma_start3A_79 = arith.constant 0 : i32
      %dma_start3A_80 = arith.constant 0 : i32
      %dma_start3A_81 = tpu.memref_slice %arg4[%dma_start3A_79, %dma_start3A_80] : memref<10000x16xf32, #tpu.memory_space<hbm>> -> memref<10000x16xf32, #tpu.memory_space<hbm>>
      tpu.enqueue_indirect_dma source(%dma_start3A_81 : memref<10000x16xf32, #tpu.memory_space<hbm>>) target(%dma_start3A_75 : memref<1280x16xf32, #tpu.memory_space<vmem>>) offsets(%dma_start3A_78 : memref<1280xi32, #tpu.memory_space<vmem>>) semaphore(%arg14 : memref<!tpu.dma_semaphore, #tpu.memory_space<semaphore_mem>>)
      %dma_start3A_82 = arith.constant 0 : i32
      %dma_start3A_83 = arith.constant 0 : i32
      %dma_start3A_84 = arith.constant 0 : i32
      %dma_start3A_85 = arith.constant 0 : i32
      %dma_start3A_86 = tpu.memref_slice %arg8[%dma_start3A_82, %dma_start3A_84, %dma_start3A_85] : memref<4x1280x16xf32, #tpu.memory_space<vmem>> -> memref<1x1280x16xf32, #tpu.memory_space<vmem>>
      %dma_start3A_87 = tpu.memref_squeeze %dma_start3A_86 : memref<1x1280x16xf32, #tpu.memory_space<vmem>> -> memref<1280x16xf32, #tpu.memory_space<vmem>>
      %dma_start3A_88 = arith.constant 0 : i32
      %dma_start3A_89 = tpu.memref_slice %arg7[%dma_start3A_83, %dma_start3A_88] : memref<12x1280xi32, #tpu.memory_space<vmem>> -> memref<1x1280xi32, #tpu.memory_space<vmem>>
      %dma_start3A_90 = tpu.memref_squeeze %dma_start3A_89 : memref<1x1280xi32, #tpu.memory_space<vmem>> -> memref<1280xi32, #tpu.memory_space<vmem>>
      %dma_start3A_91 = arith.constant 0 : i32
      %dma_start3A_92 = arith.constant 0 : i32
      %dma_start3A_93 = tpu.memref_slice %arg10[%dma_start3A_91, %dma_start3A_92] : memref<10240x16xf32, #tpu.memory_space<vmem_shared>> -> memref<10240x16xf32, #tpu.memory_space<vmem_shared>>
      tpu.enqueue_indirect_dma source(%dma_start3A_87 : memref<1280x16xf32, #tpu.memory_space<vmem>>) target(%dma_start3A_93 : memref<10240x16xf32, #tpu.memory_space<vmem_shared>>) offsets(%dma_start3A_90 : memref<1280xi32, #tpu.memory_space<vmem>>) semaphore(%arg15 : memref<!tpu.dma_semaphore, #tpu.memory_space<semaphore_mem>>) {add = true}
      %dma_wait3A_94 = arith.constant 1 : i32
      %dma_wait3A_95 = arith.constant 1 : i32
      %dma_wait3A_96 = arith.constant 0 : i32
      %dma_wait3A_97 = arith.constant 0 : i32
      %dma_wait3A_98 = tpu.memref_slice %arg8[%dma_wait3A_95, %dma_wait3A_96, %dma_wait3A_97] : memref<4x1280x16xf32, #tpu.memory_space<vmem>> -> memref<1x1280x16xf32, #tpu.memory_space<vmem>>
      %dma_wait3A_99 = tpu.memref_squeeze %dma_wait3A_98 : memref<1x1280x16xf32, #tpu.memory_space<vmem>> -> memref<1280x16xf32, #tpu.memory_space<vmem>>
      %dma_wait3A_100 = arith.constant 0 : i32
      %dma_wait3A_101 = tpu.memref_slice %arg6[%dma_wait3A_94, %dma_wait3A_100] : memref<12x1280xi32, #tpu.memory_space<vmem>> -> memref<1x1280xi32, #tpu.memory_space<vmem>>
      %dma_wait3A_102 = tpu.memref_squeeze %dma_wait3A_101 : memref<1x1280xi32, #tpu.memory_space<vmem>> -> memref<1280xi32, #tpu.memory_space<vmem>>
      %dma_wait3A_103 = arith.constant 0 : i32
      %dma_wait3A_104 = arith.constant 0 : i32
      %dma_wait3A_105 = tpu.memref_slice %arg4[%dma_wait3A_103, %dma_wait3A_104] : memref<10000x16xf32, #tpu.memory_space<hbm>> -> memref<10000x16xf32, #tpu.memory_space<hbm>>
      tpu.wait_indirect_dma semaphore(%arg12 : memref<!tpu.dma_semaphore, #tpu.memory_space<semaphore_mem>>) src(%dma_wait3A_105 : memref<10000x16xf32, #tpu.memory_space<hbm>>) dst(%dma_wait3A_99 : memref<1280x16xf32, #tpu.memory_space<vmem>>)
      %dma_start3A_106 = arith.constant 1 : i32
      %dma_start3A_107 = arith.constant 1 : i32
      %dma_start3A_108 = arith.constant 0 : i32
      %dma_start3A_109 = arith.constant 0 : i32
      %dma_start3A_110 = tpu.memref_slice %arg8[%dma_start3A_106, %dma_start3A_108, %dma_start3A_109] : memref<4x1280x16xf32, #tpu.memory_space<vmem>> -> memref<1x1280x16xf32, #tpu.memory_space<vmem>>
      %dma_start3A_111 = tpu.memref_squeeze %dma_start3A_110 : memref<1x1280x16xf32, #tpu.memory_space<vmem>> -> memref<1280x16xf32, #tpu.memory_space<vmem>>
      %dma_start3A_112 = arith.constant 0 : i32
      %dma_start3A_113 = tpu.memref_slice %arg7[%dma_start3A_107, %dma_start3A_112] : memref<12x1280xi32, #tpu.memory_space<vmem>> -> memref<1x1280xi32, #tpu.memory_space<vmem>>
      %dma_start3A_114 = tpu.memref_squeeze %dma_start3A_113 : memref<1x1280xi32, #tpu.memory_space<vmem>> -> memref<1280xi32, #tpu.memory_space<vmem>>
      %dma_start3A_115 = arith.constant 0 : i32
      %dma_start3A_116 = arith.constant 0 : i32
      %dma_start3A_117 = tpu.memref_slice %arg10[%dma_start3A_115, %dma_start3A_116] : memref<10240x16xf32, #tpu.memory_space<vmem_shared>> -> memref<10240x16xf32, #tpu.memory_space<vmem_shared>>
      tpu.enqueue_indirect_dma source(%dma_start3A_111 : memref<1280x16xf32, #tpu.memory_space<vmem>>) target(%dma_start3A_117 : memref<10240x16xf32, #tpu.memory_space<vmem_shared>>) offsets(%dma_start3A_114 : memref<1280xi32, #tpu.memory_space<vmem>>) semaphore(%arg16 : memref<!tpu.dma_semaphore, #tpu.memory_space<semaphore_mem>>) {add = true}
      %dma_wait3A_118 = arith.constant 2 : i32
      %dma_wait3A_119 = arith.constant 2 : i32
      %dma_wait3A_120 = arith.constant 0 : i32
      %dma_wait3A_121 = arith.constant 0 : i32
      %dma_wait3A_122 = tpu.memref_slice %arg8[%dma_wait3A_119, %dma_wait3A_120, %dma_wait3A_121] : memref<4x1280x16xf32, #tpu.memory_space<vmem>> -> memref<1x1280x16xf32, #tpu.memory_space<vmem>>
      %dma_wait3A_123 = tpu.memref_squeeze %dma_wait3A_122 : memref<1x1280x16xf32, #tpu.memory_space<vmem>> -> memref<1280x16xf32, #tpu.memory_space<vmem>>
      %dma_wait3A_124 = arith.constant 0 : i32
      %dma_wait3A_125 = tpu.memref_slice %arg6[%dma_wait3A_118, %dma_wait3A_124] : memref<12x1280xi32, #tpu.memory_space<vmem>> -> memref<1x1280xi32, #tpu.memory_space<vmem>>
      %dma_wait3A_126 = tpu.memref_squeeze %dma_wait3A_125 : memref<1x1280xi32, #tpu.memory_space<vmem>> -> memref<1280xi32, #tpu.memory_space<vmem>>
      %dma_wait3A_127 = arith.constant 0 : i32
      %dma_wait3A_128 = arith.constant 0 : i32
      %dma_wait3A_129 = tpu.memref_slice %arg4[%dma_wait3A_127, %dma_wait3A_128] : memref<10000x16xf32, #tpu.memory_space<hbm>> -> memref<10000x16xf32, #tpu.memory_space<hbm>>
      tpu.wait_indirect_dma semaphore(%arg13 : memref<!tpu.dma_semaphore, #tpu.memory_space<semaphore_mem>>) src(%dma_wait3A_129 : memref<10000x16xf32, #tpu.memory_space<hbm>>) dst(%dma_wait3A_123 : memref<1280x16xf32, #tpu.memory_space<vmem>>)
      %dma_start3A_130 = arith.constant 2 : i32
      %dma_start3A_131 = arith.constant 2 : i32
      %dma_start3A_132 = arith.constant 0 : i32
      %dma_start3A_133 = arith.constant 0 : i32
      %dma_start3A_134 = tpu.memref_slice %arg8[%dma_start3A_130, %dma_start3A_132, %dma_start3A_133] : memref<4x1280x16xf32, #tpu.memory_space<vmem>> -> memref<1x1280x16xf32, #tpu.memory_space<vmem>>
      %dma_start3A_135 = tpu.memref_squeeze %dma_start3A_134 : memref<1x1280x16xf32, #tpu.memory_space<vmem>> -> memref<1280x16xf32, #tpu.memory_space<vmem>>
      %dma_start3A_136 = arith.constant 0 : i32
      %dma_start3A_137 = tpu.memref_slice %arg7[%dma_start3A_131, %dma_start3A_136] : memref<12x1280xi32, #tpu.memory_space<vmem>> -> memref<1x1280xi32, #tpu.memory_space<vmem>>
      %dma_start3A_138 = tpu.memref_squeeze %dma_start3A_137 : memref<1x1280xi32, #tpu.memory_space<vmem>> -> memref<1280xi32, #tpu.memory_space<vmem>>
      %dma_start3A_139 = arith.constant 0 : i32
      %dma_start3A_140 = arith.constant 0 : i32
      %dma_start3A_141 = tpu.memref_slice %arg10[%dma_start3A_139, %dma_start3A_140] : memref<10240x16xf32, #tpu.memory_space<vmem_shared>> -> memref<10240x16xf32, #tpu.memory_space<vmem_shared>>
      tpu.enqueue_indirect_dma source(%dma_start3A_135 : memref<1280x16xf32, #tpu.memory_space<vmem>>) target(%dma_start3A_141 : memref<10240x16xf32, #tpu.memory_space<vmem_shared>>) offsets(%dma_start3A_138 : memref<1280xi32, #tpu.memory_space<vmem>>) semaphore(%arg17 : memref<!tpu.dma_semaphore, #tpu.memory_space<semaphore_mem>>) {add = true}
      %dma_wait3A_142 = arith.constant 3 : i32
      %dma_wait3A_143 = arith.constant 3 : i32
      %dma_wait3A_144 = arith.constant 0 : i32
      %dma_wait3A_145 = arith.constant 0 : i32
      %dma_wait3A_146 = tpu.memref_slice %arg8[%dma_wait3A_143, %dma_wait3A_144, %dma_wait3A_145] : memref<4x1280x16xf32, #tpu.memory_space<vmem>> -> memref<1x1280x16xf32, #tpu.memory_space<vmem>>
      %dma_wait3A_147 = tpu.memref_squeeze %dma_wait3A_146 : memref<1x1280x16xf32, #tpu.memory_space<vmem>> -> memref<1280x16xf32, #tpu.memory_space<vmem>>
      %dma_wait3A_148 = arith.constant 0 : i32
      %dma_wait3A_149 = tpu.memref_slice %arg6[%dma_wait3A_142, %dma_wait3A_148] : memref<12x1280xi32, #tpu.memory_space<vmem>> -> memref<1x1280xi32, #tpu.memory_space<vmem>>
      %dma_wait3A_150 = tpu.memref_squeeze %dma_wait3A_149 : memref<1x1280xi32, #tpu.memory_space<vmem>> -> memref<1280xi32, #tpu.memory_space<vmem>>
      %dma_wait3A_151 = arith.constant 0 : i32
      %dma_wait3A_152 = arith.constant 0 : i32
      %dma_wait3A_153 = tpu.memref_slice %arg4[%dma_wait3A_151, %dma_wait3A_152] : memref<10000x16xf32, #tpu.memory_space<hbm>> -> memref<10000x16xf32, #tpu.memory_space<hbm>>
      tpu.wait_indirect_dma semaphore(%arg14 : memref<!tpu.dma_semaphore, #tpu.memory_space<semaphore_mem>>) src(%dma_wait3A_153 : memref<10000x16xf32, #tpu.memory_space<hbm>>) dst(%dma_wait3A_147 : memref<1280x16xf32, #tpu.memory_space<vmem>>)
      %dma_start3A_154 = arith.constant 3 : i32
      %dma_start3A_155 = arith.constant 3 : i32
      %dma_start3A_156 = arith.constant 0 : i32
      %dma_start3A_157 = arith.constant 0 : i32
      %dma_start3A_158 = tpu.memref_slice %arg8[%dma_start3A_154, %dma_start3A_156, %dma_start3A_157] : memref<4x1280x16xf32, #tpu.memory_space<vmem>> -> memref<1x1280x16xf32, #tpu.memory_space<vmem>>
      %dma_start3A_159 = tpu.memref_squeeze %dma_start3A_158 : memref<1x1280x16xf32, #tpu.memory_space<vmem>> -> memref<1280x16xf32, #tpu.memory_space<vmem>>
      %dma_start3A_160 = arith.constant 0 : i32
      %dma_start3A_161 = tpu.memref_slice %arg7[%dma_start3A_155, %dma_start3A_160] : memref<12x1280xi32, #tpu.memory_space<vmem>> -> memref<1x1280xi32, #tpu.memory_space<vmem>>
      %dma_start3A_162 = tpu.memref_squeeze %dma_start3A_161 : memref<1x1280xi32, #tpu.memory_space<vmem>> -> memref<1280xi32, #tpu.memory_space<vmem>>
      %dma_start3A_163 = arith.constant 0 : i32
      %dma_start3A_164 = arith.constant 0 : i32
      %dma_start3A_165 = tpu.memref_slice %arg10[%dma_start3A_163, %dma_start3A_164] : memref<10240x16xf32, #tpu.memory_space<vmem_shared>> -> memref<10240x16xf32, #tpu.memory_space<vmem_shared>>
      tpu.enqueue_indirect_dma source(%dma_start3A_159 : memref<1280x16xf32, #tpu.memory_space<vmem>>) target(%dma_start3A_165 : memref<10240x16xf32, #tpu.memory_space<vmem_shared>>) offsets(%dma_start3A_162 : memref<1280xi32, #tpu.memory_space<vmem>>) semaphore(%arg18 : memref<!tpu.dma_semaphore, #tpu.memory_space<semaphore_mem>>) {add = true}
      %dma_wait3A_166 = arith.constant 0 : i32
      %dma_wait3A_167 = arith.constant 0 : i32
      %dma_wait3A_168 = arith.constant 0 : i32
      %dma_wait3A_169 = arith.constant 0 : i32
      %dma_wait3A_170 = tpu.memref_slice %arg8[%dma_wait3A_166, %dma_wait3A_168, %dma_wait3A_169] : memref<4x1280x16xf32, #tpu.memory_space<vmem>> -> memref<1x1280x16xf32, #tpu.memory_space<vmem>>
      %dma_wait3A_171 = tpu.memref_squeeze %dma_wait3A_170 : memref<1x1280x16xf32, #tpu.memory_space<vmem>> -> memref<1280x16xf32, #tpu.memory_space<vmem>>
      %dma_wait3A_172 = arith.constant 0 : i32
      %dma_wait3A_173 = tpu.memref_slice %arg7[%dma_wait3A_167, %dma_wait3A_172] : memref<12x1280xi32, #tpu.memory_space<vmem>> -> memref<1x1280xi32, #tpu.memory_space<vmem>>
      %dma_wait3A_174 = tpu.memref_squeeze %dma_wait3A_173 : memref<1x1280xi32, #tpu.memory_space<vmem>> -> memref<1280xi32, #tpu.memory_space<vmem>>
      %dma_wait3A_175 = arith.constant 0 : i32
      %dma_wait3A_176 = arith.constant 0 : i32
      %dma_wait3A_177 = tpu.memref_slice %arg10[%dma_wait3A_175, %dma_wait3A_176] : memref<10240x16xf32, #tpu.memory_space<vmem_shared>> -> memref<10240x16xf32, #tpu.memory_space<vmem_shared>>
      tpu.wait_indirect_dma semaphore(%arg15 : memref<!tpu.dma_semaphore, #tpu.memory_space<semaphore_mem>>) src(%dma_wait3A_171 : memref<1280x16xf32, #tpu.memory_space<vmem>>) dst(%dma_wait3A_177 : memref<10240x16xf32, #tpu.memory_space<vmem_shared>>)
      %dma_wait3A_178 = arith.constant 1 : i32
      %dma_wait3A_179 = arith.constant 1 : i32
      %dma_wait3A_180 = arith.constant 0 : i32
      %dma_wait3A_181 = arith.constant 0 : i32
      %dma_wait3A_182 = tpu.memref_slice %arg8[%dma_wait3A_178, %dma_wait3A_180, %dma_wait3A_181] : memref<4x1280x16xf32, #tpu.memory_space<vmem>> -> memref<1x1280x16xf32, #tpu.memory_space<vmem>>
      %dma_wait3A_183 = tpu.memref_squeeze %dma_wait3A_182 : memref<1x1280x16xf32, #tpu.memory_space<vmem>> -> memref<1280x16xf32, #tpu.memory_space<vmem>>
      %dma_wait3A_184 = arith.constant 0 : i32
      %dma_wait3A_185 = tpu.memref_slice %arg7[%dma_wait3A_179, %dma_wait3A_184] : memref<12x1280xi32, #tpu.memory_space<vmem>> -> memref<1x1280xi32, #tpu.memory_space<vmem>>
      %dma_wait3A_186 = tpu.memref_squeeze %dma_wait3A_185 : memref<1x1280xi32, #tpu.memory_space<vmem>> -> memref<1280xi32, #tpu.memory_space<vmem>>
      %dma_wait3A_187 = arith.constant 0 : i32
      %dma_wait3A_188 = arith.constant 0 : i32
      %dma_wait3A_189 = tpu.memref_slice %arg10[%dma_wait3A_187, %dma_wait3A_188] : memref<10240x16xf32, #tpu.memory_space<vmem_shared>> -> memref<10240x16xf32, #tpu.memory_space<vmem_shared>>
      tpu.wait_indirect_dma semaphore(%arg16 : memref<!tpu.dma_semaphore, #tpu.memory_space<semaphore_mem>>) src(%dma_wait3A_183 : memref<1280x16xf32, #tpu.memory_space<vmem>>) dst(%dma_wait3A_189 : memref<10240x16xf32, #tpu.memory_space<vmem_shared>>)
      %dma_wait3A_190 = arith.constant 2 : i32
      %dma_wait3A_191 = arith.constant 2 : i32
      %dma_wait3A_192 = arith.constant 0 : i32
      %dma_wait3A_193 = arith.constant 0 : i32
      %dma_wait3A_194 = tpu.memref_slice %arg8[%dma_wait3A_190, %dma_wait3A_192, %dma_wait3A_193] : memref<4x1280x16xf32, #tpu.memory_space<vmem>> -> memref<1x1280x16xf32, #tpu.memory_space<vmem>>
      %dma_wait3A_195 = tpu.memref_squeeze %dma_wait3A_194 : memref<1x1280x16xf32, #tpu.memory_space<vmem>> -> memref<1280x16xf32, #tpu.memory_space<vmem>>
      %dma_wait3A_196 = arith.constant 0 : i32
      %dma_wait3A_197 = tpu.memref_slice %arg7[%dma_wait3A_191, %dma_wait3A_196] : memref<12x1280xi32, #tpu.memory_space<vmem>> -> memref<1x1280xi32, #tpu.memory_space<vmem>>
      %dma_wait3A_198 = tpu.memref_squeeze %dma_wait3A_197 : memref<1x1280xi32, #tpu.memory_space<vmem>> -> memref<1280xi32, #tpu.memory_space<vmem>>
      %dma_wait3A_199 = arith.constant 0 : i32
      %dma_wait3A_200 = arith.constant 0 : i32
      %dma_wait3A_201 = tpu.memref_slice %arg10[%dma_wait3A_199, %dma_wait3A_200] : memref<10240x16xf32, #tpu.memory_space<vmem_shared>> -> memref<10240x16xf32, #tpu.memory_space<vmem_shared>>
      tpu.wait_indirect_dma semaphore(%arg17 : memref<!tpu.dma_semaphore, #tpu.memory_space<semaphore_mem>>) src(%dma_wait3A_195 : memref<1280x16xf32, #tpu.memory_space<vmem>>) dst(%dma_wait3A_201 : memref<10240x16xf32, #tpu.memory_space<vmem_shared>>)
      %dma_wait3A_202 = arith.constant 3 : i32
      %dma_wait3A_203 = arith.constant 3 : i32
      %dma_wait3A_204 = arith.constant 0 : i32
      %dma_wait3A_205 = arith.constant 0 : i32
      %dma_wait3A_206 = tpu.memref_slice %arg8[%dma_wait3A_202, %dma_wait3A_204, %dma_wait3A_205] : memref<4x1280x16xf32, #tpu.memory_space<vmem>> -> memref<1x1280x16xf32, #tpu.memory_space<vmem>>
      %dma_wait3A_207 = tpu.memref_squeeze %dma_wait3A_206 : memref<1x1280x16xf32, #tpu.memory_space<vmem>> -> memref<1280x16xf32, #tpu.memory_space<vmem>>
      %dma_wait3A_208 = arith.constant 0 : i32
      %dma_wait3A_209 = tpu.memref_slice %arg7[%dma_wait3A_203, %dma_wait3A_208] : memref<12x1280xi32, #tpu.memory_space<vmem>> -> memref<1x1280xi32, #tpu.memory_space<vmem>>
      %dma_wait3A_210 = tpu.memref_squeeze %dma_wait3A_209 : memref<1x1280xi32, #tpu.memory_space<vmem>> -> memref<1280xi32, #tpu.memory_space<vmem>>
      %dma_wait3A_211 = arith.constant 0 : i32
      %dma_wait3A_212 = arith.constant 0 : i32
      %dma_wait3A_213 = tpu.memref_slice %arg10[%dma_wait3A_211, %dma_wait3A_212] : memref<10240x16xf32, #tpu.memory_space<vmem_shared>> -> memref<10240x16xf32, #tpu.memory_space<vmem_shared>>
      tpu.wait_indirect_dma semaphore(%arg18 : memref<!tpu.dma_semaphore, #tpu.memory_space<semaphore_mem>>) src(%dma_wait3A_207 : memref<1280x16xf32, #tpu.memory_space<vmem>>) dst(%dma_wait3A_213 : memref<10240x16xf32, #tpu.memory_space<vmem_shared>>)
    } else {
    }
    %barrier3A_17 = arith.constant 0 : index
    tpu.barrier barrier_id(%barrier3A_17)
    %mul3A = arith.constant 640 : i32
    %mul3A_18 = arith.muli %arg1, %mul3A : i32
    %mul3A_19 = arith.constant 640 : i32
    %mul3A_20 = arith.muli %arg1, %mul3A_19 : i32
    "tpu.region"() ({
      %run_scoped3A = tpu.sem_alloc : memref<!tpu.dma_semaphore, #tpu.memory_space<semaphore_mem>>
      %dma_start3A = arith.constant 0 : i32
      %dma_start3A_21 = tpu.memref_slice %arg5[%arg0, %mul3A_20, %dma_start3A] : memref<2x10240x16xf32, #tpu.memory_space<hbm>> -> memref<1x640x16xf32, #tpu.memory_space<hbm>>
      %dma_start3A_22 = tpu.memref_squeeze %dma_start3A_21 : memref<1x640x16xf32, #tpu.memory_space<hbm>> -> memref<640x16xf32, #tpu.memory_space<hbm>>
      %dma_start3A_23 = arith.constant 0 : i32
      %dma_start3A_24 = tpu.memref_slice %arg10[%mul3A_18, %dma_start3A_23] : memref<10240x16xf32, #tpu.memory_space<vmem_shared>> -> memref<640x16xf32, #tpu.memory_space<vmem_shared>>
      tpu.enqueue_dma source(%dma_start3A_24 : memref<640x16xf32, #tpu.memory_space<vmem_shared>>) target(%dma_start3A_22 : memref<640x16xf32, #tpu.memory_space<hbm>>) target_semaphore(%run_scoped3A : memref<!tpu.dma_semaphore, #tpu.memory_space<semaphore_mem>>)
      %dma_wait3A = arith.constant 0 : i32
      %dma_wait3A_25 = tpu.memref_slice %arg5[%arg0, %mul3A_20, %dma_wait3A] : memref<2x10240x16xf32, #tpu.memory_space<hbm>> -> memref<1x640x16xf32, #tpu.memory_space<hbm>>
      %dma_wait3A_26 = tpu.memref_squeeze %dma_wait3A_25 : memref<1x640x16xf32, #tpu.memory_space<hbm>> -> memref<640x16xf32, #tpu.memory_space<hbm>>
      %dma_wait3A_27 = arith.constant 0 : i32
      %dma_wait3A_28 = tpu.memref_slice %arg10[%mul3A_18, %dma_wait3A_27] : memref<10240x16xf32, #tpu.memory_space<vmem_shared>> -> memref<640x16xf32, #tpu.memory_space<vmem_shared>>
      tpu.wait_dma2 semaphore(%run_scoped3A : memref<!tpu.dma_semaphore, #tpu.memory_space<semaphore_mem>>) src(%dma_wait3A_28 : memref<640x16xf32, #tpu.memory_space<vmem_shared>>) dst(%dma_wait3A_26 : memref<640x16xf32, #tpu.memory_space<hbm>>)
      tpu.yield
    }) : () -> ()
    return
  }
}

module attributes {stable_mosaic.version = 14 : i64} {
  func.func @_tc1_body(%arg0: i32, %arg1: memref<1024x128xf32, #tpu.memory_space<vmem>>, %arg2: memref<128x16xf32, #tpu.memory_space<vmem>>, %arg3: memref<2x1024xf32, #tpu.memory_space<vmem>>, %arg4: memref<1024x16xf32, #tpu.memory_space<vmem>>) attributes {dimension_semantics = [#tpu.dimension_semantics<arbitrary>], iteration_bounds = array<i64: 10>, scalar_prefetch = 0 : i64, scratch_operands = 0 : i64, tpu.core_type = #tpu.core_type<tc>, window_params = [{transform_indices = @transform_0, window_bounds = array<i64: 1024, 128>}, {pipeline_mode = #tpu.pipeline_mode<synchronous>, transform_indices = @transform_1, window_bounds = array<i64: 128, 16>}, {transform_indices = @transform_2, window_bounds = array<i64: 2, 1024>}, {transform_indices = @transform_3, window_bounds = array<i64: 1024, 16>}]} {
    %get3A = arith.constant 0 : index
    %get3A_0 = arith.constant 0 : index
    %get3A_1 = vector.load %arg3[%get3A, %get3A_0] : memref<2x1024xf32, #tpu.memory_space<vmem>>, vector<1x1024xf32>
    %get3A_2 = vector.shape_cast %get3A_1 : vector<1x1024xf32> to vector<1024xf32>
    %get3A_3 = arith.constant 1 : index
    %get3A_4 = arith.constant 0 : index
    %get3A_5 = vector.load %arg3[%get3A_3, %get3A_4] : memref<2x1024xf32, #tpu.memory_space<vmem>>, vector<1x1024xf32>
    %get3A_6 = vector.shape_cast %get3A_5 : vector<1x1024xf32> to vector<1024xf32>
    %add3A = arith.addf %get3A_2, %get3A_6 : vector<1024xf32>
    %add3A_7 = arith.constant 1.000000e+00 : f32
    %add3A_8 = vector.broadcast %add3A_7 : f32 to vector<1024xf32>
    %add3A_9 = arith.addf %add3A, %add3A_8 : vector<1024xf32>
    %rsqrt3A = math.rsqrt %add3A_9 : vector<1024xf32>
    %get3A_10 = arith.constant 0 : index
    %get3A_11 = arith.constant 0 : index
    %get3A_12 = vector.load %arg1[%get3A_10, %get3A_11] : memref<1024x128xf32, #tpu.memory_space<vmem>>, vector<1024x128xf32>
    %get3A_13 = arith.constant 0 : index
    %get3A_14 = arith.constant 0 : index
    %get3A_15 = vector.load %arg2[%get3A_13, %get3A_14] : memref<128x16xf32, #tpu.memory_space<vmem>>, vector<128x16xf32>
    %dot_general3A = arith.constant dense<0.000000e+00> : vector<1024x16xf32>
    %dot_general3A_16 = tpu.matmul %get3A_12, %get3A_15, %dot_general3A {dimension_numbers = #tpu.dot_dimension_numbers<[1], [0], [0], [1], [0, 0, 1, 1], [], []>, transpose_lhs_hint = false} : vector<1024x128xf32>, vector<128x16xf32>, vector<1024x16xf32> -> vector<1024x16xf32>
    %broadcast_in_dim3A = vector.shape_cast %rsqrt3A : vector<1024xf32> to vector<1024x1xf32>
    %mul3A = vector.broadcast %broadcast_in_dim3A : vector<1024x1xf32> to vector<1024x16xf32>
    %mul3A_17 = arith.mulf %dot_general3A_16, %mul3A : vector<1024x16xf32>
    %swap3A = arith.constant 0 : index
    %swap3A_18 = arith.constant 0 : index
    %swap3A_19 = vector.load %arg4[%swap3A, %swap3A_18] : memref<1024x16xf32, #tpu.memory_space<vmem>>, vector<1024x16xf32>
    tpu.vector_store %arg4[%swap3A, %swap3A_18], %mul3A_17 {strides = array<i32>} : memref<1024x16xf32, #tpu.memory_space<vmem>>, vector<1024x16xf32>,
    return
  }
  func.func @transform_0(%arg0: i32) -> (i32, i32) {
    %c0_i32 = arith.constant 0 : i32
    %c0_i32_0 = arith.constant 0 : i32
    return %arg0, %c0_i32 : i32, i32
  }
  func.func @transform_1(%arg0: i32) -> (i32, i32) {
    %c0_i32 = arith.constant 0 : i32
    %c0_i32_0 = arith.constant 0 : i32
    %c0_i32_1 = arith.constant 0 : i32
    return %c0_i32, %c0_i32_0 : i32, i32
  }
  func.func @transform_2(%arg0: i32) -> (i32, i32) {
    %c0_i32 = arith.constant 0 : i32
    %c0_i32_0 = arith.constant 0 : i32
    return %c0_i32, %arg0 : i32, i32
  }
  func.func @transform_3(%arg0: i32) -> (i32, i32) {
    %c0_i32 = arith.constant 0 : i32
    %c0_i32_0 = arith.constant 0 : i32
    return %arg0, %c0_i32 : i32, i32
  }
}

module attributes {stable_mosaic.version = 14 : i64} {
  func.func @_tc2_body(%arg0: i32, %arg1: memref<2x1024x16xf32, #tpu.memory_space<vmem>>, %arg2: memref<1024x16xf32, #tpu.memory_space<vmem>>, %arg3: memref<2x1024xf32, #tpu.memory_space<vmem>>, %arg4: memref<16x16xf32, #tpu.memory_space<vmem>>, %arg5: memref<1x16xf32, #tpu.memory_space<vmem>>, %arg6: memref<1024x16xf32, #tpu.memory_space<vmem>>) attributes {dimension_semantics = [#tpu.dimension_semantics<arbitrary>], iteration_bounds = array<i64: 10>, scalar_prefetch = 0 : i64, scratch_operands = 0 : i64, tpu.core_type = #tpu.core_type<tc>, window_params = [{transform_indices = @transform_0, window_bounds = array<i64: 2, 1024, 16>}, {transform_indices = @transform_1, window_bounds = array<i64: 1024, 16>}, {transform_indices = @transform_2, window_bounds = array<i64: 2, 1024>}, {pipeline_mode = #tpu.pipeline_mode<synchronous>, transform_indices = @transform_3, window_bounds = array<i64: 16, 16>}, {pipeline_mode = #tpu.pipeline_mode<synchronous>, transform_indices = @transform_4, window_bounds = array<i64: 1, 16>}, {transform_indices = @transform_5, window_bounds = array<i64: 1024, 16>}]} {
    %get3A = arith.constant 0 : index
    %get3A_0 = arith.constant 0 : index
    %get3A_1 = vector.load %arg3[%get3A, %get3A_0] : memref<2x1024xf32, #tpu.memory_space<vmem>>, vector<1x1024xf32>
    %get3A_2 = vector.shape_cast %get3A_1 : vector<1x1024xf32> to vector<1024xf32>
    %get3A_3 = arith.constant 1 : index
    %get3A_4 = arith.constant 0 : index
    %get3A_5 = vector.load %arg3[%get3A_3, %get3A_4] : memref<2x1024xf32, #tpu.memory_space<vmem>>, vector<1x1024xf32>
    %get3A_6 = vector.shape_cast %get3A_5 : vector<1x1024xf32> to vector<1024xf32>
    %add3A = arith.addf %get3A_2, %get3A_6 : vector<1024xf32>
    %add3A_7 = arith.constant 1.000000e+00 : f32
    %add3A_8 = vector.broadcast %add3A_7 : f32 to vector<1024xf32>
    %add3A_9 = arith.addf %add3A, %add3A_8 : vector<1024xf32>
    %rsqrt3A = math.rsqrt %add3A_9 : vector<1024xf32>
    %get3A_10 = arith.constant 0 : index
    %get3A_11 = arith.constant 0 : index
    %get3A_12 = arith.constant 0 : index
    %get3A_13 = vector.load %arg1[%get3A_10, %get3A_11, %get3A_12] : memref<2x1024x16xf32, #tpu.memory_space<vmem>>, vector<1x1024x16xf32>
    %get3A_14 = vector.shape_cast %get3A_13 : vector<1x1024x16xf32> to vector<1024x16xf32>
    %get3A_15 = arith.constant 1 : index
    %get3A_16 = arith.constant 0 : index
    %get3A_17 = arith.constant 0 : index
    %get3A_18 = vector.load %arg1[%get3A_15, %get3A_16, %get3A_17] : memref<2x1024x16xf32, #tpu.memory_space<vmem>>, vector<1x1024x16xf32>
    %get3A_19 = vector.shape_cast %get3A_18 : vector<1x1024x16xf32> to vector<1024x16xf32>
    %add3A_20 = arith.addf %get3A_14, %get3A_19 : vector<1024x16xf32>
    %get3A_21 = arith.constant 0 : index
    %get3A_22 = arith.constant 0 : index
    %get3A_23 = vector.load %arg2[%get3A_21, %get3A_22] : memref<1024x16xf32, #tpu.memory_space<vmem>>, vector<1024x16xf32>
    %add3A_24 = arith.addf %add3A_20, %get3A_23 : vector<1024x16xf32>
    %broadcast_in_dim3A = vector.shape_cast %rsqrt3A : vector<1024xf32> to vector<1024x1xf32>
    %mul3A = vector.broadcast %broadcast_in_dim3A : vector<1024x1xf32> to vector<1024x16xf32>
    %mul3A_25 = arith.mulf %add3A_24, %mul3A : vector<1024x16xf32>
    %get3A_26 = arith.constant 0 : index
    %get3A_27 = arith.constant 0 : index
    %get3A_28 = vector.load %arg5[%get3A_26, %get3A_27] : memref<1x16xf32, #tpu.memory_space<vmem>>, vector<1x16xf32>
    %get3A_29 = vector.shape_cast %get3A_28 : vector<1x16xf32> to vector<16xf32>
    %broadcast_in_dim3A_30 = vector.shape_cast %get3A_29 : vector<16xf32> to vector<1x16xf32>
    %add3A_31 = vector.broadcast %broadcast_in_dim3A_30 : vector<1x16xf32> to vector<1024x16xf32>
    %add3A_32 = arith.addf %mul3A_25, %add3A_31 : vector<1024x16xf32>
    %max3A = arith.constant 0.000000e+00 : f32
    %max3A_33 = vector.broadcast %max3A : f32 to vector<1024x16xf32>
    %max3A_34 = arith.maximumf %add3A_32, %max3A_33 : vector<1024x16xf32>
    %get3A_35 = arith.constant 0 : index
    %get3A_36 = arith.constant 0 : index
    %get3A_37 = vector.load %arg4[%get3A_35, %get3A_36] : memref<16x16xf32, #tpu.memory_space<vmem>>, vector<16x16xf32>
    %dot_general3A = arith.constant dense<0.000000e+00> : vector<1024x16xf32>
    %dot_general3A_38 = tpu.matmul %max3A_34, %get3A_37, %dot_general3A {dimension_numbers = #tpu.dot_dimension_numbers<[1], [0], [0], [1], [0, 0, 1, 1], [], []>, transpose_lhs_hint = false} : vector<1024x16xf32>, vector<16x16xf32>, vector<1024x16xf32> -> vector<1024x16xf32>
    %broadcast_in_dim3A_39 = vector.shape_cast %rsqrt3A : vector<1024xf32> to vector<1024x1xf32>
    %mul3A_40 = vector.broadcast %broadcast_in_dim3A_39 : vector<1024x1xf32> to vector<1024x16xf32>
    %mul3A_41 = arith.mulf %dot_general3A_38, %mul3A_40 : vector<1024x16xf32>
    %swap3A = arith.constant 0 : index
    %swap3A_42 = arith.constant 0 : index
    %swap3A_43 = vector.load %arg6[%swap3A, %swap3A_42] : memref<1024x16xf32, #tpu.memory_space<vmem>>, vector<1024x16xf32>
    tpu.vector_store %arg6[%swap3A, %swap3A_42], %mul3A_41 {strides = array<i32>} : memref<1024x16xf32, #tpu.memory_space<vmem>>, vector<1024x16xf32>,
    return
  }
  func.func @transform_0(%arg0: i32) -> (i32, i32, i32) {
    %c0_i32 = arith.constant 0 : i32
    %c0_i32_0 = arith.constant 0 : i32
    %c0_i32_1 = arith.constant 0 : i32
    return %c0_i32, %arg0, %c0_i32_0 : i32, i32, i32
  }
  func.func @transform_1(%arg0: i32) -> (i32, i32) {
    %c0_i32 = arith.constant 0 : i32
    %c0_i32_0 = arith.constant 0 : i32
    return %arg0, %c0_i32 : i32, i32
  }
  func.func @transform_2(%arg0: i32) -> (i32, i32) {
    %c0_i32 = arith.constant 0 : i32
    %c0_i32_0 = arith.constant 0 : i32
    return %c0_i32, %arg0 : i32, i32
  }
  func.func @transform_3(%arg0: i32) -> (i32, i32) {
    %c0_i32 = arith.constant 0 : i32
    %c0_i32_0 = arith.constant 0 : i32
    %c0_i32_1 = arith.constant 0 : i32
    return %c0_i32, %c0_i32_0 : i32, i32
  }
  func.func @transform_4(%arg0: i32) -> (i32, i32) {
    %c0_i32 = arith.constant 0 : i32
    %c0_i32_0 = arith.constant 0 : i32
    %c0_i32_1 = arith.constant 0 : i32
    return %c0_i32, %c0_i32_0 : i32, i32
  }
  func.func @transform_5(%arg0: i32) -> (i32, i32) {
    %c0_i32 = arith.constant 0 : i32
    %c0_i32_0 = arith.constant 0 : i32
    return %arg0, %c0_i32 : i32, i32
  }
}

module attributes {stable_mosaic.version = 14 : i64} {
  func.func @_tc3_body(%arg0: i32, %arg1: memref<2x1024x16xf32, #tpu.memory_space<vmem>>, %arg2: memref<1024x16xf32, #tpu.memory_space<vmem>>, %arg3: memref<2x1024xf32, #tpu.memory_space<vmem>>, %arg4: memref<1x16xf32, #tpu.memory_space<vmem>>, %arg5: memref<1024x16xf32, #tpu.memory_space<vmem>>) attributes {dimension_semantics = [#tpu.dimension_semantics<arbitrary>], iteration_bounds = array<i64: 10>, scalar_prefetch = 0 : i64, scratch_operands = 0 : i64, tpu.core_type = #tpu.core_type<tc>, window_params = [{transform_indices = @transform_0, window_bounds = array<i64: 2, 1024, 16>}, {transform_indices = @transform_1, window_bounds = array<i64: 1024, 16>}, {transform_indices = @transform_2, window_bounds = array<i64: 2, 1024>}, {pipeline_mode = #tpu.pipeline_mode<synchronous>, transform_indices = @transform_3, window_bounds = array<i64: 1, 16>}, {transform_indices = @transform_4, window_bounds = array<i64: 1024, 16>}]} {
    %get3A = arith.constant 0 : index
    %get3A_0 = arith.constant 0 : index
    %get3A_1 = vector.load %arg3[%get3A, %get3A_0] : memref<2x1024xf32, #tpu.memory_space<vmem>>, vector<1x1024xf32>
    %get3A_2 = vector.shape_cast %get3A_1 : vector<1x1024xf32> to vector<1024xf32>
    %get3A_3 = arith.constant 1 : index
    %get3A_4 = arith.constant 0 : index
    %get3A_5 = vector.load %arg3[%get3A_3, %get3A_4] : memref<2x1024xf32, #tpu.memory_space<vmem>>, vector<1x1024xf32>
    %get3A_6 = vector.shape_cast %get3A_5 : vector<1x1024xf32> to vector<1024xf32>
    %add3A = arith.addf %get3A_2, %get3A_6 : vector<1024xf32>
    %add3A_7 = arith.constant 1.000000e+00 : f32
    %add3A_8 = vector.broadcast %add3A_7 : f32 to vector<1024xf32>
    %add3A_9 = arith.addf %add3A, %add3A_8 : vector<1024xf32>
    %rsqrt3A = math.rsqrt %add3A_9 : vector<1024xf32>
    %get3A_10 = arith.constant 0 : index
    %get3A_11 = arith.constant 0 : index
    %get3A_12 = arith.constant 0 : index
    %get3A_13 = vector.load %arg1[%get3A_10, %get3A_11, %get3A_12] : memref<2x1024x16xf32, #tpu.memory_space<vmem>>, vector<1x1024x16xf32>
    %get3A_14 = vector.shape_cast %get3A_13 : vector<1x1024x16xf32> to vector<1024x16xf32>
    %get3A_15 = arith.constant 1 : index
    %get3A_16 = arith.constant 0 : index
    %get3A_17 = arith.constant 0 : index
    %get3A_18 = vector.load %arg1[%get3A_15, %get3A_16, %get3A_17] : memref<2x1024x16xf32, #tpu.memory_space<vmem>>, vector<1x1024x16xf32>
    %get3A_19 = vector.shape_cast %get3A_18 : vector<1x1024x16xf32> to vector<1024x16xf32>
    %add3A_20 = arith.addf %get3A_14, %get3A_19 : vector<1024x16xf32>
    %get3A_21 = arith.constant 0 : index
    %get3A_22 = arith.constant 0 : index
    %get3A_23 = vector.load %arg2[%get3A_21, %get3A_22] : memref<1024x16xf32, #tpu.memory_space<vmem>>, vector<1024x16xf32>
    %add3A_24 = arith.addf %add3A_20, %get3A_23 : vector<1024x16xf32>
    %broadcast_in_dim3A = vector.shape_cast %rsqrt3A : vector<1024xf32> to vector<1024x1xf32>
    %mul3A = vector.broadcast %broadcast_in_dim3A : vector<1024x1xf32> to vector<1024x16xf32>
    %mul3A_25 = arith.mulf %add3A_24, %mul3A : vector<1024x16xf32>
    %get3A_26 = arith.constant 0 : index
    %get3A_27 = arith.constant 0 : index
    %get3A_28 = vector.load %arg4[%get3A_26, %get3A_27] : memref<1x16xf32, #tpu.memory_space<vmem>>, vector<1x16xf32>
    %get3A_29 = vector.shape_cast %get3A_28 : vector<1x16xf32> to vector<16xf32>
    %broadcast_in_dim3A_30 = vector.shape_cast %get3A_29 : vector<16xf32> to vector<1x16xf32>
    %add3A_31 = vector.broadcast %broadcast_in_dim3A_30 : vector<1x16xf32> to vector<1024x16xf32>
    %add3A_32 = arith.addf %mul3A_25, %add3A_31 : vector<1024x16xf32>
    %swap3A = arith.constant 0 : index
    %swap3A_33 = arith.constant 0 : index
    %swap3A_34 = vector.load %arg5[%swap3A, %swap3A_33] : memref<1024x16xf32, #tpu.memory_space<vmem>>, vector<1024x16xf32>
    tpu.vector_store %arg5[%swap3A, %swap3A_33], %add3A_32 {strides = array<i32>} : memref<1024x16xf32, #tpu.memory_space<vmem>>, vector<1024x16xf32>,
    return
  }
  func.func @transform_0(%arg0: i32) -> (i32, i32, i32) {
    %c0_i32 = arith.constant 0 : i32
    %c0_i32_0 = arith.constant 0 : i32
    %c0_i32_1 = arith.constant 0 : i32
    return %c0_i32, %arg0, %c0_i32_0 : i32, i32, i32
  }
  func.func @transform_1(%arg0: i32) -> (i32, i32) {
    %c0_i32 = arith.constant 0 : i32
    %c0_i32_0 = arith.constant 0 : i32
    return %arg0, %c0_i32 : i32, i32
  }
  func.func @transform_2(%arg0: i32) -> (i32, i32) {
    %c0_i32 = arith.constant 0 : i32
    %c0_i32_0 = arith.constant 0 : i32
    return %c0_i32, %arg0 : i32, i32
  }
  func.func @transform_3(%arg0: i32) -> (i32, i32) {
    %c0_i32 = arith.constant 0 : i32
    %c0_i32_0 = arith.constant 0 : i32
    %c0_i32_1 = arith.constant 0 : i32
    return %c0_i32, %c0_i32_0 : i32, i32
  }
  func.func @transform_4(%arg0: i32) -> (i32, i32) {
    %c0_i32 = arith.constant 0 : i32
    %c0_i32_0 = arith.constant 0 : i32
    return %arg0, %c0_i32 : i32, i32
  }
}

</mosaic_0001>

<sc_bundles>
// kernel: kernel.11.cloned.1.call-start
scs
__scs_entry_jumppad:
0x0: {  	(pc) =	sbr.rel $0x88, $3  }
0x1: {  	(tag) =	ssettag $0x0;
	lr =	simm.s32 $0x1  }
0x2: {  	[smem:$0x3F9B] =	sst lr;
	_ =	strace $0xD0000000  }
0x3: {  	_ = 	snop  }
0x4: {  	_ = 	snop  }
0x5: {  	_ = 	snop  }
0x6: {  	_ = 	snop  }
0x7: {  	_ = 	snop  }
__scs_overlays_trampoline_lowered:
0x8: {  	[smem:$0x3FAA] =	sst s0  }
0x9: {  	[smem:$0x3FAB] =	sst s1  }
0xa: {  	[smem:$0x3FAC] =	sst s2  }
0xb: {  	[smem:$0x3FAD] =	sst s3  }
0xc: {  	[smem:$0x3FAE] =	sst s4  }
0xd: {  	[smem:$0x3FAF] =	sst s5  }
0xe: {  	[smem:$0x3FB0] =	sst s6  }
0xf: {  	[smem:$0x3FB1] =	sst s7  }
0x10: {  	[smem:$0x3FB2] =	sst s8  }
0x11: {  	[smem:$0x3FB3] =	sst s9;
	s0 =	simm.s32 @!p0 $0x0  }
0x12: {  	s1 =	sld [smem:$0x3F99];
	s0 =	simm.s32 @p0 $0x1  }
0x13: {  	[smem:$0x3FB4] =	sst s0;
	s0 =	simm.s32 @!p1 $0x0  }
0x14: {  	s2 =	sld [smem:$0x3F98];
	s0 =	simm.s32 @p1 $0x1  }
0x15: {  	[smem:$0x3FB5] =	sst s0;
	s0 =	simm.s32 @!p2 $0x0  }
0x16: {  	s3 =	sld [smem:$0x3FDB];
	s0 =	simm.s32 @p2 $0x1  }
0x17: {  	s4 =	simm.s32 $0x1BF5;
	[smem:$0x3FB7] =	sst s0  }
0x18: {  	s0 =	sld [smem:$0x3F9A];
	_ =	swait.ge [sflag:s4], $0x0  }
0x19: {  	s7 =	sld [smem:$0x3F9B]  }
0x1a: {  	s8 =	sadd.s32 $0xFFFFE003, lr  }
0x1b: {  	s9 =	sadd.s32 $0xFFFFFEF7, lr;
	s5 =	simm.s32 $0xFFFFFFFF;
	p2 =	slt.u32 s8, $0xFFFFF086  }
0x1c: {  	p1 =	slt.u32 s9, $0xF7A;
	s5 =	simm.s32 @!p2 $0x0  }
0x1d: {  	s5 =	simm.s32 @p1 $0x1;
	p0 =	seq.s32 s7, s2  }
0x1e: {  	s7 =	smul.u32 @!p0 $0xF7A, s2;
	p2 =	seq.s32 @!p0 s5, $0x0  }
0x1f: {  	s9 =	smul.u32 $0xF7A, s1;
	s8 =	simm.s32 @!p0 $0x1BF5;
	p2 =	por !p2, p0  }
0x20: {  	[sflag:s8] =	ssyncset.s32 @!p0 $0xFFFFF086;
	s6 =	sadd.s32 @!p0 s3, s7;
	s7 =	simm.s32 @!p0 $0x108  }
0x21: {  	s3 =	sadd.s32 s3, s9;
	s6 =	sadd.s32 @!p0 $0x88, s6;
	s7 =	simm.s32 @p2 $0x1082  }
0x22: {  	[simem:s7], [sflag:s8] =	dma.local @!p0 [hbm:s6], $0xF7A  }
0x23: {  	s9 =	sor.u32 $0xD0000000, s2;
	s6 =	simm.s32 $0x108;
	_ =	swait.ge @!p0 [sflag:s8], $0x0  }
0x24: {  	s3 =	sadd.s32 $0x88, s3;
	s6 =	simm.s32 @!p1 $0x1082;
	[sflag:s4] =	ssyncset.s32 $0xFFFFF086  }
0x25: {  	[simem:s6], [sflag:s4] =	dma.local [hbm:s3], $0xF7A  }
0x26: {  	[smem:$0x3F9B] =	sst s1;
	(tag) =	ssettag s2;
	_ =	strace s9  }
0x27: {  	s1 =	sld [smem:$0x3FAB]  }
0x28: {  	s2 =	sld [smem:$0x3FAC]  }
0x29: {  	s4 =	sld [smem:$0x3FAE]  }
0x2a: {  	p0 =	seq.s32 s5, $0x0;
	s5 =	sld [smem:$0x3FAF]  }
0x2b: {  	s6 =	sld [smem:$0x3FB0]  }
0x2c: {  	s7 =	sld [smem:$0x3FB1]  }
0x2d: {  	s3 =	simm.s32 $0x108;
	s8 =	sld [smem:$0x3FB2]  }
0x2e: {  	s3 =	simm.s32 @!p0 $0x1082;
	s9 =	sld [smem:$0x3FB3]  }
0x2f: {  	lr =	sadd.s32 s0, s3;
	s0 =	sld [smem:$0x3FAA]  }
0x30: {  	s3 =	sld [smem:$0x3FAD]  }
0x31: {  	[smem:$0x3FB6] =	sst s10  }
0x32: {  	s10 =	sld [smem:$0x3FB4];
	_ =	sdelay $0x3  }
0x33: {  	p0 =	seq.s32 s10, $0x1;
	s10 =	sld [smem:$0x3FB6];
	_ =	sdelay $0x3  }
0x34: {  	[smem:$0x3FB6] =	sst s10  }
0x35: {  	s10 =	sld [smem:$0x3FB5];
	_ =	sdelay $0x3  }
0x36: {  	p1 =	seq.s32 s10, $0x1;
	s10 =	sld [smem:$0x3FB6];
	_ =	sdelay $0x3  }
0x37: {  	[smem:$0x3FB6] =	sst s10  }
0x38: {  	s10 =	sld [smem:$0x3FB7]  }
0x39: {  	_ = 	snop;
	(pc) =	sbr.ind lr, $3  }
0x3a: {  	_ = 	snop  }
0x3b: {  	_ = 	snop  }
0x3c: {  	p2 =	seq.s32 s10, $0x1;
	s10 =	sld [smem:$0x3FB6]  }
0x3d: {  	_ =	shalt  }
0x3e: {  	_ =	shalt  }
0x3f: {  	_ =	shalt  }
0x40: {  	_ =	shalt  }
0x41: {  	_ =	shalt  }
0x42: {  	_ =	shalt  }
0x43: {  	_ =	shalt  }
0x44: {  	_ =	shalt  }
0x45: {  	_ =	shalt  }
0x46: {  	_ =	shalt  }
0x47: {  	_ =	shalt  }
0x48: {  	_ =	shalt  }
0x49: {  	_ =	shalt  }
0x4a: {  	_ =	shalt  }
0x4b: {  	_ =	shalt  }
0x4c: {  	_ =	shalt  }
0x4d: {  	_ =	shalt  }
0x4e: {  	_ =	shalt  }
0x4f: {  	_ =	shalt  }
0x50: {  	_ =	shalt  }
0x51: {  	_ =	shalt  }
0x52: {  	_ =	shalt  }
0x53: {  	_ =	shalt  }
0x54: {  	_ =	shalt  }
0x55: {  	_ =	shalt  }
0x56: {  	_ =	shalt  }
0x57: {  	_ =	shalt  }
0x58: {  	_ =	shalt  }
0x59: {  	_ =	shalt  }
0x5a: {  	_ =	shalt  }
0x5b: {  	_ =	shalt  }
0x5c: {  	_ =	shalt  }
0x5d: {  	_ =	shalt  }
0x5e: {  	_ =	shalt  }
0x5f: {  	_ =	shalt  }
0x60: {  	_ =	shalt  }
0x61: {  	_ =	shalt  }
0x62: {  	_ =	shalt  }
0x63: {  	_ =	shalt  }
0x64: {  	_ =	shalt  }
0x65: {  	_ =	shalt  }
0x66: {  	_ =	shalt  }
0x67: {  	_ =	shalt  }
0x68: {  	_ =	shalt  }
0x69: {  	_ =	shalt  }
0x6a: {  	_ =	shalt  }
0x6b: {  	_ =	shalt  }
0x6c: {  	_ =	shalt  }
0x6d: {  	_ =	shalt  }
0x6e: {  	_ =	shalt  }
0x6f: {  	_ =	shalt  }
0x70: {  	_ =	shalt  }
0x71: {  	_ =	shalt  }
0x72: {  	_ =	shalt  }
0x73: {  	_ =	shalt  }
0x74: {  	_ =	shalt  }
0x75: {  	_ =	shalt  }
0x76: {  	_ =	shalt  }
0x77: {  	_ =	shalt  }
0x78: {  	_ =	shalt  }
0x79: {  	_ =	shalt  }
0x7a: {  	_ =	shalt  }
0x7b: {  	_ =	shalt  }
0x7c: {  	_ =	shalt  }
0x7d: {  	_ =	shalt  }
0x7e: {  	_ =	shalt  }
0x7f: {  	_ =	shalt  }
0x80: {  	_ =	shalt  }
0x81: {  	_ =	shalt  }
0x82: {  	_ =	shalt  }
0x83: {  	_ =	shalt  }
0x84: {  	_ =	shalt  }
0x85: {  	_ =	shalt  }
0x86: {  	_ =	shalt  }
0x87: {  	_ =	shalt  }
.Lfunc_end0:
.L_simem_size_0:
called_computation.1_lowered:
.L_overlay_start_0:
0x88: {  	s2 =	sld [smem:$0x3FD9]  }
0x89: {  	s3 =	sld [smem:$0x3FFE];
	_ =	sdelay $0x1  }
0x8a: {  	s1 =	srdreg.scid  }
0x8b: {  	s0 =	sand.u32 $0x1, s1  }
0x8c: {  	s17 =	sshll.u32 s0, $0xA;
	s2 =	sadd.s32 s3, s2  }
0x8d: {  	s2 =	sadd.s32 s2, s17  }
0x8e: {  	[smem:$0x3FC2] =	sst s2  }
0x8f: {  	_ = 	snop  }
0x90: {  	s2 =	sld [smem:$0x3FD0];
	(tm) =	ssettm $0x1  }
0x91: {  	s18 =	sld [smem:$0x3FFB];
	_ =	sdelay $0x3  }
0x92: {  	_ =	strace s18  }
0x93: {  	s3 =	sld [smem:$0x3FFC];
	_ =	sdelay $0x3  }
0x94: {  	_ =	strace s3  }
0x95: {  	s3 =	sld [smem:$0x3FFD];
	_ =	sdelay $0x3  }
0x96: {  	_ =	strace s3  }
0x97: {  	_ =	strace $0x8FFFFFFF  }
0x98: {  	s19 =	sld [smem:$0x3FDB];
	_ =	sdelay $0x1  }
0x99: {  	s4 =	simm.s32 $_scs_section_size  }
0x9a: {  	s5 =	simm.s32 $_size__tile_overlayer_lowered;
	s6 =	simm.s32 $_tile_overlayer_lowered  }
0x9b: {  	s22 =	simm.s32 $0x1BFF;
	s21 =	sshll.u32 s6, $0x1;
	s3 =	sadd.s32 s4, s19  }
0x9c: {  	s7 =	simm.s32 $0x0;
	s20 =	sshll.u32 s5, $0x1;
	s5 =	sadd.s32 s21, s3  }
0x9d: {  	[timem:s7], [sflag:s22] =	dma.local [hbm:s5], s20  }
0x9e: {  	_ =	swait.ge [sflag:s22], s20  }
0x9f: {  	s4 =	ssub.s32 $0x0, s20;
	[sflag:s22] =	ssyncset.done $0x0  }
0xa0: {  	[sflag:s22] =	ssyncadd.s32 s4;
	_ =	sdelay $0x1  }
0xa1: {  	s23 =	simm.s32 $0x1B8B  }
0xa2: {  	_ =	swait.ge [sflag:s23], $0x1  }
0xa3: {  	[sflag:s23] =	ssyncset.done $0x0  }
0xa4: {  	s25 =	simm.s32 $0x1B8E;
	s24 =	sld [smem:$0x3FFE];
	[sflag:s23] =	ssyncadd.s32 $0xFFFFFFFF  }
0xa5: {  	s26 =	simm.s32 $execute0_lowered;
	[smem:$0x3FD2] =	sst s25  }
0xa6: {  	s5 =	sshll.u32 s26, $0x1;
	_ =	strace $0x80000049;
	[dreg:$0x1] =	wrdreg $0xFFFFFFFF  }
0xa7: {  	s28 =	simm.s32 $_size_execute0_lowered;
	s3 =	sadd.s32 s3, s5;
	[dreg:$0x0] =	wrdreg $0x0  }
0xa8: {  	s5 =	sshll.u32 s28, $0x1;
	[dreg:$0x2] =	wrdreg s3  }
0xa9: {  	[dreg:$0x3] =	wrdreg s5  }
0xaa: {  	[dreg:$0x4] =	wrdreg $0xC0  }
0xab: {  	_ =	task [dreg:s7], $0x5FFFF  }
0xac: {  	[dreg:$0x1] =	wrdreg $0xFFFFFFFF  }
0xad: {  	[dreg:$0x0] =	wrdreg $0x60  }
0xae: {  	[dreg:$0x2] =	wrdreg s24  }
0xaf: {  	[dreg:$0x3] =	wrdreg s2  }
0xb0: {  	[dreg:$0x4] =	wrdreg $0x1C0000  }
0xb1: {  	[dreg:$0x5] =	wrdreg $0x9  }
0xb2: {  	_ =	task.clear_ibuf [dreg:s7], $0x6FFFF;
	_ =	strace $0x90000049  }
0xb3: {  	s29 =	simm.s32 $0x9;
	_ =	strace $0x8000004B  }
0xb4: {  	_ =	swait.ge [sflag:s29], $0x1  }
0xb5: {  	[sflag:s29] =	ssyncadd.s32 $0xFFFFFFFF  }
0xb6: {  	_ =	strace $0x9000004B  }
0xb7: {  	_ =	sfence  }
0xb8: {  	s30 =	sld [smem:$0x0];
	_ =	sdelay $0x2  }
0xb9: {  	s31 =	sshll.u32 s1, $0xD;
	s1 =	sshrl.u32 s1, $0x2  }
0xba: {  	s3 =	sand.u32 $0x4000, s31;
	s1 =	sadd.s32 s1, s30  }
0xbb: {  	s0 =	sor.u32 s3, s0;
	s1 =	sshll.u32 s1, $0x11  }
0xbc: {  	s0 =	sor.u32 s1, s0  }
0xbd: {  	s0 =	sadd.s32 $0x8F2B, s0  }
0xbe: {  	[sflag:s0] =	ssyncadd.remote.s32 $0x1  }
0xbf: {  	_ =	sfence.sel $0xFFFF  }
0xc0: {  	[dreg:$0x0] =	wrdreg $0xFFFFFFFF;
	(pc) =	sbr.abs _section_cstart, $3  }
0xc1: {  	[dreg:$0x1] =	wrdreg $0xFFFFFFFF  }
0xc2: {  	_ =	task.clear_ibuf [dreg:s7], $0x2FFFF;
	_ =	strace $0x9FFFFFFF  }
0xc3: {  	(tm) =	ssettm $0x7FFFFFFF  }
tec
execute0_lowered:
.L_overlay_start_1:
0x0: {  	(tag) =	ssettag $0x1  }
0x1: {  	s0 =	rddreg [dreg:$0x0]  }
0x2: {  	s1 =	rddreg [dreg:$0x1]  }
0x3: {  	s2 =	rddreg [dreg:$0x2];
	s3 =	srdreg.scid;
	s4 =	simm.s32 $0x0  }
0x4: {  	s13 =	stileid.u32;
	s16 =	simm.s32 $0x1B800;
	s17 =	simm.s32 $0x9  }
0x5: {  	s18 =	simm.s32 $0x500;
	s19 =	simm.s32 $0x7800;
	s6 =	smul.u32 $0x2800, s13  }
0x6: {  	s28 =	simm.s32 $0x4;
	s29 =	simm.s32 $0x5;
	s9 =	smul.u32 $0xA000, s13  }
0x7: {  	s30 =	simm.s32 $0x6;
	s31 =	simm.s32 $0x7;
	s11 =	smul.u32 $0x1400, s13  }
0x8: {  	s3 =	sand.u32 $0x1, s3;
	[smem:$0x7FF] =	sst s4;
	s21 =	smul.u32 $0x780, s13  }
0x9: {  	s7 =	sadd.s32 $0xB400, s0;
	s12 =	sadd.s32 $0x1400, s0;
	s5 =	smul.u32 $0x28000, s3  }
0xa: {  	_ =	strace $0x8000004A;
	s8 =	ssub.s32 $0x2, s3;
	p0 =	seq.s32 s3, $0x1  }
0xb: {  	s10 =	sshrl.u32 s8, $0x1;
	s20 =	sshrl.u32 s9, $0x2;
	s22 =	sshrl.u32 s11, $0x3  }
0xc: {  	s24 =	sadd.s32 s7, s21;
	s9 =	sadd.s32 s12, s21;
	s25 =	sadd.s32 s6, s2  }
0xd: {  	s5 =	sadd.s32 s6, s5;
	s8 =	ssub.s32 s8, s10;
	[dreg:$0x4] =	wrdreg s24  }
0xe: {  	s23 =	sadd.s32 $0x7800, s22;
	[dreg:$0x5] =	wrdreg s9;
	s22 =	simm.s32 $0x11800  }
0xf: {  	s24 =	simm.s32 $0x2;
	s25 =	sshrl.u32 s25, $0x3;
	s5 =	sshrl.u32 s5, $0x3  }
0x10: {  	s7 =	sadd.s32 s7, s23;
	s3 =	sadd.s32 s12, s23;
	s26 =	smax.u32 s8, $0x1  }
0x11: {  	s23 =	simm.s32 $0x16800;
	s8 =	simm.s32 $0x0;
	[dreg:$0x6] =	wrdreg s7  }
.Ltmp0:
0x12: {  	s0 =	sadd.s32 s5, s0;
	[dreg:$0x7] =	wrdreg s3;
	(pc) =	sbr.rel .LBB2_1-.Ltmp0, $4  }
0x13: {  	s5 =	sadd.s32 s20, s2;
	[dreg:$0x9] =	wrdreg s26;
	s20 =	simm.s32 $0xC800  }
0x14: {  	s26 =	simm.s32 $0x3;
	s7 =	simm.s32 $0x1;
	s0 =	sadd.s32 $0x15400, s0  }
0x15: {  	s12 =	sadd.s32 $0x800, s5;
	s13 =	sadd.s32 $0x1000, s5;
	s14 =	sadd.s32 $0x1800, s5  }
0x16: {  	v0 =	vimm.f32 $0.0e+00;
	s15 =	sadd.s32 $0x2000, s5;
	[dreg:$0x8] =	wrdreg s0;
	s0 =	simm.s32 $0x8  }
.LBB2_5:
0x17: {  	s3 =	rddreg [dreg:$0x6]  }
0x18: {  	[tilespmem:s4], [sflag:$0x9] =	stream.linear.gather [hbm4b:s3+s4], $0x1400, $0x38;
	[tilespmem:$0x1E800] =	vst v63  }
0x19: {  	_ =	swait.ge [sflag:s17], $0x1400  }
0x1a: {  	[sflag:s17] =	ssyncset.done $0x0  }
0x1b: {  	s6 =	simm.s32 $0x3C00;
	s11 =	rddreg [dreg:$0x7];
	[sflag:s17] =	ssyncadd.s32 $0xFFFFEC00  }
0x1c: {  	[tilespmem:s6], [sflag:$0x9] =	stream.linear.gather [hbm4b:s11+s4], $0x1400, $0x38;
	[tilespmem:$0x1E800] =	vst v63  }
0x1d: {  	_ =	swait.ge [sflag:s17], $0x1400  }
0x1e: {  	[sflag:s17] =	ssyncset.done $0x0  }
0x1f: {  	[sflag:s17] =	ssyncadd.s32 $0xFFFFEC00  }
0x20: {  	[tilespmem:s19], [sflag:$0x1] =	stream.indirect.gather [hbm4b:s1+s18], $0x10, s4, s18, $0xb8;
	[tilespmem:$0x1E800] =	vst v63  }
0x21: {  	_ = 	snop  }
0x22: {  	[tilespmem:s20], [sflag:$0x2] =	stream.indirect.gather [hbm4b:s1+s18], $0x10, s18, s18, $0xb8;
	[tilespmem:$0x1E800] =	vst v63  }
0x23: {  	s21 =	simm.s32 $0xA00;
	s10 =	simm.s32 $0x4100;
	s9 =	simm.s32 $0x1  }
0x24: {  	[tilespmem:s22], [sflag:$0x3] =	stream.indirect.gather [hbm4b:s1+s18], $0x10, s21, s18, $0xb8;
	[tilespmem:$0x1E800] =	vst v63  }
0x25: {  	s3 =	simm.s32 $0x4B00;
	s11 =	simm.s32 $0xF00;
	s21 =	simm.s32 $0x4600  }
.LBB2_6:
0x26: {  	_ =	swait.ge [sflag:s9], $0x5000  }
0x27: {  	[sflag:s9] =	ssyncset.done $0x0  }
0x28: {  	[sflag:s9] =	ssyncadd.s32 $0xFFFFB000  }
0x29: {  	[tilespmem:s23], [sflag:$0x4] =	stream.indirect.gather [hbm4b:s1+s18], $0x10, s11, s18, $0xb8;
	[tilespmem:$0x1E800] =	vst v63  }
0x2a: {  	_ = 	snop  }
0x2b: {  	[spmem:s2] =	stream.indirect.scatter.add.f32 [tilespmem:s19], [sflag:$0x5], $0x10, s6, s18, $0xb8;
	[tilespmem:$0x1E800] =	vst v63  }
0x2c: {  	_ =	swait.ge [sflag:s24], $0x5000  }
0x2d: {  	[sflag:s24] =	ssyncset.done $0x0  }
0x2e: {  	[sflag:s24] =	ssyncadd.s32 $0xFFFFB000  }
0x2f: {  	[spmem:s2] =	stream.indirect.scatter.add.f32 [tilespmem:s20], [sflag:$0x6], $0x10, s10, s18, $0xb8;
	[tilespmem:$0x1E800] =	vst v63  }
0x30: {  	_ =	swait.ge [sflag:s26], $0x5000  }
0x31: {  	[sflag:s26] =	ssyncset.done $0x0  }
0x32: {  	[sflag:s26] =	ssyncadd.s32 $0xFFFFB000  }
0x33: {  	[spmem:s2] =	stream.indirect.scatter.add.f32 [tilespmem:s22], [sflag:$0x7], $0x10, s21, s18, $0xb8;
	[tilespmem:$0x1E800] =	vst v63  }
0x34: {  	_ =	swait.ge [sflag:s28], $0x5000  }
0x35: {  	[sflag:s28] =	ssyncset.done $0x0  }
0x36: {  	[sflag:s28] =	ssyncadd.s32 $0xFFFFB000  }
0x37: {  	[spmem:s2] =	stream.indirect.scatter.add.f32 [tilespmem:s23], [sflag:$0x8], $0x10, s3, s18, $0xb8;
	[tilespmem:$0x1E800] =	vst v63  }
0x38: {  	_ =	swait.ge [sflag:s29], $0x5000  }
0x39: {  	[sflag:s29] =	ssyncset.done $0x0  }
0x3a: {  	[sflag:s29] =	ssyncadd.s32 $0xFFFFB000  }
0x3b: {  	_ =	swait.ge [sflag:s30], $0x5000  }
0x3c: {  	[sflag:s30] =	ssyncset.done $0x0  }
0x3d: {  	[sflag:s30] =	ssyncadd.s32 $0xFFFFB000  }
0x3e: {  	_ =	swait.ge [sflag:s31], $0x5000  }
0x3f: {  	[sflag:s31] =	ssyncset.done $0x0  }
0x40: {  	[sflag:s31] =	ssyncadd.s32 $0xFFFFB000  }
0x41: {  	_ =	swait.ge [sflag:s0], $0x5000  }
0x42: {  	[sflag:s0] =	ssyncset.done $0x0  }
0x43: {  	s10 =	stileid.u32;
	[sflag:s0] =	ssyncadd.s32 $0xFFFFB000  }
0x44: {  	s3 =	sshll.u32 s10, $0x6;
	[bflag:$0x0] =	sbarrier.arrive $0xFFFF  }
0x45: {  	s3 =	sor.u32 $0x1C09, s3;
	s11 =	rddreg [dreg:$0x8]  }
0x46: {  	[hbm:s11], [sflag:s3] =	dma.local [spmem:s25], $0x500  }
0x47: {  	_ =	swait.ge [sflag:s17], $0x500  }
0x48: {  	s8 =	sadd.s32 $0x1, s8;
	s21 =	rddreg [dreg:$0x9]  }
0x49: {  	p1 =	sne.s32 s8, s21  }
.Ltmp1:
0x4a: {  	_ = 	snop;
	(pc) =	sbr.rel @!p1 .LBB2_7-.Ltmp1, $3  }
0x4b: {  	_ =	sdelay $0x1  }
0x4c: {  	[sflag:s17] =	ssyncset.done $0x0  }
0x4d: {  	[sflag:s17] =	ssyncadd.s32 $0xFFFFFB00  }
.LBB2_1:
0x4e: {  	s3 =	simm.s32 $0x40;
	s6 =	simm.s32 $0x0  }
.LBB2_2:
0x4f: {  	p1 =	sne.s32 s3, $0x1FC0;
	[tilespmem:s6+$0x1B800] =	vst v0;
	s6 =	smov.u32 s3;
	s3 =	sadd.s32 $0x40, s3  }
.Ltmp2:
0x50: {  	(pc) =	sbr.rel @p1 .LBB2_2-.Ltmp2, $2  }
0x51: {  	_ =	sdelay $0x2  }
0x52: {  	s6 =	sshra.s32 s6, $0x2  }
0x53: {  	[tilespmem:s6+$0x1B800] =	vst v0  }
0x54: {  	[spmem:s5] =	stream.linear.scatter [tilespmem:s16], [sflag:$0x9], $0x800, $0x38;
	[tilespmem:$0x1E800] =	vst v63  }
0x55: {  	_ =	swait.ge [sflag:s17], $0x800  }
0x56: {  	[sflag:s17] =	ssyncset.done $0x0  }
0x57: {  	[sflag:s17] =	ssyncadd.s32 $0xFFFFF800  }
0x58: {  	[spmem:s12] =	stream.linear.scatter [tilespmem:s16], [sflag:$0x9], $0x800, $0x38;
	[tilespmem:$0x1E800] =	vst v63  }
0x59: {  	_ =	swait.ge [sflag:s17], $0x800  }
0x5a: {  	[sflag:s17] =	ssyncset.done $0x0  }
0x5b: {  	[sflag:s17] =	ssyncadd.s32 $0xFFFFF800  }
0x5c: {  	[spmem:s13] =	stream.linear.scatter [tilespmem:s16], [sflag:$0x9], $0x800, $0x38;
	[tilespmem:$0x1E800] =	vst v63  }
0x5d: {  	_ =	swait.ge [sflag:s17], $0x800  }
0x5e: {  	[sflag:s17] =	ssyncset.done $0x0  }
0x5f: {  	[sflag:s17] =	ssyncadd.s32 $0xFFFFF800  }
0x60: {  	[spmem:s14] =	stream.linear.scatter [tilespmem:s16], [sflag:$0x9], $0x800, $0x38;
	[tilespmem:$0x1E800] =	vst v63  }
0x61: {  	_ =	swait.ge [sflag:s17], $0x800  }
0x62: {  	[sflag:s17] =	ssyncset.done $0x0  }
0x63: {  	[sflag:s17] =	ssyncadd.s32 $0xFFFFF800  }
0x64: {  	[spmem:s15] =	stream.linear.scatter [tilespmem:s16], [sflag:$0x9], $0x800, $0x38;
	[tilespmem:$0x1E800] =	vst v63  }
.Ltmp3:
0x65: {  	_ =	swait.ge [sflag:s17], $0x800;
	(pc) =	sbr.rel @p0 .LBB2_5-.Ltmp3, $3  }
0x66: {  	[sflag:s17] =	ssyncset.done $0x0  }
0x67: {  	[sflag:s17] =	ssyncadd.s32 $0xFFFFF800  }
0x68: {  	[bflag:$0x0] =	sbarrier.arrive $0xFFFF;
	_ =	sdelay $0x1  }
0x69: {  	s3 =	rddreg [dreg:$0x4]  }
0x6a: {  	[tilespmem:s4], [sflag:$0x9] =	stream.linear.gather [hbm4b:s3+s4], $0x3C00, $0x38;
	[tilespmem:$0x1E800] =	vst v63  }
0x6b: {  	_ =	swait.ge [sflag:s17], $0x3C00  }
0x6c: {  	[sflag:s17] =	ssyncset.done $0x0  }
0x6d: {  	s6 =	simm.s32 $0x3C00;
	s9 =	rddreg [dreg:$0x5];
	[sflag:s17] =	ssyncadd.s32 $0xFFFFC400  }
0x6e: {  	[tilespmem:s6], [sflag:$0x9] =	stream.linear.gather [hbm4b:s9+s4], $0x3C00, $0x38;
	[tilespmem:$0x1E800] =	vst v63  }
0x6f: {  	_ =	swait.ge [sflag:s17], $0x3C00  }
0x70: {  	[sflag:s17] =	ssyncset.done $0x0  }
0x71: {  	[sflag:s17] =	ssyncadd.s32 $0xFFFFC400  }
0x72: {  	[tilespmem:s19], [sflag:$0x1] =	stream.indirect.gather [hbm4b:s1+s18], $0x10, s4, s18, $0xb8;
	[tilespmem:$0x1E800] =	vst v63  }
0x73: {  	_ = 	snop  }
0x74: {  	[tilespmem:s20], [sflag:$0x2] =	stream.indirect.gather [hbm4b:s1+s18], $0x10, s18, s18, $0xb8;
	[tilespmem:$0x1E800] =	vst v63  }
0x75: {  	s10 =	simm.s32 $0xA00  }
0x76: {  	[tilespmem:s22], [sflag:$0x3] =	stream.indirect.gather [hbm4b:s1+s18], $0x10, s10, s18, $0xb8;
	[tilespmem:$0x1E800] =	vst v63  }
0x77: {  	_ =	swait.ge [sflag:s7], $0x5000  }
0x78: {  	[sflag:s7] =	ssyncset.done $0x0  }
0x79: {  	s11 =	simm.s32 $0xF00;
	[sflag:s7] =	ssyncadd.s32 $0xFFFFB000  }
0x7a: {  	[tilespmem:s23], [sflag:$0x4] =	stream.indirect.gather [hbm4b:s1+s18], $0x10, s11, s18, $0xb8;
	[tilespmem:$0x1E800] =	vst v63  }
0x7b: {  	_ = 	snop  }
0x7c: {  	[spmem:s2] =	stream.indirect.scatter.add.f32 [tilespmem:s19], [sflag:$0x5], $0x10, s6, s18, $0xb8;
	[tilespmem:$0x1E800] =	vst v63  }
0x7d: {  	_ =	swait.ge [sflag:s24], $0x5000  }
0x7e: {  	[sflag:s24] =	ssyncset.done $0x0  }
0x7f: {  	[sflag:s24] =	ssyncadd.s32 $0xFFFFB000  }
0x80: {  	_ =	swait.ge [sflag:s29], $0x5000  }
0x81: {  	[sflag:s29] =	ssyncset.done $0x0  }
0x82: {  	s21 =	simm.s32 $0x1400;
	[sflag:s29] =	ssyncadd.s32 $0xFFFFB000  }
0x83: {  	[tilespmem:s19], [sflag:$0x1] =	stream.indirect.gather [hbm4b:s1+s18], $0x10, s21, s18, $0xb8;
	[tilespmem:$0x1E800] =	vst v63  }
0x84: {  	s6 =	simm.s32 $0x4100  }
0x85: {  	[spmem:s2] =	stream.indirect.scatter.add.f32 [tilespmem:s20], [sflag:$0x6], $0x10, s6, s18, $0xb8;
	[tilespmem:$0x1E800] =	vst v63  }
0x86: {  	_ =	swait.ge [sflag:s26], $0x5000  }
0x87: {  	[sflag:s26] =	ssyncset.done $0x0  }
0x88: {  	[sflag:s26] =	ssyncadd.s32 $0xFFFFB000  }
0x89: {  	_ =	swait.ge [sflag:s30], $0x5000  }
0x8a: {  	[sflag:s30] =	ssyncset.done $0x0  }
0x8b: {  	s9 =	simm.s32 $0x1900;
	[sflag:s30] =	ssyncadd.s32 $0xFFFFB000  }
0x8c: {  	[tilespmem:s20], [sflag:$0x2] =	stream.indirect.gather [hbm4b:s1+s18], $0x10, s9, s18, $0xb8;
	[tilespmem:$0x1E800] =	vst v63  }
0x8d: {  	s10 =	simm.s32 $0x4600  }
0x8e: {  	[spmem:s2] =	stream.indirect.scatter.add.f32 [tilespmem:s22], [sflag:$0x7], $0x10, s10, s18, $0xb8;
	[tilespmem:$0x1E800] =	vst v63  }
0x8f: {  	_ =	swait.ge [sflag:s28], $0x5000  }
0x90: {  	[sflag:s28] =	ssyncset.done $0x0  }
0x91: {  	[sflag:s28] =	ssyncadd.s32 $0xFFFFB000  }
0x92: {  	_ =	swait.ge [sflag:s31], $0x5000  }
0x93: {  	[sflag:s31] =	ssyncset.done $0x0  }
0x94: {  	s11 =	simm.s32 $0x1E00;
	[sflag:s31] =	ssyncadd.s32 $0xFFFFB000  }
0x95: {  	[tilespmem:s22], [sflag:$0x3] =	stream.indirect.gather [hbm4b:s1+s18], $0x10, s11, s18, $0xb8;
	[tilespmem:$0x1E800] =	vst v63  }
0x96: {  	s21 =	simm.s32 $0x4B00  }
0x97: {  	[spmem:s2] =	stream.indirect.scatter.add.f32 [tilespmem:s23], [sflag:$0x8], $0x10, s21, s18, $0xb8;
	[tilespmem:$0x1E800] =	vst v63  }
0x98: {  	_ =	swait.ge [sflag:s7], $0x5000  }
0x99: {  	[sflag:s7] =	ssyncset.done $0x0  }
0x9a: {  	s9 =	simm.s32 $0x8;
	[sflag:s7] =	ssyncadd.s32 $0xFFFFB000  }
0x9b: {  	_ =	swait.ge [sflag:s9], $0x5000  }
0x9c: {  	[sflag:s9] =	ssyncset.done $0x0  }
0x9d: {  	s6 =	simm.s32 $0x2300;
	[sflag:s9] =	ssyncadd.s32 $0xFFFFB000  }
0x9e: {  	[tilespmem:s23], [sflag:$0x4] =	stream.indirect.gather [hbm4b:s1+s18], $0x10, s6, s18, $0xb8;
	[tilespmem:$0x1E800] =	vst v63  }
0x9f: {  	s10 =	simm.s32 $0x5000  }
0xa0: {  	[spmem:s2] =	stream.indirect.scatter.add.f32 [tilespmem:s19], [sflag:$0x5], $0x10, s10, s18, $0xb8;
	[tilespmem:$0x1E800] =	vst v63  }
0xa1: {  	_ =	swait.ge [sflag:s24], $0x5000  }
0xa2: {  	[sflag:s24] =	ssyncset.done $0x0  }
0xa3: {  	[sflag:s24] =	ssyncadd.s32 $0xFFFFB000  }
0xa4: {  	_ =	swait.ge [sflag:s29], $0x5000  }
0xa5: {  	[sflag:s29] =	ssyncset.done $0x0  }
0xa6: {  	s11 =	simm.s32 $0x2800;
	[sflag:s29] =	ssyncadd.s32 $0xFFFFB000  }
0xa7: {  	[tilespmem:s19], [sflag:$0x1] =	stream.indirect.gather [hbm4b:s1+s18], $0x10, s11, s18, $0xb8;
	[tilespmem:$0x1E800] =	vst v63  }
0xa8: {  	s21 =	simm.s32 $0x5500  }
0xa9: {  	[spmem:s2] =	stream.indirect.scatter.add.f32 [tilespmem:s20], [sflag:$0x6], $0x10, s21, s18, $0xb8;
	[tilespmem:$0x1E800] =	vst v63  }
0xaa: {  	_ =	swait.ge [sflag:s26], $0x5000  }
0xab: {  	[sflag:s26] =	ssyncset.done $0x0  }
0xac: {  	[sflag:s26] =	ssyncadd.s32 $0xFFFFB000  }
0xad: {  	_ =	swait.ge [sflag:s30], $0x5000  }
0xae: {  	[sflag:s30] =	ssyncset.done $0x0  }
0xaf: {  	s6 =	simm.s32 $0x2D00;
	[sflag:s30] =	ssyncadd.s32 $0xFFFFB000  }
0xb0: {  	[tilespmem:s20], [sflag:$0x2] =	stream.indirect.gather [hbm4b:s1+s18], $0x10, s6, s18, $0xb8;
	[tilespmem:$0x1E800] =	vst v63  }
0xb1: {  	s10 =	simm.s32 $0x5A00  }
0xb2: {  	[spmem:s2] =	stream.indirect.scatter.add.f32 [tilespmem:s22], [sflag:$0x7], $0x10, s10, s18, $0xb8;
	[tilespmem:$0x1E800] =	vst v63  }
0xb3: {  	_ =	swait.ge [sflag:s28], $0x5000  }
0xb4: {  	[sflag:s28] =	ssyncset.done $0x0  }
0xb5: {  	[sflag:s28] =	ssyncadd.s32 $0xFFFFB000  }
0xb6: {  	_ =	swait.ge [sflag:s31], $0x5000  }
0xb7: {  	[sflag:s31] =	ssyncset.done $0x0  }
0xb8: {  	s11 =	simm.s32 $0x3200;
	[sflag:s31] =	ssyncadd.s32 $0xFFFFB000  }
0xb9: {  	[tilespmem:s22], [sflag:$0x3] =	stream.indirect.gather [hbm4b:s1+s18], $0x10, s11, s18, $0xb8;
	[tilespmem:$0x1E800] =	vst v63  }
.Ltmp4:
0xba: {  	s21 =	simm.s32 $0x5F00;
	(pc) =	sbr.rel .LBB2_6-.Ltmp4, $4  }
0xbb: {  	[spmem:s2] =	stream.indirect.scatter.add.f32 [tilespmem:s23], [sflag:$0x8], $0x10, s21, s18, $0xb8;
	[tilespmem:$0x1E800] =	vst v63  }
0xbc: {  	s3 =	simm.s32 $0x7300;
	_ =	swait.ge [sflag:s7], $0x5000  }
0xbd: {  	s6 =	simm.s32 $0x6400;
	s10 =	simm.s32 $0x6900;
	[sflag:s7] =	ssyncset.done $0x0  }
0xbe: {  	s11 =	simm.s32 $0x3700;
	s21 =	simm.s32 $0x6E00;
	[sflag:s7] =	ssyncadd.s32 $0xFFFFB000  }
.LBB2_7:
0xbf: {  	_ =	sfence.sel $0x180000  }
0xc0: {  	[bflag:$0x0] =	sbarrier.arrive $0xFFFF  }
0xc1: {  	_ =	strace $0x9000004A  }
0xc2: {  	s0 =	stileid.u32;
	[bflag:$0x2] =	sbarrier.arrive $0xFFFF  }
0xc3: {  	p0 =	sne.s32 s0, $0x0;
	s0 =	rddreg [dreg:$0x3]  }
0xc4: {  	s0 =	sadd.s32 @!p0 $0x100000, s0  }
0xc5: {  	[sflag:s0] =	ssyncadd.tile.s32 @!p0 $0x1;
	_ =	shalt  }
.Lfunc_end2:
_tile_overlayer_lowered:
.L_overlay_start_2:
0xc6: {  	(tag) =	ssettag $0x2  }
0xc7: {  	s0 =	rddreg [dreg:$0x0];
	s2 =	stileid.u32  }
0xc8: {  	s1 =	rddreg [dreg:$0x1];
	p0 =	sne.s32 s2, $0x0  }
0xc9: {  	s3 =	rddreg [dreg:$0x2];
	[bflag:$0x3] =	sbarrier.arrive $0xFFFF;
	s2 =	simm.s32 @!p0 $0x1C09  }
0xca: {  	[timem:s3], [sflag:s2] =	dma.local @!p0 [hbm:s0], s1  }
0xcb: {  	s0 =	simm.s32 @!p0 $0x9  }
0xcc: {  	_ =	swait.ge @!p0 [sflag:s0], s1  }
0xcd: {  	s1 =	ssub.s32 @!p0 $0x0, s1;
	[sflag:s0] =	ssyncset.done @!p0 $0x0  }
0xce: {  	[sflag:s0] =	ssyncadd.s32 @!p0 s1  }
0xcf: {  	[bflag:$0x3] =	sbarrier.arrive $0xFFFF  }
0xd0: {  	_ =	shalt  }

// kernel: kernel.14.cloned.1.call-start
scs
__scs_entry_jumppad:
0x0: {  	(pc) =	sbr.rel $0x88, $3  }
0x1: {  	(tag) =	ssettag $0x0;
	lr =	simm.s32 $0x1  }
0x2: {  	[smem:$0x3F9B] =	sst lr;
	_ =	strace $0xD0000000  }
0x3: {  	_ = 	snop  }
0x4: {  	_ = 	snop  }
0x5: {  	_ = 	snop  }
0x6: {  	_ = 	snop  }
0x7: {  	_ = 	snop  }
__scs_overlays_trampoline_lowered:
0x8: {  	[smem:$0x3FAA] =	sst s0  }
0x9: {  	[smem:$0x3FAB] =	sst s1  }
0xa: {  	[smem:$0x3FAC] =	sst s2  }
0xb: {  	[smem:$0x3FAD] =	sst s3  }
0xc: {  	[smem:$0x3FAE] =	sst s4  }
0xd: {  	[smem:$0x3FAF] =	sst s5  }
0xe: {  	[smem:$0x3FB0] =	sst s6  }
0xf: {  	[smem:$0x3FB1] =	sst s7  }
0x10: {  	[smem:$0x3FB2] =	sst s8  }
0x11: {  	[smem:$0x3FB3] =	sst s9;
	s0 =	simm.s32 @!p0 $0x0  }
0x12: {  	s1 =	sld [smem:$0x3F99];
	s0 =	simm.s32 @p0 $0x1  }
0x13: {  	[smem:$0x3FB4] =	sst s0;
	s0 =	simm.s32 @!p1 $0x0  }
0x14: {  	s2 =	sld [smem:$0x3F98];
	s0 =	simm.s32 @p1 $0x1  }
0x15: {  	[smem:$0x3FB5] =	sst s0;
	s0 =	simm.s32 @!p2 $0x0  }
0x16: {  	s3 =	sld [smem:$0x3FDB];
	s0 =	simm.s32 @p2 $0x1  }
0x17: {  	s4 =	simm.s32 $0x1BF5;
	[smem:$0x3FB7] =	sst s0  }
0x18: {  	s0 =	sld [smem:$0x3F9A];
	_ =	swait.ge [sflag:s4], $0x0  }
0x19: {  	s7 =	sld [smem:$0x3F9B]  }
0x1a: {  	s8 =	sadd.s32 $0xFFFFE003, lr  }
0x1b: {  	s9 =	sadd.s32 $0xFFFFFEF7, lr;
	s5 =	simm.s32 $0xFFFFFFFF;
	p2 =	slt.u32 s8, $0xFFFFF086  }
0x1c: {  	p1 =	slt.u32 s9, $0xF7A;
	s5 =	simm.s32 @!p2 $0x0  }
0x1d: {  	s5 =	simm.s32 @p1 $0x1;
	p0 =	seq.s32 s7, s2  }
0x1e: {  	s7 =	smul.u32 @!p0 $0xF7A, s2;
	p2 =	seq.s32 @!p0 s5, $0x0  }
0x1f: {  	s9 =	smul.u32 $0xF7A, s1;
	s8 =	simm.s32 @!p0 $0x1BF5;
	p2 =	por !p2, p0  }
0x20: {  	[sflag:s8] =	ssyncset.s32 @!p0 $0xFFFFF086;
	s6 =	sadd.s32 @!p0 s3, s7;
	s7 =	simm.s32 @!p0 $0x108  }
0x21: {  	s3 =	sadd.s32 s3, s9;
	s6 =	sadd.s32 @!p0 $0x88, s6;
	s7 =	simm.s32 @p2 $0x1082  }
0x22: {  	[simem:s7], [sflag:s8] =	dma.local @!p0 [hbm:s6], $0xF7A  }
0x23: {  	s9 =	sor.u32 $0xD0000000, s2;
	s6 =	simm.s32 $0x108;
	_ =	swait.ge @!p0 [sflag:s8], $0x0  }
0x24: {  	s3 =	sadd.s32 $0x88, s3;
	s6 =	simm.s32 @!p1 $0x1082;
	[sflag:s4] =	ssyncset.s32 $0xFFFFF086  }
0x25: {  	[simem:s6], [sflag:s4] =	dma.local [hbm:s3], $0xF7A  }
0x26: {  	[smem:$0x3F9B] =	sst s1;
	(tag) =	ssettag s2;
	_ =	strace s9  }
0x27: {  	s1 =	sld [smem:$0x3FAB]  }
0x28: {  	s2 =	sld [smem:$0x3FAC]  }
0x29: {  	s4 =	sld [smem:$0x3FAE]  }
0x2a: {  	p0 =	seq.s32 s5, $0x0;
	s5 =	sld [smem:$0x3FAF]  }
0x2b: {  	s6 =	sld [smem:$0x3FB0]  }
0x2c: {  	s7 =	sld [smem:$0x3FB1]  }
0x2d: {  	s3 =	simm.s32 $0x108;
	s8 =	sld [smem:$0x3FB2]  }
0x2e: {  	s3 =	simm.s32 @!p0 $0x1082;
	s9 =	sld [smem:$0x3FB3]  }
0x2f: {  	lr =	sadd.s32 s0, s3;
	s0 =	sld [smem:$0x3FAA]  }
0x30: {  	s3 =	sld [smem:$0x3FAD]  }
0x31: {  	[smem:$0x3FB6] =	sst s10  }
0x32: {  	s10 =	sld [smem:$0x3FB4];
	_ =	sdelay $0x3  }
0x33: {  	p0 =	seq.s32 s10, $0x1;
	s10 =	sld [smem:$0x3FB6];
	_ =	sdelay $0x3  }
0x34: {  	[smem:$0x3FB6] =	sst s10  }
0x35: {  	s10 =	sld [smem:$0x3FB5];
	_ =	sdelay $0x3  }
0x36: {  	p1 =	seq.s32 s10, $0x1;
	s10 =	sld [smem:$0x3FB6];
	_ =	sdelay $0x3  }
0x37: {  	[smem:$0x3FB6] =	sst s10  }
0x38: {  	s10 =	sld [smem:$0x3FB7]  }
0x39: {  	_ = 	snop;
	(pc) =	sbr.ind lr, $3  }
0x3a: {  	_ = 	snop  }
0x3b: {  	_ = 	snop  }
0x3c: {  	p2 =	seq.s32 s10, $0x1;
	s10 =	sld [smem:$0x3FB6]  }
0x3d: {  	_ =	shalt  }
0x3e: {  	_ =	shalt  }
0x3f: {  	_ =	shalt  }
0x40: {  	_ =	shalt  }
0x41: {  	_ =	shalt  }
0x42: {  	_ =	shalt  }
0x43: {  	_ =	shalt  }
0x44: {  	_ =	shalt  }
0x45: {  	_ =	shalt  }
0x46: {  	_ =	shalt  }
0x47: {  	_ =	shalt  }
0x48: {  	_ =	shalt  }
0x49: {  	_ =	shalt  }
0x4a: {  	_ =	shalt  }
0x4b: {  	_ =	shalt  }
0x4c: {  	_ =	shalt  }
0x4d: {  	_ =	shalt  }
0x4e: {  	_ =	shalt  }
0x4f: {  	_ =	shalt  }
0x50: {  	_ =	shalt  }
0x51: {  	_ =	shalt  }
0x52: {  	_ =	shalt  }
0x53: {  	_ =	shalt  }
0x54: {  	_ =	shalt  }
0x55: {  	_ =	shalt  }
0x56: {  	_ =	shalt  }
0x57: {  	_ =	shalt  }
0x58: {  	_ =	shalt  }
0x59: {  	_ =	shalt  }
0x5a: {  	_ =	shalt  }
0x5b: {  	_ =	shalt  }
0x5c: {  	_ =	shalt  }
0x5d: {  	_ =	shalt  }
0x5e: {  	_ =	shalt  }
0x5f: {  	_ =	shalt  }
0x60: {  	_ =	shalt  }
0x61: {  	_ =	shalt  }
0x62: {  	_ =	shalt  }
0x63: {  	_ =	shalt  }
0x64: {  	_ =	shalt  }
0x65: {  	_ =	shalt  }
0x66: {  	_ =	shalt  }
0x67: {  	_ =	shalt  }
0x68: {  	_ =	shalt  }
0x69: {  	_ =	shalt  }
0x6a: {  	_ =	shalt  }
0x6b: {  	_ =	shalt  }
0x6c: {  	_ =	shalt  }
0x6d: {  	_ =	shalt  }
0x6e: {  	_ =	shalt  }
0x6f: {  	_ =	shalt  }
0x70: {  	_ =	shalt  }
0x71: {  	_ =	shalt  }
0x72: {  	_ =	shalt  }
0x73: {  	_ =	shalt  }
0x74: {  	_ =	shalt  }
0x75: {  	_ =	shalt  }
0x76: {  	_ =	shalt  }
0x77: {  	_ =	shalt  }
0x78: {  	_ =	shalt  }
0x79: {  	_ =	shalt  }
0x7a: {  	_ =	shalt  }
0x7b: {  	_ =	shalt  }
0x7c: {  	_ =	shalt  }
0x7d: {  	_ =	shalt  }
0x7e: {  	_ =	shalt  }
0x7f: {  	_ =	shalt  }
0x80: {  	_ =	shalt  }
0x81: {  	_ =	shalt  }
0x82: {  	_ =	shalt  }
0x83: {  	_ =	shalt  }
0x84: {  	_ =	shalt  }
0x85: {  	_ =	shalt  }
0x86: {  	_ =	shalt  }
0x87: {  	_ =	shalt  }
.Lfunc_end0:
.L_simem_size_0:
called_computation.2_lowered:
.L_overlay_start_0:
0x88: {  	s2 =	sld [smem:$0x3FD9]  }
0x89: {  	s3 =	sld [smem:$0x3FFE];
	_ =	sdelay $0x1  }
0x8a: {  	s1 =	srdreg.scid  }
0x8b: {  	s0 =	sand.u32 $0x1, s1  }
0x8c: {  	s17 =	sshll.u32 s0, $0xA;
	s2 =	sadd.s32 s3, s2  }
0x8d: {  	s2 =	sadd.s32 s2, s17  }
0x8e: {  	[smem:$0x3FC2] =	sst s2  }
0x8f: {  	_ = 	snop  }
0x90: {  	s2 =	sld [smem:$0x3FD0];
	(tm) =	ssettm $0x1  }
0x91: {  	s18 =	sld [smem:$0x3FFB];
	_ =	sdelay $0x3  }
0x92: {  	_ =	strace s18  }
0x93: {  	s3 =	sld [smem:$0x3FFC];
	_ =	sdelay $0x3  }
0x94: {  	_ =	strace s3  }
0x95: {  	s3 =	sld [smem:$0x3FFD];
	_ =	sdelay $0x3  }
0x96: {  	_ =	strace s3  }
0x97: {  	_ =	strace $0x8FFFFFFF  }
0x98: {  	s19 =	sld [smem:$0x3FDB];
	_ =	sdelay $0x1  }
0x99: {  	s4 =	simm.s32 $_scs_section_size  }
0x9a: {  	s5 =	simm.s32 $_size__tile_overlayer_lowered;
	s6 =	simm.s32 $_tile_overlayer_lowered  }
0x9b: {  	s22 =	simm.s32 $0x1BFF;
	s21 =	sshll.u32 s6, $0x1;
	s3 =	sadd.s32 s4, s19  }
0x9c: {  	s7 =	simm.s32 $0x0;
	s20 =	sshll.u32 s5, $0x1;
	s5 =	sadd.s32 s21, s3  }
0x9d: {  	[timem:s7], [sflag:s22] =	dma.local [hbm:s5], s20  }
0x9e: {  	_ =	swait.ge [sflag:s22], s20  }
0x9f: {  	s4 =	ssub.s32 $0x0, s20;
	[sflag:s22] =	ssyncset.done $0x0  }
0xa0: {  	[sflag:s22] =	ssyncadd.s32 s4;
	_ =	sdelay $0x1  }
0xa1: {  	s23 =	simm.s32 $0x1B8B  }
0xa2: {  	_ =	swait.ge [sflag:s23], $0x1  }
0xa3: {  	[sflag:s23] =	ssyncset.done $0x0  }
0xa4: {  	s25 =	simm.s32 $0x1B8E;
	s24 =	sld [smem:$0x3FFE];
	[sflag:s23] =	ssyncadd.s32 $0xFFFFFFFF  }
0xa5: {  	s26 =	simm.s32 $execute0_lowered;
	[smem:$0x3FD2] =	sst s25  }
0xa6: {  	s5 =	sshll.u32 s26, $0x1;
	_ =	strace $0x8000004C;
	[dreg:$0x1] =	wrdreg $0xFFFFFFFF  }
0xa7: {  	s28 =	simm.s32 $_size_execute0_lowered;
	s3 =	sadd.s32 s3, s5;
	[dreg:$0x0] =	wrdreg $0x0  }
0xa8: {  	s5 =	sshll.u32 s28, $0x1;
	[dreg:$0x2] =	wrdreg s3  }
0xa9: {  	[dreg:$0x3] =	wrdreg s5  }
0xaa: {  	[dreg:$0x4] =	wrdreg $0xC0  }
0xab: {  	_ =	task [dreg:s7], $0x5FFFF  }
0xac: {  	[dreg:$0x1] =	wrdreg $0xFFFFFFFF  }
0xad: {  	[dreg:$0x0] =	wrdreg $0x60  }
0xae: {  	[dreg:$0x2] =	wrdreg s24  }
0xaf: {  	[dreg:$0x3] =	wrdreg s2  }
0xb0: {  	[dreg:$0x4] =	wrdreg $0x1C0000  }
0xb1: {  	[dreg:$0x5] =	wrdreg $0x9  }
0xb2: {  	_ =	task.clear_ibuf [dreg:s7], $0x6FFFF;
	_ =	strace $0x9000004C  }
0xb3: {  	s29 =	simm.s32 $0x9;
	_ =	strace $0x8000004E  }
0xb4: {  	_ =	swait.ge [sflag:s29], $0x1  }
0xb5: {  	[sflag:s29] =	ssyncadd.s32 $0xFFFFFFFF  }
0xb6: {  	_ =	strace $0x9000004E  }
0xb7: {  	_ =	sfence  }
0xb8: {  	s30 =	sld [smem:$0x0];
	_ =	sdelay $0x2  }
0xb9: {  	s31 =	sshll.u32 s1, $0xD;
	s1 =	sshrl.u32 s1, $0x2  }
0xba: {  	s3 =	sand.u32 $0x4000, s31;
	s1 =	sadd.s32 s1, s30  }
0xbb: {  	s0 =	sor.u32 s3, s0;
	s1 =	sshll.u32 s1, $0x11  }
0xbc: {  	s0 =	sor.u32 s1, s0  }
0xbd: {  	s0 =	sadd.s32 $0x8F2B, s0  }
0xbe: {  	[sflag:s0] =	ssyncadd.remote.s32 $0x1  }
0xbf: {  	_ =	sfence.sel $0xFFFF  }
0xc0: {  	[dreg:$0x0] =	wrdreg $0xFFFFFFFF;
	(pc) =	sbr.abs _section_cstart, $3  }
0xc1: {  	[dreg:$0x1] =	wrdreg $0xFFFFFFFF  }
0xc2: {  	_ =	task.clear_ibuf [dreg:s7], $0x2FFFF;
	_ =	strace $0x9FFFFFFF  }
0xc3: {  	(tm) =	ssettm $0x7FFFFFFF  }
tec
execute0_lowered:
.L_overlay_start_1:
0x0: {  	(tag) =	ssettag $0x1  }
0x1: {  	s0 =	rddreg [dreg:$0x0]  }
0x2: {  	s1 =	rddreg [dreg:$0x1]  }
0x3: {  	s2 =	rddreg [dreg:$0x2];
	s3 =	srdreg.scid;
	s4 =	simm.s32 $0x0  }
0x4: {  	s13 =	stileid.u32;
	s16 =	simm.s32 $0x1B800;
	s17 =	simm.s32 $0x9  }
0x5: {  	s18 =	simm.s32 $0x500;
	s19 =	simm.s32 $0x7800;
	s6 =	smul.u32 $0x2800, s13  }
0x6: {  	s28 =	simm.s32 $0x4;
	s29 =	simm.s32 $0x5;
	s9 =	smul.u32 $0xA000, s13  }
0x7: {  	s30 =	simm.s32 $0x6;
	s31 =	simm.s32 $0x7;
	s11 =	smul.u32 $0x1400, s13  }
0x8: {  	s3 =	sand.u32 $0x1, s3;
	[smem:$0x7FF] =	sst s4;
	s21 =	smul.u32 $0x780, s13  }
0x9: {  	s7 =	sadd.s32 $0xB400, s0;
	s12 =	sadd.s32 $0x1400, s0;
	s5 =	smul.u32 $0x28000, s3  }
0xa: {  	_ =	strace $0x8000004D;
	s8 =	ssub.s32 $0x2, s3;
	p0 =	seq.s32 s3, $0x1  }
0xb: {  	s10 =	sshrl.u32 s8, $0x1;
	s20 =	sshrl.u32 s9, $0x2;
	s22 =	sshrl.u32 s11, $0x3  }
0xc: {  	s24 =	sadd.s32 s7, s21;
	s9 =	sadd.s32 s12, s21;
	s25 =	sadd.s32 s6, s2  }
0xd: {  	s5 =	sadd.s32 s6, s5;
	s8 =	ssub.s32 s8, s10;
	[dreg:$0x4] =	wrdreg s24  }
0xe: {  	s23 =	sadd.s32 $0x7800, s22;
	[dreg:$0x5] =	wrdreg s9;
	s22 =	simm.s32 $0x11800  }
0xf: {  	s24 =	simm.s32 $0x2;
	s25 =	sshrl.u32 s25, $0x3;
	s5 =	sshrl.u32 s5, $0x3  }
0x10: {  	s7 =	sadd.s32 s7, s23;
	s3 =	sadd.s32 s12, s23;
	s26 =	smax.u32 s8, $0x1  }
0x11: {  	s23 =	simm.s32 $0x16800;
	s8 =	simm.s32 $0x0;
	[dreg:$0x6] =	wrdreg s7  }
.Ltmp0:
0x12: {  	s0 =	sadd.s32 s5, s0;
	[dreg:$0x7] =	wrdreg s3;
	(pc) =	sbr.rel .LBB2_1-.Ltmp0, $4  }
0x13: {  	s5 =	sadd.s32 s20, s2;
	[dreg:$0x9] =	wrdreg s26;
	s20 =	simm.s32 $0xC800  }
0x14: {  	s26 =	simm.s32 $0x3;
	s7 =	simm.s32 $0x1;
	s0 =	sadd.s32 $0x15400, s0  }
0x15: {  	s12 =	sadd.s32 $0x800, s5;
	s13 =	sadd.s32 $0x1000, s5;
	s14 =	sadd.s32 $0x1800, s5  }
0x16: {  	v0 =	vimm.f32 $0.0e+00;
	s15 =	sadd.s32 $0x2000, s5;
	[dreg:$0x8] =	wrdreg s0;
	s0 =	simm.s32 $0x8  }
.LBB2_5:
0x17: {  	s3 =	rddreg [dreg:$0x6]  }
0x18: {  	[tilespmem:s4], [sflag:$0x9] =	stream.linear.gather [hbm4b:s3+s4], $0x1400, $0x38;
	[tilespmem:$0x1E800] =	vst v63  }
0x19: {  	_ =	swait.ge [sflag:s17], $0x1400  }
0x1a: {  	[sflag:s17] =	ssyncset.done $0x0  }
0x1b: {  	s6 =	simm.s32 $0x3C00;
	s11 =	rddreg [dreg:$0x7];
	[sflag:s17] =	ssyncadd.s32 $0xFFFFEC00  }
0x1c: {  	[tilespmem:s6], [sflag:$0x9] =	stream.linear.gather [hbm4b:s11+s4], $0x1400, $0x38;
	[tilespmem:$0x1E800] =	vst v63  }
0x1d: {  	_ =	swait.ge [sflag:s17], $0x1400  }
0x1e: {  	[sflag:s17] =	ssyncset.done $0x0  }
0x1f: {  	[sflag:s17] =	ssyncadd.s32 $0xFFFFEC00  }
0x20: {  	[tilespmem:s19], [sflag:$0x1] =	stream.indirect.gather [hbm4b:s1+s18], $0x10, s4, s18, $0xb8;
	[tilespmem:$0x1E800] =	vst v63  }
0x21: {  	_ = 	snop  }
0x22: {  	[tilespmem:s20], [sflag:$0x2] =	stream.indirect.gather [hbm4b:s1+s18], $0x10, s18, s18, $0xb8;
	[tilespmem:$0x1E800] =	vst v63  }
0x23: {  	s21 =	simm.s32 $0xA00;
	s10 =	simm.s32 $0x4100;
	s9 =	simm.s32 $0x1  }
0x24: {  	[tilespmem:s22], [sflag:$0x3] =	stream.indirect.gather [hbm4b:s1+s18], $0x10, s21, s18, $0xb8;
	[tilespmem:$0x1E800] =	vst v63  }
0x25: {  	s3 =	simm.s32 $0x4B00;
	s11 =	simm.s32 $0xF00;
	s21 =	simm.s32 $0x4600  }
.LBB2_6:
0x26: {  	_ =	swait.ge [sflag:s9], $0x5000  }
0x27: {  	[sflag:s9] =	ssyncset.done $0x0  }
0x28: {  	[sflag:s9] =	ssyncadd.s32 $0xFFFFB000  }
0x29: {  	[tilespmem:s23], [sflag:$0x4] =	stream.indirect.gather [hbm4b:s1+s18], $0x10, s11, s18, $0xb8;
	[tilespmem:$0x1E800] =	vst v63  }
0x2a: {  	_ = 	snop  }
0x2b: {  	[spmem:s2] =	stream.indirect.scatter.add.f32 [tilespmem:s19], [sflag:$0x5], $0x10, s6, s18, $0xb8;
	[tilespmem:$0x1E800] =	vst v63  }
0x2c: {  	_ =	swait.ge [sflag:s24], $0x5000  }
0x2d: {  	[sflag:s24] =	ssyncset.done $0x0  }
0x2e: {  	[sflag:s24] =	ssyncadd.s32 $0xFFFFB000  }
0x2f: {  	[spmem:s2] =	stream.indirect.scatter.add.f32 [tilespmem:s20], [sflag:$0x6], $0x10, s10, s18, $0xb8;
	[tilespmem:$0x1E800] =	vst v63  }
0x30: {  	_ =	swait.ge [sflag:s26], $0x5000  }
0x31: {  	[sflag:s26] =	ssyncset.done $0x0  }
0x32: {  	[sflag:s26] =	ssyncadd.s32 $0xFFFFB000  }
0x33: {  	[spmem:s2] =	stream.indirect.scatter.add.f32 [tilespmem:s22], [sflag:$0x7], $0x10, s21, s18, $0xb8;
	[tilespmem:$0x1E800] =	vst v63  }
0x34: {  	_ =	swait.ge [sflag:s28], $0x5000  }
0x35: {  	[sflag:s28] =	ssyncset.done $0x0  }
0x36: {  	[sflag:s28] =	ssyncadd.s32 $0xFFFFB000  }
0x37: {  	[spmem:s2] =	stream.indirect.scatter.add.f32 [tilespmem:s23], [sflag:$0x8], $0x10, s3, s18, $0xb8;
	[tilespmem:$0x1E800] =	vst v63  }
0x38: {  	_ =	swait.ge [sflag:s29], $0x5000  }
0x39: {  	[sflag:s29] =	ssyncset.done $0x0  }
0x3a: {  	[sflag:s29] =	ssyncadd.s32 $0xFFFFB000  }
0x3b: {  	_ =	swait.ge [sflag:s30], $0x5000  }
0x3c: {  	[sflag:s30] =	ssyncset.done $0x0  }
0x3d: {  	[sflag:s30] =	ssyncadd.s32 $0xFFFFB000  }
0x3e: {  	_ =	swait.ge [sflag:s31], $0x5000  }
0x3f: {  	[sflag:s31] =	ssyncset.done $0x0  }
0x40: {  	[sflag:s31] =	ssyncadd.s32 $0xFFFFB000  }
0x41: {  	_ =	swait.ge [sflag:s0], $0x5000  }
0x42: {  	[sflag:s0] =	ssyncset.done $0x0  }
0x43: {  	s10 =	stileid.u32;
	[sflag:s0] =	ssyncadd.s32 $0xFFFFB000  }
0x44: {  	s3 =	sshll.u32 s10, $0x6;
	[bflag:$0x0] =	sbarrier.arrive $0xFFFF  }
0x45: {  	s3 =	sor.u32 $0x1C09, s3;
	s11 =	rddreg [dreg:$0x8]  }
0x46: {  	[hbm:s11], [sflag:s3] =	dma.local [spmem:s25], $0x500  }
0x47: {  	_ =	swait.ge [sflag:s17], $0x500  }
0x48: {  	s8 =	sadd.s32 $0x1, s8;
	s21 =	rddreg [dreg:$0x9]  }
0x49: {  	p1 =	sne.s32 s8, s21  }
.Ltmp1:
0x4a: {  	_ = 	snop;
	(pc) =	sbr.rel @!p1 .LBB2_7-.Ltmp1, $3  }
0x4b: {  	_ =	sdelay $0x1  }
0x4c: {  	[sflag:s17] =	ssyncset.done $0x0  }
0x4d: {  	[sflag:s17] =	ssyncadd.s32 $0xFFFFFB00  }
.LBB2_1:
0x4e: {  	s3 =	simm.s32 $0x40;
	s6 =	simm.s32 $0x0  }
.LBB2_2:
0x4f: {  	p1 =	sne.s32 s3, $0x1FC0;
	[tilespmem:s6+$0x1B800] =	vst v0;
	s6 =	smov.u32 s3;
	s3 =	sadd.s32 $0x40, s3  }
.Ltmp2:
0x50: {  	(pc) =	sbr.rel @p1 .LBB2_2-.Ltmp2, $2  }
0x51: {  	_ =	sdelay $0x2  }
0x52: {  	s6 =	sshra.s32 s6, $0x2  }
0x53: {  	[tilespmem:s6+$0x1B800] =	vst v0  }
0x54: {  	[spmem:s5] =	stream.linear.scatter [tilespmem:s16], [sflag:$0x9], $0x800, $0x38;
	[tilespmem:$0x1E800] =	vst v63  }
0x55: {  	_ =	swait.ge [sflag:s17], $0x800  }
0x56: {  	[sflag:s17] =	ssyncset.done $0x0  }
0x57: {  	[sflag:s17] =	ssyncadd.s32 $0xFFFFF800  }
0x58: {  	[spmem:s12] =	stream.linear.scatter [tilespmem:s16], [sflag:$0x9], $0x800, $0x38;
	[tilespmem:$0x1E800] =	vst v63  }
0x59: {  	_ =	swait.ge [sflag:s17], $0x800  }
0x5a: {  	[sflag:s17] =	ssyncset.done $0x0  }
0x5b: {  	[sflag:s17] =	ssyncadd.s32 $0xFFFFF800  }
0x5c: {  	[spmem:s13] =	stream.linear.scatter [tilespmem:s16], [sflag:$0x9], $0x800, $0x38;
	[tilespmem:$0x1E800] =	vst v63  }
0x5d: {  	_ =	swait.ge [sflag:s17], $0x800  }
0x5e: {  	[sflag:s17] =	ssyncset.done $0x0  }
0x5f: {  	[sflag:s17] =	ssyncadd.s32 $0xFFFFF800  }
0x60: {  	[spmem:s14] =	stream.linear.scatter [tilespmem:s16], [sflag:$0x9], $0x800, $0x38;
	[tilespmem:$0x1E800] =	vst v63  }
0x61: {  	_ =	swait.ge [sflag:s17], $0x800  }
0x62: {  	[sflag:s17] =	ssyncset.done $0x0  }
0x63: {  	[sflag:s17] =	ssyncadd.s32 $0xFFFFF800  }
0x64: {  	[spmem:s15] =	stream.linear.scatter [tilespmem:s16], [sflag:$0x9], $0x800, $0x38;
	[tilespmem:$0x1E800] =	vst v63  }
.Ltmp3:
0x65: {  	_ =	swait.ge [sflag:s17], $0x800;
	(pc) =	sbr.rel @p0 .LBB2_5-.Ltmp3, $3  }
0x66: {  	[sflag:s17] =	ssyncset.done $0x0  }
0x67: {  	[sflag:s17] =	ssyncadd.s32 $0xFFFFF800  }
0x68: {  	[bflag:$0x0] =	sbarrier.arrive $0xFFFF;
	_ =	sdelay $0x1  }
0x69: {  	s3 =	rddreg [dreg:$0x4]  }
0x6a: {  	[tilespmem:s4], [sflag:$0x9] =	stream.linear.gather [hbm4b:s3+s4], $0x3C00, $0x38;
	[tilespmem:$0x1E800] =	vst v63  }
0x6b: {  	_ =	swait.ge [sflag:s17], $0x3C00  }
0x6c: {  	[sflag:s17] =	ssyncset.done $0x0  }
0x6d: {  	s6 =	simm.s32 $0x3C00;
	s9 =	rddreg [dreg:$0x5];
	[sflag:s17] =	ssyncadd.s32 $0xFFFFC400  }
0x6e: {  	[tilespmem:s6], [sflag:$0x9] =	stream.linear.gather [hbm4b:s9+s4], $0x3C00, $0x38;
	[tilespmem:$0x1E800] =	vst v63  }
0x6f: {  	_ =	swait.ge [sflag:s17], $0x3C00  }
0x70: {  	[sflag:s17] =	ssyncset.done $0x0  }
0x71: {  	[sflag:s17] =	ssyncadd.s32 $0xFFFFC400  }
0x72: {  	[tilespmem:s19], [sflag:$0x1] =	stream.indirect.gather [hbm4b:s1+s18], $0x10, s4, s18, $0xb8;
	[tilespmem:$0x1E800] =	vst v63  }
0x73: {  	_ = 	snop  }
0x74: {  	[tilespmem:s20], [sflag:$0x2] =	stream.indirect.gather [hbm4b:s1+s18], $0x10, s18, s18, $0xb8;
	[tilespmem:$0x1E800] =	vst v63  }
0x75: {  	s10 =	simm.s32 $0xA00  }
0x76: {  	[tilespmem:s22], [sflag:$0x3] =	stream.indirect.gather [hbm4b:s1+s18], $0x10, s10, s18, $0xb8;
	[tilespmem:$0x1E800] =	vst v63  }
0x77: {  	_ =	swait.ge [sflag:s7], $0x5000  }
0x78: {  	[sflag:s7] =	ssyncset.done $0x0  }
0x79: {  	s11 =	simm.s32 $0xF00;
	[sflag:s7] =	ssyncadd.s32 $0xFFFFB000  }
0x7a: {  	[tilespmem:s23], [sflag:$0x4] =	stream.indirect.gather [hbm4b:s1+s18], $0x10, s11, s18, $0xb8;
	[tilespmem:$0x1E800] =	vst v63  }
0x7b: {  	_ = 	snop  }
0x7c: {  	[spmem:s2] =	stream.indirect.scatter.add.f32 [tilespmem:s19], [sflag:$0x5], $0x10, s6, s18, $0xb8;
	[tilespmem:$0x1E800] =	vst v63  }
0x7d: {  	_ =	swait.ge [sflag:s24], $0x5000  }
0x7e: {  	[sflag:s24] =	ssyncset.done $0x0  }
0x7f: {  	[sflag:s24] =	ssyncadd.s32 $0xFFFFB000  }
0x80: {  	_ =	swait.ge [sflag:s29], $0x5000  }
0x81: {  	[sflag:s29] =	ssyncset.done $0x0  }
0x82: {  	s21 =	simm.s32 $0x1400;
	[sflag:s29] =	ssyncadd.s32 $0xFFFFB000  }
0x83: {  	[tilespmem:s19], [sflag:$0x1] =	stream.indirect.gather [hbm4b:s1+s18], $0x10, s21, s18, $0xb8;
	[tilespmem:$0x1E800] =	vst v63  }
0x84: {  	s6 =	simm.s32 $0x4100  }
0x85: {  	[spmem:s2] =	stream.indirect.scatter.add.f32 [tilespmem:s20], [sflag:$0x6], $0x10, s6, s18, $0xb8;
	[tilespmem:$0x1E800] =	vst v63  }
0x86: {  	_ =	swait.ge [sflag:s26], $0x5000  }
0x87: {  	[sflag:s26] =	ssyncset.done $0x0  }
0x88: {  	[sflag:s26] =	ssyncadd.s32 $0xFFFFB000  }
0x89: {  	_ =	swait.ge [sflag:s30], $0x5000  }
0x8a: {  	[sflag:s30] =	ssyncset.done $0x0  }
0x8b: {  	s9 =	simm.s32 $0x1900;
	[sflag:s30] =	ssyncadd.s32 $0xFFFFB000  }
0x8c: {  	[tilespmem:s20], [sflag:$0x2] =	stream.indirect.gather [hbm4b:s1+s18], $0x10, s9, s18, $0xb8;
	[tilespmem:$0x1E800] =	vst v63  }
0x8d: {  	s10 =	simm.s32 $0x4600  }
0x8e: {  	[spmem:s2] =	stream.indirect.scatter.add.f32 [tilespmem:s22], [sflag:$0x7], $0x10, s10, s18, $0xb8;
	[tilespmem:$0x1E800] =	vst v63  }
0x8f: {  	_ =	swait.ge [sflag:s28], $0x5000  }
0x90: {  	[sflag:s28] =	ssyncset.done $0x0  }
0x91: {  	[sflag:s28] =	ssyncadd.s32 $0xFFFFB000  }
0x92: {  	_ =	swait.ge [sflag:s31], $0x5000  }
0x93: {  	[sflag:s31] =	ssyncset.done $0x0  }
0x94: {  	s11 =	simm.s32 $0x1E00;
	[sflag:s31] =	ssyncadd.s32 $0xFFFFB000  }
0x95: {  	[tilespmem:s22], [sflag:$0x3] =	stream.indirect.gather [hbm4b:s1+s18], $0x10, s11, s18, $0xb8;
	[tilespmem:$0x1E800] =	vst v63  }
0x96: {  	s21 =	simm.s32 $0x4B00  }
0x97: {  	[spmem:s2] =	stream.indirect.scatter.add.f32 [tilespmem:s23], [sflag:$0x8], $0x10, s21, s18, $0xb8;
	[tilespmem:$0x1E800] =	vst v63  }
0x98: {  	_ =	swait.ge [sflag:s7], $0x5000  }
0x99: {  	[sflag:s7] =	ssyncset.done $0x0  }
0x9a: {  	s9 =	simm.s32 $0x8;
	[sflag:s7] =	ssyncadd.s32 $0xFFFFB000  }
0x9b: {  	_ =	swait.ge [sflag:s9], $0x5000  }
0x9c: {  	[sflag:s9] =	ssyncset.done $0x0  }
0x9d: {  	s6 =	simm.s32 $0x2300;
	[sflag:s9] =	ssyncadd.s32 $0xFFFFB000  }
0x9e: {  	[tilespmem:s23], [sflag:$0x4] =	stream.indirect.gather [hbm4b:s1+s18], $0x10, s6, s18, $0xb8;
	[tilespmem:$0x1E800] =	vst v63  }
0x9f: {  	s10 =	simm.s32 $0x5000  }
0xa0: {  	[spmem:s2] =	stream.indirect.scatter.add.f32 [tilespmem:s19], [sflag:$0x5], $0x10, s10, s18, $0xb8;
	[tilespmem:$0x1E800] =	vst v63  }
0xa1: {  	_ =	swait.ge [sflag:s24], $0x5000  }
0xa2: {  	[sflag:s24] =	ssyncset.done $0x0  }
0xa3: {  	[sflag:s24] =	ssyncadd.s32 $0xFFFFB000  }
0xa4: {  	_ =	swait.ge [sflag:s29], $0x5000  }
0xa5: {  	[sflag:s29] =	ssyncset.done $0x0  }
0xa6: {  	s11 =	simm.s32 $0x2800;
	[sflag:s29] =	ssyncadd.s32 $0xFFFFB000  }
0xa7: {  	[tilespmem:s19], [sflag:$0x1] =	stream.indirect.gather [hbm4b:s1+s18], $0x10, s11, s18, $0xb8;
	[tilespmem:$0x1E800] =	vst v63  }
0xa8: {  	s21 =	simm.s32 $0x5500  }
0xa9: {  	[spmem:s2] =	stream.indirect.scatter.add.f32 [tilespmem:s20], [sflag:$0x6], $0x10, s21, s18, $0xb8;
	[tilespmem:$0x1E800] =	vst v63  }
0xaa: {  	_ =	swait.ge [sflag:s26], $0x5000  }
0xab: {  	[sflag:s26] =	ssyncset.done $0x0  }
0xac: {  	[sflag:s26] =	ssyncadd.s32 $0xFFFFB000  }
0xad: {  	_ =	swait.ge [sflag:s30], $0x5000  }
0xae: {  	[sflag:s30] =	ssyncset.done $0x0  }
0xaf: {  	s6 =	simm.s32 $0x2D00;
	[sflag:s30] =	ssyncadd.s32 $0xFFFFB000  }
0xb0: {  	[tilespmem:s20], [sflag:$0x2] =	stream.indirect.gather [hbm4b:s1+s18], $0x10, s6, s18, $0xb8;
	[tilespmem:$0x1E800] =	vst v63  }
0xb1: {  	s10 =	simm.s32 $0x5A00  }
0xb2: {  	[spmem:s2] =	stream.indirect.scatter.add.f32 [tilespmem:s22], [sflag:$0x7], $0x10, s10, s18, $0xb8;
	[tilespmem:$0x1E800] =	vst v63  }
0xb3: {  	_ =	swait.ge [sflag:s28], $0x5000  }
0xb4: {  	[sflag:s28] =	ssyncset.done $0x0  }
0xb5: {  	[sflag:s28] =	ssyncadd.s32 $0xFFFFB000  }
0xb6: {  	_ =	swait.ge [sflag:s31], $0x5000  }
0xb7: {  	[sflag:s31] =	ssyncset.done $0x0  }
0xb8: {  	s11 =	simm.s32 $0x3200;
	[sflag:s31] =	ssyncadd.s32 $0xFFFFB000  }
0xb9: {  	[tilespmem:s22], [sflag:$0x3] =	stream.indirect.gather [hbm4b:s1+s18], $0x10, s11, s18, $0xb8;
	[tilespmem:$0x1E800] =	vst v63  }
.Ltmp4:
0xba: {  	s21 =	simm.s32 $0x5F00;
	(pc) =	sbr.rel .LBB2_6-.Ltmp4, $4  }
0xbb: {  	[spmem:s2] =	stream.indirect.scatter.add.f32 [tilespmem:s23], [sflag:$0x8], $0x10, s21, s18, $0xb8;
	[tilespmem:$0x1E800] =	vst v63  }
0xbc: {  	s3 =	simm.s32 $0x7300;
	_ =	swait.ge [sflag:s7], $0x5000  }
0xbd: {  	s6 =	simm.s32 $0x6400;
	s10 =	simm.s32 $0x6900;
	[sflag:s7] =	ssyncset.done $0x0  }
0xbe: {  	s11 =	simm.s32 $0x3700;
	s21 =	simm.s32 $0x6E00;
	[sflag:s7] =	ssyncadd.s32 $0xFFFFB000  }
.LBB2_7:
0xbf: {  	_ =	sfence.sel $0x180000  }
0xc0: {  	[bflag:$0x0] =	sbarrier.arrive $0xFFFF  }
0xc1: {  	_ =	strace $0x9000004D  }
0xc2: {  	s0 =	stileid.u32;
	[bflag:$0x2] =	sbarrier.arrive $0xFFFF  }
0xc3: {  	p0 =	sne.s32 s0, $0x0;
	s0 =	rddreg [dreg:$0x3]  }
0xc4: {  	s0 =	sadd.s32 @!p0 $0x100000, s0  }
0xc5: {  	[sflag:s0] =	ssyncadd.tile.s32 @!p0 $0x1;
	_ =	shalt  }
.Lfunc_end2:
_tile_overlayer_lowered:
.L_overlay_start_2:
0xc6: {  	(tag) =	ssettag $0x2  }
0xc7: {  	s0 =	rddreg [dreg:$0x0];
	s2 =	stileid.u32  }
0xc8: {  	s1 =	rddreg [dreg:$0x1];
	p0 =	sne.s32 s2, $0x0  }
0xc9: {  	s3 =	rddreg [dreg:$0x2];
	[bflag:$0x3] =	sbarrier.arrive $0xFFFF;
	s2 =	simm.s32 @!p0 $0x1C09  }
0xca: {  	[timem:s3], [sflag:s2] =	dma.local @!p0 [hbm:s0], s1  }
0xcb: {  	s0 =	simm.s32 @!p0 $0x9  }
0xcc: {  	_ =	swait.ge @!p0 [sflag:s0], s1  }
0xcd: {  	s1 =	ssub.s32 @!p0 $0x0, s1;
	[sflag:s0] =	ssyncset.done @!p0 $0x0  }
0xce: {  	[sflag:s0] =	ssyncadd.s32 @!p0 s1  }
0xcf: {  	[bflag:$0x3] =	sbarrier.arrive $0xFFFF  }
0xd0: {  	_ =	shalt  }

// kernel: kernel.8.cloned.1.call-start
scs
__scs_entry_jumppad:
0x0: {  	(pc) =	sbr.rel $0x88, $3  }
0x1: {  	(tag) =	ssettag $0x0;
	lr =	simm.s32 $0x1  }
0x2: {  	[smem:$0x3F9B] =	sst lr;
	_ =	strace $0xD0000000  }
0x3: {  	_ = 	snop  }
0x4: {  	_ = 	snop  }
0x5: {  	_ = 	snop  }
0x6: {  	_ = 	snop  }
0x7: {  	_ = 	snop  }
__scs_overlays_trampoline_lowered:
0x8: {  	[smem:$0x3FAA] =	sst s0  }
0x9: {  	[smem:$0x3FAB] =	sst s1  }
0xa: {  	[smem:$0x3FAC] =	sst s2  }
0xb: {  	[smem:$0x3FAD] =	sst s3  }
0xc: {  	[smem:$0x3FAE] =	sst s4  }
0xd: {  	[smem:$0x3FAF] =	sst s5  }
0xe: {  	[smem:$0x3FB0] =	sst s6  }
0xf: {  	[smem:$0x3FB1] =	sst s7  }
0x10: {  	[smem:$0x3FB2] =	sst s8  }
0x11: {  	[smem:$0x3FB3] =	sst s9;
	s0 =	simm.s32 @!p0 $0x0  }
0x12: {  	s1 =	sld [smem:$0x3F99];
	s0 =	simm.s32 @p0 $0x1  }
0x13: {  	[smem:$0x3FB4] =	sst s0;
	s0 =	simm.s32 @!p1 $0x0  }
0x14: {  	s2 =	sld [smem:$0x3F98];
	s0 =	simm.s32 @p1 $0x1  }
0x15: {  	[smem:$0x3FB5] =	sst s0;
	s0 =	simm.s32 @!p2 $0x0  }
0x16: {  	s3 =	sld [smem:$0x3FDB];
	s0 =	simm.s32 @p2 $0x1  }
0x17: {  	s4 =	simm.s32 $0x1BF5;
	[smem:$0x3FB7] =	sst s0  }
0x18: {  	s0 =	sld [smem:$0x3F9A];
	_ =	swait.ge [sflag:s4], $0x0  }
0x19: {  	s7 =	sld [smem:$0x3F9B]  }
0x1a: {  	s8 =	sadd.s32 $0xFFFFE003, lr  }
0x1b: {  	s9 =	sadd.s32 $0xFFFFFEF7, lr;
	s5 =	simm.s32 $0xFFFFFFFF;
	p2 =	slt.u32 s8, $0xFFFFF086  }
0x1c: {  	p1 =	slt.u32 s9, $0xF7A;
	s5 =	simm.s32 @!p2 $0x0  }
0x1d: {  	s5 =	simm.s32 @p1 $0x1;
	p0 =	seq.s32 s7, s2  }
0x1e: {  	s7 =	smul.u32 @!p0 $0xF7A, s2;
	p2 =	seq.s32 @!p0 s5, $0x0  }
0x1f: {  	s9 =	smul.u32 $0xF7A, s1;
	s8 =	simm.s32 @!p0 $0x1BF5;
	p2 =	por !p2, p0  }
0x20: {  	[sflag:s8] =	ssyncset.s32 @!p0 $0xFFFFF086;
	s6 =	sadd.s32 @!p0 s3, s7;
	s7 =	simm.s32 @!p0 $0x108  }
0x21: {  	s3 =	sadd.s32 s3, s9;
	s6 =	sadd.s32 @!p0 $0x88, s6;
	s7 =	simm.s32 @p2 $0x1082  }
0x22: {  	[simem:s7], [sflag:s8] =	dma.local @!p0 [hbm:s6], $0xF7A  }
0x23: {  	s9 =	sor.u32 $0xD0000000, s2;
	s6 =	simm.s32 $0x108;
	_ =	swait.ge @!p0 [sflag:s8], $0x0  }
0x24: {  	s3 =	sadd.s32 $0x88, s3;
	s6 =	simm.s32 @!p1 $0x1082;
	[sflag:s4] =	ssyncset.s32 $0xFFFFF086  }
0x25: {  	[simem:s6], [sflag:s4] =	dma.local [hbm:s3], $0xF7A  }
0x26: {  	[smem:$0x3F9B] =	sst s1;
	(tag) =	ssettag s2;
	_ =	strace s9  }
0x27: {  	s1 =	sld [smem:$0x3FAB]  }
0x28: {  	s2 =	sld [smem:$0x3FAC]  }
0x29: {  	s4 =	sld [smem:$0x3FAE]  }
0x2a: {  	p0 =	seq.s32 s5, $0x0;
	s5 =	sld [smem:$0x3FAF]  }
0x2b: {  	s6 =	sld [smem:$0x3FB0]  }
0x2c: {  	s7 =	sld [smem:$0x3FB1]  }
0x2d: {  	s3 =	simm.s32 $0x108;
	s8 =	sld [smem:$0x3FB2]  }
0x2e: {  	s3 =	simm.s32 @!p0 $0x1082;
	s9 =	sld [smem:$0x3FB3]  }
0x2f: {  	lr =	sadd.s32 s0, s3;
	s0 =	sld [smem:$0x3FAA]  }
0x30: {  	s3 =	sld [smem:$0x3FAD]  }
0x31: {  	[smem:$0x3FB6] =	sst s10  }
0x32: {  	s10 =	sld [smem:$0x3FB4];
	_ =	sdelay $0x3  }
0x33: {  	p0 =	seq.s32 s10, $0x1;
	s10 =	sld [smem:$0x3FB6];
	_ =	sdelay $0x3  }
0x34: {  	[smem:$0x3FB6] =	sst s10  }
0x35: {  	s10 =	sld [smem:$0x3FB5];
	_ =	sdelay $0x3  }
0x36: {  	p1 =	seq.s32 s10, $0x1;
	s10 =	sld [smem:$0x3FB6];
	_ =	sdelay $0x3  }
0x37: {  	[smem:$0x3FB6] =	sst s10  }
0x38: {  	s10 =	sld [smem:$0x3FB7]  }
0x39: {  	_ = 	snop;
	(pc) =	sbr.ind lr, $3  }
0x3a: {  	_ = 	snop  }
0x3b: {  	_ = 	snop  }
0x3c: {  	p2 =	seq.s32 s10, $0x1;
	s10 =	sld [smem:$0x3FB6]  }
0x3d: {  	_ =	shalt  }
0x3e: {  	_ =	shalt  }
0x3f: {  	_ =	shalt  }
0x40: {  	_ =	shalt  }
0x41: {  	_ =	shalt  }
0x42: {  	_ =	shalt  }
0x43: {  	_ =	shalt  }
0x44: {  	_ =	shalt  }
0x45: {  	_ =	shalt  }
0x46: {  	_ =	shalt  }
0x47: {  	_ =	shalt  }
0x48: {  	_ =	shalt  }
0x49: {  	_ =	shalt  }
0x4a: {  	_ =	shalt  }
0x4b: {  	_ =	shalt  }
0x4c: {  	_ =	shalt  }
0x4d: {  	_ =	shalt  }
0x4e: {  	_ =	shalt  }
0x4f: {  	_ =	shalt  }
0x50: {  	_ =	shalt  }
0x51: {  	_ =	shalt  }
0x52: {  	_ =	shalt  }
0x53: {  	_ =	shalt  }
0x54: {  	_ =	shalt  }
0x55: {  	_ =	shalt  }
0x56: {  	_ =	shalt  }
0x57: {  	_ =	shalt  }
0x58: {  	_ =	shalt  }
0x59: {  	_ =	shalt  }
0x5a: {  	_ =	shalt  }
0x5b: {  	_ =	shalt  }
0x5c: {  	_ =	shalt  }
0x5d: {  	_ =	shalt  }
0x5e: {  	_ =	shalt  }
0x5f: {  	_ =	shalt  }
0x60: {  	_ =	shalt  }
0x61: {  	_ =	shalt  }
0x62: {  	_ =	shalt  }
0x63: {  	_ =	shalt  }
0x64: {  	_ =	shalt  }
0x65: {  	_ =	shalt  }
0x66: {  	_ =	shalt  }
0x67: {  	_ =	shalt  }
0x68: {  	_ =	shalt  }
0x69: {  	_ =	shalt  }
0x6a: {  	_ =	shalt  }
0x6b: {  	_ =	shalt  }
0x6c: {  	_ =	shalt  }
0x6d: {  	_ =	shalt  }
0x6e: {  	_ =	shalt  }
0x6f: {  	_ =	shalt  }
0x70: {  	_ =	shalt  }
0x71: {  	_ =	shalt  }
0x72: {  	_ =	shalt  }
0x73: {  	_ =	shalt  }
0x74: {  	_ =	shalt  }
0x75: {  	_ =	shalt  }
0x76: {  	_ =	shalt  }
0x77: {  	_ =	shalt  }
0x78: {  	_ =	shalt  }
0x79: {  	_ =	shalt  }
0x7a: {  	_ =	shalt  }
0x7b: {  	_ =	shalt  }
0x7c: {  	_ =	shalt  }
0x7d: {  	_ =	shalt  }
0x7e: {  	_ =	shalt  }
0x7f: {  	_ =	shalt  }
0x80: {  	_ =	shalt  }
0x81: {  	_ =	shalt  }
0x82: {  	_ =	shalt  }
0x83: {  	_ =	shalt  }
0x84: {  	_ =	shalt  }
0x85: {  	_ =	shalt  }
0x86: {  	_ =	shalt  }
0x87: {  	_ =	shalt  }
.Lfunc_end0:
.L_simem_size_0:
called_computation_lowered:
.L_overlay_start_0:
0x88: {  	s2 =	sld [smem:$0x3FD9]  }
0x89: {  	s3 =	sld [smem:$0x3FFE];
	_ =	sdelay $0x1  }
0x8a: {  	s1 =	srdreg.scid  }
0x8b: {  	s0 =	sand.u32 $0x1, s1  }
0x8c: {  	s17 =	sshll.u32 s0, $0xA;
	s2 =	sadd.s32 s3, s2  }
0x8d: {  	s2 =	sadd.s32 s2, s17  }
0x8e: {  	[smem:$0x3FC2] =	sst s2  }
0x8f: {  	_ = 	snop  }
0x90: {  	s2 =	sld [smem:$0x3FD0];
	(tm) =	ssettm $0x1  }
0x91: {  	s18 =	sld [smem:$0x3FFB];
	_ =	sdelay $0x3  }
0x92: {  	_ =	strace s18  }
0x93: {  	s3 =	sld [smem:$0x3FFC];
	_ =	sdelay $0x3  }
0x94: {  	_ =	strace s3  }
0x95: {  	s3 =	sld [smem:$0x3FFD];
	_ =	sdelay $0x3  }
0x96: {  	_ =	strace s3  }
0x97: {  	_ =	strace $0x8FFFFFFF  }
0x98: {  	s19 =	sld [smem:$0x3FDB];
	_ =	sdelay $0x1  }
0x99: {  	s4 =	simm.s32 $_scs_section_size  }
0x9a: {  	s5 =	simm.s32 $_size__tile_overlayer_lowered;
	s6 =	simm.s32 $_tile_overlayer_lowered  }
0x9b: {  	s22 =	simm.s32 $0x1BFF;
	s21 =	sshll.u32 s6, $0x1;
	s3 =	sadd.s32 s4, s19  }
0x9c: {  	s7 =	simm.s32 $0x0;
	s20 =	sshll.u32 s5, $0x1;
	s5 =	sadd.s32 s21, s3  }
0x9d: {  	[timem:s7], [sflag:s22] =	dma.local [hbm:s5], s20  }
0x9e: {  	_ =	swait.ge [sflag:s22], s20  }
0x9f: {  	s4 =	ssub.s32 $0x0, s20;
	[sflag:s22] =	ssyncset.done $0x0  }
0xa0: {  	[sflag:s22] =	ssyncadd.s32 s4;
	_ =	sdelay $0x1  }
0xa1: {  	s23 =	simm.s32 $0x1B8B  }
0xa2: {  	_ =	swait.ge [sflag:s23], $0x1  }
0xa3: {  	[sflag:s23] =	ssyncset.done $0x0  }
0xa4: {  	s25 =	simm.s32 $0x1B8E;
	s24 =	sld [smem:$0x3FFE];
	[sflag:s23] =	ssyncadd.s32 $0xFFFFFFFF  }
0xa5: {  	s26 =	simm.s32 $execute0_lowered;
	[smem:$0x3FD2] =	sst s25  }
0xa6: {  	s5 =	sshll.u32 s26, $0x1;
	_ =	strace $0x80000046;
	[dreg:$0x1] =	wrdreg $0xFFFFFFFF  }
0xa7: {  	s28 =	simm.s32 $_size_execute0_lowered;
	s3 =	sadd.s32 s3, s5;
	[dreg:$0x0] =	wrdreg $0x0  }
0xa8: {  	s5 =	sshll.u32 s28, $0x1;
	[dreg:$0x2] =	wrdreg s3  }
0xa9: {  	[dreg:$0x3] =	wrdreg s5  }
0xaa: {  	[dreg:$0x4] =	wrdreg $0xC0  }
0xab: {  	_ =	task [dreg:s7], $0x5FFFF  }
0xac: {  	[dreg:$0x1] =	wrdreg $0xFFFFFFFF  }
0xad: {  	[dreg:$0x0] =	wrdreg $0x60  }
0xae: {  	[dreg:$0x2] =	wrdreg s24  }
0xaf: {  	[dreg:$0x3] =	wrdreg s2  }
0xb0: {  	[dreg:$0x4] =	wrdreg $0x8E800  }
0xb1: {  	[dreg:$0x5] =	wrdreg $0x9  }
0xb2: {  	_ =	task.clear_ibuf [dreg:s7], $0x6FFFF;
	_ =	strace $0x90000046  }
0xb3: {  	s29 =	simm.s32 $0x9;
	_ =	strace $0x80000048  }
0xb4: {  	_ =	swait.ge [sflag:s29], $0x1  }
0xb5: {  	[sflag:s29] =	ssyncadd.s32 $0xFFFFFFFF  }
0xb6: {  	_ =	strace $0x90000048  }
0xb7: {  	_ =	sfence  }
0xb8: {  	s30 =	sld [smem:$0x0];
	_ =	sdelay $0x2  }
0xb9: {  	s31 =	sshll.u32 s1, $0xD;
	s1 =	sshrl.u32 s1, $0x2  }
0xba: {  	s3 =	sand.u32 $0x4000, s31;
	s1 =	sadd.s32 s1, s30  }
0xbb: {  	s0 =	sor.u32 s3, s0;
	s1 =	sshll.u32 s1, $0x11  }
0xbc: {  	s0 =	sor.u32 s1, s0  }
0xbd: {  	s0 =	sadd.s32 $0x8F2B, s0  }
0xbe: {  	[sflag:s0] =	ssyncadd.remote.s32 $0x1  }
0xbf: {  	_ =	sfence.sel $0xFFFF  }
0xc0: {  	[dreg:$0x0] =	wrdreg $0xFFFFFFFF;
	(pc) =	sbr.abs _section_cstart, $3  }
0xc1: {  	[dreg:$0x1] =	wrdreg $0xFFFFFFFF  }
0xc2: {  	_ =	task.clear_ibuf [dreg:s7], $0x2FFFF;
	_ =	strace $0x9FFFFFFF  }
0xc3: {  	(tm) =	ssettm $0x7FFFFFFF  }
tec
execute0_lowered:
.L_overlay_start_1:
0x0: {  	(tag) =	ssettag $0x1  }
0x1: {  	s4 =	rddreg [dreg:$0x0]  }
0x2: {  	s7 =	rddreg [dreg:$0x1]  }
0x3: {  	s2 =	rddreg [dreg:$0x2]  }
0x4: {  	s0 =	rddreg [dreg:$0x3]  }
0x5: {  	s5 =	srdreg.scid;
	s1 =	stileid.u32  }
0x6: {  	s3 =	simm.s32 $0x0;
	s9 =	sand.u32 $0x1, s5;
	s26 =	smul.u32 $0x280, s1  }
0x7: {  	[smem:$0x7FF] =	sst s3;
	s8 =	smul.u32 $0x1400, s1;
	s12 =	sadd.s32 $0x1400, s4  }
0x8: {  	s30 =	smul.u32 $0x780, s1;
	s31 =	sshll.u32 s1, $0x6;
	s6 =	ssub.s32 $0x2, s9  }
0x9: {  	_ =	strace $0x80000047;
	s11 =	smul.u32 $0x2800, s9;
	p0 =	sne.s32 s9, $0x0  }
0xa: {  	s9 =	simm.s32 $0x8C00;
	s10 =	sshrl.u32 s6, $0x1;
	s28 =	sshrl.u32 s8, $0x3  }
0xb: {  	s4 =	sadd.s32 s26, s2;
	s10 =	ssub.s32 s6, s10;
	s29 =	sadd.s32 s12, s28  }
0xc: {  	s11 =	sadd.s32 s26, s11;
	s6 =	sadd.s32 s12, s30;
	s12 =	sshrl.u32 s4, $0x3  }
0xd: {  	s5 =	sadd.s32 $0x7800, s29;
	s11 =	sshrl.u32 s11, $0x3;
	s8 =	smax.u32 s10, $0x1  }
0xe: {  	v0 =	vimm.f32 $0.0e+00;
	v1 =	vimm.f32 $1.000000000e+00;
	s10 =	simm.s32 $0x1;
	s7 =	sadd.s32 s7, s11;
	s11 =	sor.u32 $0x1C01, s31  }
.LBB2_1:
0xf: {  	[tilespmem:$0x8C00] =	vst v0  }
0x10: {  	[tilespmem:$0x8C10] =	vst v0  }
0x11: {  	[tilespmem:$0x8C20] =	vst v0  }
0x12: {  	[tilespmem:$0x8C30] =	vst v0  }
0x13: {  	[tilespmem:$0x8C40] =	vst v0  }
0x14: {  	[tilespmem:$0x8C50] =	vst v0  }
0x15: {  	[tilespmem:$0x8C60] =	vst v0  }
0x16: {  	[tilespmem:$0x8C70] =	vst v0  }
0x17: {  	[tilespmem:$0x8C80] =	vst v0  }
0x18: {  	[tilespmem:$0x8C90] =	vst v0  }
0x19: {  	[tilespmem:$0x8CA0] =	vst v0  }
0x1a: {  	[tilespmem:$0x8CB0] =	vst v0  }
0x1b: {  	[tilespmem:$0x8CC0] =	vst v0  }
0x1c: {  	[tilespmem:$0x8CD0] =	vst v0  }
0x1d: {  	[tilespmem:$0x8CE0] =	vst v0  }
0x1e: {  	[tilespmem:$0x8CF0] =	vst v0  }
0x1f: {  	[tilespmem:$0x8D00] =	vst v0  }
0x20: {  	[tilespmem:$0x8D10] =	vst v0  }
0x21: {  	[tilespmem:$0x8D20] =	vst v0  }
0x22: {  	[tilespmem:$0x8D30] =	vst v0  }
0x23: {  	[tilespmem:$0x8D40] =	vst v0  }
0x24: {  	[tilespmem:$0x8D50] =	vst v0  }
0x25: {  	[tilespmem:$0x8D60] =	vst v0  }
0x26: {  	[tilespmem:$0x8D70] =	vst v0  }
0x27: {  	[tilespmem:$0x8D80] =	vst v0  }
0x28: {  	[tilespmem:$0x8D90] =	vst v0  }
0x29: {  	[tilespmem:$0x8DA0] =	vst v0  }
0x2a: {  	[tilespmem:$0x8DB0] =	vst v0  }
0x2b: {  	[tilespmem:$0x8DC0] =	vst v0  }
0x2c: {  	[tilespmem:$0x8DD0] =	vst v0  }
0x2d: {  	[tilespmem:$0x8DE0] =	vst v0  }
0x2e: {  	[tilespmem:$0x8DF0] =	vst v0  }
0x2f: {  	[tilespmem:$0x8E00] =	vst v0  }
0x30: {  	[tilespmem:$0x8E10] =	vst v0  }
0x31: {  	[tilespmem:$0x8E20] =	vst v0  }
0x32: {  	[tilespmem:$0x8E30] =	vst v0  }
0x33: {  	[tilespmem:$0x8E40] =	vst v0  }
0x34: {  	[tilespmem:$0x8E50] =	vst v0  }
0x35: {  	[tilespmem:$0x8E60] =	vst v0  }
0x36: {  	[tilespmem:$0x8E70] =	vst v0;
	s13 =	simm.s32 $0x40;
	s14 =	simm.s32 $0x0  }
.LBB2_2:
0x37: {  	p1 =	sne.s32 s13, $0xEFC0;
	[tilespmem:s14+$0x5000] =	vst v1;
	s14 =	smov.u32 s13;
	s13 =	sadd.s32 $0x40, s13  }
.Ltmp0:
0x38: {  	(pc) =	sbr.rel @p1 .LBB2_2-.Ltmp0, $2  }
0x39: {  	_ =	sdelay $0x2  }
0x3a: {  	s14 =	sshra.s32 s14, $0x2  }
0x3b: {  	[tilespmem:s14+$0x5000] =	vst v1  }
0x3c: {  	[spmem:s4] =	stream.linear.scatter [tilespmem:s9], [sflag:$0x1], $0x280, $0x38;
	[tilespmem:$0x9100] =	vst v63  }
0x3d: {  	_ =	swait.ge [sflag:s10], $0x280  }
0x3e: {  	[sflag:s10] =	ssyncset.done $0x0  }
0x3f: {  	s13 =	simm.s32 @p0 $0x0;
	s14 =	simm.s32 @p0 $0x3C00;
	[sflag:s10] =	ssyncadd.s32 $0xFFFFFD80  }
0x40: {  	[tilespmem:s14], [sflag:$0x1] =	stream.linear.gather @p0 [hbm4b:s5+s13], $0x1400, $0x38;
	[tilespmem:$0x9100] =	vst v63  }
0x41: {  	s13 =	simm.s32 @p0 $0x1  }
0x42: {  	_ =	swait.ge @p0 [sflag:s13], $0x1400  }
0x43: {  	[sflag:s13] =	ssyncset.done @p0 $0x0  }
0x44: {  	[sflag:s13] =	ssyncadd.s32 @p0 $0xFFFFEC00  }
0x45: {  	s15 =	simm.s32 @p0 $0x1400;
	s16 =	simm.s32 @p0 $0x5000;
	[bflag:$0x0] =	sbarrier.arrive @p0 $0xFFFF  }
0x46: {  	[spmem:s2] =	stream.indirect.scatter.add.f32 @p0 [tilespmem:s16], [sflag:$0x1], $0x1, s14, s15, $0xb8;
	[tilespmem:$0x9100] =	vst v63  }
0x47: {  	_ =	swait.ge @p0 [sflag:s13], $0x1400  }
0x48: {  	[sflag:s13] =	ssyncset.done @p0 $0x0  }
0x49: {  	s14 =	simm.s32 @!p0 $0x1;
	[sflag:s13] =	ssyncadd.s32 @p0 $0xFFFFEC00;
	s13 =	simm.s32 @!p0 $0x0  }
0x4a: {  	[tilespmem:s13], [sflag:$0x1] =	stream.linear.gather @!p0 [hbm4b:s6+s13], $0x3C00, $0x38;
	[tilespmem:$0x9100] =	vst v63  }
0x4b: {  	_ =	swait.ge @!p0 [sflag:s14], $0x3C00  }
0x4c: {  	[sflag:s14] =	ssyncset.done @!p0 $0x0  }
0x4d: {  	[sflag:s14] =	ssyncadd.s32 @!p0 $0xFFFFC400  }
0x4e: {  	s15 =	simm.s32 @!p0 $0x3C00;
	s16 =	simm.s32 @!p0 $0x5000;
	[bflag:$0x0] =	sbarrier.arrive @!p0 $0xFFFF  }
0x4f: {  	[spmem:s2] =	stream.indirect.scatter.add.f32 @!p0 [tilespmem:s16], [sflag:$0x1], $0x1, s13, s15, $0xb8;
	[tilespmem:$0x9100] =	vst v63  }
0x50: {  	_ =	swait.ge @!p0 [sflag:s14], $0x3C00  }
0x51: {  	s3 =	sadd.s32 $0x1, s3;
	[sflag:s14] =	ssyncset.done @!p0 $0x0  }
0x52: {  	p1 =	sne.s32 s3, s8;
	[sflag:s14] =	ssyncadd.s32 @!p0 $0xFFFFC400  }
.Ltmp1:
0x53: {  	[bflag:$0x0] =	sbarrier.arrive $0xFFFF;
	(pc) =	sbr.rel @p1 .LBB2_1-.Ltmp1, $4  }
0x54: {  	[hbm:s7], [sflag:s11] =	dma.local [spmem:s12], $0x50  }
0x55: {  	_ =	swait.ge [sflag:s10], $0x50  }
0x56: {  	[sflag:s10] =	ssyncset.done $0x0  }
0x57: {  	[sflag:s10] =	ssyncadd.s32 $0xFFFFFFB0  }
0x58: {  	_ =	sfence.sel $0x180000  }
0x59: {  	[bflag:$0x0] =	sbarrier.arrive $0xFFFF  }
0x5a: {  	p0 =	sne.s32 s1, $0x0;
	_ =	strace $0x90000047  }
0x5b: {  	s0 =	sadd.s32 @!p0 $0x100000, s0;
	[bflag:$0x2] =	sbarrier.arrive $0xFFFF  }
0x5c: {  	[sflag:s0] =	ssyncadd.tile.s32 @!p0 $0x1;
	_ =	shalt  }
.Lfunc_end2:
_tile_overlayer_lowered:
.L_overlay_start_2:
0x5d: {  	(tag) =	ssettag $0x2  }
0x5e: {  	s0 =	rddreg [dreg:$0x0];
	s2 =	stileid.u32  }
0x5f: {  	s1 =	rddreg [dreg:$0x1];
	p0 =	sne.s32 s2, $0x0  }
0x60: {  	s3 =	rddreg [dreg:$0x2];
	[bflag:$0x3] =	sbarrier.arrive $0xFFFF;
	s2 =	simm.s32 @!p0 $0x1C01  }
0x61: {  	[timem:s3], [sflag:s2] =	dma.local @!p0 [hbm:s0], s1  }
0x62: {  	s0 =	simm.s32 @!p0 $0x1  }
0x63: {  	_ =	swait.ge @!p0 [sflag:s0], s1  }
0x64: {  	s1 =	ssub.s32 @!p0 $0x0, s1;
	[sflag:s0] =	ssyncset.done @!p0 $0x0  }
0x65: {  	[sflag:s0] =	ssyncadd.s32 @!p0 s1  }
0x66: {  	[bflag:$0x3] =	sbarrier.arrive $0xFFFF  }
0x67: {  	_ =	shalt  }

</sc_bundles>
